<compile_context>
chip_gen: v7x
topology: tpu7x:2x2x1
jax: 0.10.2.dev20260603
libtpu: 0.0.44.dev20260713+nightly
codegen_flags: <defaults>
</compile_context>

<pallas_src>
import functools

import jax
import jax.numpy as jnp
from jax import lax
from jax.experimental import pallas as pl
from jax.experimental.pallas import tpu as pltpu
from jax.experimental.pallas import tpu_sc as plsc

B, N, G, M = 32, 4096, 256, 32
R = B * G * M
CH = 128
BIG = 1e30


def _fps_kernel(xt_ref, cx_ref, cy_ref, cz_ref, dists_ref):
    x = xt_ref[0]
    y = xt_ref[1]
    z = xt_ref[2]
    iota = jax.lax.broadcasted_iota(jnp.int32, (B, N), 1)
    iota_g = jax.lax.broadcasted_iota(jnp.int32, (B, G), 1)

    def body(g, carry):
        farthest, cxa, cya, cza = carry
        mask = iota == farthest
        cx = jnp.sum(jnp.where(mask, x, 0.0), axis=1, keepdims=True)
        cy = jnp.sum(jnp.where(mask, y, 0.0), axis=1, keepdims=True)
        cz = jnp.sum(jnp.where(mask, z, 0.0), axis=1, keepdims=True)
        gsel = iota_g == g
        cxa = jnp.where(gsel, cx, cxa)
        cya = jnp.where(gsel, cy, cya)
        cza = jnp.where(gsel, cz, cza)
        dx = x - cx
        dy = y - cy
        dz = z - cz
        d = (dx * dx + dy * dy) + dz * dz
        dmin = jnp.minimum(dists_ref[...], d)
        dists_ref[...] = dmin
        mx = jnp.max(dmin, axis=1, keepdims=True)
        nf = jnp.min(jnp.where(dmin == mx, iota, N), axis=1, keepdims=True)
        return nf, cxa, cya, cza

    dists_ref[...] = jnp.full((B, N), 1e10, jnp.float32)
    zc = jnp.zeros((B, G), jnp.float32)
    _, cxa, cya, cza = jax.lax.fori_loop(
        0, G, body, (jnp.zeros((B, 1), jnp.int32), zc, zc, zc), unroll=False)
    cx_ref[:, 0, :] = cxa
    cy_ref[:, 0, :] = cya
    cz_ref[:, 0, :] = cza


def _knn_kernel(xt_ref, cx_ref, cy_ref, cz_ref, idx_ref, d_ref, iota_ref):
    b = pl.program_id(0)
    x = xt_ref[0, 0, :].reshape(1, N)
    y = xt_ref[0, 1, :].reshape(1, N)
    z = xt_ref[0, 2, :].reshape(1, N)
    cx = cx_ref[0, 0, :].reshape(G, 1)
    cy = cy_ref[0, 0, :].reshape(G, 1)
    cz = cz_ref[0, 0, :].reshape(G, 1)
    dx = cx - x
    dy = cy - y
    dz = cz - z
    d_ref[...] = (dx * dx + dy * dy) + dz * dz
    iota_ref[...] = jax.lax.broadcasted_iota(jnp.int32, (G, N), 1)
    iota_m = jax.lax.broadcasted_iota(jnp.int32, (G, M), 1)

    m0 = jnp.min(d_ref[...], axis=1, keepdims=True)

    def body(j, carry):
        m, ixa = carry
        d = d_ref[...]
        iota = iota_ref[...]
        ix = jnp.min(jnp.where(d == m, iota, N), axis=1, keepdims=True)
        ixa = jnp.where(iota_m == j, ix, ixa)
        dm = jnp.where(iota_ref[...] == ix, BIG, d_ref[...])
        d_ref[...] = dm
        mn = jnp.min(dm, axis=1, keepdims=True)
        return mn, ixa

    _, ixa = jax.lax.fori_loop(
        0, M, body, (m0, jnp.zeros((G, M), jnp.int32)), unroll=4)
    idx_ref[0] = ixa + b * N


def _sc_gather_kernel(nw, chunks, pts_ref, idx_ref, out_ref,
                      idxv, rows, sem):
    nc = lax.axis_size("c")
    wid = lax.axis_index("s") * nc + lax.axis_index("c")
    rpw = chunks * CH
    for c in range(3):
        pltpu.sync_copy(idx_ref.at[pl.ds(c * (R) + wid * rpw, rpw)],
                        idxv[c])
    copies = []
    for c in range(3):
        for j in range(chunks):
            copies.append(pltpu.async_copy(
                pts_ref.at[idxv[c].at[pl.ds(j * CH, CH)]],
                rows[c].at[pl.ds(j * CH, CH)], sem))
    for cp in copies:
        cp.wait()
    for c in range(3):
        pltpu.sync_copy(rows[c], out_ref.at[pl.ds(c * R + wid * rpw, rpw)])


def kernel(xyz):
    xt3 = jnp.transpose(xyz, (2, 0, 1))
    xtb = jnp.transpose(xyz, (0, 2, 1))
    cs = jax.ShapeDtypeStruct((B, 1, G), jnp.float32)
    cx, cy, cz = pl.pallas_call(
        _fps_kernel,
        out_shape=[cs, cs, cs],
        scratch_shapes=[pltpu.VMEM((B, N), jnp.float32)],
    )(xt3)

    idx = pl.pallas_call(
        _knn_kernel,
        grid=(B,),
        in_specs=[
            pl.BlockSpec((1, 3, N), lambda b: (b, 0, 0)),
            pl.BlockSpec((1, 1, G), lambda b: (b, 0, 0)),
            pl.BlockSpec((1, 1, G), lambda b: (b, 0, 0)),
            pl.BlockSpec((1, 1, G), lambda b: (b, 0, 0)),
        ],
        out_specs=pl.BlockSpec((1, G, M), lambda b: (b, 0, 0)),
        out_shape=jax.ShapeDtypeStruct((B, G, M), jnp.int32),
        scratch_shapes=[pltpu.VMEM((G, N), jnp.float32),
                        pltpu.VMEM((G, N), jnp.int32)],
        compiler_params=pltpu.CompilerParams(
            dimension_semantics=("parallel",)),
    )(xtb, cx, cy, cz)

    mesh = plsc.VectorSubcoreMesh(core_axis_name="c", subcore_axis_name="s")
    nw = mesh.num_cores * mesh.num_subcores
    rpw = R // nw
    chunks = rpw // CH
    pts1 = xt3.reshape(3 * B * N)
    idx3 = (idx.reshape(R)[None, :]
            + jnp.arange(3, dtype=jnp.int32)[:, None] * (B * N)).reshape(3 * R)

    o3 = pl.kernel(
        functools.partial(_sc_gather_kernel, nw, chunks),
        out_type=jax.ShapeDtypeStruct((3 * R,), jnp.float32),
        mesh=mesh,
        compiler_params=pltpu.CompilerParams(use_tc_tiling_on_sc=False),
        scratch_types=[
            [pltpu.VMEM((chunks * CH,), jnp.int32) for _ in range(3)],
            [pltpu.VMEM((rpw,), jnp.float32) for _ in range(3)],
            pltpu.SemaphoreType.DMA,
        ],
    )(pts1, idx3)

    center = jnp.stack([cx[:, 0, :], cy[:, 0, :], cz[:, 0, :]], axis=-1)
    neighborhood = (jnp.transpose(o3.reshape(3, B, G, M), (1, 2, 3, 0))
                    - center[:, :, None, :])
    return (neighborhood, center)

# --- scband reference (transcript-rebuilt; emitter-appended) ---
"""Pipeline reference for scband-group-2903397892248 (READ-ONLY COPY).

The authoritative reference and input builder live on the scoring server;
editing this copy changes nothing except your own understanding.
"""

import jax, jax.numpy as jnp
import numpy as np

NUM_GROUP = 256
GROUP_SIZE = 32


def _fps(xyz, n_samples):
    # Farthest point sampling, deterministic start at index 0 per batch.
    B, N, _ = xyz.shape
    dists0 = jnp.full((B, N), 1e10, dtype=xyz.dtype)
    farthest0 = jnp.zeros((B,), dtype=jnp.int32)

    def step(carry, _):
        dists, farthest = carry
        centroid = jnp.take_along_axis(xyz, farthest[:, None, None].astype(jnp.int32), axis=1)  # B,1,3
        d = jnp.sum((xyz - centroid) ** 2, axis=-1)  # B,N
        dists = jnp.minimum(dists, d)
        nxt = jnp.argmax(dists, axis=1).astype(jnp.int32)
        return (dists, nxt), farthest

    (_, _), idxs = jax.lax.scan(step, (dists0, farthest0), None, length=n_samples)
    return jnp.transpose(idxs)  # B, n_samples


def _knn(center, xyz, k):
    # center: B,G,3 ; xyz: B,N,3 -> idx: B,G,k of nearest points
    d = jnp.sum((center[:, :, None, :] - xyz[:, None, :, :]) ** 2, axis=-1)  # B,G,N
    _, idx = jax.lax.top_k(-d, k)
    return idx.astype(jnp.int32)


def _index_points(points, idx):
    # points: B,N,3 ; idx: B,... -> B,...,3
    return jax.vmap(lambda p, i: p[i])(points, idx)


def setup_inputs(seed: int = 0) -> dict:
    key = jax.random.key(seed)
    xyz = jax.random.normal(key, (32, 4096, 3), dtype=jnp.float32)
    return {"xyz": xyz}


def reference(xyz):
    xyz_sg = jax.lax.stop_gradient(xyz)  # fps/knn index ops are non-differentiable
    fps_idx = _fps(xyz_sg, NUM_GROUP)                      # B,G
    center = _index_points(xyz, fps_idx)                   # B,G,3
    idx = _knn(jax.lax.stop_gradient(center), xyz_sg, GROUP_SIZE)  # B,G,M
    neighborhood = _index_points(xyz, idx)                 # B,G,M,3
    neighborhood = neighborhood - center[:, :, None, :]
    return (neighborhood, center)

if __name__ == "__main__":
    import jax
    _d = setup_inputs()
    print(jax.jit(kernel)(*tuple(_d.values())))

</pallas_src>

<mosaic_0001>
#map = affine_map<(d0, d1) -> (0)>
module attributes {stable_mosaic.version = 14 : i64} {
  func.func @_sc_gather_kernel(%arg0: i32, %arg1: i32, %arg2: memref<393216xf32, #tpu.memory_space<hbm>>, %arg3: memref<786432xi32, #tpu.memory_space<hbm>>, %arg4: memref<786432xf32, #tpu.memory_space<hbm>>, %arg5: memref<8192xi32, #tpu.memory_space<vmem>>, %arg6: memref<8192xi32, #tpu.memory_space<vmem>>, %arg7: memref<8192xi32, #tpu.memory_space<vmem>>, %arg8: memref<8192xf32, #tpu.memory_space<vmem>>, %arg9: memref<8192xf32, #tpu.memory_space<vmem>>, %arg10: memref<8192xf32, #tpu.memory_space<vmem>>, %arg11: memref<!tpu.dma_semaphore, #tpu.memory_space<semaphore_mem>>) attributes {dimension_semantics = [#tpu.dimension_semantics<core_parallel>, #tpu.dimension_semantics<subcore_parallel>], iteration_bounds = array<i64: 2, 16>, scalar_prefetch = 0 : i64, scratch_operands = 7 : i64, tpu.core_type = #tpu.core_type<sc_vector_subcore>, window_params = [{transform_indices = #map}, {transform_indices = #map}, {transform_indices = #map}]} {
    %mul3A = arith.constant 2 : i32
    %mul3A_0 = arith.muli %arg1, %mul3A : i32
    %add3A = arith.addi %mul3A_0, %arg0 : i32
    %mul3A_1 = arith.constant 8192 : i32
    %mul3A_2 = arith.muli %add3A, %mul3A_1 : i32
    %add3A_3 = arith.constant 0 : i32
    %add3A_4 = arith.addi %add3A_3, %mul3A_2 : i32
    "tpu.region"() ({
      %run_scoped3A = tpu.sem_alloc : memref<!tpu.dma_semaphore, #tpu.memory_space<semaphore_mem>>
      %dma_start3A_2327 = tpu.memref_slice %arg3[%add3A_4] : memref<786432xi32, #tpu.memory_space<hbm>> -> memref<8192xi32, #tpu.memory_space<hbm>>
      %dma_start3A_2328 = tpu.memref_slice %arg3[%add3A_4] : memref<786432xi32, #tpu.memory_space<hbm>> -> memref<8192xi32, #tpu.memory_space<hbm>>
      tpu.enqueue_dma source(%dma_start3A_2328 : memref<8192xi32, #tpu.memory_space<hbm>>) target(%arg5 : memref<8192xi32, #tpu.memory_space<vmem>>) target_semaphore(%run_scoped3A : memref<!tpu.dma_semaphore, #tpu.memory_space<semaphore_mem>>)
      %dma_wait3A_2329 = tpu.memref_slice %arg3[%add3A_4] : memref<786432xi32, #tpu.memory_space<hbm>> -> memref<8192xi32, #tpu.memory_space<hbm>>
      %dma_wait3A_2330 = tpu.memref_slice %arg3[%add3A_4] : memref<786432xi32, #tpu.memory_space<hbm>> -> memref<8192xi32, #tpu.memory_space<hbm>>
      tpu.wait_dma2 semaphore(%run_scoped3A : memref<!tpu.dma_semaphore, #tpu.memory_space<semaphore_mem>>) src(%dma_wait3A_2330 : memref<8192xi32, #tpu.memory_space<hbm>>) dst(%arg5 : memref<8192xi32, #tpu.memory_space<vmem>>)
      tpu.yield
    }) : () -> ()
    %mul3A_5 = arith.constant 8192 : i32
    %mul3A_6 = arith.muli %add3A, %mul3A_5 : i32
    %add3A_7 = arith.constant 262144 : i32
    %add3A_8 = arith.addi %add3A_7, %mul3A_6 : i32
    "tpu.region"() ({
      %run_scoped3A = tpu.sem_alloc : memref<!tpu.dma_semaphore, #tpu.memory_space<semaphore_mem>>
      %dma_start3A_2327 = tpu.memref_slice %arg3[%add3A_8] : memref<786432xi32, #tpu.memory_space<hbm>> -> memref<8192xi32, #tpu.memory_space<hbm>>
      %dma_start3A_2328 = tpu.memref_slice %arg3[%add3A_8] : memref<786432xi32, #tpu.memory_space<hbm>> -> memref<8192xi32, #tpu.memory_space<hbm>>
      tpu.enqueue_dma source(%dma_start3A_2328 : memref<8192xi32, #tpu.memory_space<hbm>>) target(%arg6 : memref<8192xi32, #tpu.memory_space<vmem>>) target_semaphore(%run_scoped3A : memref<!tpu.dma_semaphore, #tpu.memory_space<semaphore_mem>>)
      %dma_wait3A_2329 = tpu.memref_slice %arg3[%add3A_8] : memref<786432xi32, #tpu.memory_space<hbm>> -> memref<8192xi32, #tpu.memory_space<hbm>>
      %dma_wait3A_2330 = tpu.memref_slice %arg3[%add3A_8] : memref<786432xi32, #tpu.memory_space<hbm>> -> memref<8192xi32, #tpu.memory_space<hbm>>
      tpu.wait_dma2 semaphore(%run_scoped3A : memref<!tpu.dma_semaphore, #tpu.memory_space<semaphore_mem>>) src(%dma_wait3A_2330 : memref<8192xi32, #tpu.memory_space<hbm>>) dst(%arg6 : memref<8192xi32, #tpu.memory_space<vmem>>)
      tpu.yield
    }) : () -> ()
    %mul3A_9 = arith.constant 8192 : i32
    %mul3A_10 = arith.muli %add3A, %mul3A_9 : i32
    %add3A_11 = arith.constant 524288 : i32
    %add3A_12 = arith.addi %add3A_11, %mul3A_10 : i32
    "tpu.region"() ({
      %run_scoped3A = tpu.sem_alloc : memref<!tpu.dma_semaphore, #tpu.memory_space<semaphore_mem>>
      %dma_start3A_2327 = tpu.memref_slice %arg3[%add3A_12] : memref<786432xi32, #tpu.memory_space<hbm>> -> memref<8192xi32, #tpu.memory_space<hbm>>
      %dma_start3A_2328 = tpu.memref_slice %arg3[%add3A_12] : memref<786432xi32, #tpu.memory_space<hbm>> -> memref<8192xi32, #tpu.memory_space<hbm>>
      tpu.enqueue_dma source(%dma_start3A_2328 : memref<8192xi32, #tpu.memory_space<hbm>>) target(%arg7 : memref<8192xi32, #tpu.memory_space<vmem>>) target_semaphore(%run_scoped3A : memref<!tpu.dma_semaphore, #tpu.memory_space<semaphore_mem>>)
      %dma_wait3A_2329 = tpu.memref_slice %arg3[%add3A_12] : memref<786432xi32, #tpu.memory_space<hbm>> -> memref<8192xi32, #tpu.memory_space<hbm>>
      %dma_wait3A_2330 = tpu.memref_slice %arg3[%add3A_12] : memref<786432xi32, #tpu.memory_space<hbm>> -> memref<8192xi32, #tpu.memory_space<hbm>>
      tpu.wait_dma2 semaphore(%run_scoped3A : memref<!tpu.dma_semaphore, #tpu.memory_space<semaphore_mem>>) src(%dma_wait3A_2330 : memref<8192xi32, #tpu.memory_space<hbm>>) dst(%arg7 : memref<8192xi32, #tpu.memory_space<vmem>>)
      tpu.yield
    }) : () -> ()
    %dma_start3A = arith.constant 0 : i32
    %dma_start3A_13 = tpu.memref_slice %arg8[%dma_start3A] : memref<8192xf32, #tpu.memory_space<vmem>> -> memref<128xf32, #tpu.memory_space<vmem>>
    %dma_start3A_14 = arith.constant 0 : i32
    %dma_start3A_15 = tpu.memref_slice %arg5[%dma_start3A_14] : memref<8192xi32, #tpu.memory_space<vmem>> -> memref<128xi32, #tpu.memory_space<vmem>>
    %dma_start3A_16 = arith.constant 0 : i32
    %dma_start3A_17 = tpu.memref_slice %arg2[%dma_start3A_16] : memref<393216xf32, #tpu.memory_space<hbm>> -> memref<393216xf32, #tpu.memory_space<hbm>>
    tpu.enqueue_indirect_dma source(%dma_start3A_17 : memref<393216xf32, #tpu.memory_space<hbm>>) target(%dma_start3A_13 : memref<128xf32, #tpu.memory_space<vmem>>) offsets(%dma_start3A_15 : memref<128xi32, #tpu.memory_space<vmem>>) semaphore(%arg11 : memref<!tpu.dma_semaphore, #tpu.memory_space<semaphore_mem>>)
    %dma_start3A_18 = arith.constant 128 : i32
    %dma_start3A_19 = tpu.memref_slice %arg8[%dma_start3A_18] : memref<8192xf32, #tpu.memory_space<vmem>> -> memref<128xf32, #tpu.memory_space<vmem>>
    %dma_start3A_20 = arith.constant 128 : i32
    %dma_start3A_21 = tpu.memref_slice %arg5[%dma_start3A_20] : memref<8192xi32, #tpu.memory_space<vmem>> -> memref<128xi32, #tpu.memory_space<vmem>>
    %dma_start3A_22 = arith.constant 0 : i32
    %dma_start3A_23 = tpu.memref_slice %arg2[%dma_start3A_22] : memref<393216xf32, #tpu.memory_space<hbm>> -> memref<393216xf32, #tpu.memory_space<hbm>>
    tpu.enqueue_indirect_dma source(%dma_start3A_23 : memref<393216xf32, #tpu.memory_space<hbm>>) target(%dma_start3A_19 : memref<128xf32, #tpu.memory_space<vmem>>) offsets(%dma_start3A_21 : memref<128xi32, #tpu.memory_space<vmem>>) semaphore(%arg11 : memref<!tpu.dma_semaphore, #tpu.memory_space<semaphore_mem>>)
    %dma_start3A_24 = arith.constant 256 : i32
    %dma_start3A_25 = tpu.memref_slice %arg8[%dma_start3A_24] : memref<8192xf32, #tpu.memory_space<vmem>> -> memref<128xf32, #tpu.memory_space<vmem>>
    %dma_start3A_26 = arith.constant 256 : i32
    %dma_start3A_27 = tpu.memref_slice %arg5[%dma_start3A_26] : memref<8192xi32, #tpu.memory_space<vmem>> -> memref<128xi32, #tpu.memory_space<vmem>>
    %dma_start3A_28 = arith.constant 0 : i32
    %dma_start3A_29 = tpu.memref_slice %arg2[%dma_start3A_28] : memref<393216xf32, #tpu.memory_space<hbm>> -> memref<393216xf32, #tpu.memory_space<hbm>>
    tpu.enqueue_indirect_dma source(%dma_start3A_29 : memref<393216xf32, #tpu.memory_space<hbm>>) target(%dma_start3A_25 : memref<128xf32, #tpu.memory_space<vmem>>) offsets(%dma_start3A_27 : memref<128xi32, #tpu.memory_space<vmem>>) semaphore(%arg11 : memref<!tpu.dma_semaphore, #tpu.memory_space<semaphore_mem>>)
    %dma_start3A_30 = arith.constant 384 : i32
    %dma_start3A_31 = tpu.memref_slice %arg8[%dma_start3A_30] : memref<8192xf32, #tpu.memory_space<vmem>> -> memref<128xf32, #tpu.memory_space<vmem>>
    %dma_start3A_32 = arith.constant 384 : i32
    %dma_start3A_33 = tpu.memref_slice %arg5[%dma_start3A_32] : memref<8192xi32, #tpu.memory_space<vmem>> -> memref<128xi32, #tpu.memory_space<vmem>>
    %dma_start3A_34 = arith.constant 0 : i32
    %dma_start3A_35 = tpu.memref_slice %arg2[%dma_start3A_34] : memref<393216xf32, #tpu.memory_space<hbm>> -> memref<393216xf32, #tpu.memory_space<hbm>>
    tpu.enqueue_indirect_dma source(%dma_start3A_35 : memref<393216xf32, #tpu.memory_space<hbm>>) target(%dma_start3A_31 : memref<128xf32, #tpu.memory_space<vmem>>) offsets(%dma_start3A_33 : memref<128xi32, #tpu.memory_space<vmem>>) semaphore(%arg11 : memref<!tpu.dma_semaphore, #tpu.memory_space<semaphore_mem>>)
    %dma_start3A_36 = arith.constant 512 : i32
    %dma_start3A_37 = tpu.memref_slice %arg8[%dma_start3A_36] : memref<8192xf32, #tpu.memory_space<vmem>> -> memref<128xf32, #tpu.memory_space<vmem>>
    %dma_start3A_38 = arith.constant 512 : i32
    %dma_start3A_39 = tpu.memref_slice %arg5[%dma_start3A_38] : memref<8192xi32, #tpu.memory_space<vmem>> -> memref<128xi32, #tpu.memory_space<vmem>>
    %dma_start3A_40 = arith.constant 0 : i32
    %dma_start3A_41 = tpu.memref_slice %arg2[%dma_start3A_40] : memref<393216xf32, #tpu.memory_space<hbm>> -> memref<393216xf32, #tpu.memory_space<hbm>>
    tpu.enqueue_indirect_dma source(%dma_start3A_41 : memref<393216xf32, #tpu.memory_space<hbm>>) target(%dma_start3A_37 : memref<128xf32, #tpu.memory_space<vmem>>) offsets(%dma_start3A_39 : memref<128xi32, #tpu.memory_space<vmem>>) semaphore(%arg11 : memref<!tpu.dma_semaphore, #tpu.memory_space<semaphore_mem>>)
    %dma_start3A_42 = arith.constant 640 : i32
    %dma_start3A_43 = tpu.memref_slice %arg8[%dma_start3A_42] : memref<8192xf32, #tpu.memory_space<vmem>> -> memref<128xf32, #tpu.memory_space<vmem>>
    %dma_start3A_44 = arith.constant 640 : i32
    %dma_start3A_45 = tpu.memref_slice %arg5[%dma_start3A_44] : memref<8192xi32, #tpu.memory_space<vmem>> -> memref<128xi32, #tpu.memory_space<vmem>>
    %dma_start3A_46 = arith.constant 0 : i32
    %dma_start3A_47 = tpu.memref_slice %arg2[%dma_start3A_46] : memref<393216xf32, #tpu.memory_space<hbm>> -> memref<393216xf32, #tpu.memory_space<hbm>>
    tpu.enqueue_indirect_dma source(%dma_start3A_47 : memref<393216xf32, #tpu.memory_space<hbm>>) target(%dma_start3A_43 : memref<128xf32, #tpu.memory_space<vmem>>) offsets(%dma_start3A_45 : memref<128xi32, #tpu.memory_space<vmem>>) semaphore(%arg11 : memref<!tpu.dma_semaphore, #tpu.memory_space<semaphore_mem>>)
    %dma_start3A_48 = arith.constant 768 : i32
    %dma_start3A_49 = tpu.memref_slice %arg8[%dma_start3A_48] : memref<8192xf32, #tpu.memory_space<vmem>> -> memref<128xf32, #tpu.memory_space<vmem>>
    %dma_start3A_50 = arith.constant 768 : i32
    %dma_start3A_51 = tpu.memref_slice %arg5[%dma_start3A_50] : memref<8192xi32, #tpu.memory_space<vmem>> -> memref<128xi32, #tpu.memory_space<vmem>>
    %dma_start3A_52 = arith.constant 0 : i32
    %dma_start3A_53 = tpu.memref_slice %arg2[%dma_start3A_52] : memref<393216xf32, #tpu.memory_space<hbm>> -> memref<393216xf32, #tpu.memory_space<hbm>>
    tpu.enqueue_indirect_dma source(%dma_start3A_53 : memref<393216xf32, #tpu.memory_space<hbm>>) target(%dma_start3A_49 : memref<128xf32, #tpu.memory_space<vmem>>) offsets(%dma_start3A_51 : memref<128xi32, #tpu.memory_space<vmem>>) semaphore(%arg11 : memref<!tpu.dma_semaphore, #tpu.memory_space<semaphore_mem>>)
    %dma_start3A_54 = arith.constant 896 : i32
    %dma_start3A_55 = tpu.memref_slice %arg8[%dma_start3A_54] : memref<8192xf32, #tpu.memory_space<vmem>> -> memref<128xf32, #tpu.memory_space<vmem>>
    %dma_start3A_56 = arith.constant 896 : i32
    %dma_start3A_57 = tpu.memref_slice %arg5[%dma_start3A_56] : memref<8192xi32, #tpu.memory_space<vmem>> -> memref<128xi32, #tpu.memory_space<vmem>>
    %dma_start3A_58 = arith.constant 0 : i32
    %dma_start3A_59 = tpu.memref_slice %arg2[%dma_start3A_58] : memref<393216xf32, #tpu.memory_space<hbm>> -> memref<393216xf32, #tpu.memory_space<hbm>>
    tpu.enqueue_indirect_dma source(%dma_start3A_59 : memref<393216xf32, #tpu.memory_space<hbm>>) target(%dma_start3A_55 : memref<128xf32, #tpu.memory_space<vmem>>) offsets(%dma_start3A_57 : memref<128xi32, #tpu.memory_space<vmem>>) semaphore(%arg11 : memref<!tpu.dma_semaphore, #tpu.memory_space<semaphore_mem>>)
    %dma_start3A_60 = arith.constant 1024 : i32
    %dma_start3A_61 = tpu.memref_slice %arg8[%dma_start3A_60] : memref<8192xf32, #tpu.memory_space<vmem>> -> memref<128xf32, #tpu.memory_space<vmem>>
    %dma_start3A_62 = arith.constant 1024 : i32
    %dma_start3A_63 = tpu.memref_slice %arg5[%dma_start3A_62] : memref<8192xi32, #tpu.memory_space<vmem>> -> memref<128xi32, #tpu.memory_space<vmem>>
    %dma_start3A_64 = arith.constant 0 : i32
    %dma_start3A_65 = tpu.memref_slice %arg2[%dma_start3A_64] : memref<393216xf32, #tpu.memory_space<hbm>> -> memref<393216xf32, #tpu.memory_space<hbm>>
    tpu.enqueue_indirect_dma source(%dma_start3A_65 : memref<393216xf32, #tpu.memory_space<hbm>>) target(%dma_start3A_61 : memref<128xf32, #tpu.memory_space<vmem>>) offsets(%dma_start3A_63 : memref<128xi32, #tpu.memory_space<vmem>>) semaphore(%arg11 : memref<!tpu.dma_semaphore, #tpu.memory_space<semaphore_mem>>)
    %dma_start3A_66 = arith.constant 1152 : i32
    %dma_start3A_67 = tpu.memref_slice %arg8[%dma_start3A_66] : memref<8192xf32, #tpu.memory_space<vmem>> -> memref<128xf32, #tpu.memory_space<vmem>>
    %dma_start3A_68 = arith.constant 1152 : i32
    %dma_start3A_69 = tpu.memref_slice %arg5[%dma_start3A_68] : memref<8192xi32, #tpu.memory_space<vmem>> -> memref<128xi32, #tpu.memory_space<vmem>>
    %dma_start3A_70 = arith.constant 0 : i32
    %dma_start3A_71 = tpu.memref_slice %arg2[%dma_start3A_70] : memref<393216xf32, #tpu.memory_space<hbm>> -> memref<393216xf32, #tpu.memory_space<hbm>>
    tpu.enqueue_indirect_dma source(%dma_start3A_71 : memref<393216xf32, #tpu.memory_space<hbm>>) target(%dma_start3A_67 : memref<128xf32, #tpu.memory_space<vmem>>) offsets(%dma_start3A_69 : memref<128xi32, #tpu.memory_space<vmem>>) semaphore(%arg11 : memref<!tpu.dma_semaphore, #tpu.memory_space<semaphore_mem>>)
    %dma_start3A_72 = arith.constant 1280 : i32
    %dma_start3A_73 = tpu.memref_slice %arg8[%dma_start3A_72] : memref<8192xf32, #tpu.memory_space<vmem>> -> memref<128xf32, #tpu.memory_space<vmem>>
    %dma_start3A_74 = arith.constant 1280 : i32
    %dma_start3A_75 = tpu.memref_slice %arg5[%dma_start3A_74] : memref<8192xi32, #tpu.memory_space<vmem>> -> memref<128xi32, #tpu.memory_space<vmem>>
    %dma_start3A_76 = arith.constant 0 : i32
    %dma_start3A_77 = tpu.memref_slice %arg2[%dma_start3A_76] : memref<393216xf32, #tpu.memory_space<hbm>> -> memref<393216xf32, #tpu.memory_space<hbm>>
    tpu.enqueue_indirect_dma source(%dma_start3A_77 : memref<393216xf32, #tpu.memory_space<hbm>>) target(%dma_start3A_73 : memref<128xf32, #tpu.memory_space<vmem>>) offsets(%dma_start3A_75 : memref<128xi32, #tpu.memory_space<vmem>>) semaphore(%arg11 : memref<!tpu.dma_semaphore, #tpu.memory_space<semaphore_mem>>)
    %dma_start3A_78 = arith.constant 1408 : i32
    %dma_start3A_79 = tpu.memref_slice %arg8[%dma_start3A_78] : memref<8192xf32, #tpu.memory_space<vmem>> -> memref<128xf32, #tpu.memory_space<vmem>>
    %dma_start3A_80 = arith.constant 1408 : i32
    %dma_start3A_81 = tpu.memref_slice %arg5[%dma_start3A_80] : memref<8192xi32, #tpu.memory_space<vmem>> -> memref<128xi32, #tpu.memory_space<vmem>>
    %dma_start3A_82 = arith.constant 0 : i32
    %dma_start3A_83 = tpu.memref_slice %arg2[%dma_start3A_82] : memref<393216xf32, #tpu.memory_space<hbm>> -> memref<393216xf32, #tpu.memory_space<hbm>>
    tpu.enqueue_indirect_dma source(%dma_start3A_83 : memref<393216xf32, #tpu.memory_space<hbm>>) target(%dma_start3A_79 : memref<128xf32, #tpu.memory_space<vmem>>) offsets(%dma_start3A_81 : memref<128xi32, #tpu.memory_space<vmem>>) semaphore(%arg11 : memref<!tpu.dma_semaphore, #tpu.memory_space<semaphore_mem>>)
    %dma_start3A_84 = arith.constant 1536 : i32
    %dma_start3A_85 = tpu.memref_slice %arg8[%dma_start3A_84] : memref<8192xf32, #tpu.memory_space<vmem>> -> memref<128xf32, #tpu.memory_space<vmem>>
    %dma_start3A_86 = arith.constant 1536 : i32
    %dma_start3A_87 = tpu.memref_slice %arg5[%dma_start3A_86] : memref<8192xi32, #tpu.memory_space<vmem>> -> memref<128xi32, #tpu.memory_space<vmem>>
    %dma_start3A_88 = arith.constant 0 : i32
    %dma_start3A_89 = tpu.memref_slice %arg2[%dma_start3A_88] : memref<393216xf32, #tpu.memory_space<hbm>> -> memref<393216xf32, #tpu.memory_space<hbm>>
    tpu.enqueue_indirect_dma source(%dma_start3A_89 : memref<393216xf32, #tpu.memory_space<hbm>>) target(%dma_start3A_85 : memref<128xf32, #tpu.memory_space<vmem>>) offsets(%dma_start3A_87 : memref<128xi32, #tpu.memory_space<vmem>>) semaphore(%arg11 : memref<!tpu.dma_semaphore, #tpu.memory_space<semaphore_mem>>)
    %dma_start3A_90 = arith.constant 1664 : i32
    %dma_start3A_91 = tpu.memref_slice %arg8[%dma_start3A_90] : memref<8192xf32, #tpu.memory_space<vmem>> -> memref<128xf32, #tpu.memory_space<vmem>>
    %dma_start3A_92 = arith.constant 1664 : i32
    %dma_start3A_93 = tpu.memref_slice %arg5[%dma_start3A_92] : memref<8192xi32, #tpu.memory_space<vmem>> -> memref<128xi32, #tpu.memory_space<vmem>>
    %dma_start3A_94 = arith.constant 0 : i32
    %dma_start3A_95 = tpu.memref_slice %arg2[%dma_start3A_94] : memref<393216xf32, #tpu.memory_space<hbm>> -> memref<393216xf32, #tpu.memory_space<hbm>>
    tpu.enqueue_indirect_dma source(%dma_start3A_95 : memref<393216xf32, #tpu.memory_space<hbm>>) target(%dma_start3A_91 : memref<128xf32, #tpu.memory_space<vmem>>) offsets(%dma_start3A_93 : memref<128xi32, #tpu.memory_space<vmem>>) semaphore(%arg11 : memref<!tpu.dma_semaphore, #tpu.memory_space<semaphore_mem>>)
    %dma_start3A_96 = arith.constant 1792 : i32
    %dma_start3A_97 = tpu.memref_slice %arg8[%dma_start3A_96] : memref<8192xf32, #tpu.memory_space<vmem>> -> memref<128xf32, #tpu.memory_space<vmem>>
    %dma_start3A_98 = arith.constant 1792 : i32
    %dma_start3A_99 = tpu.memref_slice %arg5[%dma_start3A_98] : memref<8192xi32, #tpu.memory_space<vmem>> -> memref<128xi32, #tpu.memory_space<vmem>>
    %dma_start3A_100 = arith.constant 0 : i32
    %dma_start3A_101 = tpu.memref_slice %arg2[%dma_start3A_100] : memref<393216xf32, #tpu.memory_space<hbm>> -> memref<393216xf32, #tpu.memory_space<hbm>>
    tpu.enqueue_indirect_dma source(%dma_start3A_101 : memref<393216xf32, #tpu.memory_space<hbm>>) target(%dma_start3A_97 : memref<128xf32, #tpu.memory_space<vmem>>) offsets(%dma_start3A_99 : memref<128xi32, #tpu.memory_space<vmem>>) semaphore(%arg11 : memref<!tpu.dma_semaphore, #tpu.memory_space<semaphore_mem>>)
    %dma_start3A_102 = arith.constant 1920 : i32
    %dma_start3A_103 = tpu.memref_slice %arg8[%dma_start3A_102] : memref<8192xf32, #tpu.memory_space<vmem>> -> memref<128xf32, #tpu.memory_space<vmem>>
    %dma_start3A_104 = arith.constant 1920 : i32
    %dma_start3A_105 = tpu.memref_slice %arg5[%dma_start3A_104] : memref<8192xi32, #tpu.memory_space<vmem>> -> memref<128xi32, #tpu.memory_space<vmem>>
    %dma_start3A_106 = arith.constant 0 : i32
    %dma_start3A_107 = tpu.memref_slice %arg2[%dma_start3A_106] : memref<393216xf32, #tpu.memory_space<hbm>> -> memref<393216xf32, #tpu.memory_space<hbm>>
    tpu.enqueue_indirect_dma source(%dma_start3A_107 : memref<393216xf32, #tpu.memory_space<hbm>>) target(%dma_start3A_103 : memref<128xf32, #tpu.memory_space<vmem>>) offsets(%dma_start3A_105 : memref<128xi32, #tpu.memory_space<vmem>>) semaphore(%arg11 : memref<!tpu.dma_semaphore, #tpu.memory_space<semaphore_mem>>)
    %dma_start3A_108 = arith.constant 2048 : i32
    %dma_start3A_109 = tpu.memref_slice %arg8[%dma_start3A_108] : memref<8192xf32, #tpu.memory_space<vmem>> -> memref<128xf32, #tpu.memory_space<vmem>>
    %dma_start3A_110 = arith.constant 2048 : i32
    %dma_start3A_111 = tpu.memref_slice %arg5[%dma_start3A_110] : memref<8192xi32, #tpu.memory_space<vmem>> -> memref<128xi32, #tpu.memory_space<vmem>>
    %dma_start3A_112 = arith.constant 0 : i32
    %dma_start3A_113 = tpu.memref_slice %arg2[%dma_start3A_112] : memref<393216xf32, #tpu.memory_space<hbm>> -> memref<393216xf32, #tpu.memory_space<hbm>>
    tpu.enqueue_indirect_dma source(%dma_start3A_113 : memref<393216xf32, #tpu.memory_space<hbm>>) target(%dma_start3A_109 : memref<128xf32, #tpu.memory_space<vmem>>) offsets(%dma_start3A_111 : memref<128xi32, #tpu.memory_space<vmem>>) semaphore(%arg11 : memref<!tpu.dma_semaphore, #tpu.memory_space<semaphore_mem>>)
    %dma_start3A_114 = arith.constant 2176 : i32
    %dma_start3A_115 = tpu.memref_slice %arg8[%dma_start3A_114] : memref<8192xf32, #tpu.memory_space<vmem>> -> memref<128xf32, #tpu.memory_space<vmem>>
    %dma_start3A_116 = arith.constant 2176 : i32
    %dma_start3A_117 = tpu.memref_slice %arg5[%dma_start3A_116] : memref<8192xi32, #tpu.memory_space<vmem>> -> memref<128xi32, #tpu.memory_space<vmem>>
    %dma_start3A_118 = arith.constant 0 : i32
    %dma_start3A_119 = tpu.memref_slice %arg2[%dma_start3A_118] : memref<393216xf32, #tpu.memory_space<hbm>> -> memref<393216xf32, #tpu.memory_space<hbm>>
    tpu.enqueue_indirect_dma source(%dma_start3A_119 : memref<393216xf32, #tpu.memory_space<hbm>>) target(%dma_start3A_115 : memref<128xf32, #tpu.memory_space<vmem>>) offsets(%dma_start3A_117 : memref<128xi32, #tpu.memory_space<vmem>>) semaphore(%arg11 : memref<!tpu.dma_semaphore, #tpu.memory_space<semaphore_mem>>)
    %dma_start3A_120 = arith.constant 2304 : i32
    %dma_start3A_121 = tpu.memref_slice %arg8[%dma_start3A_120] : memref<8192xf32, #tpu.memory_space<vmem>> -> memref<128xf32, #tpu.memory_space<vmem>>
    %dma_start3A_122 = arith.constant 2304 : i32
    %dma_start3A_123 = tpu.memref_slice %arg5[%dma_start3A_122] : memref<8192xi32, #tpu.memory_space<vmem>> -> memref<128xi32, #tpu.memory_space<vmem>>
    %dma_start3A_124 = arith.constant 0 : i32
    %dma_start3A_125 = tpu.memref_slice %arg2[%dma_start3A_124] : memref<393216xf32, #tpu.memory_space<hbm>> -> memref<393216xf32, #tpu.memory_space<hbm>>
    tpu.enqueue_indirect_dma source(%dma_start3A_125 : memref<393216xf32, #tpu.memory_space<hbm>>) target(%dma_start3A_121 : memref<128xf32, #tpu.memory_space<vmem>>) offsets(%dma_start3A_123 : memref<128xi32, #tpu.memory_space<vmem>>) semaphore(%arg11 : memref<!tpu.dma_semaphore, #tpu.memory_space<semaphore_mem>>)
    %dma_start3A_126 = arith.constant 2432 : i32
    %dma_start3A_127 = tpu.memref_slice %arg8[%dma_start3A_126] : memref<8192xf32, #tpu.memory_space<vmem>> -> memref<128xf32, #tpu.memory_space<vmem>>
    %dma_start3A_128 = arith.constant 2432 : i32
    %dma_start3A_129 = tpu.memref_slice %arg5[%dma_start3A_128] : memref<8192xi32, #tpu.memory_space<vmem>> -> memref<128xi32, #tpu.memory_space<vmem>>
    %dma_start3A_130 = arith.constant 0 : i32
    %dma_start3A_131 = tpu.memref_slice %arg2[%dma_start3A_130] : memref<393216xf32, #tpu.memory_space<hbm>> -> memref<393216xf32, #tpu.memory_space<hbm>>
    tpu.enqueue_indirect_dma source(%dma_start3A_131 : memref<393216xf32, #tpu.memory_space<hbm>>) target(%dma_start3A_127 : memref<128xf32, #tpu.memory_space<vmem>>) offsets(%dma_start3A_129 : memref<128xi32, #tpu.memory_space<vmem>>) semaphore(%arg11 : memref<!tpu.dma_semaphore, #tpu.memory_space<semaphore_mem>>)
    %dma_start3A_132 = arith.constant 2560 : i32
    %dma_start3A_133 = tpu.memref_slice %arg8[%dma_start3A_132] : memref<8192xf32, #tpu.memory_space<vmem>> -> memref<128xf32, #tpu.memory_space<vmem>>
    %dma_start3A_134 = arith.constant 2560 : i32
    %dma_start3A_135 = tpu.memref_slice %arg5[%dma_start3A_134] : memref<8192xi32, #tpu.memory_space<vmem>> -> memref<128xi32, #tpu.memory_space<vmem>>
    %dma_start3A_136 = arith.constant 0 : i32
    %dma_start3A_137 = tpu.memref_slice %arg2[%dma_start3A_136] : memref<393216xf32, #tpu.memory_space<hbm>> -> memref<393216xf32, #tpu.memory_space<hbm>>
    tpu.enqueue_indirect_dma source(%dma_start3A_137 : memref<393216xf32, #tpu.memory_space<hbm>>) target(%dma_start3A_133 : memref<128xf32, #tpu.memory_space<vmem>>) offsets(%dma_start3A_135 : memref<128xi32, #tpu.memory_space<vmem>>) semaphore(%arg11 : memref<!tpu.dma_semaphore, #tpu.memory_space<semaphore_mem>>)
    %dma_start3A_138 = arith.constant 2688 : i32
    %dma_start3A_139 = tpu.memref_slice %arg8[%dma_start3A_138] : memref<8192xf32, #tpu.memory_space<vmem>> -> memref<128xf32, #tpu.memory_space<vmem>>
    %dma_start3A_140 = arith.constant 2688 : i32
    %dma_start3A_141 = tpu.memref_slice %arg5[%dma_start3A_140] : memref<8192xi32, #tpu.memory_space<vmem>> -> memref<128xi32, #tpu.memory_space<vmem>>
    %dma_start3A_142 = arith.constant 0 : i32
    %dma_start3A_143 = tpu.memref_slice %arg2[%dma_start3A_142] : memref<393216xf32, #tpu.memory_space<hbm>> -> memref<393216xf32, #tpu.memory_space<hbm>>
    tpu.enqueue_indirect_dma source(%dma_start3A_143 : memref<393216xf32, #tpu.memory_space<hbm>>) target(%dma_start3A_139 : memref<128xf32, #tpu.memory_space<vmem>>) offsets(%dma_start3A_141 : memref<128xi32, #tpu.memory_space<vmem>>) semaphore(%arg11 : memref<!tpu.dma_semaphore, #tpu.memory_space<semaphore_mem>>)
    %dma_start3A_144 = arith.constant 2816 : i32
    %dma_start3A_145 = tpu.memref_slice %arg8[%dma_start3A_144] : memref<8192xf32, #tpu.memory_space<vmem>> -> memref<128xf32, #tpu.memory_space<vmem>>
    %dma_start3A_146 = arith.constant 2816 : i32
    %dma_start3A_147 = tpu.memref_slice %arg5[%dma_start3A_146] : memref<8192xi32, #tpu.memory_space<vmem>> -> memref<128xi32, #tpu.memory_space<vmem>>
    %dma_start3A_148 = arith.constant 0 : i32
    %dma_start3A_149 = tpu.memref_slice %arg2[%dma_start3A_148] : memref<393216xf32, #tpu.memory_space<hbm>> -> memref<393216xf32, #tpu.memory_space<hbm>>
    tpu.enqueue_indirect_dma source(%dma_start3A_149 : memref<393216xf32, #tpu.memory_space<hbm>>) target(%dma_start3A_145 : memref<128xf32, #tpu.memory_space<vmem>>) offsets(%dma_start3A_147 : memref<128xi32, #tpu.memory_space<vmem>>) semaphore(%arg11 : memref<!tpu.dma_semaphore, #tpu.memory_space<semaphore_mem>>)
    %dma_start3A_150 = arith.constant 2944 : i32
    %dma_start3A_151 = tpu.memref_slice %arg8[%dma_start3A_150] : memref<8192xf32, #tpu.memory_space<vmem>> -> memref<128xf32, #tpu.memory_space<vmem>>
    %dma_start3A_152 = arith.constant 2944 : i32
    %dma_start3A_153 = tpu.memref_slice %arg5[%dma_start3A_152] : memref<8192xi32, #tpu.memory_space<vmem>> -> memref<128xi32, #tpu.memory_space<vmem>>
    %dma_start3A_154 = arith.constant 0 : i32
    %dma_start3A_155 = tpu.memref_slice %arg2[%dma_start3A_154] : memref<393216xf32, #tpu.memory_space<hbm>> -> memref<393216xf32, #tpu.memory_space<hbm>>
    tpu.enqueue_indirect_dma source(%dma_start3A_155 : memref<393216xf32, #tpu.memory_space<hbm>>) target(%dma_start3A_151 : memref<128xf32, #tpu.memory_space<vmem>>) offsets(%dma_start3A_153 : memref<128xi32, #tpu.memory_space<vmem>>) semaphore(%arg11 : memref<!tpu.dma_semaphore, #tpu.memory_space<semaphore_mem>>)
    %dma_start3A_156 = arith.constant 3072 : i32
    %dma_start3A_157 = tpu.memref_slice %arg8[%dma_start3A_156] : memref<8192xf32, #tpu.memory_space<vmem>> -> memref<128xf32, #tpu.memory_space<vmem>>
    %dma_start3A_158 = arith.constant 3072 : i32
    %dma_start3A_159 = tpu.memref_slice %arg5[%dma_start3A_158] : memref<8192xi32, #tpu.memory_space<vmem>> -> memref<128xi32, #tpu.memory_space<vmem>>
    %dma_start3A_160 = arith.constant 0 : i32
    %dma_start3A_161 = tpu.memref_slice %arg2[%dma_start3A_160] : memref<393216xf32, #tpu.memory_space<hbm>> -> memref<393216xf32, #tpu.memory_space<hbm>>
    tpu.enqueue_indirect_dma source(%dma_start3A_161 : memref<393216xf32, #tpu.memory_space<hbm>>) target(%dma_start3A_157 : memref<128xf32, #tpu.memory_space<vmem>>) offsets(%dma_start3A_159 : memref<128xi32, #tpu.memory_space<vmem>>) semaphore(%arg11 : memref<!tpu.dma_semaphore, #tpu.memory_space<semaphore_mem>>)
    %dma_start3A_162 = arith.constant 3200 : i32
    %dma_start3A_163 = tpu.memref_slice %arg8[%dma_start3A_162] : memref<8192xf32, #tpu.memory_space<vmem>> -> memref<128xf32, #tpu.memory_space<vmem>>
    %dma_start3A_164 = arith.constant 3200 : i32
    %dma_start3A_165 = tpu.memref_slice %arg5[%dma_start3A_164] : memref<8192xi32, #tpu.memory_space<vmem>> -> memref<128xi32, #tpu.memory_space<vmem>>
    %dma_start3A_166 = arith.constant 0 : i32
    %dma_start3A_167 = tpu.memref_slice %arg2[%dma_start3A_166] : memref<393216xf32, #tpu.memory_space<hbm>> -> memref<393216xf32, #tpu.memory_space<hbm>>
    tpu.enqueue_indirect_dma source(%dma_start3A_167 : memref<393216xf32, #tpu.memory_space<hbm>>) target(%dma_start3A_163 : memref<128xf32, #tpu.memory_space<vmem>>) offsets(%dma_start3A_165 : memref<128xi32, #tpu.memory_space<vmem>>) semaphore(%arg11 : memref<!tpu.dma_semaphore, #tpu.memory_space<semaphore_mem>>)
    %dma_start3A_168 = arith.constant 3328 : i32
    %dma_start3A_169 = tpu.memref_slice %arg8[%dma_start3A_168] : memref<8192xf32, #tpu.memory_space<vmem>> -> memref<128xf32, #tpu.memory_space<vmem>>
    %dma_start3A_170 = arith.constant 3328 : i32
    %dma_start3A_171 = tpu.memref_slice %arg5[%dma_start3A_170] : memref<8192xi32, #tpu.memory_space<vmem>> -> memref<128xi32, #tpu.memory_space<vmem>>
    %dma_start3A_172 = arith.constant 0 : i32
    %dma_start3A_173 = tpu.memref_slice %arg2[%dma_start3A_172] : memref<393216xf32, #tpu.memory_space<hbm>> -> memref<393216xf32, #tpu.memory_space<hbm>>
    tpu.enqueue_indirect_dma source(%dma_start3A_173 : memref<393216xf32, #tpu.memory_space<hbm>>) target(%dma_start3A_169 : memref<128xf32, #tpu.memory_space<vmem>>) offsets(%dma_start3A_171 : memref<128xi32, #tpu.memory_space<vmem>>) semaphore(%arg11 : memref<!tpu.dma_semaphore, #tpu.memory_space<semaphore_mem>>)
    %dma_start3A_174 = arith.constant 3456 : i32
    %dma_start3A_175 = tpu.memref_slice %arg8[%dma_start3A_174] : memref<8192xf32, #tpu.memory_space<vmem>> -> memref<128xf32, #tpu.memory_space<vmem>>
    %dma_start3A_176 = arith.constant 3456 : i32
    %dma_start3A_177 = tpu.memref_slice %arg5[%dma_start3A_176] : memref<8192xi32, #tpu.memory_space<vmem>> -> memref<128xi32, #tpu.memory_space<vmem>>
    %dma_start3A_178 = arith.constant 0 : i32
    %dma_start3A_179 = tpu.memref_slice %arg2[%dma_start3A_178] : memref<393216xf32, #tpu.memory_space<hbm>> -> memref<393216xf32, #tpu.memory_space<hbm>>
    tpu.enqueue_indirect_dma source(%dma_start3A_179 : memref<393216xf32, #tpu.memory_space<hbm>>) target(%dma_start3A_175 : memref<128xf32, #tpu.memory_space<vmem>>) offsets(%dma_start3A_177 : memref<128xi32, #tpu.memory_space<vmem>>) semaphore(%arg11 : memref<!tpu.dma_semaphore, #tpu.memory_space<semaphore_mem>>)
    %dma_start3A_180 = arith.constant 3584 : i32
    %dma_start3A_181 = tpu.memref_slice %arg8[%dma_start3A_180] : memref<8192xf32, #tpu.memory_space<vmem>> -> memref<128xf32, #tpu.memory_space<vmem>>
    %dma_start3A_182 = arith.constant 3584 : i32
    %dma_start3A_183 = tpu.memref_slice %arg5[%dma_start3A_182] : memref<8192xi32, #tpu.memory_space<vmem>> -> memref<128xi32, #tpu.memory_space<vmem>>
    %dma_start3A_184 = arith.constant 0 : i32
    %dma_start3A_185 = tpu.memref_slice %arg2[%dma_start3A_184] : memref<393216xf32, #tpu.memory_space<hbm>> -> memref<393216xf32, #tpu.memory_space<hbm>>
    tpu.enqueue_indirect_dma source(%dma_start3A_185 : memref<393216xf32, #tpu.memory_space<hbm>>) target(%dma_start3A_181 : memref<128xf32, #tpu.memory_space<vmem>>) offsets(%dma_start3A_183 : memref<128xi32, #tpu.memory_space<vmem>>) semaphore(%arg11 : memref<!tpu.dma_semaphore, #tpu.memory_space<semaphore_mem>>)
    %dma_start3A_186 = arith.constant 3712 : i32
    %dma_start3A_187 = tpu.memref_slice %arg8[%dma_start3A_186] : memref<8192xf32, #tpu.memory_space<vmem>> -> memref<128xf32, #tpu.memory_space<vmem>>
    %dma_start3A_188 = arith.constant 3712 : i32
    %dma_start3A_189 = tpu.memref_slice %arg5[%dma_start3A_188] : memref<8192xi32, #tpu.memory_space<vmem>> -> memref<128xi32, #tpu.memory_space<vmem>>
    %dma_start3A_190 = arith.constant 0 : i32
    %dma_start3A_191 = tpu.memref_slice %arg2[%dma_start3A_190] : memref<393216xf32, #tpu.memory_space<hbm>> -> memref<393216xf32, #tpu.memory_space<hbm>>
    tpu.enqueue_indirect_dma source(%dma_start3A_191 : memref<393216xf32, #tpu.memory_space<hbm>>) target(%dma_start3A_187 : memref<128xf32, #tpu.memory_space<vmem>>) offsets(%dma_start3A_189 : memref<128xi32, #tpu.memory_space<vmem>>) semaphore(%arg11 : memref<!tpu.dma_semaphore, #tpu.memory_space<semaphore_mem>>)
    %dma_start3A_192 = arith.constant 3840 : i32
    %dma_start3A_193 = tpu.memref_slice %arg8[%dma_start3A_192] : memref<8192xf32, #tpu.memory_space<vmem>> -> memref<128xf32, #tpu.memory_space<vmem>>
    %dma_start3A_194 = arith.constant 3840 : i32
    %dma_start3A_195 = tpu.memref_slice %arg5[%dma_start3A_194] : memref<8192xi32, #tpu.memory_space<vmem>> -> memref<128xi32, #tpu.memory_space<vmem>>
    %dma_start3A_196 = arith.constant 0 : i32
    %dma_start3A_197 = tpu.memref_slice %arg2[%dma_start3A_196] : memref<393216xf32, #tpu.memory_space<hbm>> -> memref<393216xf32, #tpu.memory_space<hbm>>
    tpu.enqueue_indirect_dma source(%dma_start3A_197 : memref<393216xf32, #tpu.memory_space<hbm>>) target(%dma_start3A_193 : memref<128xf32, #tpu.memory_space<vmem>>) offsets(%dma_start3A_195 : memref<128xi32, #tpu.memory_space<vmem>>) semaphore(%arg11 : memref<!tpu.dma_semaphore, #tpu.memory_space<semaphore_mem>>)
    %dma_start3A_198 = arith.constant 3968 : i32
    %dma_start3A_199 = tpu.memref_slice %arg8[%dma_start3A_198] : memref<8192xf32, #tpu.memory_space<vmem>> -> memref<128xf32, #tpu.memory_space<vmem>>
    %dma_start3A_200 = arith.constant 3968 : i32
    %dma_start3A_201 = tpu.memref_slice %arg5[%dma_start3A_200] : memref<8192xi32, #tpu.memory_space<vmem>> -> memref<128xi32, #tpu.memory_space<vmem>>
    %dma_start3A_202 = arith.constant 0 : i32
    %dma_start3A_203 = tpu.memref_slice %arg2[%dma_start3A_202] : memref<393216xf32, #tpu.memory_space<hbm>> -> memref<393216xf32, #tpu.memory_space<hbm>>
    tpu.enqueue_indirect_dma source(%dma_start3A_203 : memref<393216xf32, #tpu.memory_space<hbm>>) target(%dma_start3A_199 : memref<128xf32, #tpu.memory_space<vmem>>) offsets(%dma_start3A_201 : memref<128xi32, #tpu.memory_space<vmem>>) semaphore(%arg11 : memref<!tpu.dma_semaphore, #tpu.memory_space<semaphore_mem>>)
    %dma_start3A_204 = arith.constant 4096 : i32
    %dma_start3A_205 = tpu.memref_slice %arg8[%dma_start3A_204] : memref<8192xf32, #tpu.memory_space<vmem>> -> memref<128xf32, #tpu.memory_space<vmem>>
    %dma_start3A_206 = arith.constant 4096 : i32
    %dma_start3A_207 = tpu.memref_slice %arg5[%dma_start3A_206] : memref<8192xi32, #tpu.memory_space<vmem>> -> memref<128xi32, #tpu.memory_space<vmem>>
    %dma_start3A_208 = arith.constant 0 : i32
    %dma_start3A_209 = tpu.memref_slice %arg2[%dma_start3A_208] : memref<393216xf32, #tpu.memory_space<hbm>> -> memref<393216xf32, #tpu.memory_space<hbm>>
    tpu.enqueue_indirect_dma source(%dma_start3A_209 : memref<393216xf32, #tpu.memory_space<hbm>>) target(%dma_start3A_205 : memref<128xf32, #tpu.memory_space<vmem>>) offsets(%dma_start3A_207 : memref<128xi32, #tpu.memory_space<vmem>>) semaphore(%arg11 : memref<!tpu.dma_semaphore, #tpu.memory_space<semaphore_mem>>)
    %dma_start3A_210 = arith.constant 4224 : i32
    %dma_start3A_211 = tpu.memref_slice %arg8[%dma_start3A_210] : memref<8192xf32, #tpu.memory_space<vmem>> -> memref<128xf32, #tpu.memory_space<vmem>>
    %dma_start3A_212 = arith.constant 4224 : i32
    %dma_start3A_213 = tpu.memref_slice %arg5[%dma_start3A_212] : memref<8192xi32, #tpu.memory_space<vmem>> -> memref<128xi32, #tpu.memory_space<vmem>>
    %dma_start3A_214 = arith.constant 0 : i32
    %dma_start3A_215 = tpu.memref_slice %arg2[%dma_start3A_214] : memref<393216xf32, #tpu.memory_space<hbm>> -> memref<393216xf32, #tpu.memory_space<hbm>>
    tpu.enqueue_indirect_dma source(%dma_start3A_215 : memref<393216xf32, #tpu.memory_space<hbm>>) target(%dma_start3A_211 : memref<128xf32, #tpu.memory_space<vmem>>) offsets(%dma_start3A_213 : memref<128xi32, #tpu.memory_space<vmem>>) semaphore(%arg11 : memref<!tpu.dma_semaphore, #tpu.memory_space<semaphore_mem>>)
    %dma_start3A_216 = arith.constant 4352 : i32
    %dma_start3A_217 = tpu.memref_slice %arg8[%dma_start3A_216] : memref<8192xf32, #tpu.memory_space<vmem>> -> memref<128xf32, #tpu.memory_space<vmem>>
    %dma_start3A_218 = arith.constant 4352 : i32
    %dma_start3A_219 = tpu.memref_slice %arg5[%dma_start3A_218] : memref<8192xi32, #tpu.memory_space<vmem>> -> memref<128xi32, #tpu.memory_space<vmem>>
    %dma_start3A_220 = arith.constant 0 : i32
    %dma_start3A_221 = tpu.memref_slice %arg2[%dma_start3A_220] : memref<393216xf32, #tpu.memory_space<hbm>> -> memref<393216xf32, #tpu.memory_space<hbm>>
    tpu.enqueue_indirect_dma source(%dma_start3A_221 : memref<393216xf32, #tpu.memory_space<hbm>>) target(%dma_start3A_217 : memref<128xf32, #tpu.memory_space<vmem>>) offsets(%dma_start3A_219 : memref<128xi32, #tpu.memory_space<vmem>>) semaphore(%arg11 : memref<!tpu.dma_semaphore, #tpu.memory_space<semaphore_mem>>)
    %dma_start3A_222 = arith.constant 4480 : i32
    %dma_start3A_223 = tpu.memref_slice %arg8[%dma_start3A_222] : memref<8192xf32, #tpu.memory_space<vmem>> -> memref<128xf32, #tpu.memory_space<vmem>>
    %dma_start3A_224 = arith.constant 4480 : i32
    %dma_start3A_225 = tpu.memref_slice %arg5[%dma_start3A_224] : memref<8192xi32, #tpu.memory_space<vmem>> -> memref<128xi32, #tpu.memory_space<vmem>>
    %dma_start3A_226 = arith.constant 0 : i32
    %dma_start3A_227 = tpu.memref_slice %arg2[%dma_start3A_226] : memref<393216xf32, #tpu.memory_space<hbm>> -> memref<393216xf32, #tpu.memory_space<hbm>>
    tpu.enqueue_indirect_dma source(%dma_start3A_227 : memref<393216xf32, #tpu.memory_space<hbm>>) target(%dma_start3A_223 : memref<128xf32, #tpu.memory_space<vmem>>) offsets(%dma_start3A_225 : memref<128xi32, #tpu.memory_space<vmem>>) semaphore(%arg11 : memref<!tpu.dma_semaphore, #tpu.memory_space<semaphore_mem>>)
    %dma_start3A_228 = arith.constant 4608 : i32
    %dma_start3A_229 = tpu.memref_slice %arg8[%dma_start3A_228] : memref<8192xf32, #tpu.memory_space<vmem>> -> memref<128xf32, #tpu.memory_space<vmem>>
    %dma_start3A_230 = arith.constant 4608 : i32
    %dma_start3A_231 = tpu.memref_slice %arg5[%dma_start3A_230] : memref<8192xi32, #tpu.memory_space<vmem>> -> memref<128xi32, #tpu.memory_space<vmem>>
    %dma_start3A_232 = arith.constant 0 : i32
    %dma_start3A_233 = tpu.memref_slice %arg2[%dma_start3A_232] : memref<393216xf32, #tpu.memory_space<hbm>> -> memref<393216xf32, #tpu.memory_space<hbm>>
    tpu.enqueue_indirect_dma source(%dma_start3A_233 : memref<393216xf32, #tpu.memory_space<hbm>>) target(%dma_start3A_229 : memref<128xf32, #tpu.memory_space<vmem>>) offsets(%dma_start3A_231 : memref<128xi32, #tpu.memory_space<vmem>>) semaphore(%arg11 : memref<!tpu.dma_semaphore, #tpu.memory_space<semaphore_mem>>)
    %dma_start3A_234 = arith.constant 4736 : i32
    %dma_start3A_235 = tpu.memref_slice %arg8[%dma_start3A_234] : memref<8192xf32, #tpu.memory_space<vmem>> -> memref<128xf32, #tpu.memory_space<vmem>>
    %dma_start3A_236 = arith.constant 4736 : i32
    %dma_start3A_237 = tpu.memref_slice %arg5[%dma_start3A_236] : memref<8192xi32, #tpu.memory_space<vmem>> -> memref<128xi32, #tpu.memory_space<vmem>>
    %dma_start3A_238 = arith.constant 0 : i32
    %dma_start3A_239 = tpu.memref_slice %arg2[%dma_start3A_238] : memref<393216xf32, #tpu.memory_space<hbm>> -> memref<393216xf32, #tpu.memory_space<hbm>>
    tpu.enqueue_indirect_dma source(%dma_start3A_239 : memref<393216xf32, #tpu.memory_space<hbm>>) target(%dma_start3A_235 : memref<128xf32, #tpu.memory_space<vmem>>) offsets(%dma_start3A_237 : memref<128xi32, #tpu.memory_space<vmem>>) semaphore(%arg11 : memref<!tpu.dma_semaphore, #tpu.memory_space<semaphore_mem>>)
    %dma_start3A_240 = arith.constant 4864 : i32
    %dma_start3A_241 = tpu.memref_slice %arg8[%dma_start3A_240] : memref<8192xf32, #tpu.memory_space<vmem>> -> memref<128xf32, #tpu.memory_space<vmem>>
    %dma_start3A_242 = arith.constant 4864 : i32
    %dma_start3A_243 = tpu.memref_slice %arg5[%dma_start3A_242] : memref<8192xi32, #tpu.memory_space<vmem>> -> memref<128xi32, #tpu.memory_space<vmem>>
    %dma_start3A_244 = arith.constant 0 : i32
    %dma_start3A_245 = tpu.memref_slice %arg2[%dma_start3A_244] : memref<393216xf32, #tpu.memory_space<hbm>> -> memref<393216xf32, #tpu.memory_space<hbm>>
    tpu.enqueue_indirect_dma source(%dma_start3A_245 : memref<393216xf32, #tpu.memory_space<hbm>>) target(%dma_start3A_241 : memref<128xf32, #tpu.memory_space<vmem>>) offsets(%dma_start3A_243 : memref<128xi32, #tpu.memory_space<vmem>>) semaphore(%arg11 : memref<!tpu.dma_semaphore, #tpu.memory_space<semaphore_mem>>)
    %dma_start3A_246 = arith.constant 4992 : i32
    %dma_start3A_247 = tpu.memref_slice %arg8[%dma_start3A_246] : memref<8192xf32, #tpu.memory_space<vmem>> -> memref<128xf32, #tpu.memory_space<vmem>>
    %dma_start3A_248 = arith.constant 4992 : i32
    %dma_start3A_249 = tpu.memref_slice %arg5[%dma_start3A_248] : memref<8192xi32, #tpu.memory_space<vmem>> -> memref<128xi32, #tpu.memory_space<vmem>>
    %dma_start3A_250 = arith.constant 0 : i32
    %dma_start3A_251 = tpu.memref_slice %arg2[%dma_start3A_250] : memref<393216xf32, #tpu.memory_space<hbm>> -> memref<393216xf32, #tpu.memory_space<hbm>>
    tpu.enqueue_indirect_dma source(%dma_start3A_251 : memref<393216xf32, #tpu.memory_space<hbm>>) target(%dma_start3A_247 : memref<128xf32, #tpu.memory_space<vmem>>) offsets(%dma_start3A_249 : memref<128xi32, #tpu.memory_space<vmem>>) semaphore(%arg11 : memref<!tpu.dma_semaphore, #tpu.memory_space<semaphore_mem>>)
    %dma_start3A_252 = arith.constant 5120 : i32
    %dma_start3A_253 = tpu.memref_slice %arg8[%dma_start3A_252] : memref<8192xf32, #tpu.memory_space<vmem>> -> memref<128xf32, #tpu.memory_space<vmem>>
    %dma_start3A_254 = arith.constant 5120 : i32
    %dma_start3A_255 = tpu.memref_slice %arg5[%dma_start3A_254] : memref<8192xi32, #tpu.memory_space<vmem>> -> memref<128xi32, #tpu.memory_space<vmem>>
    %dma_start3A_256 = arith.constant 0 : i32
    %dma_start3A_257 = tpu.memref_slice %arg2[%dma_start3A_256] : memref<393216xf32, #tpu.memory_space<hbm>> -> memref<393216xf32, #tpu.memory_space<hbm>>
    tpu.enqueue_indirect_dma source(%dma_start3A_257 : memref<393216xf32, #tpu.memory_space<hbm>>) target(%dma_start3A_253 : memref<128xf32, #tpu.memory_space<vmem>>) offsets(%dma_start3A_255 : memref<128xi32, #tpu.memory_space<vmem>>) semaphore(%arg11 : memref<!tpu.dma_semaphore, #tpu.memory_space<semaphore_mem>>)
    %dma_start3A_258 = arith.constant 5248 : i32
    %dma_start3A_259 = tpu.memref_slice %arg8[%dma_start3A_258] : memref<8192xf32, #tpu.memory_space<vmem>> -> memref<128xf32, #tpu.memory_space<vmem>>
    %dma_start3A_260 = arith.constant 5248 : i32
    %dma_start3A_261 = tpu.memref_slice %arg5[%dma_start3A_260] : memref<8192xi32, #tpu.memory_space<vmem>> -> memref<128xi32, #tpu.memory_space<vmem>>
    %dma_start3A_262 = arith.constant 0 : i32
    %dma_start3A_263 = tpu.memref_slice %arg2[%dma_start3A_262] : memref<393216xf32, #tpu.memory_space<hbm>> -> memref<393216xf32, #tpu.memory_space<hbm>>
    tpu.enqueue_indirect_dma source(%dma_start3A_263 : memref<393216xf32, #tpu.memory_space<hbm>>) target(%dma_start3A_259 : memref<128xf32, #tpu.memory_space<vmem>>) offsets(%dma_start3A_261 : memref<128xi32, #tpu.memory_space<vmem>>) semaphore(%arg11 : memref<!tpu.dma_semaphore, #tpu.memory_space<semaphore_mem>>)
    %dma_start3A_264 = arith.constant 5376 : i32
    %dma_start3A_265 = tpu.memref_slice %arg8[%dma_start3A_264] : memref<8192xf32, #tpu.memory_space<vmem>> -> memref<128xf32, #tpu.memory_space<vmem>>
    %dma_start3A_266 = arith.constant 5376 : i32
    %dma_start3A_267 = tpu.memref_slice %arg5[%dma_start3A_266] : memref<8192xi32, #tpu.memory_space<vmem>> -> memref<128xi32, #tpu.memory_space<vmem>>
    %dma_start3A_268 = arith.constant 0 : i32
    %dma_start3A_269 = tpu.memref_slice %arg2[%dma_start3A_268] : memref<393216xf32, #tpu.memory_space<hbm>> -> memref<393216xf32, #tpu.memory_space<hbm>>
    tpu.enqueue_indirect_dma source(%dma_start3A_269 : memref<393216xf32, #tpu.memory_space<hbm>>) target(%dma_start3A_265 : memref<128xf32, #tpu.memory_space<vmem>>) offsets(%dma_start3A_267 : memref<128xi32, #tpu.memory_space<vmem>>) semaphore(%arg11 : memref<!tpu.dma_semaphore, #tpu.memory_space<semaphore_mem>>)
    %dma_start3A_270 = arith.constant 5504 : i32
    %dma_start3A_271 = tpu.memref_slice %arg8[%dma_start3A_270] : memref<8192xf32, #tpu.memory_space<vmem>> -> memref<128xf32, #tpu.memory_space<vmem>>
    %dma_start3A_272 = arith.constant 5504 : i32
    %dma_start3A_273 = tpu.memref_slice %arg5[%dma_start3A_272] : memref<8192xi32, #tpu.memory_space<vmem>> -> memref<128xi32, #tpu.memory_space<vmem>>
    %dma_start3A_274 = arith.constant 0 : i32
    %dma_start3A_275 = tpu.memref_slice %arg2[%dma_start3A_274] : memref<393216xf32, #tpu.memory_space<hbm>> -> memref<393216xf32, #tpu.memory_space<hbm>>
    tpu.enqueue_indirect_dma source(%dma_start3A_275 : memref<393216xf32, #tpu.memory_space<hbm>>) target(%dma_start3A_271 : memref<128xf32, #tpu.memory_space<vmem>>) offsets(%dma_start3A_273 : memref<128xi32, #tpu.memory_space<vmem>>) semaphore(%arg11 : memref<!tpu.dma_semaphore, #tpu.memory_space<semaphore_mem>>)
    %dma_start3A_276 = arith.constant 5632 : i32
    %dma_start3A_277 = tpu.memref_slice %arg8[%dma_start3A_276] : memref<8192xf32, #tpu.memory_space<vmem>> -> memref<128xf32, #tpu.memory_space<vmem>>
    %dma_start3A_278 = arith.constant 5632 : i32
    %dma_start3A_279 = tpu.memref_slice %arg5[%dma_start3A_278] : memref<8192xi32, #tpu.memory_space<vmem>> -> memref<128xi32, #tpu.memory_space<vmem>>
    %dma_start3A_280 = arith.constant 0 : i32
    %dma_start3A_281 = tpu.memref_slice %arg2[%dma_start3A_280] : memref<393216xf32, #tpu.memory_space<hbm>> -> memref<393216xf32, #tpu.memory_space<hbm>>
    tpu.enqueue_indirect_dma source(%dma_start3A_281 : memref<393216xf32, #tpu.memory_space<hbm>>) target(%dma_start3A_277 : memref<128xf32, #tpu.memory_space<vmem>>) offsets(%dma_start3A_279 : memref<128xi32, #tpu.memory_space<vmem>>) semaphore(%arg11 : memref<!tpu.dma_semaphore, #tpu.memory_space<semaphore_mem>>)
    %dma_start3A_282 = arith.constant 5760 : i32
    %dma_start3A_283 = tpu.memref_slice %arg8[%dma_start3A_282] : memref<8192xf32, #tpu.memory_space<vmem>> -> memref<128xf32, #tpu.memory_space<vmem>>
    %dma_start3A_284 = arith.constant 5760 : i32
    %dma_start3A_285 = tpu.memref_slice %arg5[%dma_start3A_284] : memref<8192xi32, #tpu.memory_space<vmem>> -> memref<128xi32, #tpu.memory_space<vmem>>
    %dma_start3A_286 = arith.constant 0 : i32
    %dma_start3A_287 = tpu.memref_slice %arg2[%dma_start3A_286] : memref<393216xf32, #tpu.memory_space<hbm>> -> memref<393216xf32, #tpu.memory_space<hbm>>
    tpu.enqueue_indirect_dma source(%dma_start3A_287 : memref<393216xf32, #tpu.memory_space<hbm>>) target(%dma_start3A_283 : memref<128xf32, #tpu.memory_space<vmem>>) offsets(%dma_start3A_285 : memref<128xi32, #tpu.memory_space<vmem>>) semaphore(%arg11 : memref<!tpu.dma_semaphore, #tpu.memory_space<semaphore_mem>>)
    %dma_start3A_288 = arith.constant 5888 : i32
    %dma_start3A_289 = tpu.memref_slice %arg8[%dma_start3A_288] : memref<8192xf32, #tpu.memory_space<vmem>> -> memref<128xf32, #tpu.memory_space<vmem>>
    %dma_start3A_290 = arith.constant 5888 : i32
    %dma_start3A_291 = tpu.memref_slice %arg5[%dma_start3A_290] : memref<8192xi32, #tpu.memory_space<vmem>> -> memref<128xi32, #tpu.memory_space<vmem>>
    %dma_start3A_292 = arith.constant 0 : i32
    %dma_start3A_293 = tpu.memref_slice %arg2[%dma_start3A_292] : memref<393216xf32, #tpu.memory_space<hbm>> -> memref<393216xf32, #tpu.memory_space<hbm>>
    tpu.enqueue_indirect_dma source(%dma_start3A_293 : memref<393216xf32, #tpu.memory_space<hbm>>) target(%dma_start3A_289 : memref<128xf32, #tpu.memory_space<vmem>>) offsets(%dma_start3A_291 : memref<128xi32, #tpu.memory_space<vmem>>) semaphore(%arg11 : memref<!tpu.dma_semaphore, #tpu.memory_space<semaphore_mem>>)
    %dma_start3A_294 = arith.constant 6016 : i32
    %dma_start3A_295 = tpu.memref_slice %arg8[%dma_start3A_294] : memref<8192xf32, #tpu.memory_space<vmem>> -> memref<128xf32, #tpu.memory_space<vmem>>
    %dma_start3A_296 = arith.constant 6016 : i32
    %dma_start3A_297 = tpu.memref_slice %arg5[%dma_start3A_296] : memref<8192xi32, #tpu.memory_space<vmem>> -> memref<128xi32, #tpu.memory_space<vmem>>
    %dma_start3A_298 = arith.constant 0 : i32
    %dma_start3A_299 = tpu.memref_slice %arg2[%dma_start3A_298] : memref<393216xf32, #tpu.memory_space<hbm>> -> memref<393216xf32, #tpu.memory_space<hbm>>
    tpu.enqueue_indirect_dma source(%dma_start3A_299 : memref<393216xf32, #tpu.memory_space<hbm>>) target(%dma_start3A_295 : memref<128xf32, #tpu.memory_space<vmem>>) offsets(%dma_start3A_297 : memref<128xi32, #tpu.memory_space<vmem>>) semaphore(%arg11 : memref<!tpu.dma_semaphore, #tpu.memory_space<semaphore_mem>>)
    %dma_start3A_300 = arith.constant 6144 : i32
    %dma_start3A_301 = tpu.memref_slice %arg8[%dma_start3A_300] : memref<8192xf32, #tpu.memory_space<vmem>> -> memref<128xf32, #tpu.memory_space<vmem>>
    %dma_start3A_302 = arith.constant 6144 : i32
    %dma_start3A_303 = tpu.memref_slice %arg5[%dma_start3A_302] : memref<8192xi32, #tpu.memory_space<vmem>> -> memref<128xi32, #tpu.memory_space<vmem>>
    %dma_start3A_304 = arith.constant 0 : i32
    %dma_start3A_305 = tpu.memref_slice %arg2[%dma_start3A_304] : memref<393216xf32, #tpu.memory_space<hbm>> -> memref<393216xf32, #tpu.memory_space<hbm>>
    tpu.enqueue_indirect_dma source(%dma_start3A_305 : memref<393216xf32, #tpu.memory_space<hbm>>) target(%dma_start3A_301 : memref<128xf32, #tpu.memory_space<vmem>>) offsets(%dma_start3A_303 : memref<128xi32, #tpu.memory_space<vmem>>) semaphore(%arg11 : memref<!tpu.dma_semaphore, #tpu.memory_space<semaphore_mem>>)
    %dma_start3A_306 = arith.constant 6272 : i32
    %dma_start3A_307 = tpu.memref_slice %arg8[%dma_start3A_306] : memref<8192xf32, #tpu.memory_space<vmem>> -> memref<128xf32, #tpu.memory_space<vmem>>
    %dma_start3A_308 = arith.constant 6272 : i32
    %dma_start3A_309 = tpu.memref_slice %arg5[%dma_start3A_308] : memref<8192xi32, #tpu.memory_space<vmem>> -> memref<128xi32, #tpu.memory_space<vmem>>
    %dma_start3A_310 = arith.constant 0 : i32
    %dma_start3A_311 = tpu.memref_slice %arg2[%dma_start3A_310] : memref<393216xf32, #tpu.memory_space<hbm>> -> memref<393216xf32, #tpu.memory_space<hbm>>
    tpu.enqueue_indirect_dma source(%dma_start3A_311 : memref<393216xf32, #tpu.memory_space<hbm>>) target(%dma_start3A_307 : memref<128xf32, #tpu.memory_space<vmem>>) offsets(%dma_start3A_309 : memref<128xi32, #tpu.memory_space<vmem>>) semaphore(%arg11 : memref<!tpu.dma_semaphore, #tpu.memory_space<semaphore_mem>>)
    %dma_start3A_312 = arith.constant 6400 : i32
    %dma_start3A_313 = tpu.memref_slice %arg8[%dma_start3A_312] : memref<8192xf32, #tpu.memory_space<vmem>> -> memref<128xf32, #tpu.memory_space<vmem>>
    %dma_start3A_314 = arith.constant 6400 : i32
    %dma_start3A_315 = tpu.memref_slice %arg5[%dma_start3A_314] : memref<8192xi32, #tpu.memory_space<vmem>> -> memref<128xi32, #tpu.memory_space<vmem>>
    %dma_start3A_316 = arith.constant 0 : i32
    %dma_start3A_317 = tpu.memref_slice %arg2[%dma_start3A_316] : memref<393216xf32, #tpu.memory_space<hbm>> -> memref<393216xf32, #tpu.memory_space<hbm>>
    tpu.enqueue_indirect_dma source(%dma_start3A_317 : memref<393216xf32, #tpu.memory_space<hbm>>) target(%dma_start3A_313 : memref<128xf32, #tpu.memory_space<vmem>>) offsets(%dma_start3A_315 : memref<128xi32, #tpu.memory_space<vmem>>) semaphore(%arg11 : memref<!tpu.dma_semaphore, #tpu.memory_space<semaphore_mem>>)
    %dma_start3A_318 = arith.constant 6528 : i32
    %dma_start3A_319 = tpu.memref_slice %arg8[%dma_start3A_318] : memref<8192xf32, #tpu.memory_space<vmem>> -> memref<128xf32, #tpu.memory_space<vmem>>
    %dma_start3A_320 = arith.constant 6528 : i32
    %dma_start3A_321 = tpu.memref_slice %arg5[%dma_start3A_320] : memref<8192xi32, #tpu.memory_space<vmem>> -> memref<128xi32, #tpu.memory_space<vmem>>
    %dma_start3A_322 = arith.constant 0 : i32
    %dma_start3A_323 = tpu.memref_slice %arg2[%dma_start3A_322] : memref<393216xf32, #tpu.memory_space<hbm>> -> memref<393216xf32, #tpu.memory_space<hbm>>
    tpu.enqueue_indirect_dma source(%dma_start3A_323 : memref<393216xf32, #tpu.memory_space<hbm>>) target(%dma_start3A_319 : memref<128xf32, #tpu.memory_space<vmem>>) offsets(%dma_start3A_321 : memref<128xi32, #tpu.memory_space<vmem>>) semaphore(%arg11 : memref<!tpu.dma_semaphore, #tpu.memory_space<semaphore_mem>>)
    %dma_start3A_324 = arith.constant 6656 : i32
    %dma_start3A_325 = tpu.memref_slice %arg8[%dma_start3A_324] : memref<8192xf32, #tpu.memory_space<vmem>> -> memref<128xf32, #tpu.memory_space<vmem>>
    %dma_start3A_326 = arith.constant 6656 : i32
    %dma_start3A_327 = tpu.memref_slice %arg5[%dma_start3A_326] : memref<8192xi32, #tpu.memory_space<vmem>> -> memref<128xi32, #tpu.memory_space<vmem>>
    %dma_start3A_328 = arith.constant 0 : i32
    %dma_start3A_329 = tpu.memref_slice %arg2[%dma_start3A_328] : memref<393216xf32, #tpu.memory_space<hbm>> -> memref<393216xf32, #tpu.memory_space<hbm>>
    tpu.enqueue_indirect_dma source(%dma_start3A_329 : memref<393216xf32, #tpu.memory_space<hbm>>) target(%dma_start3A_325 : memref<128xf32, #tpu.memory_space<vmem>>) offsets(%dma_start3A_327 : memref<128xi32, #tpu.memory_space<vmem>>) semaphore(%arg11 : memref<!tpu.dma_semaphore, #tpu.memory_space<semaphore_mem>>)
    %dma_start3A_330 = arith.constant 6784 : i32
    %dma_start3A_331 = tpu.memref_slice %arg8[%dma_start3A_330] : memref<8192xf32, #tpu.memory_space<vmem>> -> memref<128xf32, #tpu.memory_space<vmem>>
    %dma_start3A_332 = arith.constant 6784 : i32
    %dma_start3A_333 = tpu.memref_slice %arg5[%dma_start3A_332] : memref<8192xi32, #tpu.memory_space<vmem>> -> memref<128xi32, #tpu.memory_space<vmem>>
    %dma_start3A_334 = arith.constant 0 : i32
    %dma_start3A_335 = tpu.memref_slice %arg2[%dma_start3A_334] : memref<393216xf32, #tpu.memory_space<hbm>> -> memref<393216xf32, #tpu.memory_space<hbm>>
    tpu.enqueue_indirect_dma source(%dma_start3A_335 : memref<393216xf32, #tpu.memory_space<hbm>>) target(%dma_start3A_331 : memref<128xf32, #tpu.memory_space<vmem>>) offsets(%dma_start3A_333 : memref<128xi32, #tpu.memory_space<vmem>>) semaphore(%arg11 : memref<!tpu.dma_semaphore, #tpu.memory_space<semaphore_mem>>)
    %dma_start3A_336 = arith.constant 6912 : i32
    %dma_start3A_337 = tpu.memref_slice %arg8[%dma_start3A_336] : memref<8192xf32, #tpu.memory_space<vmem>> -> memref<128xf32, #tpu.memory_space<vmem>>
    %dma_start3A_338 = arith.constant 6912 : i32
    %dma_start3A_339 = tpu.memref_slice %arg5[%dma_start3A_338] : memref<8192xi32, #tpu.memory_space<vmem>> -> memref<128xi32, #tpu.memory_space<vmem>>
    %dma_start3A_340 = arith.constant 0 : i32
    %dma_start3A_341 = tpu.memref_slice %arg2[%dma_start3A_340] : memref<393216xf32, #tpu.memory_space<hbm>> -> memref<393216xf32, #tpu.memory_space<hbm>>
    tpu.enqueue_indirect_dma source(%dma_start3A_341 : memref<393216xf32, #tpu.memory_space<hbm>>) target(%dma_start3A_337 : memref<128xf32, #tpu.memory_space<vmem>>) offsets(%dma_start3A_339 : memref<128xi32, #tpu.memory_space<vmem>>) semaphore(%arg11 : memref<!tpu.dma_semaphore, #tpu.memory_space<semaphore_mem>>)
    %dma_start3A_342 = arith.constant 7040 : i32
    %dma_start3A_343 = tpu.memref_slice %arg8[%dma_start3A_342] : memref<8192xf32, #tpu.memory_space<vmem>> -> memref<128xf32, #tpu.memory_space<vmem>>
    %dma_start3A_344 = arith.constant 7040 : i32
    %dma_start3A_345 = tpu.memref_slice %arg5[%dma_start3A_344] : memref<8192xi32, #tpu.memory_space<vmem>> -> memref<128xi32, #tpu.memory_space<vmem>>
    %dma_start3A_346 = arith.constant 0 : i32
    %dma_start3A_347 = tpu.memref_slice %arg2[%dma_start3A_346] : memref<393216xf32, #tpu.memory_space<hbm>> -> memref<393216xf32, #tpu.memory_space<hbm>>
    tpu.enqueue_indirect_dma source(%dma_start3A_347 : memref<393216xf32, #tpu.memory_space<hbm>>) target(%dma_start3A_343 : memref<128xf32, #tpu.memory_space<vmem>>) offsets(%dma_start3A_345 : memref<128xi32, #tpu.memory_space<vmem>>) semaphore(%arg11 : memref<!tpu.dma_semaphore, #tpu.memory_space<semaphore_mem>>)
    %dma_start3A_348 = arith.constant 7168 : i32
    %dma_start3A_349 = tpu.memref_slice %arg8[%dma_start3A_348] : memref<8192xf32, #tpu.memory_space<vmem>> -> memref<128xf32, #tpu.memory_space<vmem>>
    %dma_start3A_350 = arith.constant 7168 : i32
    %dma_start3A_351 = tpu.memref_slice %arg5[%dma_start3A_350] : memref<8192xi32, #tpu.memory_space<vmem>> -> memref<128xi32, #tpu.memory_space<vmem>>
    %dma_start3A_352 = arith.constant 0 : i32
    %dma_start3A_353 = tpu.memref_slice %arg2[%dma_start3A_352] : memref<393216xf32, #tpu.memory_space<hbm>> -> memref<393216xf32, #tpu.memory_space<hbm>>
    tpu.enqueue_indirect_dma source(%dma_start3A_353 : memref<393216xf32, #tpu.memory_space<hbm>>) target(%dma_start3A_349 : memref<128xf32, #tpu.memory_space<vmem>>) offsets(%dma_start3A_351 : memref<128xi32, #tpu.memory_space<vmem>>) semaphore(%arg11 : memref<!tpu.dma_semaphore, #tpu.memory_space<semaphore_mem>>)
    %dma_start3A_354 = arith.constant 7296 : i32
    %dma_start3A_355 = tpu.memref_slice %arg8[%dma_start3A_354] : memref<8192xf32, #tpu.memory_space<vmem>> -> memref<128xf32, #tpu.memory_space<vmem>>
    %dma_start3A_356 = arith.constant 7296 : i32
    %dma_start3A_357 = tpu.memref_slice %arg5[%dma_start3A_356] : memref<8192xi32, #tpu.memory_space<vmem>> -> memref<128xi32, #tpu.memory_space<vmem>>
    %dma_start3A_358 = arith.constant 0 : i32
    %dma_start3A_359 = tpu.memref_slice %arg2[%dma_start3A_358] : memref<393216xf32, #tpu.memory_space<hbm>> -> memref<393216xf32, #tpu.memory_space<hbm>>
    tpu.enqueue_indirect_dma source(%dma_start3A_359 : memref<393216xf32, #tpu.memory_space<hbm>>) target(%dma_start3A_355 : memref<128xf32, #tpu.memory_space<vmem>>) offsets(%dma_start3A_357 : memref<128xi32, #tpu.memory_space<vmem>>) semaphore(%arg11 : memref<!tpu.dma_semaphore, #tpu.memory_space<semaphore_mem>>)
    %dma_start3A_360 = arith.constant 7424 : i32
    %dma_start3A_361 = tpu.memref_slice %arg8[%dma_start3A_360] : memref<8192xf32, #tpu.memory_space<vmem>> -> memref<128xf32, #tpu.memory_space<vmem>>
    %dma_start3A_362 = arith.constant 7424 : i32
    %dma_start3A_363 = tpu.memref_slice %arg5[%dma_start3A_362] : memref<8192xi32, #tpu.memory_space<vmem>> -> memref<128xi32, #tpu.memory_space<vmem>>
    %dma_start3A_364 = arith.constant 0 : i32
    %dma_start3A_365 = tpu.memref_slice %arg2[%dma_start3A_364] : memref<393216xf32, #tpu.memory_space<hbm>> -> memref<393216xf32, #tpu.memory_space<hbm>>
    tpu.enqueue_indirect_dma source(%dma_start3A_365 : memref<393216xf32, #tpu.memory_space<hbm>>) target(%dma_start3A_361 : memref<128xf32, #tpu.memory_space<vmem>>) offsets(%dma_start3A_363 : memref<128xi32, #tpu.memory_space<vmem>>) semaphore(%arg11 : memref<!tpu.dma_semaphore, #tpu.memory_space<semaphore_mem>>)
    %dma_start3A_366 = arith.constant 7552 : i32
    %dma_start3A_367 = tpu.memref_slice %arg8[%dma_start3A_366] : memref<8192xf32, #tpu.memory_space<vmem>> -> memref<128xf32, #tpu.memory_space<vmem>>
    %dma_start3A_368 = arith.constant 7552 : i32
    %dma_start3A_369 = tpu.memref_slice %arg5[%dma_start3A_368] : memref<8192xi32, #tpu.memory_space<vmem>> -> memref<128xi32, #tpu.memory_space<vmem>>
    %dma_start3A_370 = arith.constant 0 : i32
    %dma_start3A_371 = tpu.memref_slice %arg2[%dma_start3A_370] : memref<393216xf32, #tpu.memory_space<hbm>> -> memref<393216xf32, #tpu.memory_space<hbm>>
    tpu.enqueue_indirect_dma source(%dma_start3A_371 : memref<393216xf32, #tpu.memory_space<hbm>>) target(%dma_start3A_367 : memref<128xf32, #tpu.memory_space<vmem>>) offsets(%dma_start3A_369 : memref<128xi32, #tpu.memory_space<vmem>>) semaphore(%arg11 : memref<!tpu.dma_semaphore, #tpu.memory_space<semaphore_mem>>)
    %dma_start3A_372 = arith.constant 7680 : i32
    %dma_start3A_373 = tpu.memref_slice %arg8[%dma_start3A_372] : memref<8192xf32, #tpu.memory_space<vmem>> -> memref<128xf32, #tpu.memory_space<vmem>>
    %dma_start3A_374 = arith.constant 7680 : i32
    %dma_start3A_375 = tpu.memref_slice %arg5[%dma_start3A_374] : memref<8192xi32, #tpu.memory_space<vmem>> -> memref<128xi32, #tpu.memory_space<vmem>>
    %dma_start3A_376 = arith.constant 0 : i32
    %dma_start3A_377 = tpu.memref_slice %arg2[%dma_start3A_376] : memref<393216xf32, #tpu.memory_space<hbm>> -> memref<393216xf32, #tpu.memory_space<hbm>>
    tpu.enqueue_indirect_dma source(%dma_start3A_377 : memref<393216xf32, #tpu.memory_space<hbm>>) target(%dma_start3A_373 : memref<128xf32, #tpu.memory_space<vmem>>) offsets(%dma_start3A_375 : memref<128xi32, #tpu.memory_space<vmem>>) semaphore(%arg11 : memref<!tpu.dma_semaphore, #tpu.memory_space<semaphore_mem>>)
    %dma_start3A_378 = arith.constant 7808 : i32
    %dma_start3A_379 = tpu.memref_slice %arg8[%dma_start3A_378] : memref<8192xf32, #tpu.memory_space<vmem>> -> memref<128xf32, #tpu.memory_space<vmem>>
    %dma_start3A_380 = arith.constant 7808 : i32
    %dma_start3A_381 = tpu.memref_slice %arg5[%dma_start3A_380] : memref<8192xi32, #tpu.memory_space<vmem>> -> memref<128xi32, #tpu.memory_space<vmem>>
    %dma_start3A_382 = arith.constant 0 : i32
    %dma_start3A_383 = tpu.memref_slice %arg2[%dma_start3A_382] : memref<393216xf32, #tpu.memory_space<hbm>> -> memref<393216xf32, #tpu.memory_space<hbm>>
    tpu.enqueue_indirect_dma source(%dma_start3A_383 : memref<393216xf32, #tpu.memory_space<hbm>>) target(%dma_start3A_379 : memref<128xf32, #tpu.memory_space<vmem>>) offsets(%dma_start3A_381 : memref<128xi32, #tpu.memory_space<vmem>>) semaphore(%arg11 : memref<!tpu.dma_semaphore, #tpu.memory_space<semaphore_mem>>)
    %dma_start3A_384 = arith.constant 7936 : i32
    %dma_start3A_385 = tpu.memref_slice %arg8[%dma_start3A_384] : memref<8192xf32, #tpu.memory_space<vmem>> -> memref<128xf32, #tpu.memory_space<vmem>>
    %dma_start3A_386 = arith.constant 7936 : i32
    %dma_start3A_387 = tpu.memref_slice %arg5[%dma_start3A_386] : memref<8192xi32, #tpu.memory_space<vmem>> -> memref<128xi32, #tpu.memory_space<vmem>>
    %dma_start3A_388 = arith.constant 0 : i32
    %dma_start3A_389 = tpu.memref_slice %arg2[%dma_start3A_388] : memref<393216xf32, #tpu.memory_space<hbm>> -> memref<393216xf32, #tpu.memory_space<hbm>>
    tpu.enqueue_indirect_dma source(%dma_start3A_389 : memref<393216xf32, #tpu.memory_space<hbm>>) target(%dma_start3A_385 : memref<128xf32, #tpu.memory_space<vmem>>) offsets(%dma_start3A_387 : memref<128xi32, #tpu.memory_space<vmem>>) semaphore(%arg11 : memref<!tpu.dma_semaphore, #tpu.memory_space<semaphore_mem>>)
    %dma_start3A_390 = arith.constant 8064 : i32
    %dma_start3A_391 = tpu.memref_slice %arg8[%dma_start3A_390] : memref<8192xf32, #tpu.memory_space<vmem>> -> memref<128xf32, #tpu.memory_space<vmem>>
    %dma_start3A_392 = arith.constant 8064 : i32
    %dma_start3A_393 = tpu.memref_slice %arg5[%dma_start3A_392] : memref<8192xi32, #tpu.memory_space<vmem>> -> memref<128xi32, #tpu.memory_space<vmem>>
    %dma_start3A_394 = arith.constant 0 : i32
    %dma_start3A_395 = tpu.memref_slice %arg2[%dma_start3A_394] : memref<393216xf32, #tpu.memory_space<hbm>> -> memref<393216xf32, #tpu.memory_space<hbm>>
    tpu.enqueue_indirect_dma source(%dma_start3A_395 : memref<393216xf32, #tpu.memory_space<hbm>>) target(%dma_start3A_391 : memref<128xf32, #tpu.memory_space<vmem>>) offsets(%dma_start3A_393 : memref<128xi32, #tpu.memory_space<vmem>>) semaphore(%arg11 : memref<!tpu.dma_semaphore, #tpu.memory_space<semaphore_mem>>)
    %dma_start3A_396 = arith.constant 0 : i32
    %dma_start3A_397 = tpu.memref_slice %arg9[%dma_start3A_396] : memref<8192xf32, #tpu.memory_space<vmem>> -> memref<128xf32, #tpu.memory_space<vmem>>
    %dma_start3A_398 = arith.constant 0 : i32
    %dma_start3A_399 = tpu.memref_slice %arg6[%dma_start3A_398] : memref<8192xi32, #tpu.memory_space<vmem>> -> memref<128xi32, #tpu.memory_space<vmem>>
    %dma_start3A_400 = arith.constant 0 : i32
    %dma_start3A_401 = tpu.memref_slice %arg2[%dma_start3A_400] : memref<393216xf32, #tpu.memory_space<hbm>> -> memref<393216xf32, #tpu.memory_space<hbm>>
    tpu.enqueue_indirect_dma source(%dma_start3A_401 : memref<393216xf32, #tpu.memory_space<hbm>>) target(%dma_start3A_397 : memref<128xf32, #tpu.memory_space<vmem>>) offsets(%dma_start3A_399 : memref<128xi32, #tpu.memory_space<vmem>>) semaphore(%arg11 : memref<!tpu.dma_semaphore, #tpu.memory_space<semaphore_mem>>)
    %dma_start3A_402 = arith.constant 128 : i32
    %dma_start3A_403 = tpu.memref_slice %arg9[%dma_start3A_402] : memref<8192xf32, #tpu.memory_space<vmem>> -> memref<128xf32, #tpu.memory_space<vmem>>
    %dma_start3A_404 = arith.constant 128 : i32
    %dma_start3A_405 = tpu.memref_slice %arg6[%dma_start3A_404] : memref<8192xi32, #tpu.memory_space<vmem>> -> memref<128xi32, #tpu.memory_space<vmem>>
    %dma_start3A_406 = arith.constant 0 : i32
    %dma_start3A_407 = tpu.memref_slice %arg2[%dma_start3A_406] : memref<393216xf32, #tpu.memory_space<hbm>> -> memref<393216xf32, #tpu.memory_space<hbm>>
    tpu.enqueue_indirect_dma source(%dma_start3A_407 : memref<393216xf32, #tpu.memory_space<hbm>>) target(%dma_start3A_403 : memref<128xf32, #tpu.memory_space<vmem>>) offsets(%dma_start3A_405 : memref<128xi32, #tpu.memory_space<vmem>>) semaphore(%arg11 : memref<!tpu.dma_semaphore, #tpu.memory_space<semaphore_mem>>)
    %dma_start3A_408 = arith.constant 256 : i32
    %dma_start3A_409 = tpu.memref_slice %arg9[%dma_start3A_408] : memref<8192xf32, #tpu.memory_space<vmem>> -> memref<128xf32, #tpu.memory_space<vmem>>
    %dma_start3A_410 = arith.constant 256 : i32
    %dma_start3A_411 = tpu.memref_slice %arg6[%dma_start3A_410] : memref<8192xi32, #tpu.memory_space<vmem>> -> memref<128xi32, #tpu.memory_space<vmem>>
    %dma_start3A_412 = arith.constant 0 : i32
    %dma_start3A_413 = tpu.memref_slice %arg2[%dma_start3A_412] : memref<393216xf32, #tpu.memory_space<hbm>> -> memref<393216xf32, #tpu.memory_space<hbm>>
    tpu.enqueue_indirect_dma source(%dma_start3A_413 : memref<393216xf32, #tpu.memory_space<hbm>>) target(%dma_start3A_409 : memref<128xf32, #tpu.memory_space<vmem>>) offsets(%dma_start3A_411 : memref<128xi32, #tpu.memory_space<vmem>>) semaphore(%arg11 : memref<!tpu.dma_semaphore, #tpu.memory_space<semaphore_mem>>)
    %dma_start3A_414 = arith.constant 384 : i32
    %dma_start3A_415 = tpu.memref_slice %arg9[%dma_start3A_414] : memref<8192xf32, #tpu.memory_space<vmem>> -> memref<128xf32, #tpu.memory_space<vmem>>
    %dma_start3A_416 = arith.constant 384 : i32
    %dma_start3A_417 = tpu.memref_slice %arg6[%dma_start3A_416] : memref<8192xi32, #tpu.memory_space<vmem>> -> memref<128xi32, #tpu.memory_space<vmem>>
    %dma_start3A_418 = arith.constant 0 : i32
    %dma_start3A_419 = tpu.memref_slice %arg2[%dma_start3A_418] : memref<393216xf32, #tpu.memory_space<hbm>> -> memref<393216xf32, #tpu.memory_space<hbm>>
    tpu.enqueue_indirect_dma source(%dma_start3A_419 : memref<393216xf32, #tpu.memory_space<hbm>>) target(%dma_start3A_415 : memref<128xf32, #tpu.memory_space<vmem>>) offsets(%dma_start3A_417 : memref<128xi32, #tpu.memory_space<vmem>>) semaphore(%arg11 : memref<!tpu.dma_semaphore, #tpu.memory_space<semaphore_mem>>)
    %dma_start3A_420 = arith.constant 512 : i32
    %dma_start3A_421 = tpu.memref_slice %arg9[%dma_start3A_420] : memref<8192xf32, #tpu.memory_space<vmem>> -> memref<128xf32, #tpu.memory_space<vmem>>
    %dma_start3A_422 = arith.constant 512 : i32
    %dma_start3A_423 = tpu.memref_slice %arg6[%dma_start3A_422] : memref<8192xi32, #tpu.memory_space<vmem>> -> memref<128xi32, #tpu.memory_space<vmem>>
    %dma_start3A_424 = arith.constant 0 : i32
    %dma_start3A_425 = tpu.memref_slice %arg2[%dma_start3A_424] : memref<393216xf32, #tpu.memory_space<hbm>> -> memref<393216xf32, #tpu.memory_space<hbm>>
    tpu.enqueue_indirect_dma source(%dma_start3A_425 : memref<393216xf32, #tpu.memory_space<hbm>>) target(%dma_start3A_421 : memref<128xf32, #tpu.memory_space<vmem>>) offsets(%dma_start3A_423 : memref<128xi32, #tpu.memory_space<vmem>>) semaphore(%arg11 : memref<!tpu.dma_semaphore, #tpu.memory_space<semaphore_mem>>)
    %dma_start3A_426 = arith.constant 640 : i32
    %dma_start3A_427 = tpu.memref_slice %arg9[%dma_start3A_426] : memref<8192xf32, #tpu.memory_space<vmem>> -> memref<128xf32, #tpu.memory_space<vmem>>
    %dma_start3A_428 = arith.constant 640 : i32
    %dma_start3A_429 = tpu.memref_slice %arg6[%dma_start3A_428] : memref<8192xi32, #tpu.memory_space<vmem>> -> memref<128xi32, #tpu.memory_space<vmem>>
    %dma_start3A_430 = arith.constant 0 : i32
    %dma_start3A_431 = tpu.memref_slice %arg2[%dma_start3A_430] : memref<393216xf32, #tpu.memory_space<hbm>> -> memref<393216xf32, #tpu.memory_space<hbm>>
    tpu.enqueue_indirect_dma source(%dma_start3A_431 : memref<393216xf32, #tpu.memory_space<hbm>>) target(%dma_start3A_427 : memref<128xf32, #tpu.memory_space<vmem>>) offsets(%dma_start3A_429 : memref<128xi32, #tpu.memory_space<vmem>>) semaphore(%arg11 : memref<!tpu.dma_semaphore, #tpu.memory_space<semaphore_mem>>)
    %dma_start3A_432 = arith.constant 768 : i32
    %dma_start3A_433 = tpu.memref_slice %arg9[%dma_start3A_432] : memref<8192xf32, #tpu.memory_space<vmem>> -> memref<128xf32, #tpu.memory_space<vmem>>
    %dma_start3A_434 = arith.constant 768 : i32
    %dma_start3A_435 = tpu.memref_slice %arg6[%dma_start3A_434] : memref<8192xi32, #tpu.memory_space<vmem>> -> memref<128xi32, #tpu.memory_space<vmem>>
    %dma_start3A_436 = arith.constant 0 : i32
    %dma_start3A_437 = tpu.memref_slice %arg2[%dma_start3A_436] : memref<393216xf32, #tpu.memory_space<hbm>> -> memref<393216xf32, #tpu.memory_space<hbm>>
    tpu.enqueue_indirect_dma source(%dma_start3A_437 : memref<393216xf32, #tpu.memory_space<hbm>>) target(%dma_start3A_433 : memref<128xf32, #tpu.memory_space<vmem>>) offsets(%dma_start3A_435 : memref<128xi32, #tpu.memory_space<vmem>>) semaphore(%arg11 : memref<!tpu.dma_semaphore, #tpu.memory_space<semaphore_mem>>)
    %dma_start3A_438 = arith.constant 896 : i32
    %dma_start3A_439 = tpu.memref_slice %arg9[%dma_start3A_438] : memref<8192xf32, #tpu.memory_space<vmem>> -> memref<128xf32, #tpu.memory_space<vmem>>
    %dma_start3A_440 = arith.constant 896 : i32
    %dma_start3A_441 = tpu.memref_slice %arg6[%dma_start3A_440] : memref<8192xi32, #tpu.memory_space<vmem>> -> memref<128xi32, #tpu.memory_space<vmem>>
    %dma_start3A_442 = arith.constant 0 : i32
    %dma_start3A_443 = tpu.memref_slice %arg2[%dma_start3A_442] : memref<393216xf32, #tpu.memory_space<hbm>> -> memref<393216xf32, #tpu.memory_space<hbm>>
    tpu.enqueue_indirect_dma source(%dma_start3A_443 : memref<393216xf32, #tpu.memory_space<hbm>>) target(%dma_start3A_439 : memref<128xf32, #tpu.memory_space<vmem>>) offsets(%dma_start3A_441 : memref<128xi32, #tpu.memory_space<vmem>>) semaphore(%arg11 : memref<!tpu.dma_semaphore, #tpu.memory_space<semaphore_mem>>)
    %dma_start3A_444 = arith.constant 1024 : i32
    %dma_start3A_445 = tpu.memref_slice %arg9[%dma_start3A_444] : memref<8192xf32, #tpu.memory_space<vmem>> -> memref<128xf32, #tpu.memory_space<vmem>>
    %dma_start3A_446 = arith.constant 1024 : i32
    %dma_start3A_447 = tpu.memref_slice %arg6[%dma_start3A_446] : memref<8192xi32, #tpu.memory_space<vmem>> -> memref<128xi32, #tpu.memory_space<vmem>>
    %dma_start3A_448 = arith.constant 0 : i32
    %dma_start3A_449 = tpu.memref_slice %arg2[%dma_start3A_448] : memref<393216xf32, #tpu.memory_space<hbm>> -> memref<393216xf32, #tpu.memory_space<hbm>>
    tpu.enqueue_indirect_dma source(%dma_start3A_449 : memref<393216xf32, #tpu.memory_space<hbm>>) target(%dma_start3A_445 : memref<128xf32, #tpu.memory_space<vmem>>) offsets(%dma_start3A_447 : memref<128xi32, #tpu.memory_space<vmem>>) semaphore(%arg11 : memref<!tpu.dma_semaphore, #tpu.memory_space<semaphore_mem>>)
    %dma_start3A_450 = arith.constant 1152 : i32
    %dma_start3A_451 = tpu.memref_slice %arg9[%dma_start3A_450] : memref<8192xf32, #tpu.memory_space<vmem>> -> memref<128xf32, #tpu.memory_space<vmem>>
    %dma_start3A_452 = arith.constant 1152 : i32
    %dma_start3A_453 = tpu.memref_slice %arg6[%dma_start3A_452] : memref<8192xi32, #tpu.memory_space<vmem>> -> memref<128xi32, #tpu.memory_space<vmem>>
    %dma_start3A_454 = arith.constant 0 : i32
    %dma_start3A_455 = tpu.memref_slice %arg2[%dma_start3A_454] : memref<393216xf32, #tpu.memory_space<hbm>> -> memref<393216xf32, #tpu.memory_space<hbm>>
    tpu.enqueue_indirect_dma source(%dma_start3A_455 : memref<393216xf32, #tpu.memory_space<hbm>>) target(%dma_start3A_451 : memref<128xf32, #tpu.memory_space<vmem>>) offsets(%dma_start3A_453 : memref<128xi32, #tpu.memory_space<vmem>>) semaphore(%arg11 : memref<!tpu.dma_semaphore, #tpu.memory_space<semaphore_mem>>)
    %dma_start3A_456 = arith.constant 1280 : i32
    %dma_start3A_457 = tpu.memref_slice %arg9[%dma_start3A_456] : memref<8192xf32, #tpu.memory_space<vmem>> -> memref<128xf32, #tpu.memory_space<vmem>>
    %dma_start3A_458 = arith.constant 1280 : i32
    %dma_start3A_459 = tpu.memref_slice %arg6[%dma_start3A_458] : memref<8192xi32, #tpu.memory_space<vmem>> -> memref<128xi32, #tpu.memory_space<vmem>>
    %dma_start3A_460 = arith.constant 0 : i32
    %dma_start3A_461 = tpu.memref_slice %arg2[%dma_start3A_460] : memref<393216xf32, #tpu.memory_space<hbm>> -> memref<393216xf32, #tpu.memory_space<hbm>>
    tpu.enqueue_indirect_dma source(%dma_start3A_461 : memref<393216xf32, #tpu.memory_space<hbm>>) target(%dma_start3A_457 : memref<128xf32, #tpu.memory_space<vmem>>) offsets(%dma_start3A_459 : memref<128xi32, #tpu.memory_space<vmem>>) semaphore(%arg11 : memref<!tpu.dma_semaphore, #tpu.memory_space<semaphore_mem>>)
    %dma_start3A_462 = arith.constant 1408 : i32
    %dma_start3A_463 = tpu.memref_slice %arg9[%dma_start3A_462] : memref<8192xf32, #tpu.memory_space<vmem>> -> memref<128xf32, #tpu.memory_space<vmem>>
    %dma_start3A_464 = arith.constant 1408 : i32
    %dma_start3A_465 = tpu.memref_slice %arg6[%dma_start3A_464] : memref<8192xi32, #tpu.memory_space<vmem>> -> memref<128xi32, #tpu.memory_space<vmem>>
    %dma_start3A_466 = arith.constant 0 : i32
    %dma_start3A_467 = tpu.memref_slice %arg2[%dma_start3A_466] : memref<393216xf32, #tpu.memory_space<hbm>> -> memref<393216xf32, #tpu.memory_space<hbm>>
    tpu.enqueue_indirect_dma source(%dma_start3A_467 : memref<393216xf32, #tpu.memory_space<hbm>>) target(%dma_start3A_463 : memref<128xf32, #tpu.memory_space<vmem>>) offsets(%dma_start3A_465 : memref<128xi32, #tpu.memory_space<vmem>>) semaphore(%arg11 : memref<!tpu.dma_semaphore, #tpu.memory_space<semaphore_mem>>)
    %dma_start3A_468 = arith.constant 1536 : i32
    %dma_start3A_469 = tpu.memref_slice %arg9[%dma_start3A_468] : memref<8192xf32, #tpu.memory_space<vmem>> -> memref<128xf32, #tpu.memory_space<vmem>>
    %dma_start3A_470 = arith.constant 1536 : i32
    %dma_start3A_471 = tpu.memref_slice %arg6[%dma_start3A_470] : memref<8192xi32, #tpu.memory_space<vmem>> -> memref<128xi32, #tpu.memory_space<vmem>>
    %dma_start3A_472 = arith.constant 0 : i32
    %dma_start3A_473 = tpu.memref_slice %arg2[%dma_start3A_472] : memref<393216xf32, #tpu.memory_space<hbm>> -> memref<393216xf32, #tpu.memory_space<hbm>>
    tpu.enqueue_indirect_dma source(%dma_start3A_473 : memref<393216xf32, #tpu.memory_space<hbm>>) target(%dma_start3A_469 : memref<128xf32, #tpu.memory_space<vmem>>) offsets(%dma_start3A_471 : memref<128xi32, #tpu.memory_space<vmem>>) semaphore(%arg11 : memref<!tpu.dma_semaphore, #tpu.memory_space<semaphore_mem>>)
    %dma_start3A_474 = arith.constant 1664 : i32
    %dma_start3A_475 = tpu.memref_slice %arg9[%dma_start3A_474] : memref<8192xf32, #tpu.memory_space<vmem>> -> memref<128xf32, #tpu.memory_space<vmem>>
    %dma_start3A_476 = arith.constant 1664 : i32
    %dma_start3A_477 = tpu.memref_slice %arg6[%dma_start3A_476] : memref<8192xi32, #tpu.memory_space<vmem>> -> memref<128xi32, #tpu.memory_space<vmem>>
    %dma_start3A_478 = arith.constant 0 : i32
    %dma_start3A_479 = tpu.memref_slice %arg2[%dma_start3A_478] : memref<393216xf32, #tpu.memory_space<hbm>> -> memref<393216xf32, #tpu.memory_space<hbm>>
    tpu.enqueue_indirect_dma source(%dma_start3A_479 : memref<393216xf32, #tpu.memory_space<hbm>>) target(%dma_start3A_475 : memref<128xf32, #tpu.memory_space<vmem>>) offsets(%dma_start3A_477 : memref<128xi32, #tpu.memory_space<vmem>>) semaphore(%arg11 : memref<!tpu.dma_semaphore, #tpu.memory_space<semaphore_mem>>)
    %dma_start3A_480 = arith.constant 1792 : i32
    %dma_start3A_481 = tpu.memref_slice %arg9[%dma_start3A_480] : memref<8192xf32, #tpu.memory_space<vmem>> -> memref<128xf32, #tpu.memory_space<vmem>>
    %dma_start3A_482 = arith.constant 1792 : i32
    %dma_start3A_483 = tpu.memref_slice %arg6[%dma_start3A_482] : memref<8192xi32, #tpu.memory_space<vmem>> -> memref<128xi32, #tpu.memory_space<vmem>>
    %dma_start3A_484 = arith.constant 0 : i32
    %dma_start3A_485 = tpu.memref_slice %arg2[%dma_start3A_484] : memref<393216xf32, #tpu.memory_space<hbm>> -> memref<393216xf32, #tpu.memory_space<hbm>>
    tpu.enqueue_indirect_dma source(%dma_start3A_485 : memref<393216xf32, #tpu.memory_space<hbm>>) target(%dma_start3A_481 : memref<128xf32, #tpu.memory_space<vmem>>) offsets(%dma_start3A_483 : memref<128xi32, #tpu.memory_space<vmem>>) semaphore(%arg11 : memref<!tpu.dma_semaphore, #tpu.memory_space<semaphore_mem>>)
    %dma_start3A_486 = arith.constant 1920 : i32
    %dma_start3A_487 = tpu.memref_slice %arg9[%dma_start3A_486] : memref<8192xf32, #tpu.memory_space<vmem>> -> memref<128xf32, #tpu.memory_space<vmem>>
    %dma_start3A_488 = arith.constant 1920 : i32
    %dma_start3A_489 = tpu.memref_slice %arg6[%dma_start3A_488] : memref<8192xi32, #tpu.memory_space<vmem>> -> memref<128xi32, #tpu.memory_space<vmem>>
    %dma_start3A_490 = arith.constant 0 : i32
    %dma_start3A_491 = tpu.memref_slice %arg2[%dma_start3A_490] : memref<393216xf32, #tpu.memory_space<hbm>> -> memref<393216xf32, #tpu.memory_space<hbm>>
    tpu.enqueue_indirect_dma source(%dma_start3A_491 : memref<393216xf32, #tpu.memory_space<hbm>>) target(%dma_start3A_487 : memref<128xf32, #tpu.memory_space<vmem>>) offsets(%dma_start3A_489 : memref<128xi32, #tpu.memory_space<vmem>>) semaphore(%arg11 : memref<!tpu.dma_semaphore, #tpu.memory_space<semaphore_mem>>)
    %dma_start3A_492 = arith.constant 2048 : i32
    %dma_start3A_493 = tpu.memref_slice %arg9[%dma_start3A_492] : memref<8192xf32, #tpu.memory_space<vmem>> -> memref<128xf32, #tpu.memory_space<vmem>>
    %dma_start3A_494 = arith.constant 2048 : i32
    %dma_start3A_495 = tpu.memref_slice %arg6[%dma_start3A_494] : memref<8192xi32, #tpu.memory_space<vmem>> -> memref<128xi32, #tpu.memory_space<vmem>>
    %dma_start3A_496 = arith.constant 0 : i32
    %dma_start3A_497 = tpu.memref_slice %arg2[%dma_start3A_496] : memref<393216xf32, #tpu.memory_space<hbm>> -> memref<393216xf32, #tpu.memory_space<hbm>>
    tpu.enqueue_indirect_dma source(%dma_start3A_497 : memref<393216xf32, #tpu.memory_space<hbm>>) target(%dma_start3A_493 : memref<128xf32, #tpu.memory_space<vmem>>) offsets(%dma_start3A_495 : memref<128xi32, #tpu.memory_space<vmem>>) semaphore(%arg11 : memref<!tpu.dma_semaphore, #tpu.memory_space<semaphore_mem>>)
    %dma_start3A_498 = arith.constant 2176 : i32
    %dma_start3A_499 = tpu.memref_slice %arg9[%dma_start3A_498] : memref<8192xf32, #tpu.memory_space<vmem>> -> memref<128xf32, #tpu.memory_space<vmem>>
    %dma_start3A_500 = arith.constant 2176 : i32
    %dma_start3A_501 = tpu.memref_slice %arg6[%dma_start3A_500] : memref<8192xi32, #tpu.memory_space<vmem>> -> memref<128xi32, #tpu.memory_space<vmem>>
    %dma_start3A_502 = arith.constant 0 : i32
    %dma_start3A_503 = tpu.memref_slice %arg2[%dma_start3A_502] : memref<393216xf32, #tpu.memory_space<hbm>> -> memref<393216xf32, #tpu.memory_space<hbm>>
    tpu.enqueue_indirect_dma source(%dma_start3A_503 : memref<393216xf32, #tpu.memory_space<hbm>>) target(%dma_start3A_499 : memref<128xf32, #tpu.memory_space<vmem>>) offsets(%dma_start3A_501 : memref<128xi32, #tpu.memory_space<vmem>>) semaphore(%arg11 : memref<!tpu.dma_semaphore, #tpu.memory_space<semaphore_mem>>)
    %dma_start3A_504 = arith.constant 2304 : i32
    %dma_start3A_505 = tpu.memref_slice %arg9[%dma_start3A_504] : memref<8192xf32, #tpu.memory_space<vmem>> -> memref<128xf32, #tpu.memory_space<vmem>>
    %dma_start3A_506 = arith.constant 2304 : i32
    %dma_start3A_507 = tpu.memref_slice %arg6[%dma_start3A_506] : memref<8192xi32, #tpu.memory_space<vmem>> -> memref<128xi32, #tpu.memory_space<vmem>>
    %dma_start3A_508 = arith.constant 0 : i32
    %dma_start3A_509 = tpu.memref_slice %arg2[%dma_start3A_508] : memref<393216xf32, #tpu.memory_space<hbm>> -> memref<393216xf32, #tpu.memory_space<hbm>>
    tpu.enqueue_indirect_dma source(%dma_start3A_509 : memref<393216xf32, #tpu.memory_space<hbm>>) target(%dma_start3A_505 : memref<128xf32, #tpu.memory_space<vmem>>) offsets(%dma_start3A_507 : memref<128xi32, #tpu.memory_space<vmem>>) semaphore(%arg11 : memref<!tpu.dma_semaphore, #tpu.memory_space<semaphore_mem>>)
    %dma_start3A_510 = arith.constant 2432 : i32
    %dma_start3A_511 = tpu.memref_slice %arg9[%dma_start3A_510] : memref<8192xf32, #tpu.memory_space<vmem>> -> memref<128xf32, #tpu.memory_space<vmem>>
    %dma_start3A_512 = arith.constant 2432 : i32
    %dma_start3A_513 = tpu.memref_slice %arg6[%dma_start3A_512] : memref<8192xi32, #tpu.memory_space<vmem>> -> memref<128xi32, #tpu.memory_space<vmem>>
    %dma_start3A_514 = arith.constant 0 : i32
    %dma_start3A_515 = tpu.memref_slice %arg2[%dma_start3A_514] : memref<393216xf32, #tpu.memory_space<hbm>> -> memref<393216xf32, #tpu.memory_space<hbm>>
    tpu.enqueue_indirect_dma source(%dma_start3A_515 : memref<393216xf32, #tpu.memory_space<hbm>>) target(%dma_start3A_511 : memref<128xf32, #tpu.memory_space<vmem>>) offsets(%dma_start3A_513 : memref<128xi32, #tpu.memory_space<vmem>>) semaphore(%arg11 : memref<!tpu.dma_semaphore, #tpu.memory_space<semaphore_mem>>)
    %dma_start3A_516 = arith.constant 2560 : i32
    %dma_start3A_517 = tpu.memref_slice %arg9[%dma_start3A_516] : memref<8192xf32, #tpu.memory_space<vmem>> -> memref<128xf32, #tpu.memory_space<vmem>>
    %dma_start3A_518 = arith.constant 2560 : i32
    %dma_start3A_519 = tpu.memref_slice %arg6[%dma_start3A_518] : memref<8192xi32, #tpu.memory_space<vmem>> -> memref<128xi32, #tpu.memory_space<vmem>>
    %dma_start3A_520 = arith.constant 0 : i32
    %dma_start3A_521 = tpu.memref_slice %arg2[%dma_start3A_520] : memref<393216xf32, #tpu.memory_space<hbm>> -> memref<393216xf32, #tpu.memory_space<hbm>>
    tpu.enqueue_indirect_dma source(%dma_start3A_521 : memref<393216xf32, #tpu.memory_space<hbm>>) target(%dma_start3A_517 : memref<128xf32, #tpu.memory_space<vmem>>) offsets(%dma_start3A_519 : memref<128xi32, #tpu.memory_space<vmem>>) semaphore(%arg11 : memref<!tpu.dma_semaphore, #tpu.memory_space<semaphore_mem>>)
    %dma_start3A_522 = arith.constant 2688 : i32
    %dma_start3A_523 = tpu.memref_slice %arg9[%dma_start3A_522] : memref<8192xf32, #tpu.memory_space<vmem>> -> memref<128xf32, #tpu.memory_space<vmem>>
    %dma_start3A_524 = arith.constant 2688 : i32
    %dma_start3A_525 = tpu.memref_slice %arg6[%dma_start3A_524] : memref<8192xi32, #tpu.memory_space<vmem>> -> memref<128xi32, #tpu.memory_space<vmem>>
    %dma_start3A_526 = arith.constant 0 : i32
    %dma_start3A_527 = tpu.memref_slice %arg2[%dma_start3A_526] : memref<393216xf32, #tpu.memory_space<hbm>> -> memref<393216xf32, #tpu.memory_space<hbm>>
    tpu.enqueue_indirect_dma source(%dma_start3A_527 : memref<393216xf32, #tpu.memory_space<hbm>>) target(%dma_start3A_523 : memref<128xf32, #tpu.memory_space<vmem>>) offsets(%dma_start3A_525 : memref<128xi32, #tpu.memory_space<vmem>>) semaphore(%arg11 : memref<!tpu.dma_semaphore, #tpu.memory_space<semaphore_mem>>)
    %dma_start3A_528 = arith.constant 2816 : i32
    %dma_start3A_529 = tpu.memref_slice %arg9[%dma_start3A_528] : memref<8192xf32, #tpu.memory_space<vmem>> -> memref<128xf32, #tpu.memory_space<vmem>>
    %dma_start3A_530 = arith.constant 2816 : i32
    %dma_start3A_531 = tpu.memref_slice %arg6[%dma_start3A_530] : memref<8192xi32, #tpu.memory_space<vmem>> -> memref<128xi32, #tpu.memory_space<vmem>>
    %dma_start3A_532 = arith.constant 0 : i32
    %dma_start3A_533 = tpu.memref_slice %arg2[%dma_start3A_532] : memref<393216xf32, #tpu.memory_space<hbm>> -> memref<393216xf32, #tpu.memory_space<hbm>>
    tpu.enqueue_indirect_dma source(%dma_start3A_533 : memref<393216xf32, #tpu.memory_space<hbm>>) target(%dma_start3A_529 : memref<128xf32, #tpu.memory_space<vmem>>) offsets(%dma_start3A_531 : memref<128xi32, #tpu.memory_space<vmem>>) semaphore(%arg11 : memref<!tpu.dma_semaphore, #tpu.memory_space<semaphore_mem>>)
    %dma_start3A_534 = arith.constant 2944 : i32
    %dma_start3A_535 = tpu.memref_slice %arg9[%dma_start3A_534] : memref<8192xf32, #tpu.memory_space<vmem>> -> memref<128xf32, #tpu.memory_space<vmem>>
    %dma_start3A_536 = arith.constant 2944 : i32
    %dma_start3A_537 = tpu.memref_slice %arg6[%dma_start3A_536] : memref<8192xi32, #tpu.memory_space<vmem>> -> memref<128xi32, #tpu.memory_space<vmem>>
    %dma_start3A_538 = arith.constant 0 : i32
    %dma_start3A_539 = tpu.memref_slice %arg2[%dma_start3A_538] : memref<393216xf32, #tpu.memory_space<hbm>> -> memref<393216xf32, #tpu.memory_space<hbm>>
    tpu.enqueue_indirect_dma source(%dma_start3A_539 : memref<393216xf32, #tpu.memory_space<hbm>>) target(%dma_start3A_535 : memref<128xf32, #tpu.memory_space<vmem>>) offsets(%dma_start3A_537 : memref<128xi32, #tpu.memory_space<vmem>>) semaphore(%arg11 : memref<!tpu.dma_semaphore, #tpu.memory_space<semaphore_mem>>)
    %dma_start3A_540 = arith.constant 3072 : i32
    %dma_start3A_541 = tpu.memref_slice %arg9[%dma_start3A_540] : memref<8192xf32, #tpu.memory_space<vmem>> -> memref<128xf32, #tpu.memory_space<vmem>>
    %dma_start3A_542 = arith.constant 3072 : i32
    %dma_start3A_543 = tpu.memref_slice %arg6[%dma_start3A_542] : memref<8192xi32, #tpu.memory_space<vmem>> -> memref<128xi32, #tpu.memory_space<vmem>>
    %dma_start3A_544 = arith.constant 0 : i32
    %dma_start3A_545 = tpu.memref_slice %arg2[%dma_start3A_544] : memref<393216xf32, #tpu.memory_space<hbm>> -> memref<393216xf32, #tpu.memory_space<hbm>>
    tpu.enqueue_indirect_dma source(%dma_start3A_545 : memref<393216xf32, #tpu.memory_space<hbm>>) target(%dma_start3A_541 : memref<128xf32, #tpu.memory_space<vmem>>) offsets(%dma_start3A_543 : memref<128xi32, #tpu.memory_space<vmem>>) semaphore(%arg11 : memref<!tpu.dma_semaphore, #tpu.memory_space<semaphore_mem>>)
    %dma_start3A_546 = arith.constant 3200 : i32
    %dma_start3A_547 = tpu.memref_slice %arg9[%dma_start3A_546] : memref<8192xf32, #tpu.memory_space<vmem>> -> memref<128xf32, #tpu.memory_space<vmem>>
    %dma_start3A_548 = arith.constant 3200 : i32
    %dma_start3A_549 = tpu.memref_slice %arg6[%dma_start3A_548] : memref<8192xi32, #tpu.memory_space<vmem>> -> memref<128xi32, #tpu.memory_space<vmem>>
    %dma_start3A_550 = arith.constant 0 : i32
    %dma_start3A_551 = tpu.memref_slice %arg2[%dma_start3A_550] : memref<393216xf32, #tpu.memory_space<hbm>> -> memref<393216xf32, #tpu.memory_space<hbm>>
    tpu.enqueue_indirect_dma source(%dma_start3A_551 : memref<393216xf32, #tpu.memory_space<hbm>>) target(%dma_start3A_547 : memref<128xf32, #tpu.memory_space<vmem>>) offsets(%dma_start3A_549 : memref<128xi32, #tpu.memory_space<vmem>>) semaphore(%arg11 : memref<!tpu.dma_semaphore, #tpu.memory_space<semaphore_mem>>)
    %dma_start3A_552 = arith.constant 3328 : i32
    %dma_start3A_553 = tpu.memref_slice %arg9[%dma_start3A_552] : memref<8192xf32, #tpu.memory_space<vmem>> -> memref<128xf32, #tpu.memory_space<vmem>>
    %dma_start3A_554 = arith.constant 3328 : i32
    %dma_start3A_555 = tpu.memref_slice %arg6[%dma_start3A_554] : memref<8192xi32, #tpu.memory_space<vmem>> -> memref<128xi32, #tpu.memory_space<vmem>>
    %dma_start3A_556 = arith.constant 0 : i32
    %dma_start3A_557 = tpu.memref_slice %arg2[%dma_start3A_556] : memref<393216xf32, #tpu.memory_space<hbm>> -> memref<393216xf32, #tpu.memory_space<hbm>>
    tpu.enqueue_indirect_dma source(%dma_start3A_557 : memref<393216xf32, #tpu.memory_space<hbm>>) target(%dma_start3A_553 : memref<128xf32, #tpu.memory_space<vmem>>) offsets(%dma_start3A_555 : memref<128xi32, #tpu.memory_space<vmem>>) semaphore(%arg11 : memref<!tpu.dma_semaphore, #tpu.memory_space<semaphore_mem>>)
    %dma_start3A_558 = arith.constant 3456 : i32
    %dma_start3A_559 = tpu.memref_slice %arg9[%dma_start3A_558] : memref<8192xf32, #tpu.memory_space<vmem>> -> memref<128xf32, #tpu.memory_space<vmem>>
    %dma_start3A_560 = arith.constant 3456 : i32
    %dma_start3A_561 = tpu.memref_slice %arg6[%dma_start3A_560] : memref<8192xi32, #tpu.memory_space<vmem>> -> memref<128xi32, #tpu.memory_space<vmem>>
    %dma_start3A_562 = arith.constant 0 : i32
    %dma_start3A_563 = tpu.memref_slice %arg2[%dma_start3A_562] : memref<393216xf32, #tpu.memory_space<hbm>> -> memref<393216xf32, #tpu.memory_space<hbm>>
    tpu.enqueue_indirect_dma source(%dma_start3A_563 : memref<393216xf32, #tpu.memory_space<hbm>>) target(%dma_start3A_559 : memref<128xf32, #tpu.memory_space<vmem>>) offsets(%dma_start3A_561 : memref<128xi32, #tpu.memory_space<vmem>>) semaphore(%arg11 : memref<!tpu.dma_semaphore, #tpu.memory_space<semaphore_mem>>)
    %dma_start3A_564 = arith.constant 3584 : i32
    %dma_start3A_565 = tpu.memref_slice %arg9[%dma_start3A_564] : memref<8192xf32, #tpu.memory_space<vmem>> -> memref<128xf32, #tpu.memory_space<vmem>>
    %dma_start3A_566 = arith.constant 3584 : i32
    %dma_start3A_567 = tpu.memref_slice %arg6[%dma_start3A_566] : memref<8192xi32, #tpu.memory_space<vmem>> -> memref<128xi32, #tpu.memory_space<vmem>>
    %dma_start3A_568 = arith.constant 0 : i32
    %dma_start3A_569 = tpu.memref_slice %arg2[%dma_start3A_568] : memref<393216xf32, #tpu.memory_space<hbm>> -> memref<393216xf32, #tpu.memory_space<hbm>>
    tpu.enqueue_indirect_dma source(%dma_start3A_569 : memref<393216xf32, #tpu.memory_space<hbm>>) target(%dma_start3A_565 : memref<128xf32, #tpu.memory_space<vmem>>) offsets(%dma_start3A_567 : memref<128xi32, #tpu.memory_space<vmem>>) semaphore(%arg11 : memref<!tpu.dma_semaphore, #tpu.memory_space<semaphore_mem>>)
    %dma_start3A_570 = arith.constant 3712 : i32
    %dma_start3A_571 = tpu.memref_slice %arg9[%dma_start3A_570] : memref<8192xf32, #tpu.memory_space<vmem>> -> memref<128xf32, #tpu.memory_space<vmem>>
    %dma_start3A_572 = arith.constant 3712 : i32
    %dma_start3A_573 = tpu.memref_slice %arg6[%dma_start3A_572] : memref<8192xi32, #tpu.memory_space<vmem>> -> memref<128xi32, #tpu.memory_space<vmem>>
    %dma_start3A_574 = arith.constant 0 : i32
    %dma_start3A_575 = tpu.memref_slice %arg2[%dma_start3A_574] : memref<393216xf32, #tpu.memory_space<hbm>> -> memref<393216xf32, #tpu.memory_space<hbm>>
    tpu.enqueue_indirect_dma source(%dma_start3A_575 : memref<393216xf32, #tpu.memory_space<hbm>>) target(%dma_start3A_571 : memref<128xf32, #tpu.memory_space<vmem>>) offsets(%dma_start3A_573 : memref<128xi32, #tpu.memory_space<vmem>>) semaphore(%arg11 : memref<!tpu.dma_semaphore, #tpu.memory_space<semaphore_mem>>)
    %dma_start3A_576 = arith.constant 3840 : i32
    %dma_start3A_577 = tpu.memref_slice %arg9[%dma_start3A_576] : memref<8192xf32, #tpu.memory_space<vmem>> -> memref<128xf32, #tpu.memory_space<vmem>>
    %dma_start3A_578 = arith.constant 3840 : i32
    %dma_start3A_579 = tpu.memref_slice %arg6[%dma_start3A_578] : memref<8192xi32, #tpu.memory_space<vmem>> -> memref<128xi32, #tpu.memory_space<vmem>>
    %dma_start3A_580 = arith.constant 0 : i32
    %dma_start3A_581 = tpu.memref_slice %arg2[%dma_start3A_580] : memref<393216xf32, #tpu.memory_space<hbm>> -> memref<393216xf32, #tpu.memory_space<hbm>>
    tpu.enqueue_indirect_dma source(%dma_start3A_581 : memref<393216xf32, #tpu.memory_space<hbm>>) target(%dma_start3A_577 : memref<128xf32, #tpu.memory_space<vmem>>) offsets(%dma_start3A_579 : memref<128xi32, #tpu.memory_space<vmem>>) semaphore(%arg11 : memref<!tpu.dma_semaphore, #tpu.memory_space<semaphore_mem>>)
    %dma_start3A_582 = arith.constant 3968 : i32
    %dma_start3A_583 = tpu.memref_slice %arg9[%dma_start3A_582] : memref<8192xf32, #tpu.memory_space<vmem>> -> memref<128xf32, #tpu.memory_space<vmem>>
    %dma_start3A_584 = arith.constant 3968 : i32
    %dma_start3A_585 = tpu.memref_slice %arg6[%dma_start3A_584] : memref<8192xi32, #tpu.memory_space<vmem>> -> memref<128xi32, #tpu.memory_space<vmem>>
    %dma_start3A_586 = arith.constant 0 : i32
    %dma_start3A_587 = tpu.memref_slice %arg2[%dma_start3A_586] : memref<393216xf32, #tpu.memory_space<hbm>> -> memref<393216xf32, #tpu.memory_space<hbm>>
    tpu.enqueue_indirect_dma source(%dma_start3A_587 : memref<393216xf32, #tpu.memory_space<hbm>>) target(%dma_start3A_583 : memref<128xf32, #tpu.memory_space<vmem>>) offsets(%dma_start3A_585 : memref<128xi32, #tpu.memory_space<vmem>>) semaphore(%arg11 : memref<!tpu.dma_semaphore, #tpu.memory_space<semaphore_mem>>)
    %dma_start3A_588 = arith.constant 4096 : i32
    %dma_start3A_589 = tpu.memref_slice %arg9[%dma_start3A_588] : memref<8192xf32, #tpu.memory_space<vmem>> -> memref<128xf32, #tpu.memory_space<vmem>>
    %dma_start3A_590 = arith.constant 4096 : i32
    %dma_start3A_591 = tpu.memref_slice %arg6[%dma_start3A_590] : memref<8192xi32, #tpu.memory_space<vmem>> -> memref<128xi32, #tpu.memory_space<vmem>>
    %dma_start3A_592 = arith.constant 0 : i32
    %dma_start3A_593 = tpu.memref_slice %arg2[%dma_start3A_592] : memref<393216xf32, #tpu.memory_space<hbm>> -> memref<393216xf32, #tpu.memory_space<hbm>>
    tpu.enqueue_indirect_dma source(%dma_start3A_593 : memref<393216xf32, #tpu.memory_space<hbm>>) target(%dma_start3A_589 : memref<128xf32, #tpu.memory_space<vmem>>) offsets(%dma_start3A_591 : memref<128xi32, #tpu.memory_space<vmem>>) semaphore(%arg11 : memref<!tpu.dma_semaphore, #tpu.memory_space<semaphore_mem>>)
    %dma_start3A_594 = arith.constant 4224 : i32
    %dma_start3A_595 = tpu.memref_slice %arg9[%dma_start3A_594] : memref<8192xf32, #tpu.memory_space<vmem>> -> memref<128xf32, #tpu.memory_space<vmem>>
    %dma_start3A_596 = arith.constant 4224 : i32
    %dma_start3A_597 = tpu.memref_slice %arg6[%dma_start3A_596] : memref<8192xi32, #tpu.memory_space<vmem>> -> memref<128xi32, #tpu.memory_space<vmem>>
    %dma_start3A_598 = arith.constant 0 : i32
    %dma_start3A_599 = tpu.memref_slice %arg2[%dma_start3A_598] : memref<393216xf32, #tpu.memory_space<hbm>> -> memref<393216xf32, #tpu.memory_space<hbm>>
    tpu.enqueue_indirect_dma source(%dma_start3A_599 : memref<393216xf32, #tpu.memory_space<hbm>>) target(%dma_start3A_595 : memref<128xf32, #tpu.memory_space<vmem>>) offsets(%dma_start3A_597 : memref<128xi32, #tpu.memory_space<vmem>>) semaphore(%arg11 : memref<!tpu.dma_semaphore, #tpu.memory_space<semaphore_mem>>)
    %dma_start3A_600 = arith.constant 4352 : i32
    %dma_start3A_601 = tpu.memref_slice %arg9[%dma_start3A_600] : memref<8192xf32, #tpu.memory_space<vmem>> -> memref<128xf32, #tpu.memory_space<vmem>>
    %dma_start3A_602 = arith.constant 4352 : i32
    %dma_start3A_603 = tpu.memref_slice %arg6[%dma_start3A_602] : memref<8192xi32, #tpu.memory_space<vmem>> -> memref<128xi32, #tpu.memory_space<vmem>>
    %dma_start3A_604 = arith.constant 0 : i32
    %dma_start3A_605 = tpu.memref_slice %arg2[%dma_start3A_604] : memref<393216xf32, #tpu.memory_space<hbm>> -> memref<393216xf32, #tpu.memory_space<hbm>>
    tpu.enqueue_indirect_dma source(%dma_start3A_605 : memref<393216xf32, #tpu.memory_space<hbm>>) target(%dma_start3A_601 : memref<128xf32, #tpu.memory_space<vmem>>) offsets(%dma_start3A_603 : memref<128xi32, #tpu.memory_space<vmem>>) semaphore(%arg11 : memref<!tpu.dma_semaphore, #tpu.memory_space<semaphore_mem>>)
    %dma_start3A_606 = arith.constant 4480 : i32
    %dma_start3A_607 = tpu.memref_slice %arg9[%dma_start3A_606] : memref<8192xf32, #tpu.memory_space<vmem>> -> memref<128xf32, #tpu.memory_space<vmem>>
    %dma_start3A_608 = arith.constant 4480 : i32
    %dma_start3A_609 = tpu.memref_slice %arg6[%dma_start3A_608] : memref<8192xi32, #tpu.memory_space<vmem>> -> memref<128xi32, #tpu.memory_space<vmem>>
    %dma_start3A_610 = arith.constant 0 : i32
    %dma_start3A_611 = tpu.memref_slice %arg2[%dma_start3A_610] : memref<393216xf32, #tpu.memory_space<hbm>> -> memref<393216xf32, #tpu.memory_space<hbm>>
    tpu.enqueue_indirect_dma source(%dma_start3A_611 : memref<393216xf32, #tpu.memory_space<hbm>>) target(%dma_start3A_607 : memref<128xf32, #tpu.memory_space<vmem>>) offsets(%dma_start3A_609 : memref<128xi32, #tpu.memory_space<vmem>>) semaphore(%arg11 : memref<!tpu.dma_semaphore, #tpu.memory_space<semaphore_mem>>)
    %dma_start3A_612 = arith.constant 4608 : i32
    %dma_start3A_613 = tpu.memref_slice %arg9[%dma_start3A_612] : memref<8192xf32, #tpu.memory_space<vmem>> -> memref<128xf32, #tpu.memory_space<vmem>>
    %dma_start3A_614 = arith.constant 4608 : i32
    %dma_start3A_615 = tpu.memref_slice %arg6[%dma_start3A_614] : memref<8192xi32, #tpu.memory_space<vmem>> -> memref<128xi32, #tpu.memory_space<vmem>>
    %dma_start3A_616 = arith.constant 0 : i32
    %dma_start3A_617 = tpu.memref_slice %arg2[%dma_start3A_616] : memref<393216xf32, #tpu.memory_space<hbm>> -> memref<393216xf32, #tpu.memory_space<hbm>>
    tpu.enqueue_indirect_dma source(%dma_start3A_617 : memref<393216xf32, #tpu.memory_space<hbm>>) target(%dma_start3A_613 : memref<128xf32, #tpu.memory_space<vmem>>) offsets(%dma_start3A_615 : memref<128xi32, #tpu.memory_space<vmem>>) semaphore(%arg11 : memref<!tpu.dma_semaphore, #tpu.memory_space<semaphore_mem>>)
    %dma_start3A_618 = arith.constant 4736 : i32
    %dma_start3A_619 = tpu.memref_slice %arg9[%dma_start3A_618] : memref<8192xf32, #tpu.memory_space<vmem>> -> memref<128xf32, #tpu.memory_space<vmem>>
    %dma_start3A_620 = arith.constant 4736 : i32
    %dma_start3A_621 = tpu.memref_slice %arg6[%dma_start3A_620] : memref<8192xi32, #tpu.memory_space<vmem>> -> memref<128xi32, #tpu.memory_space<vmem>>
    %dma_start3A_622 = arith.constant 0 : i32
    %dma_start3A_623 = tpu.memref_slice %arg2[%dma_start3A_622] : memref<393216xf32, #tpu.memory_space<hbm>> -> memref<393216xf32, #tpu.memory_space<hbm>>
    tpu.enqueue_indirect_dma source(%dma_start3A_623 : memref<393216xf32, #tpu.memory_space<hbm>>) target(%dma_start3A_619 : memref<128xf32, #tpu.memory_space<vmem>>) offsets(%dma_start3A_621 : memref<128xi32, #tpu.memory_space<vmem>>) semaphore(%arg11 : memref<!tpu.dma_semaphore, #tpu.memory_space<semaphore_mem>>)
    %dma_start3A_624 = arith.constant 4864 : i32
    %dma_start3A_625 = tpu.memref_slice %arg9[%dma_start3A_624] : memref<8192xf32, #tpu.memory_space<vmem>> -> memref<128xf32, #tpu.memory_space<vmem>>
    %dma_start3A_626 = arith.constant 4864 : i32
    %dma_start3A_627 = tpu.memref_slice %arg6[%dma_start3A_626] : memref<8192xi32, #tpu.memory_space<vmem>> -> memref<128xi32, #tpu.memory_space<vmem>>
    %dma_start3A_628 = arith.constant 0 : i32
    %dma_start3A_629 = tpu.memref_slice %arg2[%dma_start3A_628] : memref<393216xf32, #tpu.memory_space<hbm>> -> memref<393216xf32, #tpu.memory_space<hbm>>
    tpu.enqueue_indirect_dma source(%dma_start3A_629 : memref<393216xf32, #tpu.memory_space<hbm>>) target(%dma_start3A_625 : memref<128xf32, #tpu.memory_space<vmem>>) offsets(%dma_start3A_627 : memref<128xi32, #tpu.memory_space<vmem>>) semaphore(%arg11 : memref<!tpu.dma_semaphore, #tpu.memory_space<semaphore_mem>>)
    %dma_start3A_630 = arith.constant 4992 : i32
    %dma_start3A_631 = tpu.memref_slice %arg9[%dma_start3A_630] : memref<8192xf32, #tpu.memory_space<vmem>> -> memref<128xf32, #tpu.memory_space<vmem>>
    %dma_start3A_632 = arith.constant 4992 : i32
    %dma_start3A_633 = tpu.memref_slice %arg6[%dma_start3A_632] : memref<8192xi32, #tpu.memory_space<vmem>> -> memref<128xi32, #tpu.memory_space<vmem>>
    %dma_start3A_634 = arith.constant 0 : i32
    %dma_start3A_635 = tpu.memref_slice %arg2[%dma_start3A_634] : memref<393216xf32, #tpu.memory_space<hbm>> -> memref<393216xf32, #tpu.memory_space<hbm>>
    tpu.enqueue_indirect_dma source(%dma_start3A_635 : memref<393216xf32, #tpu.memory_space<hbm>>) target(%dma_start3A_631 : memref<128xf32, #tpu.memory_space<vmem>>) offsets(%dma_start3A_633 : memref<128xi32, #tpu.memory_space<vmem>>) semaphore(%arg11 : memref<!tpu.dma_semaphore, #tpu.memory_space<semaphore_mem>>)
    %dma_start3A_636 = arith.constant 5120 : i32
    %dma_start3A_637 = tpu.memref_slice %arg9[%dma_start3A_636] : memref<8192xf32, #tpu.memory_space<vmem>> -> memref<128xf32, #tpu.memory_space<vmem>>
    %dma_start3A_638 = arith.constant 5120 : i32
    %dma_start3A_639 = tpu.memref_slice %arg6[%dma_start3A_638] : memref<8192xi32, #tpu.memory_space<vmem>> -> memref<128xi32, #tpu.memory_space<vmem>>
    %dma_start3A_640 = arith.constant 0 : i32
    %dma_start3A_641 = tpu.memref_slice %arg2[%dma_start3A_640] : memref<393216xf32, #tpu.memory_space<hbm>> -> memref<393216xf32, #tpu.memory_space<hbm>>
    tpu.enqueue_indirect_dma source(%dma_start3A_641 : memref<393216xf32, #tpu.memory_space<hbm>>) target(%dma_start3A_637 : memref<128xf32, #tpu.memory_space<vmem>>) offsets(%dma_start3A_639 : memref<128xi32, #tpu.memory_space<vmem>>) semaphore(%arg11 : memref<!tpu.dma_semaphore, #tpu.memory_space<semaphore_mem>>)
    %dma_start3A_642 = arith.constant 5248 : i32
    %dma_start3A_643 = tpu.memref_slice %arg9[%dma_start3A_642] : memref<8192xf32, #tpu.memory_space<vmem>> -> memref<128xf32, #tpu.memory_space<vmem>>
    %dma_start3A_644 = arith.constant 5248 : i32
    %dma_start3A_645 = tpu.memref_slice %arg6[%dma_start3A_644] : memref<8192xi32, #tpu.memory_space<vmem>> -> memref<128xi32, #tpu.memory_space<vmem>>
    %dma_start3A_646 = arith.constant 0 : i32
    %dma_start3A_647 = tpu.memref_slice %arg2[%dma_start3A_646] : memref<393216xf32, #tpu.memory_space<hbm>> -> memref<393216xf32, #tpu.memory_space<hbm>>
    tpu.enqueue_indirect_dma source(%dma_start3A_647 : memref<393216xf32, #tpu.memory_space<hbm>>) target(%dma_start3A_643 : memref<128xf32, #tpu.memory_space<vmem>>) offsets(%dma_start3A_645 : memref<128xi32, #tpu.memory_space<vmem>>) semaphore(%arg11 : memref<!tpu.dma_semaphore, #tpu.memory_space<semaphore_mem>>)
    %dma_start3A_648 = arith.constant 5376 : i32
    %dma_start3A_649 = tpu.memref_slice %arg9[%dma_start3A_648] : memref<8192xf32, #tpu.memory_space<vmem>> -> memref<128xf32, #tpu.memory_space<vmem>>
    %dma_start3A_650 = arith.constant 5376 : i32
    %dma_start3A_651 = tpu.memref_slice %arg6[%dma_start3A_650] : memref<8192xi32, #tpu.memory_space<vmem>> -> memref<128xi32, #tpu.memory_space<vmem>>
    %dma_start3A_652 = arith.constant 0 : i32
    %dma_start3A_653 = tpu.memref_slice %arg2[%dma_start3A_652] : memref<393216xf32, #tpu.memory_space<hbm>> -> memref<393216xf32, #tpu.memory_space<hbm>>
    tpu.enqueue_indirect_dma source(%dma_start3A_653 : memref<393216xf32, #tpu.memory_space<hbm>>) target(%dma_start3A_649 : memref<128xf32, #tpu.memory_space<vmem>>) offsets(%dma_start3A_651 : memref<128xi32, #tpu.memory_space<vmem>>) semaphore(%arg11 : memref<!tpu.dma_semaphore, #tpu.memory_space<semaphore_mem>>)
    %dma_start3A_654 = arith.constant 5504 : i32
    %dma_start3A_655 = tpu.memref_slice %arg9[%dma_start3A_654] : memref<8192xf32, #tpu.memory_space<vmem>> -> memref<128xf32, #tpu.memory_space<vmem>>
    %dma_start3A_656 = arith.constant 5504 : i32
    %dma_start3A_657 = tpu.memref_slice %arg6[%dma_start3A_656] : memref<8192xi32, #tpu.memory_space<vmem>> -> memref<128xi32, #tpu.memory_space<vmem>>
    %dma_start3A_658 = arith.constant 0 : i32
    %dma_start3A_659 = tpu.memref_slice %arg2[%dma_start3A_658] : memref<393216xf32, #tpu.memory_space<hbm>> -> memref<393216xf32, #tpu.memory_space<hbm>>
    tpu.enqueue_indirect_dma source(%dma_start3A_659 : memref<393216xf32, #tpu.memory_space<hbm>>) target(%dma_start3A_655 : memref<128xf32, #tpu.memory_space<vmem>>) offsets(%dma_start3A_657 : memref<128xi32, #tpu.memory_space<vmem>>) semaphore(%arg11 : memref<!tpu.dma_semaphore, #tpu.memory_space<semaphore_mem>>)
    %dma_start3A_660 = arith.constant 5632 : i32
    %dma_start3A_661 = tpu.memref_slice %arg9[%dma_start3A_660] : memref<8192xf32, #tpu.memory_space<vmem>> -> memref<128xf32, #tpu.memory_space<vmem>>
    %dma_start3A_662 = arith.constant 5632 : i32
    %dma_start3A_663 = tpu.memref_slice %arg6[%dma_start3A_662] : memref<8192xi32, #tpu.memory_space<vmem>> -> memref<128xi32, #tpu.memory_space<vmem>>
    %dma_start3A_664 = arith.constant 0 : i32
    %dma_start3A_665 = tpu.memref_slice %arg2[%dma_start3A_664] : memref<393216xf32, #tpu.memory_space<hbm>> -> memref<393216xf32, #tpu.memory_space<hbm>>
    tpu.enqueue_indirect_dma source(%dma_start3A_665 : memref<393216xf32, #tpu.memory_space<hbm>>) target(%dma_start3A_661 : memref<128xf32, #tpu.memory_space<vmem>>) offsets(%dma_start3A_663 : memref<128xi32, #tpu.memory_space<vmem>>) semaphore(%arg11 : memref<!tpu.dma_semaphore, #tpu.memory_space<semaphore_mem>>)
    %dma_start3A_666 = arith.constant 5760 : i32
    %dma_start3A_667 = tpu.memref_slice %arg9[%dma_start3A_666] : memref<8192xf32, #tpu.memory_space<vmem>> -> memref<128xf32, #tpu.memory_space<vmem>>
    %dma_start3A_668 = arith.constant 5760 : i32
    %dma_start3A_669 = tpu.memref_slice %arg6[%dma_start3A_668] : memref<8192xi32, #tpu.memory_space<vmem>> -> memref<128xi32, #tpu.memory_space<vmem>>
    %dma_start3A_670 = arith.constant 0 : i32
    %dma_start3A_671 = tpu.memref_slice %arg2[%dma_start3A_670] : memref<393216xf32, #tpu.memory_space<hbm>> -> memref<393216xf32, #tpu.memory_space<hbm>>
    tpu.enqueue_indirect_dma source(%dma_start3A_671 : memref<393216xf32, #tpu.memory_space<hbm>>) target(%dma_start3A_667 : memref<128xf32, #tpu.memory_space<vmem>>) offsets(%dma_start3A_669 : memref<128xi32, #tpu.memory_space<vmem>>) semaphore(%arg11 : memref<!tpu.dma_semaphore, #tpu.memory_space<semaphore_mem>>)
    %dma_start3A_672 = arith.constant 5888 : i32
    %dma_start3A_673 = tpu.memref_slice %arg9[%dma_start3A_672] : memref<8192xf32, #tpu.memory_space<vmem>> -> memref<128xf32, #tpu.memory_space<vmem>>
    %dma_start3A_674 = arith.constant 5888 : i32
    %dma_start3A_675 = tpu.memref_slice %arg6[%dma_start3A_674] : memref<8192xi32, #tpu.memory_space<vmem>> -> memref<128xi32, #tpu.memory_space<vmem>>
    %dma_start3A_676 = arith.constant 0 : i32
    %dma_start3A_677 = tpu.memref_slice %arg2[%dma_start3A_676] : memref<393216xf32, #tpu.memory_space<hbm>> -> memref<393216xf32, #tpu.memory_space<hbm>>
    tpu.enqueue_indirect_dma source(%dma_start3A_677 : memref<393216xf32, #tpu.memory_space<hbm>>) target(%dma_start3A_673 : memref<128xf32, #tpu.memory_space<vmem>>) offsets(%dma_start3A_675 : memref<128xi32, #tpu.memory_space<vmem>>) semaphore(%arg11 : memref<!tpu.dma_semaphore, #tpu.memory_space<semaphore_mem>>)
    %dma_start3A_678 = arith.constant 6016 : i32
    %dma_start3A_679 = tpu.memref_slice %arg9[%dma_start3A_678] : memref<8192xf32, #tpu.memory_space<vmem>> -> memref<128xf32, #tpu.memory_space<vmem>>
    %dma_start3A_680 = arith.constant 6016 : i32
    %dma_start3A_681 = tpu.memref_slice %arg6[%dma_start3A_680] : memref<8192xi32, #tpu.memory_space<vmem>> -> memref<128xi32, #tpu.memory_space<vmem>>
    %dma_start3A_682 = arith.constant 0 : i32
    %dma_start3A_683 = tpu.memref_slice %arg2[%dma_start3A_682] : memref<393216xf32, #tpu.memory_space<hbm>> -> memref<393216xf32, #tpu.memory_space<hbm>>
    tpu.enqueue_indirect_dma source(%dma_start3A_683 : memref<393216xf32, #tpu.memory_space<hbm>>) target(%dma_start3A_679 : memref<128xf32, #tpu.memory_space<vmem>>) offsets(%dma_start3A_681 : memref<128xi32, #tpu.memory_space<vmem>>) semaphore(%arg11 : memref<!tpu.dma_semaphore, #tpu.memory_space<semaphore_mem>>)
    %dma_start3A_684 = arith.constant 6144 : i32
    %dma_start3A_685 = tpu.memref_slice %arg9[%dma_start3A_684] : memref<8192xf32, #tpu.memory_space<vmem>> -> memref<128xf32, #tpu.memory_space<vmem>>
    %dma_start3A_686 = arith.constant 6144 : i32
    %dma_start3A_687 = tpu.memref_slice %arg6[%dma_start3A_686] : memref<8192xi32, #tpu.memory_space<vmem>> -> memref<128xi32, #tpu.memory_space<vmem>>
    %dma_start3A_688 = arith.constant 0 : i32
    %dma_start3A_689 = tpu.memref_slice %arg2[%dma_start3A_688] : memref<393216xf32, #tpu.memory_space<hbm>> -> memref<393216xf32, #tpu.memory_space<hbm>>
    tpu.enqueue_indirect_dma source(%dma_start3A_689 : memref<393216xf32, #tpu.memory_space<hbm>>) target(%dma_start3A_685 : memref<128xf32, #tpu.memory_space<vmem>>) offsets(%dma_start3A_687 : memref<128xi32, #tpu.memory_space<vmem>>) semaphore(%arg11 : memref<!tpu.dma_semaphore, #tpu.memory_space<semaphore_mem>>)
    %dma_start3A_690 = arith.constant 6272 : i32
    %dma_start3A_691 = tpu.memref_slice %arg9[%dma_start3A_690] : memref<8192xf32, #tpu.memory_space<vmem>> -> memref<128xf32, #tpu.memory_space<vmem>>
    %dma_start3A_692 = arith.constant 6272 : i32
    %dma_start3A_693 = tpu.memref_slice %arg6[%dma_start3A_692] : memref<8192xi32, #tpu.memory_space<vmem>> -> memref<128xi32, #tpu.memory_space<vmem>>
    %dma_start3A_694 = arith.constant 0 : i32
    %dma_start3A_695 = tpu.memref_slice %arg2[%dma_start3A_694] : memref<393216xf32, #tpu.memory_space<hbm>> -> memref<393216xf32, #tpu.memory_space<hbm>>
    tpu.enqueue_indirect_dma source(%dma_start3A_695 : memref<393216xf32, #tpu.memory_space<hbm>>) target(%dma_start3A_691 : memref<128xf32, #tpu.memory_space<vmem>>) offsets(%dma_start3A_693 : memref<128xi32, #tpu.memory_space<vmem>>) semaphore(%arg11 : memref<!tpu.dma_semaphore, #tpu.memory_space<semaphore_mem>>)
    %dma_start3A_696 = arith.constant 6400 : i32
    %dma_start3A_697 = tpu.memref_slice %arg9[%dma_start3A_696] : memref<8192xf32, #tpu.memory_space<vmem>> -> memref<128xf32, #tpu.memory_space<vmem>>
    %dma_start3A_698 = arith.constant 6400 : i32
    %dma_start3A_699 = tpu.memref_slice %arg6[%dma_start3A_698] : memref<8192xi32, #tpu.memory_space<vmem>> -> memref<128xi32, #tpu.memory_space<vmem>>
    %dma_start3A_700 = arith.constant 0 : i32
    %dma_start3A_701 = tpu.memref_slice %arg2[%dma_start3A_700] : memref<393216xf32, #tpu.memory_space<hbm>> -> memref<393216xf32, #tpu.memory_space<hbm>>
    tpu.enqueue_indirect_dma source(%dma_start3A_701 : memref<393216xf32, #tpu.memory_space<hbm>>) target(%dma_start3A_697 : memref<128xf32, #tpu.memory_space<vmem>>) offsets(%dma_start3A_699 : memref<128xi32, #tpu.memory_space<vmem>>) semaphore(%arg11 : memref<!tpu.dma_semaphore, #tpu.memory_space<semaphore_mem>>)
    %dma_start3A_702 = arith.constant 6528 : i32
    %dma_start3A_703 = tpu.memref_slice %arg9[%dma_start3A_702] : memref<8192xf32, #tpu.memory_space<vmem>> -> memref<128xf32, #tpu.memory_space<vmem>>
    %dma_start3A_704 = arith.constant 6528 : i32
    %dma_start3A_705 = tpu.memref_slice %arg6[%dma_start3A_704] : memref<8192xi32, #tpu.memory_space<vmem>> -> memref<128xi32, #tpu.memory_space<vmem>>
    %dma_start3A_706 = arith.constant 0 : i32
    %dma_start3A_707 = tpu.memref_slice %arg2[%dma_start3A_706] : memref<393216xf32, #tpu.memory_space<hbm>> -> memref<393216xf32, #tpu.memory_space<hbm>>
    tpu.enqueue_indirect_dma source(%dma_start3A_707 : memref<393216xf32, #tpu.memory_space<hbm>>) target(%dma_start3A_703 : memref<128xf32, #tpu.memory_space<vmem>>) offsets(%dma_start3A_705 : memref<128xi32, #tpu.memory_space<vmem>>) semaphore(%arg11 : memref<!tpu.dma_semaphore, #tpu.memory_space<semaphore_mem>>)
    %dma_start3A_708 = arith.constant 6656 : i32
    %dma_start3A_709 = tpu.memref_slice %arg9[%dma_start3A_708] : memref<8192xf32, #tpu.memory_space<vmem>> -> memref<128xf32, #tpu.memory_space<vmem>>
    %dma_start3A_710 = arith.constant 6656 : i32
    %dma_start3A_711 = tpu.memref_slice %arg6[%dma_start3A_710] : memref<8192xi32, #tpu.memory_space<vmem>> -> memref<128xi32, #tpu.memory_space<vmem>>
    %dma_start3A_712 = arith.constant 0 : i32
    %dma_start3A_713 = tpu.memref_slice %arg2[%dma_start3A_712] : memref<393216xf32, #tpu.memory_space<hbm>> -> memref<393216xf32, #tpu.memory_space<hbm>>
    tpu.enqueue_indirect_dma source(%dma_start3A_713 : memref<393216xf32, #tpu.memory_space<hbm>>) target(%dma_start3A_709 : memref<128xf32, #tpu.memory_space<vmem>>) offsets(%dma_start3A_711 : memref<128xi32, #tpu.memory_space<vmem>>) semaphore(%arg11 : memref<!tpu.dma_semaphore, #tpu.memory_space<semaphore_mem>>)
    %dma_start3A_714 = arith.constant 6784 : i32
    %dma_start3A_715 = tpu.memref_slice %arg9[%dma_start3A_714] : memref<8192xf32, #tpu.memory_space<vmem>> -> memref<128xf32, #tpu.memory_space<vmem>>
    %dma_start3A_716 = arith.constant 6784 : i32
    %dma_start3A_717 = tpu.memref_slice %arg6[%dma_start3A_716] : memref<8192xi32, #tpu.memory_space<vmem>> -> memref<128xi32, #tpu.memory_space<vmem>>
    %dma_start3A_718 = arith.constant 0 : i32
    %dma_start3A_719 = tpu.memref_slice %arg2[%dma_start3A_718] : memref<393216xf32, #tpu.memory_space<hbm>> -> memref<393216xf32, #tpu.memory_space<hbm>>
    tpu.enqueue_indirect_dma source(%dma_start3A_719 : memref<393216xf32, #tpu.memory_space<hbm>>) target(%dma_start3A_715 : memref<128xf32, #tpu.memory_space<vmem>>) offsets(%dma_start3A_717 : memref<128xi32, #tpu.memory_space<vmem>>) semaphore(%arg11 : memref<!tpu.dma_semaphore, #tpu.memory_space<semaphore_mem>>)
    %dma_start3A_720 = arith.constant 6912 : i32
    %dma_start3A_721 = tpu.memref_slice %arg9[%dma_start3A_720] : memref<8192xf32, #tpu.memory_space<vmem>> -> memref<128xf32, #tpu.memory_space<vmem>>
    %dma_start3A_722 = arith.constant 6912 : i32
    %dma_start3A_723 = tpu.memref_slice %arg6[%dma_start3A_722] : memref<8192xi32, #tpu.memory_space<vmem>> -> memref<128xi32, #tpu.memory_space<vmem>>
    %dma_start3A_724 = arith.constant 0 : i32
    %dma_start3A_725 = tpu.memref_slice %arg2[%dma_start3A_724] : memref<393216xf32, #tpu.memory_space<hbm>> -> memref<393216xf32, #tpu.memory_space<hbm>>
    tpu.enqueue_indirect_dma source(%dma_start3A_725 : memref<393216xf32, #tpu.memory_space<hbm>>) target(%dma_start3A_721 : memref<128xf32, #tpu.memory_space<vmem>>) offsets(%dma_start3A_723 : memref<128xi32, #tpu.memory_space<vmem>>) semaphore(%arg11 : memref<!tpu.dma_semaphore, #tpu.memory_space<semaphore_mem>>)
    %dma_start3A_726 = arith.constant 7040 : i32
    %dma_start3A_727 = tpu.memref_slice %arg9[%dma_start3A_726] : memref<8192xf32, #tpu.memory_space<vmem>> -> memref<128xf32, #tpu.memory_space<vmem>>
    %dma_start3A_728 = arith.constant 7040 : i32
    %dma_start3A_729 = tpu.memref_slice %arg6[%dma_start3A_728] : memref<8192xi32, #tpu.memory_space<vmem>> -> memref<128xi32, #tpu.memory_space<vmem>>
    %dma_start3A_730 = arith.constant 0 : i32
    %dma_start3A_731 = tpu.memref_slice %arg2[%dma_start3A_730] : memref<393216xf32, #tpu.memory_space<hbm>> -> memref<393216xf32, #tpu.memory_space<hbm>>
    tpu.enqueue_indirect_dma source(%dma_start3A_731 : memref<393216xf32, #tpu.memory_space<hbm>>) target(%dma_start3A_727 : memref<128xf32, #tpu.memory_space<vmem>>) offsets(%dma_start3A_729 : memref<128xi32, #tpu.memory_space<vmem>>) semaphore(%arg11 : memref<!tpu.dma_semaphore, #tpu.memory_space<semaphore_mem>>)
    %dma_start3A_732 = arith.constant 7168 : i32
    %dma_start3A_733 = tpu.memref_slice %arg9[%dma_start3A_732] : memref<8192xf32, #tpu.memory_space<vmem>> -> memref<128xf32, #tpu.memory_space<vmem>>
    %dma_start3A_734 = arith.constant 7168 : i32
    %dma_start3A_735 = tpu.memref_slice %arg6[%dma_start3A_734] : memref<8192xi32, #tpu.memory_space<vmem>> -> memref<128xi32, #tpu.memory_space<vmem>>
    %dma_start3A_736 = arith.constant 0 : i32
    %dma_start3A_737 = tpu.memref_slice %arg2[%dma_start3A_736] : memref<393216xf32, #tpu.memory_space<hbm>> -> memref<393216xf32, #tpu.memory_space<hbm>>
    tpu.enqueue_indirect_dma source(%dma_start3A_737 : memref<393216xf32, #tpu.memory_space<hbm>>) target(%dma_start3A_733 : memref<128xf32, #tpu.memory_space<vmem>>) offsets(%dma_start3A_735 : memref<128xi32, #tpu.memory_space<vmem>>) semaphore(%arg11 : memref<!tpu.dma_semaphore, #tpu.memory_space<semaphore_mem>>)
    %dma_start3A_738 = arith.constant 7296 : i32
    %dma_start3A_739 = tpu.memref_slice %arg9[%dma_start3A_738] : memref<8192xf32, #tpu.memory_space<vmem>> -> memref<128xf32, #tpu.memory_space<vmem>>
    %dma_start3A_740 = arith.constant 7296 : i32
    %dma_start3A_741 = tpu.memref_slice %arg6[%dma_start3A_740] : memref<8192xi32, #tpu.memory_space<vmem>> -> memref<128xi32, #tpu.memory_space<vmem>>
    %dma_start3A_742 = arith.constant 0 : i32
    %dma_start3A_743 = tpu.memref_slice %arg2[%dma_start3A_742] : memref<393216xf32, #tpu.memory_space<hbm>> -> memref<393216xf32, #tpu.memory_space<hbm>>
    tpu.enqueue_indirect_dma source(%dma_start3A_743 : memref<393216xf32, #tpu.memory_space<hbm>>) target(%dma_start3A_739 : memref<128xf32, #tpu.memory_space<vmem>>) offsets(%dma_start3A_741 : memref<128xi32, #tpu.memory_space<vmem>>) semaphore(%arg11 : memref<!tpu.dma_semaphore, #tpu.memory_space<semaphore_mem>>)
    %dma_start3A_744 = arith.constant 7424 : i32
    %dma_start3A_745 = tpu.memref_slice %arg9[%dma_start3A_744] : memref<8192xf32, #tpu.memory_space<vmem>> -> memref<128xf32, #tpu.memory_space<vmem>>
    %dma_start3A_746 = arith.constant 7424 : i32
    %dma_start3A_747 = tpu.memref_slice %arg6[%dma_start3A_746] : memref<8192xi32, #tpu.memory_space<vmem>> -> memref<128xi32, #tpu.memory_space<vmem>>
    %dma_start3A_748 = arith.constant 0 : i32
    %dma_start3A_749 = tpu.memref_slice %arg2[%dma_start3A_748] : memref<393216xf32, #tpu.memory_space<hbm>> -> memref<393216xf32, #tpu.memory_space<hbm>>
    tpu.enqueue_indirect_dma source(%dma_start3A_749 : memref<393216xf32, #tpu.memory_space<hbm>>) target(%dma_start3A_745 : memref<128xf32, #tpu.memory_space<vmem>>) offsets(%dma_start3A_747 : memref<128xi32, #tpu.memory_space<vmem>>) semaphore(%arg11 : memref<!tpu.dma_semaphore, #tpu.memory_space<semaphore_mem>>)
    %dma_start3A_750 = arith.constant 7552 : i32
    %dma_start3A_751 = tpu.memref_slice %arg9[%dma_start3A_750] : memref<8192xf32, #tpu.memory_space<vmem>> -> memref<128xf32, #tpu.memory_space<vmem>>
    %dma_start3A_752 = arith.constant 7552 : i32
    %dma_start3A_753 = tpu.memref_slice %arg6[%dma_start3A_752] : memref<8192xi32, #tpu.memory_space<vmem>> -> memref<128xi32, #tpu.memory_space<vmem>>
    %dma_start3A_754 = arith.constant 0 : i32
    %dma_start3A_755 = tpu.memref_slice %arg2[%dma_start3A_754] : memref<393216xf32, #tpu.memory_space<hbm>> -> memref<393216xf32, #tpu.memory_space<hbm>>
    tpu.enqueue_indirect_dma source(%dma_start3A_755 : memref<393216xf32, #tpu.memory_space<hbm>>) target(%dma_start3A_751 : memref<128xf32, #tpu.memory_space<vmem>>) offsets(%dma_start3A_753 : memref<128xi32, #tpu.memory_space<vmem>>) semaphore(%arg11 : memref<!tpu.dma_semaphore, #tpu.memory_space<semaphore_mem>>)
    %dma_start3A_756 = arith.constant 7680 : i32
    %dma_start3A_757 = tpu.memref_slice %arg9[%dma_start3A_756] : memref<8192xf32, #tpu.memory_space<vmem>> -> memref<128xf32, #tpu.memory_space<vmem>>
    %dma_start3A_758 = arith.constant 7680 : i32
    %dma_start3A_759 = tpu.memref_slice %arg6[%dma_start3A_758] : memref<8192xi32, #tpu.memory_space<vmem>> -> memref<128xi32, #tpu.memory_space<vmem>>
    %dma_start3A_760 = arith.constant 0 : i32
    %dma_start3A_761 = tpu.memref_slice %arg2[%dma_start3A_760] : memref<393216xf32, #tpu.memory_space<hbm>> -> memref<393216xf32, #tpu.memory_space<hbm>>
    tpu.enqueue_indirect_dma source(%dma_start3A_761 : memref<393216xf32, #tpu.memory_space<hbm>>) target(%dma_start3A_757 : memref<128xf32, #tpu.memory_space<vmem>>) offsets(%dma_start3A_759 : memref<128xi32, #tpu.memory_space<vmem>>) semaphore(%arg11 : memref<!tpu.dma_semaphore, #tpu.memory_space<semaphore_mem>>)
    %dma_start3A_762 = arith.constant 7808 : i32
    %dma_start3A_763 = tpu.memref_slice %arg9[%dma_start3A_762] : memref<8192xf32, #tpu.memory_space<vmem>> -> memref<128xf32, #tpu.memory_space<vmem>>
    %dma_start3A_764 = arith.constant 7808 : i32
    %dma_start3A_765 = tpu.memref_slice %arg6[%dma_start3A_764] : memref<8192xi32, #tpu.memory_space<vmem>> -> memref<128xi32, #tpu.memory_space<vmem>>
    %dma_start3A_766 = arith.constant 0 : i32
    %dma_start3A_767 = tpu.memref_slice %arg2[%dma_start3A_766] : memref<393216xf32, #tpu.memory_space<hbm>> -> memref<393216xf32, #tpu.memory_space<hbm>>
    tpu.enqueue_indirect_dma source(%dma_start3A_767 : memref<393216xf32, #tpu.memory_space<hbm>>) target(%dma_start3A_763 : memref<128xf32, #tpu.memory_space<vmem>>) offsets(%dma_start3A_765 : memref<128xi32, #tpu.memory_space<vmem>>) semaphore(%arg11 : memref<!tpu.dma_semaphore, #tpu.memory_space<semaphore_mem>>)
    %dma_start3A_768 = arith.constant 7936 : i32
    %dma_start3A_769 = tpu.memref_slice %arg9[%dma_start3A_768] : memref<8192xf32, #tpu.memory_space<vmem>> -> memref<128xf32, #tpu.memory_space<vmem>>
    %dma_start3A_770 = arith.constant 7936 : i32
    %dma_start3A_771 = tpu.memref_slice %arg6[%dma_start3A_770] : memref<8192xi32, #tpu.memory_space<vmem>> -> memref<128xi32, #tpu.memory_space<vmem>>
    %dma_start3A_772 = arith.constant 0 : i32
    %dma_start3A_773 = tpu.memref_slice %arg2[%dma_start3A_772] : memref<393216xf32, #tpu.memory_space<hbm>> -> memref<393216xf32, #tpu.memory_space<hbm>>
    tpu.enqueue_indirect_dma source(%dma_start3A_773 : memref<393216xf32, #tpu.memory_space<hbm>>) target(%dma_start3A_769 : memref<128xf32, #tpu.memory_space<vmem>>) offsets(%dma_start3A_771 : memref<128xi32, #tpu.memory_space<vmem>>) semaphore(%arg11 : memref<!tpu.dma_semaphore, #tpu.memory_space<semaphore_mem>>)
    %dma_start3A_774 = arith.constant 8064 : i32
    %dma_start3A_775 = tpu.memref_slice %arg9[%dma_start3A_774] : memref<8192xf32, #tpu.memory_space<vmem>> -> memref<128xf32, #tpu.memory_space<vmem>>
    %dma_start3A_776 = arith.constant 8064 : i32
    %dma_start3A_777 = tpu.memref_slice %arg6[%dma_start3A_776] : memref<8192xi32, #tpu.memory_space<vmem>> -> memref<128xi32, #tpu.memory_space<vmem>>
    %dma_start3A_778 = arith.constant 0 : i32
    %dma_start3A_779 = tpu.memref_slice %arg2[%dma_start3A_778] : memref<393216xf32, #tpu.memory_space<hbm>> -> memref<393216xf32, #tpu.memory_space<hbm>>
    tpu.enqueue_indirect_dma source(%dma_start3A_779 : memref<393216xf32, #tpu.memory_space<hbm>>) target(%dma_start3A_775 : memref<128xf32, #tpu.memory_space<vmem>>) offsets(%dma_start3A_777 : memref<128xi32, #tpu.memory_space<vmem>>) semaphore(%arg11 : memref<!tpu.dma_semaphore, #tpu.memory_space<semaphore_mem>>)
    %dma_start3A_780 = arith.constant 0 : i32
    %dma_start3A_781 = tpu.memref_slice %arg10[%dma_start3A_780] : memref<8192xf32, #tpu.memory_space<vmem>> -> memref<128xf32, #tpu.memory_space<vmem>>
    %dma_start3A_782 = arith.constant 0 : i32
    %dma_start3A_783 = tpu.memref_slice %arg7[%dma_start3A_782] : memref<8192xi32, #tpu.memory_space<vmem>> -> memref<128xi32, #tpu.memory_space<vmem>>
    %dma_start3A_784 = arith.constant 0 : i32
    %dma_start3A_785 = tpu.memref_slice %arg2[%dma_start3A_784] : memref<393216xf32, #tpu.memory_space<hbm>> -> memref<393216xf32, #tpu.memory_space<hbm>>
    tpu.enqueue_indirect_dma source(%dma_start3A_785 : memref<393216xf32, #tpu.memory_space<hbm>>) target(%dma_start3A_781 : memref<128xf32, #tpu.memory_space<vmem>>) offsets(%dma_start3A_783 : memref<128xi32, #tpu.memory_space<vmem>>) semaphore(%arg11 : memref<!tpu.dma_semaphore, #tpu.memory_space<semaphore_mem>>)
    %dma_start3A_786 = arith.constant 128 : i32
    %dma_start3A_787 = tpu.memref_slice %arg10[%dma_start3A_786] : memref<8192xf32, #tpu.memory_space<vmem>> -> memref<128xf32, #tpu.memory_space<vmem>>
    %dma_start3A_788 = arith.constant 128 : i32
    %dma_start3A_789 = tpu.memref_slice %arg7[%dma_start3A_788] : memref<8192xi32, #tpu.memory_space<vmem>> -> memref<128xi32, #tpu.memory_space<vmem>>
    %dma_start3A_790 = arith.constant 0 : i32
    %dma_start3A_791 = tpu.memref_slice %arg2[%dma_start3A_790] : memref<393216xf32, #tpu.memory_space<hbm>> -> memref<393216xf32, #tpu.memory_space<hbm>>
    tpu.enqueue_indirect_dma source(%dma_start3A_791 : memref<393216xf32, #tpu.memory_space<hbm>>) target(%dma_start3A_787 : memref<128xf32, #tpu.memory_space<vmem>>) offsets(%dma_start3A_789 : memref<128xi32, #tpu.memory_space<vmem>>) semaphore(%arg11 : memref<!tpu.dma_semaphore, #tpu.memory_space<semaphore_mem>>)
    %dma_start3A_792 = arith.constant 256 : i32
    %dma_start3A_793 = tpu.memref_slice %arg10[%dma_start3A_792] : memref<8192xf32, #tpu.memory_space<vmem>> -> memref<128xf32, #tpu.memory_space<vmem>>
    %dma_start3A_794 = arith.constant 256 : i32
    %dma_start3A_795 = tpu.memref_slice %arg7[%dma_start3A_794] : memref<8192xi32, #tpu.memory_space<vmem>> -> memref<128xi32, #tpu.memory_space<vmem>>
    %dma_start3A_796 = arith.constant 0 : i32
    %dma_start3A_797 = tpu.memref_slice %arg2[%dma_start3A_796] : memref<393216xf32, #tpu.memory_space<hbm>> -> memref<393216xf32, #tpu.memory_space<hbm>>
    tpu.enqueue_indirect_dma source(%dma_start3A_797 : memref<393216xf32, #tpu.memory_space<hbm>>) target(%dma_start3A_793 : memref<128xf32, #tpu.memory_space<vmem>>) offsets(%dma_start3A_795 : memref<128xi32, #tpu.memory_space<vmem>>) semaphore(%arg11 : memref<!tpu.dma_semaphore, #tpu.memory_space<semaphore_mem>>)
    %dma_start3A_798 = arith.constant 384 : i32
    %dma_start3A_799 = tpu.memref_slice %arg10[%dma_start3A_798] : memref<8192xf32, #tpu.memory_space<vmem>> -> memref<128xf32, #tpu.memory_space<vmem>>
    %dma_start3A_800 = arith.constant 384 : i32
    %dma_start3A_801 = tpu.memref_slice %arg7[%dma_start3A_800] : memref<8192xi32, #tpu.memory_space<vmem>> -> memref<128xi32, #tpu.memory_space<vmem>>
    %dma_start3A_802 = arith.constant 0 : i32
    %dma_start3A_803 = tpu.memref_slice %arg2[%dma_start3A_802] : memref<393216xf32, #tpu.memory_space<hbm>> -> memref<393216xf32, #tpu.memory_space<hbm>>
    tpu.enqueue_indirect_dma source(%dma_start3A_803 : memref<393216xf32, #tpu.memory_space<hbm>>) target(%dma_start3A_799 : memref<128xf32, #tpu.memory_space<vmem>>) offsets(%dma_start3A_801 : memref<128xi32, #tpu.memory_space<vmem>>) semaphore(%arg11 : memref<!tpu.dma_semaphore, #tpu.memory_space<semaphore_mem>>)
    %dma_start3A_804 = arith.constant 512 : i32
    %dma_start3A_805 = tpu.memref_slice %arg10[%dma_start3A_804] : memref<8192xf32, #tpu.memory_space<vmem>> -> memref<128xf32, #tpu.memory_space<vmem>>
    %dma_start3A_806 = arith.constant 512 : i32
    %dma_start3A_807 = tpu.memref_slice %arg7[%dma_start3A_806] : memref<8192xi32, #tpu.memory_space<vmem>> -> memref<128xi32, #tpu.memory_space<vmem>>
    %dma_start3A_808 = arith.constant 0 : i32
    %dma_start3A_809 = tpu.memref_slice %arg2[%dma_start3A_808] : memref<393216xf32, #tpu.memory_space<hbm>> -> memref<393216xf32, #tpu.memory_space<hbm>>
    tpu.enqueue_indirect_dma source(%dma_start3A_809 : memref<393216xf32, #tpu.memory_space<hbm>>) target(%dma_start3A_805 : memref<128xf32, #tpu.memory_space<vmem>>) offsets(%dma_start3A_807 : memref<128xi32, #tpu.memory_space<vmem>>) semaphore(%arg11 : memref<!tpu.dma_semaphore, #tpu.memory_space<semaphore_mem>>)
    %dma_start3A_810 = arith.constant 640 : i32
    %dma_start3A_811 = tpu.memref_slice %arg10[%dma_start3A_810] : memref<8192xf32, #tpu.memory_space<vmem>> -> memref<128xf32, #tpu.memory_space<vmem>>
    %dma_start3A_812 = arith.constant 640 : i32
    %dma_start3A_813 = tpu.memref_slice %arg7[%dma_start3A_812] : memref<8192xi32, #tpu.memory_space<vmem>> -> memref<128xi32, #tpu.memory_space<vmem>>
    %dma_start3A_814 = arith.constant 0 : i32
    %dma_start3A_815 = tpu.memref_slice %arg2[%dma_start3A_814] : memref<393216xf32, #tpu.memory_space<hbm>> -> memref<393216xf32, #tpu.memory_space<hbm>>
    tpu.enqueue_indirect_dma source(%dma_start3A_815 : memref<393216xf32, #tpu.memory_space<hbm>>) target(%dma_start3A_811 : memref<128xf32, #tpu.memory_space<vmem>>) offsets(%dma_start3A_813 : memref<128xi32, #tpu.memory_space<vmem>>) semaphore(%arg11 : memref<!tpu.dma_semaphore, #tpu.memory_space<semaphore_mem>>)
    %dma_start3A_816 = arith.constant 768 : i32
    %dma_start3A_817 = tpu.memref_slice %arg10[%dma_start3A_816] : memref<8192xf32, #tpu.memory_space<vmem>> -> memref<128xf32, #tpu.memory_space<vmem>>
    %dma_start3A_818 = arith.constant 768 : i32
    %dma_start3A_819 = tpu.memref_slice %arg7[%dma_start3A_818] : memref<8192xi32, #tpu.memory_space<vmem>> -> memref<128xi32, #tpu.memory_space<vmem>>
    %dma_start3A_820 = arith.constant 0 : i32
    %dma_start3A_821 = tpu.memref_slice %arg2[%dma_start3A_820] : memref<393216xf32, #tpu.memory_space<hbm>> -> memref<393216xf32, #tpu.memory_space<hbm>>
    tpu.enqueue_indirect_dma source(%dma_start3A_821 : memref<393216xf32, #tpu.memory_space<hbm>>) target(%dma_start3A_817 : memref<128xf32, #tpu.memory_space<vmem>>) offsets(%dma_start3A_819 : memref<128xi32, #tpu.memory_space<vmem>>) semaphore(%arg11 : memref<!tpu.dma_semaphore, #tpu.memory_space<semaphore_mem>>)
    %dma_start3A_822 = arith.constant 896 : i32
    %dma_start3A_823 = tpu.memref_slice %arg10[%dma_start3A_822] : memref<8192xf32, #tpu.memory_space<vmem>> -> memref<128xf32, #tpu.memory_space<vmem>>
    %dma_start3A_824 = arith.constant 896 : i32
    %dma_start3A_825 = tpu.memref_slice %arg7[%dma_start3A_824] : memref<8192xi32, #tpu.memory_space<vmem>> -> memref<128xi32, #tpu.memory_space<vmem>>
    %dma_start3A_826 = arith.constant 0 : i32
    %dma_start3A_827 = tpu.memref_slice %arg2[%dma_start3A_826] : memref<393216xf32, #tpu.memory_space<hbm>> -> memref<393216xf32, #tpu.memory_space<hbm>>
    tpu.enqueue_indirect_dma source(%dma_start3A_827 : memref<393216xf32, #tpu.memory_space<hbm>>) target(%dma_start3A_823 : memref<128xf32, #tpu.memory_space<vmem>>) offsets(%dma_start3A_825 : memref<128xi32, #tpu.memory_space<vmem>>) semaphore(%arg11 : memref<!tpu.dma_semaphore, #tpu.memory_space<semaphore_mem>>)
    %dma_start3A_828 = arith.constant 1024 : i32
    %dma_start3A_829 = tpu.memref_slice %arg10[%dma_start3A_828] : memref<8192xf32, #tpu.memory_space<vmem>> -> memref<128xf32, #tpu.memory_space<vmem>>
    %dma_start3A_830 = arith.constant 1024 : i32
    %dma_start3A_831 = tpu.memref_slice %arg7[%dma_start3A_830] : memref<8192xi32, #tpu.memory_space<vmem>> -> memref<128xi32, #tpu.memory_space<vmem>>
    %dma_start3A_832 = arith.constant 0 : i32
    %dma_start3A_833 = tpu.memref_slice %arg2[%dma_start3A_832] : memref<393216xf32, #tpu.memory_space<hbm>> -> memref<393216xf32, #tpu.memory_space<hbm>>
    tpu.enqueue_indirect_dma source(%dma_start3A_833 : memref<393216xf32, #tpu.memory_space<hbm>>) target(%dma_start3A_829 : memref<128xf32, #tpu.memory_space<vmem>>) offsets(%dma_start3A_831 : memref<128xi32, #tpu.memory_space<vmem>>) semaphore(%arg11 : memref<!tpu.dma_semaphore, #tpu.memory_space<semaphore_mem>>)
    %dma_start3A_834 = arith.constant 1152 : i32
    %dma_start3A_835 = tpu.memref_slice %arg10[%dma_start3A_834] : memref<8192xf32, #tpu.memory_space<vmem>> -> memref<128xf32, #tpu.memory_space<vmem>>
    %dma_start3A_836 = arith.constant 1152 : i32
    %dma_start3A_837 = tpu.memref_slice %arg7[%dma_start3A_836] : memref<8192xi32, #tpu.memory_space<vmem>> -> memref<128xi32, #tpu.memory_space<vmem>>
    %dma_start3A_838 = arith.constant 0 : i32
    %dma_start3A_839 = tpu.memref_slice %arg2[%dma_start3A_838] : memref<393216xf32, #tpu.memory_space<hbm>> -> memref<393216xf32, #tpu.memory_space<hbm>>
    tpu.enqueue_indirect_dma source(%dma_start3A_839 : memref<393216xf32, #tpu.memory_space<hbm>>) target(%dma_start3A_835 : memref<128xf32, #tpu.memory_space<vmem>>) offsets(%dma_start3A_837 : memref<128xi32, #tpu.memory_space<vmem>>) semaphore(%arg11 : memref<!tpu.dma_semaphore, #tpu.memory_space<semaphore_mem>>)
    %dma_start3A_840 = arith.constant 1280 : i32
    %dma_start3A_841 = tpu.memref_slice %arg10[%dma_start3A_840] : memref<8192xf32, #tpu.memory_space<vmem>> -> memref<128xf32, #tpu.memory_space<vmem>>
    %dma_start3A_842 = arith.constant 1280 : i32
    %dma_start3A_843 = tpu.memref_slice %arg7[%dma_start3A_842] : memref<8192xi32, #tpu.memory_space<vmem>> -> memref<128xi32, #tpu.memory_space<vmem>>
    %dma_start3A_844 = arith.constant 0 : i32
    %dma_start3A_845 = tpu.memref_slice %arg2[%dma_start3A_844] : memref<393216xf32, #tpu.memory_space<hbm>> -> memref<393216xf32, #tpu.memory_space<hbm>>
    tpu.enqueue_indirect_dma source(%dma_start3A_845 : memref<393216xf32, #tpu.memory_space<hbm>>) target(%dma_start3A_841 : memref<128xf32, #tpu.memory_space<vmem>>) offsets(%dma_start3A_843 : memref<128xi32, #tpu.memory_space<vmem>>) semaphore(%arg11 : memref<!tpu.dma_semaphore, #tpu.memory_space<semaphore_mem>>)
    %dma_start3A_846 = arith.constant 1408 : i32
    %dma_start3A_847 = tpu.memref_slice %arg10[%dma_start3A_846] : memref<8192xf32, #tpu.memory_space<vmem>> -> memref<128xf32, #tpu.memory_space<vmem>>
    %dma_start3A_848 = arith.constant 1408 : i32
    %dma_start3A_849 = tpu.memref_slice %arg7[%dma_start3A_848] : memref<8192xi32, #tpu.memory_space<vmem>> -> memref<128xi32, #tpu.memory_space<vmem>>
    %dma_start3A_850 = arith.constant 0 : i32
    %dma_start3A_851 = tpu.memref_slice %arg2[%dma_start3A_850] : memref<393216xf32, #tpu.memory_space<hbm>> -> memref<393216xf32, #tpu.memory_space<hbm>>
    tpu.enqueue_indirect_dma source(%dma_start3A_851 : memref<393216xf32, #tpu.memory_space<hbm>>) target(%dma_start3A_847 : memref<128xf32, #tpu.memory_space<vmem>>) offsets(%dma_start3A_849 : memref<128xi32, #tpu.memory_space<vmem>>) semaphore(%arg11 : memref<!tpu.dma_semaphore, #tpu.memory_space<semaphore_mem>>)
    %dma_start3A_852 = arith.constant 1536 : i32
    %dma_start3A_853 = tpu.memref_slice %arg10[%dma_start3A_852] : memref<8192xf32, #tpu.memory_space<vmem>> -> memref<128xf32, #tpu.memory_space<vmem>>
    %dma_start3A_854 = arith.constant 1536 : i32
    %dma_start3A_855 = tpu.memref_slice %arg7[%dma_start3A_854] : memref<8192xi32, #tpu.memory_space<vmem>> -> memref<128xi32, #tpu.memory_space<vmem>>
    %dma_start3A_856 = arith.constant 0 : i32
    %dma_start3A_857 = tpu.memref_slice %arg2[%dma_start3A_856] : memref<393216xf32, #tpu.memory_space<hbm>> -> memref<393216xf32, #tpu.memory_space<hbm>>
    tpu.enqueue_indirect_dma source(%dma_start3A_857 : memref<393216xf32, #tpu.memory_space<hbm>>) target(%dma_start3A_853 : memref<128xf32, #tpu.memory_space<vmem>>) offsets(%dma_start3A_855 : memref<128xi32, #tpu.memory_space<vmem>>) semaphore(%arg11 : memref<!tpu.dma_semaphore, #tpu.memory_space<semaphore_mem>>)
    %dma_start3A_858 = arith.constant 1664 : i32
    %dma_start3A_859 = tpu.memref_slice %arg10[%dma_start3A_858] : memref<8192xf32, #tpu.memory_space<vmem>> -> memref<128xf32, #tpu.memory_space<vmem>>
    %dma_start3A_860 = arith.constant 1664 : i32
    %dma_start3A_861 = tpu.memref_slice %arg7[%dma_start3A_860] : memref<8192xi32, #tpu.memory_space<vmem>> -> memref<128xi32, #tpu.memory_space<vmem>>
    %dma_start3A_862 = arith.constant 0 : i32
    %dma_start3A_863 = tpu.memref_slice %arg2[%dma_start3A_862] : memref<393216xf32, #tpu.memory_space<hbm>> -> memref<393216xf32, #tpu.memory_space<hbm>>
    tpu.enqueue_indirect_dma source(%dma_start3A_863 : memref<393216xf32, #tpu.memory_space<hbm>>) target(%dma_start3A_859 : memref<128xf32, #tpu.memory_space<vmem>>) offsets(%dma_start3A_861 : memref<128xi32, #tpu.memory_space<vmem>>) semaphore(%arg11 : memref<!tpu.dma_semaphore, #tpu.memory_space<semaphore_mem>>)
    %dma_start3A_864 = arith.constant 1792 : i32
    %dma_start3A_865 = tpu.memref_slice %arg10[%dma_start3A_864] : memref<8192xf32, #tpu.memory_space<vmem>> -> memref<128xf32, #tpu.memory_space<vmem>>
    %dma_start3A_866 = arith.constant 1792 : i32
    %dma_start3A_867 = tpu.memref_slice %arg7[%dma_start3A_866] : memref<8192xi32, #tpu.memory_space<vmem>> -> memref<128xi32, #tpu.memory_space<vmem>>
    %dma_start3A_868 = arith.constant 0 : i32
    %dma_start3A_869 = tpu.memref_slice %arg2[%dma_start3A_868] : memref<393216xf32, #tpu.memory_space<hbm>> -> memref<393216xf32, #tpu.memory_space<hbm>>
    tpu.enqueue_indirect_dma source(%dma_start3A_869 : memref<393216xf32, #tpu.memory_space<hbm>>) target(%dma_start3A_865 : memref<128xf32, #tpu.memory_space<vmem>>) offsets(%dma_start3A_867 : memref<128xi32, #tpu.memory_space<vmem>>) semaphore(%arg11 : memref<!tpu.dma_semaphore, #tpu.memory_space<semaphore_mem>>)
    %dma_start3A_870 = arith.constant 1920 : i32
    %dma_start3A_871 = tpu.memref_slice %arg10[%dma_start3A_870] : memref<8192xf32, #tpu.memory_space<vmem>> -> memref<128xf32, #tpu.memory_space<vmem>>
    %dma_start3A_872 = arith.constant 1920 : i32
    %dma_start3A_873 = tpu.memref_slice %arg7[%dma_start3A_872] : memref<8192xi32, #tpu.memory_space<vmem>> -> memref<128xi32, #tpu.memory_space<vmem>>
    %dma_start3A_874 = arith.constant 0 : i32
    %dma_start3A_875 = tpu.memref_slice %arg2[%dma_start3A_874] : memref<393216xf32, #tpu.memory_space<hbm>> -> memref<393216xf32, #tpu.memory_space<hbm>>
    tpu.enqueue_indirect_dma source(%dma_start3A_875 : memref<393216xf32, #tpu.memory_space<hbm>>) target(%dma_start3A_871 : memref<128xf32, #tpu.memory_space<vmem>>) offsets(%dma_start3A_873 : memref<128xi32, #tpu.memory_space<vmem>>) semaphore(%arg11 : memref<!tpu.dma_semaphore, #tpu.memory_space<semaphore_mem>>)
    %dma_start3A_876 = arith.constant 2048 : i32
    %dma_start3A_877 = tpu.memref_slice %arg10[%dma_start3A_876] : memref<8192xf32, #tpu.memory_space<vmem>> -> memref<128xf32, #tpu.memory_space<vmem>>
    %dma_start3A_878 = arith.constant 2048 : i32
    %dma_start3A_879 = tpu.memref_slice %arg7[%dma_start3A_878] : memref<8192xi32, #tpu.memory_space<vmem>> -> memref<128xi32, #tpu.memory_space<vmem>>
    %dma_start3A_880 = arith.constant 0 : i32
    %dma_start3A_881 = tpu.memref_slice %arg2[%dma_start3A_880] : memref<393216xf32, #tpu.memory_space<hbm>> -> memref<393216xf32, #tpu.memory_space<hbm>>
    tpu.enqueue_indirect_dma source(%dma_start3A_881 : memref<393216xf32, #tpu.memory_space<hbm>>) target(%dma_start3A_877 : memref<128xf32, #tpu.memory_space<vmem>>) offsets(%dma_start3A_879 : memref<128xi32, #tpu.memory_space<vmem>>) semaphore(%arg11 : memref<!tpu.dma_semaphore, #tpu.memory_space<semaphore_mem>>)
    %dma_start3A_882 = arith.constant 2176 : i32
    %dma_start3A_883 = tpu.memref_slice %arg10[%dma_start3A_882] : memref<8192xf32, #tpu.memory_space<vmem>> -> memref<128xf32, #tpu.memory_space<vmem>>
    %dma_start3A_884 = arith.constant 2176 : i32
    %dma_start3A_885 = tpu.memref_slice %arg7[%dma_start3A_884] : memref<8192xi32, #tpu.memory_space<vmem>> -> memref<128xi32, #tpu.memory_space<vmem>>
    %dma_start3A_886 = arith.constant 0 : i32
    %dma_start3A_887 = tpu.memref_slice %arg2[%dma_start3A_886] : memref<393216xf32, #tpu.memory_space<hbm>> -> memref<393216xf32, #tpu.memory_space<hbm>>
    tpu.enqueue_indirect_dma source(%dma_start3A_887 : memref<393216xf32, #tpu.memory_space<hbm>>) target(%dma_start3A_883 : memref<128xf32, #tpu.memory_space<vmem>>) offsets(%dma_start3A_885 : memref<128xi32, #tpu.memory_space<vmem>>) semaphore(%arg11 : memref<!tpu.dma_semaphore, #tpu.memory_space<semaphore_mem>>)
    %dma_start3A_888 = arith.constant 2304 : i32
    %dma_start3A_889 = tpu.memref_slice %arg10[%dma_start3A_888] : memref<8192xf32, #tpu.memory_space<vmem>> -> memref<128xf32, #tpu.memory_space<vmem>>
    %dma_start3A_890 = arith.constant 2304 : i32
    %dma_start3A_891 = tpu.memref_slice %arg7[%dma_start3A_890] : memref<8192xi32, #tpu.memory_space<vmem>> -> memref<128xi32, #tpu.memory_space<vmem>>
    %dma_start3A_892 = arith.constant 0 : i32
    %dma_start3A_893 = tpu.memref_slice %arg2[%dma_start3A_892] : memref<393216xf32, #tpu.memory_space<hbm>> -> memref<393216xf32, #tpu.memory_space<hbm>>
    tpu.enqueue_indirect_dma source(%dma_start3A_893 : memref<393216xf32, #tpu.memory_space<hbm>>) target(%dma_start3A_889 : memref<128xf32, #tpu.memory_space<vmem>>) offsets(%dma_start3A_891 : memref<128xi32, #tpu.memory_space<vmem>>) semaphore(%arg11 : memref<!tpu.dma_semaphore, #tpu.memory_space<semaphore_mem>>)
    %dma_start3A_894 = arith.constant 2432 : i32
    %dma_start3A_895 = tpu.memref_slice %arg10[%dma_start3A_894] : memref<8192xf32, #tpu.memory_space<vmem>> -> memref<128xf32, #tpu.memory_space<vmem>>
    %dma_start3A_896 = arith.constant 2432 : i32
    %dma_start3A_897 = tpu.memref_slice %arg7[%dma_start3A_896] : memref<8192xi32, #tpu.memory_space<vmem>> -> memref<128xi32, #tpu.memory_space<vmem>>
    %dma_start3A_898 = arith.constant 0 : i32
    %dma_start3A_899 = tpu.memref_slice %arg2[%dma_start3A_898] : memref<393216xf32, #tpu.memory_space<hbm>> -> memref<393216xf32, #tpu.memory_space<hbm>>
    tpu.enqueue_indirect_dma source(%dma_start3A_899 : memref<393216xf32, #tpu.memory_space<hbm>>) target(%dma_start3A_895 : memref<128xf32, #tpu.memory_space<vmem>>) offsets(%dma_start3A_897 : memref<128xi32, #tpu.memory_space<vmem>>) semaphore(%arg11 : memref<!tpu.dma_semaphore, #tpu.memory_space<semaphore_mem>>)
    %dma_start3A_900 = arith.constant 2560 : i32
    %dma_start3A_901 = tpu.memref_slice %arg10[%dma_start3A_900] : memref<8192xf32, #tpu.memory_space<vmem>> -> memref<128xf32, #tpu.memory_space<vmem>>
    %dma_start3A_902 = arith.constant 2560 : i32
    %dma_start3A_903 = tpu.memref_slice %arg7[%dma_start3A_902] : memref<8192xi32, #tpu.memory_space<vmem>> -> memref<128xi32, #tpu.memory_space<vmem>>
    %dma_start3A_904 = arith.constant 0 : i32
    %dma_start3A_905 = tpu.memref_slice %arg2[%dma_start3A_904] : memref<393216xf32, #tpu.memory_space<hbm>> -> memref<393216xf32, #tpu.memory_space<hbm>>
    tpu.enqueue_indirect_dma source(%dma_start3A_905 : memref<393216xf32, #tpu.memory_space<hbm>>) target(%dma_start3A_901 : memref<128xf32, #tpu.memory_space<vmem>>) offsets(%dma_start3A_903 : memref<128xi32, #tpu.memory_space<vmem>>) semaphore(%arg11 : memref<!tpu.dma_semaphore, #tpu.memory_space<semaphore_mem>>)
    %dma_start3A_906 = arith.constant 2688 : i32
    %dma_start3A_907 = tpu.memref_slice %arg10[%dma_start3A_906] : memref<8192xf32, #tpu.memory_space<vmem>> -> memref<128xf32, #tpu.memory_space<vmem>>
    %dma_start3A_908 = arith.constant 2688 : i32
    %dma_start3A_909 = tpu.memref_slice %arg7[%dma_start3A_908] : memref<8192xi32, #tpu.memory_space<vmem>> -> memref<128xi32, #tpu.memory_space<vmem>>
    %dma_start3A_910 = arith.constant 0 : i32
    %dma_start3A_911 = tpu.memref_slice %arg2[%dma_start3A_910] : memref<393216xf32, #tpu.memory_space<hbm>> -> memref<393216xf32, #tpu.memory_space<hbm>>
    tpu.enqueue_indirect_dma source(%dma_start3A_911 : memref<393216xf32, #tpu.memory_space<hbm>>) target(%dma_start3A_907 : memref<128xf32, #tpu.memory_space<vmem>>) offsets(%dma_start3A_909 : memref<128xi32, #tpu.memory_space<vmem>>) semaphore(%arg11 : memref<!tpu.dma_semaphore, #tpu.memory_space<semaphore_mem>>)
    %dma_start3A_912 = arith.constant 2816 : i32
    %dma_start3A_913 = tpu.memref_slice %arg10[%dma_start3A_912] : memref<8192xf32, #tpu.memory_space<vmem>> -> memref<128xf32, #tpu.memory_space<vmem>>
    %dma_start3A_914 = arith.constant 2816 : i32
    %dma_start3A_915 = tpu.memref_slice %arg7[%dma_start3A_914] : memref<8192xi32, #tpu.memory_space<vmem>> -> memref<128xi32, #tpu.memory_space<vmem>>
    %dma_start3A_916 = arith.constant 0 : i32
    %dma_start3A_917 = tpu.memref_slice %arg2[%dma_start3A_916] : memref<393216xf32, #tpu.memory_space<hbm>> -> memref<393216xf32, #tpu.memory_space<hbm>>
    tpu.enqueue_indirect_dma source(%dma_start3A_917 : memref<393216xf32, #tpu.memory_space<hbm>>) target(%dma_start3A_913 : memref<128xf32, #tpu.memory_space<vmem>>) offsets(%dma_start3A_915 : memref<128xi32, #tpu.memory_space<vmem>>) semaphore(%arg11 : memref<!tpu.dma_semaphore, #tpu.memory_space<semaphore_mem>>)
    %dma_start3A_918 = arith.constant 2944 : i32
    %dma_start3A_919 = tpu.memref_slice %arg10[%dma_start3A_918] : memref<8192xf32, #tpu.memory_space<vmem>> -> memref<128xf32, #tpu.memory_space<vmem>>
    %dma_start3A_920 = arith.constant 2944 : i32
    %dma_start3A_921 = tpu.memref_slice %arg7[%dma_start3A_920] : memref<8192xi32, #tpu.memory_space<vmem>> -> memref<128xi32, #tpu.memory_space<vmem>>
    %dma_start3A_922 = arith.constant 0 : i32
    %dma_start3A_923 = tpu.memref_slice %arg2[%dma_start3A_922] : memref<393216xf32, #tpu.memory_space<hbm>> -> memref<393216xf32, #tpu.memory_space<hbm>>
    tpu.enqueue_indirect_dma source(%dma_start3A_923 : memref<393216xf32, #tpu.memory_space<hbm>>) target(%dma_start3A_919 : memref<128xf32, #tpu.memory_space<vmem>>) offsets(%dma_start3A_921 : memref<128xi32, #tpu.memory_space<vmem>>) semaphore(%arg11 : memref<!tpu.dma_semaphore, #tpu.memory_space<semaphore_mem>>)
    %dma_start3A_924 = arith.constant 3072 : i32
    %dma_start3A_925 = tpu.memref_slice %arg10[%dma_start3A_924] : memref<8192xf32, #tpu.memory_space<vmem>> -> memref<128xf32, #tpu.memory_space<vmem>>
    %dma_start3A_926 = arith.constant 3072 : i32
    %dma_start3A_927 = tpu.memref_slice %arg7[%dma_start3A_926] : memref<8192xi32, #tpu.memory_space<vmem>> -> memref<128xi32, #tpu.memory_space<vmem>>
    %dma_start3A_928 = arith.constant 0 : i32
    %dma_start3A_929 = tpu.memref_slice %arg2[%dma_start3A_928] : memref<393216xf32, #tpu.memory_space<hbm>> -> memref<393216xf32, #tpu.memory_space<hbm>>
    tpu.enqueue_indirect_dma source(%dma_start3A_929 : memref<393216xf32, #tpu.memory_space<hbm>>) target(%dma_start3A_925 : memref<128xf32, #tpu.memory_space<vmem>>) offsets(%dma_start3A_927 : memref<128xi32, #tpu.memory_space<vmem>>) semaphore(%arg11 : memref<!tpu.dma_semaphore, #tpu.memory_space<semaphore_mem>>)
    %dma_start3A_930 = arith.constant 3200 : i32
    %dma_start3A_931 = tpu.memref_slice %arg10[%dma_start3A_930] : memref<8192xf32, #tpu.memory_space<vmem>> -> memref<128xf32, #tpu.memory_space<vmem>>
    %dma_start3A_932 = arith.constant 3200 : i32
    %dma_start3A_933 = tpu.memref_slice %arg7[%dma_start3A_932] : memref<8192xi32, #tpu.memory_space<vmem>> -> memref<128xi32, #tpu.memory_space<vmem>>
    %dma_start3A_934 = arith.constant 0 : i32
    %dma_start3A_935 = tpu.memref_slice %arg2[%dma_start3A_934] : memref<393216xf32, #tpu.memory_space<hbm>> -> memref<393216xf32, #tpu.memory_space<hbm>>
    tpu.enqueue_indirect_dma source(%dma_start3A_935 : memref<393216xf32, #tpu.memory_space<hbm>>) target(%dma_start3A_931 : memref<128xf32, #tpu.memory_space<vmem>>) offsets(%dma_start3A_933 : memref<128xi32, #tpu.memory_space<vmem>>) semaphore(%arg11 : memref<!tpu.dma_semaphore, #tpu.memory_space<semaphore_mem>>)
    %dma_start3A_936 = arith.constant 3328 : i32
    %dma_start3A_937 = tpu.memref_slice %arg10[%dma_start3A_936] : memref<8192xf32, #tpu.memory_space<vmem>> -> memref<128xf32, #tpu.memory_space<vmem>>
    %dma_start3A_938 = arith.constant 3328 : i32
    %dma_start3A_939 = tpu.memref_slice %arg7[%dma_start3A_938] : memref<8192xi32, #tpu.memory_space<vmem>> -> memref<128xi32, #tpu.memory_space<vmem>>
    %dma_start3A_940 = arith.constant 0 : i32
    %dma_start3A_941 = tpu.memref_slice %arg2[%dma_start3A_940] : memref<393216xf32, #tpu.memory_space<hbm>> -> memref<393216xf32, #tpu.memory_space<hbm>>
    tpu.enqueue_indirect_dma source(%dma_start3A_941 : memref<393216xf32, #tpu.memory_space<hbm>>) target(%dma_start3A_937 : memref<128xf32, #tpu.memory_space<vmem>>) offsets(%dma_start3A_939 : memref<128xi32, #tpu.memory_space<vmem>>) semaphore(%arg11 : memref<!tpu.dma_semaphore, #tpu.memory_space<semaphore_mem>>)
    %dma_start3A_942 = arith.constant 3456 : i32
    %dma_start3A_943 = tpu.memref_slice %arg10[%dma_start3A_942] : memref<8192xf32, #tpu.memory_space<vmem>> -> memref<128xf32, #tpu.memory_space<vmem>>
    %dma_start3A_944 = arith.constant 3456 : i32
    %dma_start3A_945 = tpu.memref_slice %arg7[%dma_start3A_944] : memref<8192xi32, #tpu.memory_space<vmem>> -> memref<128xi32, #tpu.memory_space<vmem>>
    %dma_start3A_946 = arith.constant 0 : i32
    %dma_start3A_947 = tpu.memref_slice %arg2[%dma_start3A_946] : memref<393216xf32, #tpu.memory_space<hbm>> -> memref<393216xf32, #tpu.memory_space<hbm>>
    tpu.enqueue_indirect_dma source(%dma_start3A_947 : memref<393216xf32, #tpu.memory_space<hbm>>) target(%dma_start3A_943 : memref<128xf32, #tpu.memory_space<vmem>>) offsets(%dma_start3A_945 : memref<128xi32, #tpu.memory_space<vmem>>) semaphore(%arg11 : memref<!tpu.dma_semaphore, #tpu.memory_space<semaphore_mem>>)
    %dma_start3A_948 = arith.constant 3584 : i32
    %dma_start3A_949 = tpu.memref_slice %arg10[%dma_start3A_948] : memref<8192xf32, #tpu.memory_space<vmem>> -> memref<128xf32, #tpu.memory_space<vmem>>
    %dma_start3A_950 = arith.constant 3584 : i32
    %dma_start3A_951 = tpu.memref_slice %arg7[%dma_start3A_950] : memref<8192xi32, #tpu.memory_space<vmem>> -> memref<128xi32, #tpu.memory_space<vmem>>
    %dma_start3A_952 = arith.constant 0 : i32
    %dma_start3A_953 = tpu.memref_slice %arg2[%dma_start3A_952] : memref<393216xf32, #tpu.memory_space<hbm>> -> memref<393216xf32, #tpu.memory_space<hbm>>
    tpu.enqueue_indirect_dma source(%dma_start3A_953 : memref<393216xf32, #tpu.memory_space<hbm>>) target(%dma_start3A_949 : memref<128xf32, #tpu.memory_space<vmem>>) offsets(%dma_start3A_951 : memref<128xi32, #tpu.memory_space<vmem>>) semaphore(%arg11 : memref<!tpu.dma_semaphore, #tpu.memory_space<semaphore_mem>>)
    %dma_start3A_954 = arith.constant 3712 : i32
    %dma_start3A_955 = tpu.memref_slice %arg10[%dma_start3A_954] : memref<8192xf32, #tpu.memory_space<vmem>> -> memref<128xf32, #tpu.memory_space<vmem>>
    %dma_start3A_956 = arith.constant 3712 : i32
    %dma_start3A_957 = tpu.memref_slice %arg7[%dma_start3A_956] : memref<8192xi32, #tpu.memory_space<vmem>> -> memref<128xi32, #tpu.memory_space<vmem>>
    %dma_start3A_958 = arith.constant 0 : i32
    %dma_start3A_959 = tpu.memref_slice %arg2[%dma_start3A_958] : memref<393216xf32, #tpu.memory_space<hbm>> -> memref<393216xf32, #tpu.memory_space<hbm>>
    tpu.enqueue_indirect_dma source(%dma_start3A_959 : memref<393216xf32, #tpu.memory_space<hbm>>) target(%dma_start3A_955 : memref<128xf32, #tpu.memory_space<vmem>>) offsets(%dma_start3A_957 : memref<128xi32, #tpu.memory_space<vmem>>) semaphore(%arg11 : memref<!tpu.dma_semaphore, #tpu.memory_space<semaphore_mem>>)
    %dma_start3A_960 = arith.constant 3840 : i32
    %dma_start3A_961 = tpu.memref_slice %arg10[%dma_start3A_960] : memref<8192xf32, #tpu.memory_space<vmem>> -> memref<128xf32, #tpu.memory_space<vmem>>
    %dma_start3A_962 = arith.constant 3840 : i32
    %dma_start3A_963 = tpu.memref_slice %arg7[%dma_start3A_962] : memref<8192xi32, #tpu.memory_space<vmem>> -> memref<128xi32, #tpu.memory_space<vmem>>
    %dma_start3A_964 = arith.constant 0 : i32
    %dma_start3A_965 = tpu.memref_slice %arg2[%dma_start3A_964] : memref<393216xf32, #tpu.memory_space<hbm>> -> memref<393216xf32, #tpu.memory_space<hbm>>
    tpu.enqueue_indirect_dma source(%dma_start3A_965 : memref<393216xf32, #tpu.memory_space<hbm>>) target(%dma_start3A_961 : memref<128xf32, #tpu.memory_space<vmem>>) offsets(%dma_start3A_963 : memref<128xi32, #tpu.memory_space<vmem>>) semaphore(%arg11 : memref<!tpu.dma_semaphore, #tpu.memory_space<semaphore_mem>>)
    %dma_start3A_966 = arith.constant 3968 : i32
    %dma_start3A_967 = tpu.memref_slice %arg10[%dma_start3A_966] : memref<8192xf32, #tpu.memory_space<vmem>> -> memref<128xf32, #tpu.memory_space<vmem>>
    %dma_start3A_968 = arith.constant 3968 : i32
    %dma_start3A_969 = tpu.memref_slice %arg7[%dma_start3A_968] : memref<8192xi32, #tpu.memory_space<vmem>> -> memref<128xi32, #tpu.memory_space<vmem>>
    %dma_start3A_970 = arith.constant 0 : i32
    %dma_start3A_971 = tpu.memref_slice %arg2[%dma_start3A_970] : memref<393216xf32, #tpu.memory_space<hbm>> -> memref<393216xf32, #tpu.memory_space<hbm>>
    tpu.enqueue_indirect_dma source(%dma_start3A_971 : memref<393216xf32, #tpu.memory_space<hbm>>) target(%dma_start3A_967 : memref<128xf32, #tpu.memory_space<vmem>>) offsets(%dma_start3A_969 : memref<128xi32, #tpu.memory_space<vmem>>) semaphore(%arg11 : memref<!tpu.dma_semaphore, #tpu.memory_space<semaphore_mem>>)
    %dma_start3A_972 = arith.constant 4096 : i32
    %dma_start3A_973 = tpu.memref_slice %arg10[%dma_start3A_972] : memref<8192xf32, #tpu.memory_space<vmem>> -> memref<128xf32, #tpu.memory_space<vmem>>
    %dma_start3A_974 = arith.constant 4096 : i32
    %dma_start3A_975 = tpu.memref_slice %arg7[%dma_start3A_974] : memref<8192xi32, #tpu.memory_space<vmem>> -> memref<128xi32, #tpu.memory_space<vmem>>
    %dma_start3A_976 = arith.constant 0 : i32
    %dma_start3A_977 = tpu.memref_slice %arg2[%dma_start3A_976] : memref<393216xf32, #tpu.memory_space<hbm>> -> memref<393216xf32, #tpu.memory_space<hbm>>
    tpu.enqueue_indirect_dma source(%dma_start3A_977 : memref<393216xf32, #tpu.memory_space<hbm>>) target(%dma_start3A_973 : memref<128xf32, #tpu.memory_space<vmem>>) offsets(%dma_start3A_975 : memref<128xi32, #tpu.memory_space<vmem>>) semaphore(%arg11 : memref<!tpu.dma_semaphore, #tpu.memory_space<semaphore_mem>>)
    %dma_start3A_978 = arith.constant 4224 : i32
    %dma_start3A_979 = tpu.memref_slice %arg10[%dma_start3A_978] : memref<8192xf32, #tpu.memory_space<vmem>> -> memref<128xf32, #tpu.memory_space<vmem>>
    %dma_start3A_980 = arith.constant 4224 : i32
    %dma_start3A_981 = tpu.memref_slice %arg7[%dma_start3A_980] : memref<8192xi32, #tpu.memory_space<vmem>> -> memref<128xi32, #tpu.memory_space<vmem>>
    %dma_start3A_982 = arith.constant 0 : i32
    %dma_start3A_983 = tpu.memref_slice %arg2[%dma_start3A_982] : memref<393216xf32, #tpu.memory_space<hbm>> -> memref<393216xf32, #tpu.memory_space<hbm>>
    tpu.enqueue_indirect_dma source(%dma_start3A_983 : memref<393216xf32, #tpu.memory_space<hbm>>) target(%dma_start3A_979 : memref<128xf32, #tpu.memory_space<vmem>>) offsets(%dma_start3A_981 : memref<128xi32, #tpu.memory_space<vmem>>) semaphore(%arg11 : memref<!tpu.dma_semaphore, #tpu.memory_space<semaphore_mem>>)
    %dma_start3A_984 = arith.constant 4352 : i32
    %dma_start3A_985 = tpu.memref_slice %arg10[%dma_start3A_984] : memref<8192xf32, #tpu.memory_space<vmem>> -> memref<128xf32, #tpu.memory_space<vmem>>
    %dma_start3A_986 = arith.constant 4352 : i32
    %dma_start3A_987 = tpu.memref_slice %arg7[%dma_start3A_986] : memref<8192xi32, #tpu.memory_space<vmem>> -> memref<128xi32, #tpu.memory_space<vmem>>
    %dma_start3A_988 = arith.constant 0 : i32
    %dma_start3A_989 = tpu.memref_slice %arg2[%dma_start3A_988] : memref<393216xf32, #tpu.memory_space<hbm>> -> memref<393216xf32, #tpu.memory_space<hbm>>
    tpu.enqueue_indirect_dma source(%dma_start3A_989 : memref<393216xf32, #tpu.memory_space<hbm>>) target(%dma_start3A_985 : memref<128xf32, #tpu.memory_space<vmem>>) offsets(%dma_start3A_987 : memref<128xi32, #tpu.memory_space<vmem>>) semaphore(%arg11 : memref<!tpu.dma_semaphore, #tpu.memory_space<semaphore_mem>>)
    %dma_start3A_990 = arith.constant 4480 : i32
    %dma_start3A_991 = tpu.memref_slice %arg10[%dma_start3A_990] : memref<8192xf32, #tpu.memory_space<vmem>> -> memref<128xf32, #tpu.memory_space<vmem>>
    %dma_start3A_992 = arith.constant 4480 : i32
    %dma_start3A_993 = tpu.memref_slice %arg7[%dma_start3A_992] : memref<8192xi32, #tpu.memory_space<vmem>> -> memref<128xi32, #tpu.memory_space<vmem>>
    %dma_start3A_994 = arith.constant 0 : i32
    %dma_start3A_995 = tpu.memref_slice %arg2[%dma_start3A_994] : memref<393216xf32, #tpu.memory_space<hbm>> -> memref<393216xf32, #tpu.memory_space<hbm>>
    tpu.enqueue_indirect_dma source(%dma_start3A_995 : memref<393216xf32, #tpu.memory_space<hbm>>) target(%dma_start3A_991 : memref<128xf32, #tpu.memory_space<vmem>>) offsets(%dma_start3A_993 : memref<128xi32, #tpu.memory_space<vmem>>) semaphore(%arg11 : memref<!tpu.dma_semaphore, #tpu.memory_space<semaphore_mem>>)
    %dma_start3A_996 = arith.constant 4608 : i32
    %dma_start3A_997 = tpu.memref_slice %arg10[%dma_start3A_996] : memref<8192xf32, #tpu.memory_space<vmem>> -> memref<128xf32, #tpu.memory_space<vmem>>
    %dma_start3A_998 = arith.constant 4608 : i32
    %dma_start3A_999 = tpu.memref_slice %arg7[%dma_start3A_998] : memref<8192xi32, #tpu.memory_space<vmem>> -> memref<128xi32, #tpu.memory_space<vmem>>
    %dma_start3A_1000 = arith.constant 0 : i32
    %dma_start3A_1001 = tpu.memref_slice %arg2[%dma_start3A_1000] : memref<393216xf32, #tpu.memory_space<hbm>> -> memref<393216xf32, #tpu.memory_space<hbm>>
    tpu.enqueue_indirect_dma source(%dma_start3A_1001 : memref<393216xf32, #tpu.memory_space<hbm>>) target(%dma_start3A_997 : memref<128xf32, #tpu.memory_space<vmem>>) offsets(%dma_start3A_999 : memref<128xi32, #tpu.memory_space<vmem>>) semaphore(%arg11 : memref<!tpu.dma_semaphore, #tpu.memory_space<semaphore_mem>>)
    %dma_start3A_1002 = arith.constant 4736 : i32
    %dma_start3A_1003 = tpu.memref_slice %arg10[%dma_start3A_1002] : memref<8192xf32, #tpu.memory_space<vmem>> -> memref<128xf32, #tpu.memory_space<vmem>>
    %dma_start3A_1004 = arith.constant 4736 : i32
    %dma_start3A_1005 = tpu.memref_slice %arg7[%dma_start3A_1004] : memref<8192xi32, #tpu.memory_space<vmem>> -> memref<128xi32, #tpu.memory_space<vmem>>
    %dma_start3A_1006 = arith.constant 0 : i32
    %dma_start3A_1007 = tpu.memref_slice %arg2[%dma_start3A_1006] : memref<393216xf32, #tpu.memory_space<hbm>> -> memref<393216xf32, #tpu.memory_space<hbm>>
    tpu.enqueue_indirect_dma source(%dma_start3A_1007 : memref<393216xf32, #tpu.memory_space<hbm>>) target(%dma_start3A_1003 : memref<128xf32, #tpu.memory_space<vmem>>) offsets(%dma_start3A_1005 : memref<128xi32, #tpu.memory_space<vmem>>) semaphore(%arg11 : memref<!tpu.dma_semaphore, #tpu.memory_space<semaphore_mem>>)
    %dma_start3A_1008 = arith.constant 4864 : i32
    %dma_start3A_1009 = tpu.memref_slice %arg10[%dma_start3A_1008] : memref<8192xf32, #tpu.memory_space<vmem>> -> memref<128xf32, #tpu.memory_space<vmem>>
    %dma_start3A_1010 = arith.constant 4864 : i32
    %dma_start3A_1011 = tpu.memref_slice %arg7[%dma_start3A_1010] : memref<8192xi32, #tpu.memory_space<vmem>> -> memref<128xi32, #tpu.memory_space<vmem>>
    %dma_start3A_1012 = arith.constant 0 : i32
    %dma_start3A_1013 = tpu.memref_slice %arg2[%dma_start3A_1012] : memref<393216xf32, #tpu.memory_space<hbm>> -> memref<393216xf32, #tpu.memory_space<hbm>>
    tpu.enqueue_indirect_dma source(%dma_start3A_1013 : memref<393216xf32, #tpu.memory_space<hbm>>) target(%dma_start3A_1009 : memref<128xf32, #tpu.memory_space<vmem>>) offsets(%dma_start3A_1011 : memref<128xi32, #tpu.memory_space<vmem>>) semaphore(%arg11 : memref<!tpu.dma_semaphore, #tpu.memory_space<semaphore_mem>>)
    %dma_start3A_1014 = arith.constant 4992 : i32
    %dma_start3A_1015 = tpu.memref_slice %arg10[%dma_start3A_1014] : memref<8192xf32, #tpu.memory_space<vmem>> -> memref<128xf32, #tpu.memory_space<vmem>>
    %dma_start3A_1016 = arith.constant 4992 : i32
    %dma_start3A_1017 = tpu.memref_slice %arg7[%dma_start3A_1016] : memref<8192xi32, #tpu.memory_space<vmem>> -> memref<128xi32, #tpu.memory_space<vmem>>
    %dma_start3A_1018 = arith.constant 0 : i32
    %dma_start3A_1019 = tpu.memref_slice %arg2[%dma_start3A_1018] : memref<393216xf32, #tpu.memory_space<hbm>> -> memref<393216xf32, #tpu.memory_space<hbm>>
    tpu.enqueue_indirect_dma source(%dma_start3A_1019 : memref<393216xf32, #tpu.memory_space<hbm>>) target(%dma_start3A_1015 : memref<128xf32, #tpu.memory_space<vmem>>) offsets(%dma_start3A_1017 : memref<128xi32, #tpu.memory_space<vmem>>) semaphore(%arg11 : memref<!tpu.dma_semaphore, #tpu.memory_space<semaphore_mem>>)
    %dma_start3A_1020 = arith.constant 5120 : i32
    %dma_start3A_1021 = tpu.memref_slice %arg10[%dma_start3A_1020] : memref<8192xf32, #tpu.memory_space<vmem>> -> memref<128xf32, #tpu.memory_space<vmem>>
    %dma_start3A_1022 = arith.constant 5120 : i32
    %dma_start3A_1023 = tpu.memref_slice %arg7[%dma_start3A_1022] : memref<8192xi32, #tpu.memory_space<vmem>> -> memref<128xi32, #tpu.memory_space<vmem>>
    %dma_start3A_1024 = arith.constant 0 : i32
    %dma_start3A_1025 = tpu.memref_slice %arg2[%dma_start3A_1024] : memref<393216xf32, #tpu.memory_space<hbm>> -> memref<393216xf32, #tpu.memory_space<hbm>>
    tpu.enqueue_indirect_dma source(%dma_start3A_1025 : memref<393216xf32, #tpu.memory_space<hbm>>) target(%dma_start3A_1021 : memref<128xf32, #tpu.memory_space<vmem>>) offsets(%dma_start3A_1023 : memref<128xi32, #tpu.memory_space<vmem>>) semaphore(%arg11 : memref<!tpu.dma_semaphore, #tpu.memory_space<semaphore_mem>>)
    %dma_start3A_1026 = arith.constant 5248 : i32
    %dma_start3A_1027 = tpu.memref_slice %arg10[%dma_start3A_1026] : memref<8192xf32, #tpu.memory_space<vmem>> -> memref<128xf32, #tpu.memory_space<vmem>>
    %dma_start3A_1028 = arith.constant 5248 : i32
    %dma_start3A_1029 = tpu.memref_slice %arg7[%dma_start3A_1028] : memref<8192xi32, #tpu.memory_space<vmem>> -> memref<128xi32, #tpu.memory_space<vmem>>
    %dma_start3A_1030 = arith.constant 0 : i32
    %dma_start3A_1031 = tpu.memref_slice %arg2[%dma_start3A_1030] : memref<393216xf32, #tpu.memory_space<hbm>> -> memref<393216xf32, #tpu.memory_space<hbm>>
    tpu.enqueue_indirect_dma source(%dma_start3A_1031 : memref<393216xf32, #tpu.memory_space<hbm>>) target(%dma_start3A_1027 : memref<128xf32, #tpu.memory_space<vmem>>) offsets(%dma_start3A_1029 : memref<128xi32, #tpu.memory_space<vmem>>) semaphore(%arg11 : memref<!tpu.dma_semaphore, #tpu.memory_space<semaphore_mem>>)
    %dma_start3A_1032 = arith.constant 5376 : i32
    %dma_start3A_1033 = tpu.memref_slice %arg10[%dma_start3A_1032] : memref<8192xf32, #tpu.memory_space<vmem>> -> memref<128xf32, #tpu.memory_space<vmem>>
    %dma_start3A_1034 = arith.constant 5376 : i32
    %dma_start3A_1035 = tpu.memref_slice %arg7[%dma_start3A_1034] : memref<8192xi32, #tpu.memory_space<vmem>> -> memref<128xi32, #tpu.memory_space<vmem>>
    %dma_start3A_1036 = arith.constant 0 : i32
    %dma_start3A_1037 = tpu.memref_slice %arg2[%dma_start3A_1036] : memref<393216xf32, #tpu.memory_space<hbm>> -> memref<393216xf32, #tpu.memory_space<hbm>>
    tpu.enqueue_indirect_dma source(%dma_start3A_1037 : memref<393216xf32, #tpu.memory_space<hbm>>) target(%dma_start3A_1033 : memref<128xf32, #tpu.memory_space<vmem>>) offsets(%dma_start3A_1035 : memref<128xi32, #tpu.memory_space<vmem>>) semaphore(%arg11 : memref<!tpu.dma_semaphore, #tpu.memory_space<semaphore_mem>>)
    %dma_start3A_1038 = arith.constant 5504 : i32
    %dma_start3A_1039 = tpu.memref_slice %arg10[%dma_start3A_1038] : memref<8192xf32, #tpu.memory_space<vmem>> -> memref<128xf32, #tpu.memory_space<vmem>>
    %dma_start3A_1040 = arith.constant 5504 : i32
    %dma_start3A_1041 = tpu.memref_slice %arg7[%dma_start3A_1040] : memref<8192xi32, #tpu.memory_space<vmem>> -> memref<128xi32, #tpu.memory_space<vmem>>
    %dma_start3A_1042 = arith.constant 0 : i32
    %dma_start3A_1043 = tpu.memref_slice %arg2[%dma_start3A_1042] : memref<393216xf32, #tpu.memory_space<hbm>> -> memref<393216xf32, #tpu.memory_space<hbm>>
    tpu.enqueue_indirect_dma source(%dma_start3A_1043 : memref<393216xf32, #tpu.memory_space<hbm>>) target(%dma_start3A_1039 : memref<128xf32, #tpu.memory_space<vmem>>) offsets(%dma_start3A_1041 : memref<128xi32, #tpu.memory_space<vmem>>) semaphore(%arg11 : memref<!tpu.dma_semaphore, #tpu.memory_space<semaphore_mem>>)
    %dma_start3A_1044 = arith.constant 5632 : i32
    %dma_start3A_1045 = tpu.memref_slice %arg10[%dma_start3A_1044] : memref<8192xf32, #tpu.memory_space<vmem>> -> memref<128xf32, #tpu.memory_space<vmem>>
    %dma_start3A_1046 = arith.constant 5632 : i32
    %dma_start3A_1047 = tpu.memref_slice %arg7[%dma_start3A_1046] : memref<8192xi32, #tpu.memory_space<vmem>> -> memref<128xi32, #tpu.memory_space<vmem>>
    %dma_start3A_1048 = arith.constant 0 : i32
    %dma_start3A_1049 = tpu.memref_slice %arg2[%dma_start3A_1048] : memref<393216xf32, #tpu.memory_space<hbm>> -> memref<393216xf32, #tpu.memory_space<hbm>>
    tpu.enqueue_indirect_dma source(%dma_start3A_1049 : memref<393216xf32, #tpu.memory_space<hbm>>) target(%dma_start3A_1045 : memref<128xf32, #tpu.memory_space<vmem>>) offsets(%dma_start3A_1047 : memref<128xi32, #tpu.memory_space<vmem>>) semaphore(%arg11 : memref<!tpu.dma_semaphore, #tpu.memory_space<semaphore_mem>>)
    %dma_start3A_1050 = arith.constant 5760 : i32
    %dma_start3A_1051 = tpu.memref_slice %arg10[%dma_start3A_1050] : memref<8192xf32, #tpu.memory_space<vmem>> -> memref<128xf32, #tpu.memory_space<vmem>>
    %dma_start3A_1052 = arith.constant 5760 : i32
    %dma_start3A_1053 = tpu.memref_slice %arg7[%dma_start3A_1052] : memref<8192xi32, #tpu.memory_space<vmem>> -> memref<128xi32, #tpu.memory_space<vmem>>
    %dma_start3A_1054 = arith.constant 0 : i32
    %dma_start3A_1055 = tpu.memref_slice %arg2[%dma_start3A_1054] : memref<393216xf32, #tpu.memory_space<hbm>> -> memref<393216xf32, #tpu.memory_space<hbm>>
    tpu.enqueue_indirect_dma source(%dma_start3A_1055 : memref<393216xf32, #tpu.memory_space<hbm>>) target(%dma_start3A_1051 : memref<128xf32, #tpu.memory_space<vmem>>) offsets(%dma_start3A_1053 : memref<128xi32, #tpu.memory_space<vmem>>) semaphore(%arg11 : memref<!tpu.dma_semaphore, #tpu.memory_space<semaphore_mem>>)
    %dma_start3A_1056 = arith.constant 5888 : i32
    %dma_start3A_1057 = tpu.memref_slice %arg10[%dma_start3A_1056] : memref<8192xf32, #tpu.memory_space<vmem>> -> memref<128xf32, #tpu.memory_space<vmem>>
    %dma_start3A_1058 = arith.constant 5888 : i32
    %dma_start3A_1059 = tpu.memref_slice %arg7[%dma_start3A_1058] : memref<8192xi32, #tpu.memory_space<vmem>> -> memref<128xi32, #tpu.memory_space<vmem>>
    %dma_start3A_1060 = arith.constant 0 : i32
    %dma_start3A_1061 = tpu.memref_slice %arg2[%dma_start3A_1060] : memref<393216xf32, #tpu.memory_space<hbm>> -> memref<393216xf32, #tpu.memory_space<hbm>>
    tpu.enqueue_indirect_dma source(%dma_start3A_1061 : memref<393216xf32, #tpu.memory_space<hbm>>) target(%dma_start3A_1057 : memref<128xf32, #tpu.memory_space<vmem>>) offsets(%dma_start3A_1059 : memref<128xi32, #tpu.memory_space<vmem>>) semaphore(%arg11 : memref<!tpu.dma_semaphore, #tpu.memory_space<semaphore_mem>>)
    %dma_start3A_1062 = arith.constant 6016 : i32
    %dma_start3A_1063 = tpu.memref_slice %arg10[%dma_start3A_1062] : memref<8192xf32, #tpu.memory_space<vmem>> -> memref<128xf32, #tpu.memory_space<vmem>>
    %dma_start3A_1064 = arith.constant 6016 : i32
    %dma_start3A_1065 = tpu.memref_slice %arg7[%dma_start3A_1064] : memref<8192xi32, #tpu.memory_space<vmem>> -> memref<128xi32, #tpu.memory_space<vmem>>
    %dma_start3A_1066 = arith.constant 0 : i32
    %dma_start3A_1067 = tpu.memref_slice %arg2[%dma_start3A_1066] : memref<393216xf32, #tpu.memory_space<hbm>> -> memref<393216xf32, #tpu.memory_space<hbm>>
    tpu.enqueue_indirect_dma source(%dma_start3A_1067 : memref<393216xf32, #tpu.memory_space<hbm>>) target(%dma_start3A_1063 : memref<128xf32, #tpu.memory_space<vmem>>) offsets(%dma_start3A_1065 : memref<128xi32, #tpu.memory_space<vmem>>) semaphore(%arg11 : memref<!tpu.dma_semaphore, #tpu.memory_space<semaphore_mem>>)
    %dma_start3A_1068 = arith.constant 6144 : i32
    %dma_start3A_1069 = tpu.memref_slice %arg10[%dma_start3A_1068] : memref<8192xf32, #tpu.memory_space<vmem>> -> memref<128xf32, #tpu.memory_space<vmem>>
    %dma_start3A_1070 = arith.constant 6144 : i32
    %dma_start3A_1071 = tpu.memref_slice %arg7[%dma_start3A_1070] : memref<8192xi32, #tpu.memory_space<vmem>> -> memref<128xi32, #tpu.memory_space<vmem>>
    %dma_start3A_1072 = arith.constant 0 : i32
    %dma_start3A_1073 = tpu.memref_slice %arg2[%dma_start3A_1072] : memref<393216xf32, #tpu.memory_space<hbm>> -> memref<393216xf32, #tpu.memory_space<hbm>>
    tpu.enqueue_indirect_dma source(%dma_start3A_1073 : memref<393216xf32, #tpu.memory_space<hbm>>) target(%dma_start3A_1069 : memref<128xf32, #tpu.memory_space<vmem>>) offsets(%dma_start3A_1071 : memref<128xi32, #tpu.memory_space<vmem>>) semaphore(%arg11 : memref<!tpu.dma_semaphore, #tpu.memory_space<semaphore_mem>>)
    %dma_start3A_1074 = arith.constant 6272 : i32
    %dma_start3A_1075 = tpu.memref_slice %arg10[%dma_start3A_1074] : memref<8192xf32, #tpu.memory_space<vmem>> -> memref<128xf32, #tpu.memory_space<vmem>>
    %dma_start3A_1076 = arith.constant 6272 : i32
    %dma_start3A_1077 = tpu.memref_slice %arg7[%dma_start3A_1076] : memref<8192xi32, #tpu.memory_space<vmem>> -> memref<128xi32, #tpu.memory_space<vmem>>
    %dma_start3A_1078 = arith.constant 0 : i32
    %dma_start3A_1079 = tpu.memref_slice %arg2[%dma_start3A_1078] : memref<393216xf32, #tpu.memory_space<hbm>> -> memref<393216xf32, #tpu.memory_space<hbm>>
    tpu.enqueue_indirect_dma source(%dma_start3A_1079 : memref<393216xf32, #tpu.memory_space<hbm>>) target(%dma_start3A_1075 : memref<128xf32, #tpu.memory_space<vmem>>) offsets(%dma_start3A_1077 : memref<128xi32, #tpu.memory_space<vmem>>) semaphore(%arg11 : memref<!tpu.dma_semaphore, #tpu.memory_space<semaphore_mem>>)
    %dma_start3A_1080 = arith.constant 6400 : i32
    %dma_start3A_1081 = tpu.memref_slice %arg10[%dma_start3A_1080] : memref<8192xf32, #tpu.memory_space<vmem>> -> memref<128xf32, #tpu.memory_space<vmem>>
    %dma_start3A_1082 = arith.constant 6400 : i32
    %dma_start3A_1083 = tpu.memref_slice %arg7[%dma_start3A_1082] : memref<8192xi32, #tpu.memory_space<vmem>> -> memref<128xi32, #tpu.memory_space<vmem>>
    %dma_start3A_1084 = arith.constant 0 : i32
    %dma_start3A_1085 = tpu.memref_slice %arg2[%dma_start3A_1084] : memref<393216xf32, #tpu.memory_space<hbm>> -> memref<393216xf32, #tpu.memory_space<hbm>>
    tpu.enqueue_indirect_dma source(%dma_start3A_1085 : memref<393216xf32, #tpu.memory_space<hbm>>) target(%dma_start3A_1081 : memref<128xf32, #tpu.memory_space<vmem>>) offsets(%dma_start3A_1083 : memref<128xi32, #tpu.memory_space<vmem>>) semaphore(%arg11 : memref<!tpu.dma_semaphore, #tpu.memory_space<semaphore_mem>>)
    %dma_start3A_1086 = arith.constant 6528 : i32
    %dma_start3A_1087 = tpu.memref_slice %arg10[%dma_start3A_1086] : memref<8192xf32, #tpu.memory_space<vmem>> -> memref<128xf32, #tpu.memory_space<vmem>>
    %dma_start3A_1088 = arith.constant 6528 : i32
    %dma_start3A_1089 = tpu.memref_slice %arg7[%dma_start3A_1088] : memref<8192xi32, #tpu.memory_space<vmem>> -> memref<128xi32, #tpu.memory_space<vmem>>
    %dma_start3A_1090 = arith.constant 0 : i32
    %dma_start3A_1091 = tpu.memref_slice %arg2[%dma_start3A_1090] : memref<393216xf32, #tpu.memory_space<hbm>> -> memref<393216xf32, #tpu.memory_space<hbm>>
    tpu.enqueue_indirect_dma source(%dma_start3A_1091 : memref<393216xf32, #tpu.memory_space<hbm>>) target(%dma_start3A_1087 : memref<128xf32, #tpu.memory_space<vmem>>) offsets(%dma_start3A_1089 : memref<128xi32, #tpu.memory_space<vmem>>) semaphore(%arg11 : memref<!tpu.dma_semaphore, #tpu.memory_space<semaphore_mem>>)
    %dma_start3A_1092 = arith.constant 6656 : i32
    %dma_start3A_1093 = tpu.memref_slice %arg10[%dma_start3A_1092] : memref<8192xf32, #tpu.memory_space<vmem>> -> memref<128xf32, #tpu.memory_space<vmem>>
    %dma_start3A_1094 = arith.constant 6656 : i32
    %dma_start3A_1095 = tpu.memref_slice %arg7[%dma_start3A_1094] : memref<8192xi32, #tpu.memory_space<vmem>> -> memref<128xi32, #tpu.memory_space<vmem>>
    %dma_start3A_1096 = arith.constant 0 : i32
    %dma_start3A_1097 = tpu.memref_slice %arg2[%dma_start3A_1096] : memref<393216xf32, #tpu.memory_space<hbm>> -> memref<393216xf32, #tpu.memory_space<hbm>>
    tpu.enqueue_indirect_dma source(%dma_start3A_1097 : memref<393216xf32, #tpu.memory_space<hbm>>) target(%dma_start3A_1093 : memref<128xf32, #tpu.memory_space<vmem>>) offsets(%dma_start3A_1095 : memref<128xi32, #tpu.memory_space<vmem>>) semaphore(%arg11 : memref<!tpu.dma_semaphore, #tpu.memory_space<semaphore_mem>>)
    %dma_start3A_1098 = arith.constant 6784 : i32
    %dma_start3A_1099 = tpu.memref_slice %arg10[%dma_start3A_1098] : memref<8192xf32, #tpu.memory_space<vmem>> -> memref<128xf32, #tpu.memory_space<vmem>>
    %dma_start3A_1100 = arith.constant 6784 : i32
    %dma_start3A_1101 = tpu.memref_slice %arg7[%dma_start3A_1100] : memref<8192xi32, #tpu.memory_space<vmem>> -> memref<128xi32, #tpu.memory_space<vmem>>
    %dma_start3A_1102 = arith.constant 0 : i32
    %dma_start3A_1103 = tpu.memref_slice %arg2[%dma_start3A_1102] : memref<393216xf32, #tpu.memory_space<hbm>> -> memref<393216xf32, #tpu.memory_space<hbm>>
    tpu.enqueue_indirect_dma source(%dma_start3A_1103 : memref<393216xf32, #tpu.memory_space<hbm>>) target(%dma_start3A_1099 : memref<128xf32, #tpu.memory_space<vmem>>) offsets(%dma_start3A_1101 : memref<128xi32, #tpu.memory_space<vmem>>) semaphore(%arg11 : memref<!tpu.dma_semaphore, #tpu.memory_space<semaphore_mem>>)
    %dma_start3A_1104 = arith.constant 6912 : i32
    %dma_start3A_1105 = tpu.memref_slice %arg10[%dma_start3A_1104] : memref<8192xf32, #tpu.memory_space<vmem>> -> memref<128xf32, #tpu.memory_space<vmem>>
    %dma_start3A_1106 = arith.constant 6912 : i32
    %dma_start3A_1107 = tpu.memref_slice %arg7[%dma_start3A_1106] : memref<8192xi32, #tpu.memory_space<vmem>> -> memref<128xi32, #tpu.memory_space<vmem>>
    %dma_start3A_1108 = arith.constant 0 : i32
    %dma_start3A_1109 = tpu.memref_slice %arg2[%dma_start3A_1108] : memref<393216xf32, #tpu.memory_space<hbm>> -> memref<393216xf32, #tpu.memory_space<hbm>>
    tpu.enqueue_indirect_dma source(%dma_start3A_1109 : memref<393216xf32, #tpu.memory_space<hbm>>) target(%dma_start3A_1105 : memref<128xf32, #tpu.memory_space<vmem>>) offsets(%dma_start3A_1107 : memref<128xi32, #tpu.memory_space<vmem>>) semaphore(%arg11 : memref<!tpu.dma_semaphore, #tpu.memory_space<semaphore_mem>>)
    %dma_start3A_1110 = arith.constant 7040 : i32
    %dma_start3A_1111 = tpu.memref_slice %arg10[%dma_start3A_1110] : memref<8192xf32, #tpu.memory_space<vmem>> -> memref<128xf32, #tpu.memory_space<vmem>>
    %dma_start3A_1112 = arith.constant 7040 : i32
    %dma_start3A_1113 = tpu.memref_slice %arg7[%dma_start3A_1112] : memref<8192xi32, #tpu.memory_space<vmem>> -> memref<128xi32, #tpu.memory_space<vmem>>
    %dma_start3A_1114 = arith.constant 0 : i32
    %dma_start3A_1115 = tpu.memref_slice %arg2[%dma_start3A_1114] : memref<393216xf32, #tpu.memory_space<hbm>> -> memref<393216xf32, #tpu.memory_space<hbm>>
    tpu.enqueue_indirect_dma source(%dma_start3A_1115 : memref<393216xf32, #tpu.memory_space<hbm>>) target(%dma_start3A_1111 : memref<128xf32, #tpu.memory_space<vmem>>) offsets(%dma_start3A_1113 : memref<128xi32, #tpu.memory_space<vmem>>) semaphore(%arg11 : memref<!tpu.dma_semaphore, #tpu.memory_space<semaphore_mem>>)
    %dma_start3A_1116 = arith.constant 7168 : i32
    %dma_start3A_1117 = tpu.memref_slice %arg10[%dma_start3A_1116] : memref<8192xf32, #tpu.memory_space<vmem>> -> memref<128xf32, #tpu.memory_space<vmem>>
    %dma_start3A_1118 = arith.constant 7168 : i32
    %dma_start3A_1119 = tpu.memref_slice %arg7[%dma_start3A_1118] : memref<8192xi32, #tpu.memory_space<vmem>> -> memref<128xi32, #tpu.memory_space<vmem>>
    %dma_start3A_1120 = arith.constant 0 : i32
    %dma_start3A_1121 = tpu.memref_slice %arg2[%dma_start3A_1120] : memref<393216xf32, #tpu.memory_space<hbm>> -> memref<393216xf32, #tpu.memory_space<hbm>>
    tpu.enqueue_indirect_dma source(%dma_start3A_1121 : memref<393216xf32, #tpu.memory_space<hbm>>) target(%dma_start3A_1117 : memref<128xf32, #tpu.memory_space<vmem>>) offsets(%dma_start3A_1119 : memref<128xi32, #tpu.memory_space<vmem>>) semaphore(%arg11 : memref<!tpu.dma_semaphore, #tpu.memory_space<semaphore_mem>>)
    %dma_start3A_1122 = arith.constant 7296 : i32
    %dma_start3A_1123 = tpu.memref_slice %arg10[%dma_start3A_1122] : memref<8192xf32, #tpu.memory_space<vmem>> -> memref<128xf32, #tpu.memory_space<vmem>>
    %dma_start3A_1124 = arith.constant 7296 : i32
    %dma_start3A_1125 = tpu.memref_slice %arg7[%dma_start3A_1124] : memref<8192xi32, #tpu.memory_space<vmem>> -> memref<128xi32, #tpu.memory_space<vmem>>
    %dma_start3A_1126 = arith.constant 0 : i32
    %dma_start3A_1127 = tpu.memref_slice %arg2[%dma_start3A_1126] : memref<393216xf32, #tpu.memory_space<hbm>> -> memref<393216xf32, #tpu.memory_space<hbm>>
    tpu.enqueue_indirect_dma source(%dma_start3A_1127 : memref<393216xf32, #tpu.memory_space<hbm>>) target(%dma_start3A_1123 : memref<128xf32, #tpu.memory_space<vmem>>) offsets(%dma_start3A_1125 : memref<128xi32, #tpu.memory_space<vmem>>) semaphore(%arg11 : memref<!tpu.dma_semaphore, #tpu.memory_space<semaphore_mem>>)
    %dma_start3A_1128 = arith.constant 7424 : i32
    %dma_start3A_1129 = tpu.memref_slice %arg10[%dma_start3A_1128] : memref<8192xf32, #tpu.memory_space<vmem>> -> memref<128xf32, #tpu.memory_space<vmem>>
    %dma_start3A_1130 = arith.constant 7424 : i32
    %dma_start3A_1131 = tpu.memref_slice %arg7[%dma_start3A_1130] : memref<8192xi32, #tpu.memory_space<vmem>> -> memref<128xi32, #tpu.memory_space<vmem>>
    %dma_start3A_1132 = arith.constant 0 : i32
    %dma_start3A_1133 = tpu.memref_slice %arg2[%dma_start3A_1132] : memref<393216xf32, #tpu.memory_space<hbm>> -> memref<393216xf32, #tpu.memory_space<hbm>>
    tpu.enqueue_indirect_dma source(%dma_start3A_1133 : memref<393216xf32, #tpu.memory_space<hbm>>) target(%dma_start3A_1129 : memref<128xf32, #tpu.memory_space<vmem>>) offsets(%dma_start3A_1131 : memref<128xi32, #tpu.memory_space<vmem>>) semaphore(%arg11 : memref<!tpu.dma_semaphore, #tpu.memory_space<semaphore_mem>>)
    %dma_start3A_1134 = arith.constant 7552 : i32
    %dma_start3A_1135 = tpu.memref_slice %arg10[%dma_start3A_1134] : memref<8192xf32, #tpu.memory_space<vmem>> -> memref<128xf32, #tpu.memory_space<vmem>>
    %dma_start3A_1136 = arith.constant 7552 : i32
    %dma_start3A_1137 = tpu.memref_slice %arg7[%dma_start3A_1136] : memref<8192xi32, #tpu.memory_space<vmem>> -> memref<128xi32, #tpu.memory_space<vmem>>
    %dma_start3A_1138 = arith.constant 0 : i32
    %dma_start3A_1139 = tpu.memref_slice %arg2[%dma_start3A_1138] : memref<393216xf32, #tpu.memory_space<hbm>> -> memref<393216xf32, #tpu.memory_space<hbm>>
    tpu.enqueue_indirect_dma source(%dma_start3A_1139 : memref<393216xf32, #tpu.memory_space<hbm>>) target(%dma_start3A_1135 : memref<128xf32, #tpu.memory_space<vmem>>) offsets(%dma_start3A_1137 : memref<128xi32, #tpu.memory_space<vmem>>) semaphore(%arg11 : memref<!tpu.dma_semaphore, #tpu.memory_space<semaphore_mem>>)
    %dma_start3A_1140 = arith.constant 7680 : i32
    %dma_start3A_1141 = tpu.memref_slice %arg10[%dma_start3A_1140] : memref<8192xf32, #tpu.memory_space<vmem>> -> memref<128xf32, #tpu.memory_space<vmem>>
    %dma_start3A_1142 = arith.constant 7680 : i32
    %dma_start3A_1143 = tpu.memref_slice %arg7[%dma_start3A_1142] : memref<8192xi32, #tpu.memory_space<vmem>> -> memref<128xi32, #tpu.memory_space<vmem>>
    %dma_start3A_1144 = arith.constant 0 : i32
    %dma_start3A_1145 = tpu.memref_slice %arg2[%dma_start3A_1144] : memref<393216xf32, #tpu.memory_space<hbm>> -> memref<393216xf32, #tpu.memory_space<hbm>>
    tpu.enqueue_indirect_dma source(%dma_start3A_1145 : memref<393216xf32, #tpu.memory_space<hbm>>) target(%dma_start3A_1141 : memref<128xf32, #tpu.memory_space<vmem>>) offsets(%dma_start3A_1143 : memref<128xi32, #tpu.memory_space<vmem>>) semaphore(%arg11 : memref<!tpu.dma_semaphore, #tpu.memory_space<semaphore_mem>>)
    %dma_start3A_1146 = arith.constant 7808 : i32
    %dma_start3A_1147 = tpu.memref_slice %arg10[%dma_start3A_1146] : memref<8192xf32, #tpu.memory_space<vmem>> -> memref<128xf32, #tpu.memory_space<vmem>>
    %dma_start3A_1148 = arith.constant 7808 : i32
    %dma_start3A_1149 = tpu.memref_slice %arg7[%dma_start3A_1148] : memref<8192xi32, #tpu.memory_space<vmem>> -> memref<128xi32, #tpu.memory_space<vmem>>
    %dma_start3A_1150 = arith.constant 0 : i32
    %dma_start3A_1151 = tpu.memref_slice %arg2[%dma_start3A_1150] : memref<393216xf32, #tpu.memory_space<hbm>> -> memref<393216xf32, #tpu.memory_space<hbm>>
    tpu.enqueue_indirect_dma source(%dma_start3A_1151 : memref<393216xf32, #tpu.memory_space<hbm>>) target(%dma_start3A_1147 : memref<128xf32, #tpu.memory_space<vmem>>) offsets(%dma_start3A_1149 : memref<128xi32, #tpu.memory_space<vmem>>) semaphore(%arg11 : memref<!tpu.dma_semaphore, #tpu.memory_space<semaphore_mem>>)
    %dma_start3A_1152 = arith.constant 7936 : i32
    %dma_start3A_1153 = tpu.memref_slice %arg10[%dma_start3A_1152] : memref<8192xf32, #tpu.memory_space<vmem>> -> memref<128xf32, #tpu.memory_space<vmem>>
    %dma_start3A_1154 = arith.constant 7936 : i32
    %dma_start3A_1155 = tpu.memref_slice %arg7[%dma_start3A_1154] : memref<8192xi32, #tpu.memory_space<vmem>> -> memref<128xi32, #tpu.memory_space<vmem>>
    %dma_start3A_1156 = arith.constant 0 : i32
    %dma_start3A_1157 = tpu.memref_slice %arg2[%dma_start3A_1156] : memref<393216xf32, #tpu.memory_space<hbm>> -> memref<393216xf32, #tpu.memory_space<hbm>>
    tpu.enqueue_indirect_dma source(%dma_start3A_1157 : memref<393216xf32, #tpu.memory_space<hbm>>) target(%dma_start3A_1153 : memref<128xf32, #tpu.memory_space<vmem>>) offsets(%dma_start3A_1155 : memref<128xi32, #tpu.memory_space<vmem>>) semaphore(%arg11 : memref<!tpu.dma_semaphore, #tpu.memory_space<semaphore_mem>>)
    %dma_start3A_1158 = arith.constant 8064 : i32
    %dma_start3A_1159 = tpu.memref_slice %arg10[%dma_start3A_1158] : memref<8192xf32, #tpu.memory_space<vmem>> -> memref<128xf32, #tpu.memory_space<vmem>>
    %dma_start3A_1160 = arith.constant 8064 : i32
    %dma_start3A_1161 = tpu.memref_slice %arg7[%dma_start3A_1160] : memref<8192xi32, #tpu.memory_space<vmem>> -> memref<128xi32, #tpu.memory_space<vmem>>
    %dma_start3A_1162 = arith.constant 0 : i32
    %dma_start3A_1163 = tpu.memref_slice %arg2[%dma_start3A_1162] : memref<393216xf32, #tpu.memory_space<hbm>> -> memref<393216xf32, #tpu.memory_space<hbm>>
    tpu.enqueue_indirect_dma source(%dma_start3A_1163 : memref<393216xf32, #tpu.memory_space<hbm>>) target(%dma_start3A_1159 : memref<128xf32, #tpu.memory_space<vmem>>) offsets(%dma_start3A_1161 : memref<128xi32, #tpu.memory_space<vmem>>) semaphore(%arg11 : memref<!tpu.dma_semaphore, #tpu.memory_space<semaphore_mem>>)
    %dma_wait3A = arith.constant 0 : i32
    %dma_wait3A_1164 = tpu.memref_slice %arg8[%dma_wait3A] : memref<8192xf32, #tpu.memory_space<vmem>> -> memref<128xf32, #tpu.memory_space<vmem>>
    %dma_wait3A_1165 = arith.constant 0 : i32
    %dma_wait3A_1166 = tpu.memref_slice %arg5[%dma_wait3A_1165] : memref<8192xi32, #tpu.memory_space<vmem>> -> memref<128xi32, #tpu.memory_space<vmem>>
    %dma_wait3A_1167 = arith.constant 0 : i32
    %dma_wait3A_1168 = tpu.memref_slice %arg2[%dma_wait3A_1167] : memref<393216xf32, #tpu.memory_space<hbm>> -> memref<393216xf32, #tpu.memory_space<hbm>>
    tpu.wait_indirect_dma semaphore(%arg11 : memref<!tpu.dma_semaphore, #tpu.memory_space<semaphore_mem>>) src(%dma_wait3A_1168 : memref<393216xf32, #tpu.memory_space<hbm>>) dst(%dma_wait3A_1164 : memref<128xf32, #tpu.memory_space<vmem>>)
    %dma_wait3A_1169 = arith.constant 128 : i32
    %dma_wait3A_1170 = tpu.memref_slice %arg8[%dma_wait3A_1169] : memref<8192xf32, #tpu.memory_space<vmem>> -> memref<128xf32, #tpu.memory_space<vmem>>
    %dma_wait3A_1171 = arith.constant 128 : i32
    %dma_wait3A_1172 = tpu.memref_slice %arg5[%dma_wait3A_1171] : memref<8192xi32, #tpu.memory_space<vmem>> -> memref<128xi32, #tpu.memory_space<vmem>>
    %dma_wait3A_1173 = arith.constant 0 : i32
    %dma_wait3A_1174 = tpu.memref_slice %arg2[%dma_wait3A_1173] : memref<393216xf32, #tpu.memory_space<hbm>> -> memref<393216xf32, #tpu.memory_space<hbm>>
    tpu.wait_indirect_dma semaphore(%arg11 : memref<!tpu.dma_semaphore, #tpu.memory_space<semaphore_mem>>) src(%dma_wait3A_1174 : memref<393216xf32, #tpu.memory_space<hbm>>) dst(%dma_wait3A_1170 : memref<128xf32, #tpu.memory_space<vmem>>)
    %dma_wait3A_1175 = arith.constant 256 : i32
    %dma_wait3A_1176 = tpu.memref_slice %arg8[%dma_wait3A_1175] : memref<8192xf32, #tpu.memory_space<vmem>> -> memref<128xf32, #tpu.memory_space<vmem>>
    %dma_wait3A_1177 = arith.constant 256 : i32
    %dma_wait3A_1178 = tpu.memref_slice %arg5[%dma_wait3A_1177] : memref<8192xi32, #tpu.memory_space<vmem>> -> memref<128xi32, #tpu.memory_space<vmem>>
    %dma_wait3A_1179 = arith.constant 0 : i32
    %dma_wait3A_1180 = tpu.memref_slice %arg2[%dma_wait3A_1179] : memref<393216xf32, #tpu.memory_space<hbm>> -> memref<393216xf32, #tpu.memory_space<hbm>>
    tpu.wait_indirect_dma semaphore(%arg11 : memref<!tpu.dma_semaphore, #tpu.memory_space<semaphore_mem>>) src(%dma_wait3A_1180 : memref<393216xf32, #tpu.memory_space<hbm>>) dst(%dma_wait3A_1176 : memref<128xf32, #tpu.memory_space<vmem>>)
    %dma_wait3A_1181 = arith.constant 384 : i32
    %dma_wait3A_1182 = tpu.memref_slice %arg8[%dma_wait3A_1181] : memref<8192xf32, #tpu.memory_space<vmem>> -> memref<128xf32, #tpu.memory_space<vmem>>
    %dma_wait3A_1183 = arith.constant 384 : i32
    %dma_wait3A_1184 = tpu.memref_slice %arg5[%dma_wait3A_1183] : memref<8192xi32, #tpu.memory_space<vmem>> -> memref<128xi32, #tpu.memory_space<vmem>>
    %dma_wait3A_1185 = arith.constant 0 : i32
    %dma_wait3A_1186 = tpu.memref_slice %arg2[%dma_wait3A_1185] : memref<393216xf32, #tpu.memory_space<hbm>> -> memref<393216xf32, #tpu.memory_space<hbm>>
    tpu.wait_indirect_dma semaphore(%arg11 : memref<!tpu.dma_semaphore, #tpu.memory_space<semaphore_mem>>) src(%dma_wait3A_1186 : memref<393216xf32, #tpu.memory_space<hbm>>) dst(%dma_wait3A_1182 : memref<128xf32, #tpu.memory_space<vmem>>)
    %dma_wait3A_1187 = arith.constant 512 : i32
    %dma_wait3A_1188 = tpu.memref_slice %arg8[%dma_wait3A_1187] : memref<8192xf32, #tpu.memory_space<vmem>> -> memref<128xf32, #tpu.memory_space<vmem>>
    %dma_wait3A_1189 = arith.constant 512 : i32
    %dma_wait3A_1190 = tpu.memref_slice %arg5[%dma_wait3A_1189] : memref<8192xi32, #tpu.memory_space<vmem>> -> memref<128xi32, #tpu.memory_space<vmem>>
    %dma_wait3A_1191 = arith.constant 0 : i32
    %dma_wait3A_1192 = tpu.memref_slice %arg2[%dma_wait3A_1191] : memref<393216xf32, #tpu.memory_space<hbm>> -> memref<393216xf32, #tpu.memory_space<hbm>>
    tpu.wait_indirect_dma semaphore(%arg11 : memref<!tpu.dma_semaphore, #tpu.memory_space<semaphore_mem>>) src(%dma_wait3A_1192 : memref<393216xf32, #tpu.memory_space<hbm>>) dst(%dma_wait3A_1188 : memref<128xf32, #tpu.memory_space<vmem>>)
    %dma_wait3A_1193 = arith.constant 640 : i32
    %dma_wait3A_1194 = tpu.memref_slice %arg8[%dma_wait3A_1193] : memref<8192xf32, #tpu.memory_space<vmem>> -> memref<128xf32, #tpu.memory_space<vmem>>
    %dma_wait3A_1195 = arith.constant 640 : i32
    %dma_wait3A_1196 = tpu.memref_slice %arg5[%dma_wait3A_1195] : memref<8192xi32, #tpu.memory_space<vmem>> -> memref<128xi32, #tpu.memory_space<vmem>>
    %dma_wait3A_1197 = arith.constant 0 : i32
    %dma_wait3A_1198 = tpu.memref_slice %arg2[%dma_wait3A_1197] : memref<393216xf32, #tpu.memory_space<hbm>> -> memref<393216xf32, #tpu.memory_space<hbm>>
    tpu.wait_indirect_dma semaphore(%arg11 : memref<!tpu.dma_semaphore, #tpu.memory_space<semaphore_mem>>) src(%dma_wait3A_1198 : memref<393216xf32, #tpu.memory_space<hbm>>) dst(%dma_wait3A_1194 : memref<128xf32, #tpu.memory_space<vmem>>)
    %dma_wait3A_1199 = arith.constant 768 : i32
    %dma_wait3A_1200 = tpu.memref_slice %arg8[%dma_wait3A_1199] : memref<8192xf32, #tpu.memory_space<vmem>> -> memref<128xf32, #tpu.memory_space<vmem>>
    %dma_wait3A_1201 = arith.constant 768 : i32
    %dma_wait3A_1202 = tpu.memref_slice %arg5[%dma_wait3A_1201] : memref<8192xi32, #tpu.memory_space<vmem>> -> memref<128xi32, #tpu.memory_space<vmem>>
    %dma_wait3A_1203 = arith.constant 0 : i32
    %dma_wait3A_1204 = tpu.memref_slice %arg2[%dma_wait3A_1203] : memref<393216xf32, #tpu.memory_space<hbm>> -> memref<393216xf32, #tpu.memory_space<hbm>>
    tpu.wait_indirect_dma semaphore(%arg11 : memref<!tpu.dma_semaphore, #tpu.memory_space<semaphore_mem>>) src(%dma_wait3A_1204 : memref<393216xf32, #tpu.memory_space<hbm>>) dst(%dma_wait3A_1200 : memref<128xf32, #tpu.memory_space<vmem>>)
    %dma_wait3A_1205 = arith.constant 896 : i32
    %dma_wait3A_1206 = tpu.memref_slice %arg8[%dma_wait3A_1205] : memref<8192xf32, #tpu.memory_space<vmem>> -> memref<128xf32, #tpu.memory_space<vmem>>
    %dma_wait3A_1207 = arith.constant 896 : i32
    %dma_wait3A_1208 = tpu.memref_slice %arg5[%dma_wait3A_1207] : memref<8192xi32, #tpu.memory_space<vmem>> -> memref<128xi32, #tpu.memory_space<vmem>>
    %dma_wait3A_1209 = arith.constant 0 : i32
    %dma_wait3A_1210 = tpu.memref_slice %arg2[%dma_wait3A_1209] : memref<393216xf32, #tpu.memory_space<hbm>> -> memref<393216xf32, #tpu.memory_space<hbm>>
    tpu.wait_indirect_dma semaphore(%arg11 : memref<!tpu.dma_semaphore, #tpu.memory_space<semaphore_mem>>) src(%dma_wait3A_1210 : memref<393216xf32, #tpu.memory_space<hbm>>) dst(%dma_wait3A_1206 : memref<128xf32, #tpu.memory_space<vmem>>)
    %dma_wait3A_1211 = arith.constant 1024 : i32
    %dma_wait3A_1212 = tpu.memref_slice %arg8[%dma_wait3A_1211] : memref<8192xf32, #tpu.memory_space<vmem>> -> memref<128xf32, #tpu.memory_space<vmem>>
    %dma_wait3A_1213 = arith.constant 1024 : i32
    %dma_wait3A_1214 = tpu.memref_slice %arg5[%dma_wait3A_1213] : memref<8192xi32, #tpu.memory_space<vmem>> -> memref<128xi32, #tpu.memory_space<vmem>>
    %dma_wait3A_1215 = arith.constant 0 : i32
    %dma_wait3A_1216 = tpu.memref_slice %arg2[%dma_wait3A_1215] : memref<393216xf32, #tpu.memory_space<hbm>> -> memref<393216xf32, #tpu.memory_space<hbm>>
    tpu.wait_indirect_dma semaphore(%arg11 : memref<!tpu.dma_semaphore, #tpu.memory_space<semaphore_mem>>) src(%dma_wait3A_1216 : memref<393216xf32, #tpu.memory_space<hbm>>) dst(%dma_wait3A_1212 : memref<128xf32, #tpu.memory_space<vmem>>)
    %dma_wait3A_1217 = arith.constant 1152 : i32
    %dma_wait3A_1218 = tpu.memref_slice %arg8[%dma_wait3A_1217] : memref<8192xf32, #tpu.memory_space<vmem>> -> memref<128xf32, #tpu.memory_space<vmem>>
    %dma_wait3A_1219 = arith.constant 1152 : i32
    %dma_wait3A_1220 = tpu.memref_slice %arg5[%dma_wait3A_1219] : memref<8192xi32, #tpu.memory_space<vmem>> -> memref<128xi32, #tpu.memory_space<vmem>>
    %dma_wait3A_1221 = arith.constant 0 : i32
    %dma_wait3A_1222 = tpu.memref_slice %arg2[%dma_wait3A_1221] : memref<393216xf32, #tpu.memory_space<hbm>> -> memref<393216xf32, #tpu.memory_space<hbm>>
    tpu.wait_indirect_dma semaphore(%arg11 : memref<!tpu.dma_semaphore, #tpu.memory_space<semaphore_mem>>) src(%dma_wait3A_1222 : memref<393216xf32, #tpu.memory_space<hbm>>) dst(%dma_wait3A_1218 : memref<128xf32, #tpu.memory_space<vmem>>)
    %dma_wait3A_1223 = arith.constant 1280 : i32
    %dma_wait3A_1224 = tpu.memref_slice %arg8[%dma_wait3A_1223] : memref<8192xf32, #tpu.memory_space<vmem>> -> memref<128xf32, #tpu.memory_space<vmem>>
    %dma_wait3A_1225 = arith.constant 1280 : i32
    %dma_wait3A_1226 = tpu.memref_slice %arg5[%dma_wait3A_1225] : memref<8192xi32, #tpu.memory_space<vmem>> -> memref<128xi32, #tpu.memory_space<vmem>>
    %dma_wait3A_1227 = arith.constant 0 : i32
    %dma_wait3A_1228 = tpu.memref_slice %arg2[%dma_wait3A_1227] : memref<393216xf32, #tpu.memory_space<hbm>> -> memref<393216xf32, #tpu.memory_space<hbm>>
    tpu.wait_indirect_dma semaphore(%arg11 : memref<!tpu.dma_semaphore, #tpu.memory_space<semaphore_mem>>) src(%dma_wait3A_1228 : memref<393216xf32, #tpu.memory_space<hbm>>) dst(%dma_wait3A_1224 : memref<128xf32, #tpu.memory_space<vmem>>)
    %dma_wait3A_1229 = arith.constant 1408 : i32
    %dma_wait3A_1230 = tpu.memref_slice %arg8[%dma_wait3A_1229] : memref<8192xf32, #tpu.memory_space<vmem>> -> memref<128xf32, #tpu.memory_space<vmem>>
    %dma_wait3A_1231 = arith.constant 1408 : i32
    %dma_wait3A_1232 = tpu.memref_slice %arg5[%dma_wait3A_1231] : memref<8192xi32, #tpu.memory_space<vmem>> -> memref<128xi32, #tpu.memory_space<vmem>>
    %dma_wait3A_1233 = arith.constant 0 : i32
    %dma_wait3A_1234 = tpu.memref_slice %arg2[%dma_wait3A_1233] : memref<393216xf32, #tpu.memory_space<hbm>> -> memref<393216xf32, #tpu.memory_space<hbm>>
    tpu.wait_indirect_dma semaphore(%arg11 : memref<!tpu.dma_semaphore, #tpu.memory_space<semaphore_mem>>) src(%dma_wait3A_1234 : memref<393216xf32, #tpu.memory_space<hbm>>) dst(%dma_wait3A_1230 : memref<128xf32, #tpu.memory_space<vmem>>)
    %dma_wait3A_1235 = arith.constant 1536 : i32
    %dma_wait3A_1236 = tpu.memref_slice %arg8[%dma_wait3A_1235] : memref<8192xf32, #tpu.memory_space<vmem>> -> memref<128xf32, #tpu.memory_space<vmem>>
    %dma_wait3A_1237 = arith.constant 1536 : i32
    %dma_wait3A_1238 = tpu.memref_slice %arg5[%dma_wait3A_1237] : memref<8192xi32, #tpu.memory_space<vmem>> -> memref<128xi32, #tpu.memory_space<vmem>>
    %dma_wait3A_1239 = arith.constant 0 : i32
    %dma_wait3A_1240 = tpu.memref_slice %arg2[%dma_wait3A_1239] : memref<393216xf32, #tpu.memory_space<hbm>> -> memref<393216xf32, #tpu.memory_space<hbm>>
    tpu.wait_indirect_dma semaphore(%arg11 : memref<!tpu.dma_semaphore, #tpu.memory_space<semaphore_mem>>) src(%dma_wait3A_1240 : memref<393216xf32, #tpu.memory_space<hbm>>) dst(%dma_wait3A_1236 : memref<128xf32, #tpu.memory_space<vmem>>)
    %dma_wait3A_1241 = arith.constant 1664 : i32
    %dma_wait3A_1242 = tpu.memref_slice %arg8[%dma_wait3A_1241] : memref<8192xf32, #tpu.memory_space<vmem>> -> memref<128xf32, #tpu.memory_space<vmem>>
    %dma_wait3A_1243 = arith.constant 1664 : i32
    %dma_wait3A_1244 = tpu.memref_slice %arg5[%dma_wait3A_1243] : memref<8192xi32, #tpu.memory_space<vmem>> -> memref<128xi32, #tpu.memory_space<vmem>>
    %dma_wait3A_1245 = arith.constant 0 : i32
    %dma_wait3A_1246 = tpu.memref_slice %arg2[%dma_wait3A_1245] : memref<393216xf32, #tpu.memory_space<hbm>> -> memref<393216xf32, #tpu.memory_space<hbm>>
    tpu.wait_indirect_dma semaphore(%arg11 : memref<!tpu.dma_semaphore, #tpu.memory_space<semaphore_mem>>) src(%dma_wait3A_1246 : memref<393216xf32, #tpu.memory_space<hbm>>) dst(%dma_wait3A_1242 : memref<128xf32, #tpu.memory_space<vmem>>)
    %dma_wait3A_1247 = arith.constant 1792 : i32
    %dma_wait3A_1248 = tpu.memref_slice %arg8[%dma_wait3A_1247] : memref<8192xf32, #tpu.memory_space<vmem>> -> memref<128xf32, #tpu.memory_space<vmem>>
    %dma_wait3A_1249 = arith.constant 1792 : i32
    %dma_wait3A_1250 = tpu.memref_slice %arg5[%dma_wait3A_1249] : memref<8192xi32, #tpu.memory_space<vmem>> -> memref<128xi32, #tpu.memory_space<vmem>>
    %dma_wait3A_1251 = arith.constant 0 : i32
    %dma_wait3A_1252 = tpu.memref_slice %arg2[%dma_wait3A_1251] : memref<393216xf32, #tpu.memory_space<hbm>> -> memref<393216xf32, #tpu.memory_space<hbm>>
    tpu.wait_indirect_dma semaphore(%arg11 : memref<!tpu.dma_semaphore, #tpu.memory_space<semaphore_mem>>) src(%dma_wait3A_1252 : memref<393216xf32, #tpu.memory_space<hbm>>) dst(%dma_wait3A_1248 : memref<128xf32, #tpu.memory_space<vmem>>)
    %dma_wait3A_1253 = arith.constant 1920 : i32
    %dma_wait3A_1254 = tpu.memref_slice %arg8[%dma_wait3A_1253] : memref<8192xf32, #tpu.memory_space<vmem>> -> memref<128xf32, #tpu.memory_space<vmem>>
    %dma_wait3A_1255 = arith.constant 1920 : i32
    %dma_wait3A_1256 = tpu.memref_slice %arg5[%dma_wait3A_1255] : memref<8192xi32, #tpu.memory_space<vmem>> -> memref<128xi32, #tpu.memory_space<vmem>>
    %dma_wait3A_1257 = arith.constant 0 : i32
    %dma_wait3A_1258 = tpu.memref_slice %arg2[%dma_wait3A_1257] : memref<393216xf32, #tpu.memory_space<hbm>> -> memref<393216xf32, #tpu.memory_space<hbm>>
    tpu.wait_indirect_dma semaphore(%arg11 : memref<!tpu.dma_semaphore, #tpu.memory_space<semaphore_mem>>) src(%dma_wait3A_1258 : memref<393216xf32, #tpu.memory_space<hbm>>) dst(%dma_wait3A_1254 : memref<128xf32, #tpu.memory_space<vmem>>)
    %dma_wait3A_1259 = arith.constant 2048 : i32
    %dma_wait3A_1260 = tpu.memref_slice %arg8[%dma_wait3A_1259] : memref<8192xf32, #tpu.memory_space<vmem>> -> memref<128xf32, #tpu.memory_space<vmem>>
    %dma_wait3A_1261 = arith.constant 2048 : i32
    %dma_wait3A_1262 = tpu.memref_slice %arg5[%dma_wait3A_1261] : memref<8192xi32, #tpu.memory_space<vmem>> -> memref<128xi32, #tpu.memory_space<vmem>>
    %dma_wait3A_1263 = arith.constant 0 : i32
    %dma_wait3A_1264 = tpu.memref_slice %arg2[%dma_wait3A_1263] : memref<393216xf32, #tpu.memory_space<hbm>> -> memref<393216xf32, #tpu.memory_space<hbm>>
    tpu.wait_indirect_dma semaphore(%arg11 : memref<!tpu.dma_semaphore, #tpu.memory_space<semaphore_mem>>) src(%dma_wait3A_1264 : memref<393216xf32, #tpu.memory_space<hbm>>) dst(%dma_wait3A_1260 : memref<128xf32, #tpu.memory_space<vmem>>)
    %dma_wait3A_1265 = arith.constant 2176 : i32
    %dma_wait3A_1266 = tpu.memref_slice %arg8[%dma_wait3A_1265] : memref<8192xf32, #tpu.memory_space<vmem>> -> memref<128xf32, #tpu.memory_space<vmem>>
    %dma_wait3A_1267 = arith.constant 2176 : i32
    %dma_wait3A_1268 = tpu.memref_slice %arg5[%dma_wait3A_1267] : memref<8192xi32, #tpu.memory_space<vmem>> -> memref<128xi32, #tpu.memory_space<vmem>>
    %dma_wait3A_1269 = arith.constant 0 : i32
    %dma_wait3A_1270 = tpu.memref_slice %arg2[%dma_wait3A_1269] : memref<393216xf32, #tpu.memory_space<hbm>> -> memref<393216xf32, #tpu.memory_space<hbm>>
    tpu.wait_indirect_dma semaphore(%arg11 : memref<!tpu.dma_semaphore, #tpu.memory_space<semaphore_mem>>) src(%dma_wait3A_1270 : memref<393216xf32, #tpu.memory_space<hbm>>) dst(%dma_wait3A_1266 : memref<128xf32, #tpu.memory_space<vmem>>)
    %dma_wait3A_1271 = arith.constant 2304 : i32
    %dma_wait3A_1272 = tpu.memref_slice %arg8[%dma_wait3A_1271] : memref<8192xf32, #tpu.memory_space<vmem>> -> memref<128xf32, #tpu.memory_space<vmem>>
    %dma_wait3A_1273 = arith.constant 2304 : i32
    %dma_wait3A_1274 = tpu.memref_slice %arg5[%dma_wait3A_1273] : memref<8192xi32, #tpu.memory_space<vmem>> -> memref<128xi32, #tpu.memory_space<vmem>>
    %dma_wait3A_1275 = arith.constant 0 : i32
    %dma_wait3A_1276 = tpu.memref_slice %arg2[%dma_wait3A_1275] : memref<393216xf32, #tpu.memory_space<hbm>> -> memref<393216xf32, #tpu.memory_space<hbm>>
    tpu.wait_indirect_dma semaphore(%arg11 : memref<!tpu.dma_semaphore, #tpu.memory_space<semaphore_mem>>) src(%dma_wait3A_1276 : memref<393216xf32, #tpu.memory_space<hbm>>) dst(%dma_wait3A_1272 : memref<128xf32, #tpu.memory_space<vmem>>)
    %dma_wait3A_1277 = arith.constant 2432 : i32
    %dma_wait3A_1278 = tpu.memref_slice %arg8[%dma_wait3A_1277] : memref<8192xf32, #tpu.memory_space<vmem>> -> memref<128xf32, #tpu.memory_space<vmem>>
    %dma_wait3A_1279 = arith.constant 2432 : i32
    %dma_wait3A_1280 = tpu.memref_slice %arg5[%dma_wait3A_1279] : memref<8192xi32, #tpu.memory_space<vmem>> -> memref<128xi32, #tpu.memory_space<vmem>>
    %dma_wait3A_1281 = arith.constant 0 : i32
    %dma_wait3A_1282 = tpu.memref_slice %arg2[%dma_wait3A_1281] : memref<393216xf32, #tpu.memory_space<hbm>> -> memref<393216xf32, #tpu.memory_space<hbm>>
    tpu.wait_indirect_dma semaphore(%arg11 : memref<!tpu.dma_semaphore, #tpu.memory_space<semaphore_mem>>) src(%dma_wait3A_1282 : memref<393216xf32, #tpu.memory_space<hbm>>) dst(%dma_wait3A_1278 : memref<128xf32, #tpu.memory_space<vmem>>)
    %dma_wait3A_1283 = arith.constant 2560 : i32
    %dma_wait3A_1284 = tpu.memref_slice %arg8[%dma_wait3A_1283] : memref<8192xf32, #tpu.memory_space<vmem>> -> memref<128xf32, #tpu.memory_space<vmem>>
    %dma_wait3A_1285 = arith.constant 2560 : i32
    %dma_wait3A_1286 = tpu.memref_slice %arg5[%dma_wait3A_1285] : memref<8192xi32, #tpu.memory_space<vmem>> -> memref<128xi32, #tpu.memory_space<vmem>>
    %dma_wait3A_1287 = arith.constant 0 : i32
    %dma_wait3A_1288 = tpu.memref_slice %arg2[%dma_wait3A_1287] : memref<393216xf32, #tpu.memory_space<hbm>> -> memref<393216xf32, #tpu.memory_space<hbm>>
    tpu.wait_indirect_dma semaphore(%arg11 : memref<!tpu.dma_semaphore, #tpu.memory_space<semaphore_mem>>) src(%dma_wait3A_1288 : memref<393216xf32, #tpu.memory_space<hbm>>) dst(%dma_wait3A_1284 : memref<128xf32, #tpu.memory_space<vmem>>)
    %dma_wait3A_1289 = arith.constant 2688 : i32
    %dma_wait3A_1290 = tpu.memref_slice %arg8[%dma_wait3A_1289] : memref<8192xf32, #tpu.memory_space<vmem>> -> memref<128xf32, #tpu.memory_space<vmem>>
    %dma_wait3A_1291 = arith.constant 2688 : i32
    %dma_wait3A_1292 = tpu.memref_slice %arg5[%dma_wait3A_1291] : memref<8192xi32, #tpu.memory_space<vmem>> -> memref<128xi32, #tpu.memory_space<vmem>>
    %dma_wait3A_1293 = arith.constant 0 : i32
    %dma_wait3A_1294 = tpu.memref_slice %arg2[%dma_wait3A_1293] : memref<393216xf32, #tpu.memory_space<hbm>> -> memref<393216xf32, #tpu.memory_space<hbm>>
    tpu.wait_indirect_dma semaphore(%arg11 : memref<!tpu.dma_semaphore, #tpu.memory_space<semaphore_mem>>) src(%dma_wait3A_1294 : memref<393216xf32, #tpu.memory_space<hbm>>) dst(%dma_wait3A_1290 : memref<128xf32, #tpu.memory_space<vmem>>)
    %dma_wait3A_1295 = arith.constant 2816 : i32
    %dma_wait3A_1296 = tpu.memref_slice %arg8[%dma_wait3A_1295] : memref<8192xf32, #tpu.memory_space<vmem>> -> memref<128xf32, #tpu.memory_space<vmem>>
    %dma_wait3A_1297 = arith.constant 2816 : i32
    %dma_wait3A_1298 = tpu.memref_slice %arg5[%dma_wait3A_1297] : memref<8192xi32, #tpu.memory_space<vmem>> -> memref<128xi32, #tpu.memory_space<vmem>>
    %dma_wait3A_1299 = arith.constant 0 : i32
    %dma_wait3A_1300 = tpu.memref_slice %arg2[%dma_wait3A_1299] : memref<393216xf32, #tpu.memory_space<hbm>> -> memref<393216xf32, #tpu.memory_space<hbm>>
    tpu.wait_indirect_dma semaphore(%arg11 : memref<!tpu.dma_semaphore, #tpu.memory_space<semaphore_mem>>) src(%dma_wait3A_1300 : memref<393216xf32, #tpu.memory_space<hbm>>) dst(%dma_wait3A_1296 : memref<128xf32, #tpu.memory_space<vmem>>)
    %dma_wait3A_1301 = arith.constant 2944 : i32
    %dma_wait3A_1302 = tpu.memref_slice %arg8[%dma_wait3A_1301] : memref<8192xf32, #tpu.memory_space<vmem>> -> memref<128xf32, #tpu.memory_space<vmem>>
    %dma_wait3A_1303 = arith.constant 2944 : i32
    %dma_wait3A_1304 = tpu.memref_slice %arg5[%dma_wait3A_1303] : memref<8192xi32, #tpu.memory_space<vmem>> -> memref<128xi32, #tpu.memory_space<vmem>>
    %dma_wait3A_1305 = arith.constant 0 : i32
    %dma_wait3A_1306 = tpu.memref_slice %arg2[%dma_wait3A_1305] : memref<393216xf32, #tpu.memory_space<hbm>> -> memref<393216xf32, #tpu.memory_space<hbm>>
    tpu.wait_indirect_dma semaphore(%arg11 : memref<!tpu.dma_semaphore, #tpu.memory_space<semaphore_mem>>) src(%dma_wait3A_1306 : memref<393216xf32, #tpu.memory_space<hbm>>) dst(%dma_wait3A_1302 : memref<128xf32, #tpu.memory_space<vmem>>)
    %dma_wait3A_1307 = arith.constant 3072 : i32
    %dma_wait3A_1308 = tpu.memref_slice %arg8[%dma_wait3A_1307] : memref<8192xf32, #tpu.memory_space<vmem>> -> memref<128xf32, #tpu.memory_space<vmem>>
    %dma_wait3A_1309 = arith.constant 3072 : i32
    %dma_wait3A_1310 = tpu.memref_slice %arg5[%dma_wait3A_1309] : memref<8192xi32, #tpu.memory_space<vmem>> -> memref<128xi32, #tpu.memory_space<vmem>>
    %dma_wait3A_1311 = arith.constant 0 : i32
    %dma_wait3A_1312 = tpu.memref_slice %arg2[%dma_wait3A_1311] : memref<393216xf32, #tpu.memory_space<hbm>> -> memref<393216xf32, #tpu.memory_space<hbm>>
    tpu.wait_indirect_dma semaphore(%arg11 : memref<!tpu.dma_semaphore, #tpu.memory_space<semaphore_mem>>) src(%dma_wait3A_1312 : memref<393216xf32, #tpu.memory_space<hbm>>) dst(%dma_wait3A_1308 : memref<128xf32, #tpu.memory_space<vmem>>)
    %dma_wait3A_1313 = arith.constant 3200 : i32
    %dma_wait3A_1314 = tpu.memref_slice %arg8[%dma_wait3A_1313] : memref<8192xf32, #tpu.memory_space<vmem>> -> memref<128xf32, #tpu.memory_space<vmem>>
    %dma_wait3A_1315 = arith.constant 3200 : i32
    %dma_wait3A_1316 = tpu.memref_slice %arg5[%dma_wait3A_1315] : memref<8192xi32, #tpu.memory_space<vmem>> -> memref<128xi32, #tpu.memory_space<vmem>>
    %dma_wait3A_1317 = arith.constant 0 : i32
    %dma_wait3A_1318 = tpu.memref_slice %arg2[%dma_wait3A_1317] : memref<393216xf32, #tpu.memory_space<hbm>> -> memref<393216xf32, #tpu.memory_space<hbm>>
    tpu.wait_indirect_dma semaphore(%arg11 : memref<!tpu.dma_semaphore, #tpu.memory_space<semaphore_mem>>) src(%dma_wait3A_1318 : memref<393216xf32, #tpu.memory_space<hbm>>) dst(%dma_wait3A_1314 : memref<128xf32, #tpu.memory_space<vmem>>)
    %dma_wait3A_1319 = arith.constant 3328 : i32
    %dma_wait3A_1320 = tpu.memref_slice %arg8[%dma_wait3A_1319] : memref<8192xf32, #tpu.memory_space<vmem>> -> memref<128xf32, #tpu.memory_space<vmem>>
    %dma_wait3A_1321 = arith.constant 3328 : i32
    %dma_wait3A_1322 = tpu.memref_slice %arg5[%dma_wait3A_1321] : memref<8192xi32, #tpu.memory_space<vmem>> -> memref<128xi32, #tpu.memory_space<vmem>>
    %dma_wait3A_1323 = arith.constant 0 : i32
    %dma_wait3A_1324 = tpu.memref_slice %arg2[%dma_wait3A_1323] : memref<393216xf32, #tpu.memory_space<hbm>> -> memref<393216xf32, #tpu.memory_space<hbm>>
    tpu.wait_indirect_dma semaphore(%arg11 : memref<!tpu.dma_semaphore, #tpu.memory_space<semaphore_mem>>) src(%dma_wait3A_1324 : memref<393216xf32, #tpu.memory_space<hbm>>) dst(%dma_wait3A_1320 : memref<128xf32, #tpu.memory_space<vmem>>)
    %dma_wait3A_1325 = arith.constant 3456 : i32
    %dma_wait3A_1326 = tpu.memref_slice %arg8[%dma_wait3A_1325] : memref<8192xf32, #tpu.memory_space<vmem>> -> memref<128xf32, #tpu.memory_space<vmem>>
    %dma_wait3A_1327 = arith.constant 3456 : i32
    %dma_wait3A_1328 = tpu.memref_slice %arg5[%dma_wait3A_1327] : memref<8192xi32, #tpu.memory_space<vmem>> -> memref<128xi32, #tpu.memory_space<vmem>>
    %dma_wait3A_1329 = arith.constant 0 : i32
    %dma_wait3A_1330 = tpu.memref_slice %arg2[%dma_wait3A_1329] : memref<393216xf32, #tpu.memory_space<hbm>> -> memref<393216xf32, #tpu.memory_space<hbm>>
    tpu.wait_indirect_dma semaphore(%arg11 : memref<!tpu.dma_semaphore, #tpu.memory_space<semaphore_mem>>) src(%dma_wait3A_1330 : memref<393216xf32, #tpu.memory_space<hbm>>) dst(%dma_wait3A_1326 : memref<128xf32, #tpu.memory_space<vmem>>)
    %dma_wait3A_1331 = arith.constant 3584 : i32
    %dma_wait3A_1332 = tpu.memref_slice %arg8[%dma_wait3A_1331] : memref<8192xf32, #tpu.memory_space<vmem>> -> memref<128xf32, #tpu.memory_space<vmem>>
    %dma_wait3A_1333 = arith.constant 3584 : i32
    %dma_wait3A_1334 = tpu.memref_slice %arg5[%dma_wait3A_1333] : memref<8192xi32, #tpu.memory_space<vmem>> -> memref<128xi32, #tpu.memory_space<vmem>>
    %dma_wait3A_1335 = arith.constant 0 : i32
    %dma_wait3A_1336 = tpu.memref_slice %arg2[%dma_wait3A_1335] : memref<393216xf32, #tpu.memory_space<hbm>> -> memref<393216xf32, #tpu.memory_space<hbm>>
    tpu.wait_indirect_dma semaphore(%arg11 : memref<!tpu.dma_semaphore, #tpu.memory_space<semaphore_mem>>) src(%dma_wait3A_1336 : memref<393216xf32, #tpu.memory_space<hbm>>) dst(%dma_wait3A_1332 : memref<128xf32, #tpu.memory_space<vmem>>)
    %dma_wait3A_1337 = arith.constant 3712 : i32
    %dma_wait3A_1338 = tpu.memref_slice %arg8[%dma_wait3A_1337] : memref<8192xf32, #tpu.memory_space<vmem>> -> memref<128xf32, #tpu.memory_space<vmem>>
    %dma_wait3A_1339 = arith.constant 3712 : i32
    %dma_wait3A_1340 = tpu.memref_slice %arg5[%dma_wait3A_1339] : memref<8192xi32, #tpu.memory_space<vmem>> -> memref<128xi32, #tpu.memory_space<vmem>>
    %dma_wait3A_1341 = arith.constant 0 : i32
    %dma_wait3A_1342 = tpu.memref_slice %arg2[%dma_wait3A_1341] : memref<393216xf32, #tpu.memory_space<hbm>> -> memref<393216xf32, #tpu.memory_space<hbm>>
    tpu.wait_indirect_dma semaphore(%arg11 : memref<!tpu.dma_semaphore, #tpu.memory_space<semaphore_mem>>) src(%dma_wait3A_1342 : memref<393216xf32, #tpu.memory_space<hbm>>) dst(%dma_wait3A_1338 : memref<128xf32, #tpu.memory_space<vmem>>)
    %dma_wait3A_1343 = arith.constant 3840 : i32
    %dma_wait3A_1344 = tpu.memref_slice %arg8[%dma_wait3A_1343] : memref<8192xf32, #tpu.memory_space<vmem>> -> memref<128xf32, #tpu.memory_space<vmem>>
    %dma_wait3A_1345 = arith.constant 3840 : i32
    %dma_wait3A_1346 = tpu.memref_slice %arg5[%dma_wait3A_1345] : memref<8192xi32, #tpu.memory_space<vmem>> -> memref<128xi32, #tpu.memory_space<vmem>>
    %dma_wait3A_1347 = arith.constant 0 : i32
    %dma_wait3A_1348 = tpu.memref_slice %arg2[%dma_wait3A_1347] : memref<393216xf32, #tpu.memory_space<hbm>> -> memref<393216xf32, #tpu.memory_space<hbm>>
    tpu.wait_indirect_dma semaphore(%arg11 : memref<!tpu.dma_semaphore, #tpu.memory_space<semaphore_mem>>) src(%dma_wait3A_1348 : memref<393216xf32, #tpu.memory_space<hbm>>) dst(%dma_wait3A_1344 : memref<128xf32, #tpu.memory_space<vmem>>)
    %dma_wait3A_1349 = arith.constant 3968 : i32
    %dma_wait3A_1350 = tpu.memref_slice %arg8[%dma_wait3A_1349] : memref<8192xf32, #tpu.memory_space<vmem>> -> memref<128xf32, #tpu.memory_space<vmem>>
    %dma_wait3A_1351 = arith.constant 3968 : i32
    %dma_wait3A_1352 = tpu.memref_slice %arg5[%dma_wait3A_1351] : memref<8192xi32, #tpu.memory_space<vmem>> -> memref<128xi32, #tpu.memory_space<vmem>>
    %dma_wait3A_1353 = arith.constant 0 : i32
    %dma_wait3A_1354 = tpu.memref_slice %arg2[%dma_wait3A_1353] : memref<393216xf32, #tpu.memory_space<hbm>> -> memref<393216xf32, #tpu.memory_space<hbm>>
    tpu.wait_indirect_dma semaphore(%arg11 : memref<!tpu.dma_semaphore, #tpu.memory_space<semaphore_mem>>) src(%dma_wait3A_1354 : memref<393216xf32, #tpu.memory_space<hbm>>) dst(%dma_wait3A_1350 : memref<128xf32, #tpu.memory_space<vmem>>)
    %dma_wait3A_1355 = arith.constant 4096 : i32
    %dma_wait3A_1356 = tpu.memref_slice %arg8[%dma_wait3A_1355] : memref<8192xf32, #tpu.memory_space<vmem>> -> memref<128xf32, #tpu.memory_space<vmem>>
    %dma_wait3A_1357 = arith.constant 4096 : i32
    %dma_wait3A_1358 = tpu.memref_slice %arg5[%dma_wait3A_1357] : memref<8192xi32, #tpu.memory_space<vmem>> -> memref<128xi32, #tpu.memory_space<vmem>>
    %dma_wait3A_1359 = arith.constant 0 : i32
    %dma_wait3A_1360 = tpu.memref_slice %arg2[%dma_wait3A_1359] : memref<393216xf32, #tpu.memory_space<hbm>> -> memref<393216xf32, #tpu.memory_space<hbm>>
    tpu.wait_indirect_dma semaphore(%arg11 : memref<!tpu.dma_semaphore, #tpu.memory_space<semaphore_mem>>) src(%dma_wait3A_1360 : memref<393216xf32, #tpu.memory_space<hbm>>) dst(%dma_wait3A_1356 : memref<128xf32, #tpu.memory_space<vmem>>)
    %dma_wait3A_1361 = arith.constant 4224 : i32
    %dma_wait3A_1362 = tpu.memref_slice %arg8[%dma_wait3A_1361] : memref<8192xf32, #tpu.memory_space<vmem>> -> memref<128xf32, #tpu.memory_space<vmem>>
    %dma_wait3A_1363 = arith.constant 4224 : i32
    %dma_wait3A_1364 = tpu.memref_slice %arg5[%dma_wait3A_1363] : memref<8192xi32, #tpu.memory_space<vmem>> -> memref<128xi32, #tpu.memory_space<vmem>>
    %dma_wait3A_1365 = arith.constant 0 : i32
    %dma_wait3A_1366 = tpu.memref_slice %arg2[%dma_wait3A_1365] : memref<393216xf32, #tpu.memory_space<hbm>> -> memref<393216xf32, #tpu.memory_space<hbm>>
    tpu.wait_indirect_dma semaphore(%arg11 : memref<!tpu.dma_semaphore, #tpu.memory_space<semaphore_mem>>) src(%dma_wait3A_1366 : memref<393216xf32, #tpu.memory_space<hbm>>) dst(%dma_wait3A_1362 : memref<128xf32, #tpu.memory_space<vmem>>)
    %dma_wait3A_1367 = arith.constant 4352 : i32
    %dma_wait3A_1368 = tpu.memref_slice %arg8[%dma_wait3A_1367] : memref<8192xf32, #tpu.memory_space<vmem>> -> memref<128xf32, #tpu.memory_space<vmem>>
    %dma_wait3A_1369 = arith.constant 4352 : i32
    %dma_wait3A_1370 = tpu.memref_slice %arg5[%dma_wait3A_1369] : memref<8192xi32, #tpu.memory_space<vmem>> -> memref<128xi32, #tpu.memory_space<vmem>>
    %dma_wait3A_1371 = arith.constant 0 : i32
    %dma_wait3A_1372 = tpu.memref_slice %arg2[%dma_wait3A_1371] : memref<393216xf32, #tpu.memory_space<hbm>> -> memref<393216xf32, #tpu.memory_space<hbm>>
    tpu.wait_indirect_dma semaphore(%arg11 : memref<!tpu.dma_semaphore, #tpu.memory_space<semaphore_mem>>) src(%dma_wait3A_1372 : memref<393216xf32, #tpu.memory_space<hbm>>) dst(%dma_wait3A_1368 : memref<128xf32, #tpu.memory_space<vmem>>)
    %dma_wait3A_1373 = arith.constant 4480 : i32
    %dma_wait3A_1374 = tpu.memref_slice %arg8[%dma_wait3A_1373] : memref<8192xf32, #tpu.memory_space<vmem>> -> memref<128xf32, #tpu.memory_space<vmem>>
    %dma_wait3A_1375 = arith.constant 4480 : i32
    %dma_wait3A_1376 = tpu.memref_slice %arg5[%dma_wait3A_1375] : memref<8192xi32, #tpu.memory_space<vmem>> -> memref<128xi32, #tpu.memory_space<vmem>>
    %dma_wait3A_1377 = arith.constant 0 : i32
    %dma_wait3A_1378 = tpu.memref_slice %arg2[%dma_wait3A_1377] : memref<393216xf32, #tpu.memory_space<hbm>> -> memref<393216xf32, #tpu.memory_space<hbm>>
    tpu.wait_indirect_dma semaphore(%arg11 : memref<!tpu.dma_semaphore, #tpu.memory_space<semaphore_mem>>) src(%dma_wait3A_1378 : memref<393216xf32, #tpu.memory_space<hbm>>) dst(%dma_wait3A_1374 : memref<128xf32, #tpu.memory_space<vmem>>)
    %dma_wait3A_1379 = arith.constant 4608 : i32
    %dma_wait3A_1380 = tpu.memref_slice %arg8[%dma_wait3A_1379] : memref<8192xf32, #tpu.memory_space<vmem>> -> memref<128xf32, #tpu.memory_space<vmem>>
    %dma_wait3A_1381 = arith.constant 4608 : i32
    %dma_wait3A_1382 = tpu.memref_slice %arg5[%dma_wait3A_1381] : memref<8192xi32, #tpu.memory_space<vmem>> -> memref<128xi32, #tpu.memory_space<vmem>>
    %dma_wait3A_1383 = arith.constant 0 : i32
    %dma_wait3A_1384 = tpu.memref_slice %arg2[%dma_wait3A_1383] : memref<393216xf32, #tpu.memory_space<hbm>> -> memref<393216xf32, #tpu.memory_space<hbm>>
    tpu.wait_indirect_dma semaphore(%arg11 : memref<!tpu.dma_semaphore, #tpu.memory_space<semaphore_mem>>) src(%dma_wait3A_1384 : memref<393216xf32, #tpu.memory_space<hbm>>) dst(%dma_wait3A_1380 : memref<128xf32, #tpu.memory_space<vmem>>)
    %dma_wait3A_1385 = arith.constant 4736 : i32
    %dma_wait3A_1386 = tpu.memref_slice %arg8[%dma_wait3A_1385] : memref<8192xf32, #tpu.memory_space<vmem>> -> memref<128xf32, #tpu.memory_space<vmem>>
    %dma_wait3A_1387 = arith.constant 4736 : i32
    %dma_wait3A_1388 = tpu.memref_slice %arg5[%dma_wait3A_1387] : memref<8192xi32, #tpu.memory_space<vmem>> -> memref<128xi32, #tpu.memory_space<vmem>>
    %dma_wait3A_1389 = arith.constant 0 : i32
    %dma_wait3A_1390 = tpu.memref_slice %arg2[%dma_wait3A_1389] : memref<393216xf32, #tpu.memory_space<hbm>> -> memref<393216xf32, #tpu.memory_space<hbm>>
    tpu.wait_indirect_dma semaphore(%arg11 : memref<!tpu.dma_semaphore, #tpu.memory_space<semaphore_mem>>) src(%dma_wait3A_1390 : memref<393216xf32, #tpu.memory_space<hbm>>) dst(%dma_wait3A_1386 : memref<128xf32, #tpu.memory_space<vmem>>)
    %dma_wait3A_1391 = arith.constant 4864 : i32
    %dma_wait3A_1392 = tpu.memref_slice %arg8[%dma_wait3A_1391] : memref<8192xf32, #tpu.memory_space<vmem>> -> memref<128xf32, #tpu.memory_space<vmem>>
    %dma_wait3A_1393 = arith.constant 4864 : i32
    %dma_wait3A_1394 = tpu.memref_slice %arg5[%dma_wait3A_1393] : memref<8192xi32, #tpu.memory_space<vmem>> -> memref<128xi32, #tpu.memory_space<vmem>>
    %dma_wait3A_1395 = arith.constant 0 : i32
    %dma_wait3A_1396 = tpu.memref_slice %arg2[%dma_wait3A_1395] : memref<393216xf32, #tpu.memory_space<hbm>> -> memref<393216xf32, #tpu.memory_space<hbm>>
    tpu.wait_indirect_dma semaphore(%arg11 : memref<!tpu.dma_semaphore, #tpu.memory_space<semaphore_mem>>) src(%dma_wait3A_1396 : memref<393216xf32, #tpu.memory_space<hbm>>) dst(%dma_wait3A_1392 : memref<128xf32, #tpu.memory_space<vmem>>)
    %dma_wait3A_1397 = arith.constant 4992 : i32
    %dma_wait3A_1398 = tpu.memref_slice %arg8[%dma_wait3A_1397] : memref<8192xf32, #tpu.memory_space<vmem>> -> memref<128xf32, #tpu.memory_space<vmem>>
    %dma_wait3A_1399 = arith.constant 4992 : i32
    %dma_wait3A_1400 = tpu.memref_slice %arg5[%dma_wait3A_1399] : memref<8192xi32, #tpu.memory_space<vmem>> -> memref<128xi32, #tpu.memory_space<vmem>>
    %dma_wait3A_1401 = arith.constant 0 : i32
    %dma_wait3A_1402 = tpu.memref_slice %arg2[%dma_wait3A_1401] : memref<393216xf32, #tpu.memory_space<hbm>> -> memref<393216xf32, #tpu.memory_space<hbm>>
    tpu.wait_indirect_dma semaphore(%arg11 : memref<!tpu.dma_semaphore, #tpu.memory_space<semaphore_mem>>) src(%dma_wait3A_1402 : memref<393216xf32, #tpu.memory_space<hbm>>) dst(%dma_wait3A_1398 : memref<128xf32, #tpu.memory_space<vmem>>)
    %dma_wait3A_1403 = arith.constant 5120 : i32
    %dma_wait3A_1404 = tpu.memref_slice %arg8[%dma_wait3A_1403] : memref<8192xf32, #tpu.memory_space<vmem>> -> memref<128xf32, #tpu.memory_space<vmem>>
    %dma_wait3A_1405 = arith.constant 5120 : i32
    %dma_wait3A_1406 = tpu.memref_slice %arg5[%dma_wait3A_1405] : memref<8192xi32, #tpu.memory_space<vmem>> -> memref<128xi32, #tpu.memory_space<vmem>>
    %dma_wait3A_1407 = arith.constant 0 : i32
    %dma_wait3A_1408 = tpu.memref_slice %arg2[%dma_wait3A_1407] : memref<393216xf32, #tpu.memory_space<hbm>> -> memref<393216xf32, #tpu.memory_space<hbm>>
    tpu.wait_indirect_dma semaphore(%arg11 : memref<!tpu.dma_semaphore, #tpu.memory_space<semaphore_mem>>) src(%dma_wait3A_1408 : memref<393216xf32, #tpu.memory_space<hbm>>) dst(%dma_wait3A_1404 : memref<128xf32, #tpu.memory_space<vmem>>)
    %dma_wait3A_1409 = arith.constant 5248 : i32
    %dma_wait3A_1410 = tpu.memref_slice %arg8[%dma_wait3A_1409] : memref<8192xf32, #tpu.memory_space<vmem>> -> memref<128xf32, #tpu.memory_space<vmem>>
    %dma_wait3A_1411 = arith.constant 5248 : i32
    %dma_wait3A_1412 = tpu.memref_slice %arg5[%dma_wait3A_1411] : memref<8192xi32, #tpu.memory_space<vmem>> -> memref<128xi32, #tpu.memory_space<vmem>>
    %dma_wait3A_1413 = arith.constant 0 : i32
    %dma_wait3A_1414 = tpu.memref_slice %arg2[%dma_wait3A_1413] : memref<393216xf32, #tpu.memory_space<hbm>> -> memref<393216xf32, #tpu.memory_space<hbm>>
    tpu.wait_indirect_dma semaphore(%arg11 : memref<!tpu.dma_semaphore, #tpu.memory_space<semaphore_mem>>) src(%dma_wait3A_1414 : memref<393216xf32, #tpu.memory_space<hbm>>) dst(%dma_wait3A_1410 : memref<128xf32, #tpu.memory_space<vmem>>)
    %dma_wait3A_1415 = arith.constant 5376 : i32
    %dma_wait3A_1416 = tpu.memref_slice %arg8[%dma_wait3A_1415] : memref<8192xf32, #tpu.memory_space<vmem>> -> memref<128xf32, #tpu.memory_space<vmem>>
    %dma_wait3A_1417 = arith.constant 5376 : i32
    %dma_wait3A_1418 = tpu.memref_slice %arg5[%dma_wait3A_1417] : memref<8192xi32, #tpu.memory_space<vmem>> -> memref<128xi32, #tpu.memory_space<vmem>>
    %dma_wait3A_1419 = arith.constant 0 : i32
    %dma_wait3A_1420 = tpu.memref_slice %arg2[%dma_wait3A_1419] : memref<393216xf32, #tpu.memory_space<hbm>> -> memref<393216xf32, #tpu.memory_space<hbm>>
    tpu.wait_indirect_dma semaphore(%arg11 : memref<!tpu.dma_semaphore, #tpu.memory_space<semaphore_mem>>) src(%dma_wait3A_1420 : memref<393216xf32, #tpu.memory_space<hbm>>) dst(%dma_wait3A_1416 : memref<128xf32, #tpu.memory_space<vmem>>)
    %dma_wait3A_1421 = arith.constant 5504 : i32
    %dma_wait3A_1422 = tpu.memref_slice %arg8[%dma_wait3A_1421] : memref<8192xf32, #tpu.memory_space<vmem>> -> memref<128xf32, #tpu.memory_space<vmem>>
    %dma_wait3A_1423 = arith.constant 5504 : i32
    %dma_wait3A_1424 = tpu.memref_slice %arg5[%dma_wait3A_1423] : memref<8192xi32, #tpu.memory_space<vmem>> -> memref<128xi32, #tpu.memory_space<vmem>>
    %dma_wait3A_1425 = arith.constant 0 : i32
    %dma_wait3A_1426 = tpu.memref_slice %arg2[%dma_wait3A_1425] : memref<393216xf32, #tpu.memory_space<hbm>> -> memref<393216xf32, #tpu.memory_space<hbm>>
    tpu.wait_indirect_dma semaphore(%arg11 : memref<!tpu.dma_semaphore, #tpu.memory_space<semaphore_mem>>) src(%dma_wait3A_1426 : memref<393216xf32, #tpu.memory_space<hbm>>) dst(%dma_wait3A_1422 : memref<128xf32, #tpu.memory_space<vmem>>)
    %dma_wait3A_1427 = arith.constant 5632 : i32
    %dma_wait3A_1428 = tpu.memref_slice %arg8[%dma_wait3A_1427] : memref<8192xf32, #tpu.memory_space<vmem>> -> memref<128xf32, #tpu.memory_space<vmem>>
    %dma_wait3A_1429 = arith.constant 5632 : i32
    %dma_wait3A_1430 = tpu.memref_slice %arg5[%dma_wait3A_1429] : memref<8192xi32, #tpu.memory_space<vmem>> -> memref<128xi32, #tpu.memory_space<vmem>>
    %dma_wait3A_1431 = arith.constant 0 : i32
    %dma_wait3A_1432 = tpu.memref_slice %arg2[%dma_wait3A_1431] : memref<393216xf32, #tpu.memory_space<hbm>> -> memref<393216xf32, #tpu.memory_space<hbm>>
    tpu.wait_indirect_dma semaphore(%arg11 : memref<!tpu.dma_semaphore, #tpu.memory_space<semaphore_mem>>) src(%dma_wait3A_1432 : memref<393216xf32, #tpu.memory_space<hbm>>) dst(%dma_wait3A_1428 : memref<128xf32, #tpu.memory_space<vmem>>)
    %dma_wait3A_1433 = arith.constant 5760 : i32
    %dma_wait3A_1434 = tpu.memref_slice %arg8[%dma_wait3A_1433] : memref<8192xf32, #tpu.memory_space<vmem>> -> memref<128xf32, #tpu.memory_space<vmem>>
    %dma_wait3A_1435 = arith.constant 5760 : i32
    %dma_wait3A_1436 = tpu.memref_slice %arg5[%dma_wait3A_1435] : memref<8192xi32, #tpu.memory_space<vmem>> -> memref<128xi32, #tpu.memory_space<vmem>>
    %dma_wait3A_1437 = arith.constant 0 : i32
    %dma_wait3A_1438 = tpu.memref_slice %arg2[%dma_wait3A_1437] : memref<393216xf32, #tpu.memory_space<hbm>> -> memref<393216xf32, #tpu.memory_space<hbm>>
    tpu.wait_indirect_dma semaphore(%arg11 : memref<!tpu.dma_semaphore, #tpu.memory_space<semaphore_mem>>) src(%dma_wait3A_1438 : memref<393216xf32, #tpu.memory_space<hbm>>) dst(%dma_wait3A_1434 : memref<128xf32, #tpu.memory_space<vmem>>)
    %dma_wait3A_1439 = arith.constant 5888 : i32
    %dma_wait3A_1440 = tpu.memref_slice %arg8[%dma_wait3A_1439] : memref<8192xf32, #tpu.memory_space<vmem>> -> memref<128xf32, #tpu.memory_space<vmem>>
    %dma_wait3A_1441 = arith.constant 5888 : i32
    %dma_wait3A_1442 = tpu.memref_slice %arg5[%dma_wait3A_1441] : memref<8192xi32, #tpu.memory_space<vmem>> -> memref<128xi32, #tpu.memory_space<vmem>>
    %dma_wait3A_1443 = arith.constant 0 : i32
    %dma_wait3A_1444 = tpu.memref_slice %arg2[%dma_wait3A_1443] : memref<393216xf32, #tpu.memory_space<hbm>> -> memref<393216xf32, #tpu.memory_space<hbm>>
    tpu.wait_indirect_dma semaphore(%arg11 : memref<!tpu.dma_semaphore, #tpu.memory_space<semaphore_mem>>) src(%dma_wait3A_1444 : memref<393216xf32, #tpu.memory_space<hbm>>) dst(%dma_wait3A_1440 : memref<128xf32, #tpu.memory_space<vmem>>)
    %dma_wait3A_1445 = arith.constant 6016 : i32
    %dma_wait3A_1446 = tpu.memref_slice %arg8[%dma_wait3A_1445] : memref<8192xf32, #tpu.memory_space<vmem>> -> memref<128xf32, #tpu.memory_space<vmem>>
    %dma_wait3A_1447 = arith.constant 6016 : i32
    %dma_wait3A_1448 = tpu.memref_slice %arg5[%dma_wait3A_1447] : memref<8192xi32, #tpu.memory_space<vmem>> -> memref<128xi32, #tpu.memory_space<vmem>>
    %dma_wait3A_1449 = arith.constant 0 : i32
    %dma_wait3A_1450 = tpu.memref_slice %arg2[%dma_wait3A_1449] : memref<393216xf32, #tpu.memory_space<hbm>> -> memref<393216xf32, #tpu.memory_space<hbm>>
    tpu.wait_indirect_dma semaphore(%arg11 : memref<!tpu.dma_semaphore, #tpu.memory_space<semaphore_mem>>) src(%dma_wait3A_1450 : memref<393216xf32, #tpu.memory_space<hbm>>) dst(%dma_wait3A_1446 : memref<128xf32, #tpu.memory_space<vmem>>)
    %dma_wait3A_1451 = arith.constant 6144 : i32
    %dma_wait3A_1452 = tpu.memref_slice %arg8[%dma_wait3A_1451] : memref<8192xf32, #tpu.memory_space<vmem>> -> memref<128xf32, #tpu.memory_space<vmem>>
    %dma_wait3A_1453 = arith.constant 6144 : i32
    %dma_wait3A_1454 = tpu.memref_slice %arg5[%dma_wait3A_1453] : memref<8192xi32, #tpu.memory_space<vmem>> -> memref<128xi32, #tpu.memory_space<vmem>>
    %dma_wait3A_1455 = arith.constant 0 : i32
    %dma_wait3A_1456 = tpu.memref_slice %arg2[%dma_wait3A_1455] : memref<393216xf32, #tpu.memory_space<hbm>> -> memref<393216xf32, #tpu.memory_space<hbm>>
    tpu.wait_indirect_dma semaphore(%arg11 : memref<!tpu.dma_semaphore, #tpu.memory_space<semaphore_mem>>) src(%dma_wait3A_1456 : memref<393216xf32, #tpu.memory_space<hbm>>) dst(%dma_wait3A_1452 : memref<128xf32, #tpu.memory_space<vmem>>)
    %dma_wait3A_1457 = arith.constant 6272 : i32
    %dma_wait3A_1458 = tpu.memref_slice %arg8[%dma_wait3A_1457] : memref<8192xf32, #tpu.memory_space<vmem>> -> memref<128xf32, #tpu.memory_space<vmem>>
    %dma_wait3A_1459 = arith.constant 6272 : i32
    %dma_wait3A_1460 = tpu.memref_slice %arg5[%dma_wait3A_1459] : memref<8192xi32, #tpu.memory_space<vmem>> -> memref<128xi32, #tpu.memory_space<vmem>>
    %dma_wait3A_1461 = arith.constant 0 : i32
    %dma_wait3A_1462 = tpu.memref_slice %arg2[%dma_wait3A_1461] : memref<393216xf32, #tpu.memory_space<hbm>> -> memref<393216xf32, #tpu.memory_space<hbm>>
    tpu.wait_indirect_dma semaphore(%arg11 : memref<!tpu.dma_semaphore, #tpu.memory_space<semaphore_mem>>) src(%dma_wait3A_1462 : memref<393216xf32, #tpu.memory_space<hbm>>) dst(%dma_wait3A_1458 : memref<128xf32, #tpu.memory_space<vmem>>)
    %dma_wait3A_1463 = arith.constant 6400 : i32
    %dma_wait3A_1464 = tpu.memref_slice %arg8[%dma_wait3A_1463] : memref<8192xf32, #tpu.memory_space<vmem>> -> memref<128xf32, #tpu.memory_space<vmem>>
    %dma_wait3A_1465 = arith.constant 6400 : i32
    %dma_wait3A_1466 = tpu.memref_slice %arg5[%dma_wait3A_1465] : memref<8192xi32, #tpu.memory_space<vmem>> -> memref<128xi32, #tpu.memory_space<vmem>>
    %dma_wait3A_1467 = arith.constant 0 : i32
    %dma_wait3A_1468 = tpu.memref_slice %arg2[%dma_wait3A_1467] : memref<393216xf32, #tpu.memory_space<hbm>> -> memref<393216xf32, #tpu.memory_space<hbm>>
    tpu.wait_indirect_dma semaphore(%arg11 : memref<!tpu.dma_semaphore, #tpu.memory_space<semaphore_mem>>) src(%dma_wait3A_1468 : memref<393216xf32, #tpu.memory_space<hbm>>) dst(%dma_wait3A_1464 : memref<128xf32, #tpu.memory_space<vmem>>)
    %dma_wait3A_1469 = arith.constant 6528 : i32
    %dma_wait3A_1470 = tpu.memref_slice %arg8[%dma_wait3A_1469] : memref<8192xf32, #tpu.memory_space<vmem>> -> memref<128xf32, #tpu.memory_space<vmem>>
    %dma_wait3A_1471 = arith.constant 6528 : i32
    %dma_wait3A_1472 = tpu.memref_slice %arg5[%dma_wait3A_1471] : memref<8192xi32, #tpu.memory_space<vmem>> -> memref<128xi32, #tpu.memory_space<vmem>>
    %dma_wait3A_1473 = arith.constant 0 : i32
    %dma_wait3A_1474 = tpu.memref_slice %arg2[%dma_wait3A_1473] : memref<393216xf32, #tpu.memory_space<hbm>> -> memref<393216xf32, #tpu.memory_space<hbm>>
    tpu.wait_indirect_dma semaphore(%arg11 : memref<!tpu.dma_semaphore, #tpu.memory_space<semaphore_mem>>) src(%dma_wait3A_1474 : memref<393216xf32, #tpu.memory_space<hbm>>) dst(%dma_wait3A_1470 : memref<128xf32, #tpu.memory_space<vmem>>)
    %dma_wait3A_1475 = arith.constant 6656 : i32
    %dma_wait3A_1476 = tpu.memref_slice %arg8[%dma_wait3A_1475] : memref<8192xf32, #tpu.memory_space<vmem>> -> memref<128xf32, #tpu.memory_space<vmem>>
    %dma_wait3A_1477 = arith.constant 6656 : i32
    %dma_wait3A_1478 = tpu.memref_slice %arg5[%dma_wait3A_1477] : memref<8192xi32, #tpu.memory_space<vmem>> -> memref<128xi32, #tpu.memory_space<vmem>>
    %dma_wait3A_1479 = arith.constant 0 : i32
    %dma_wait3A_1480 = tpu.memref_slice %arg2[%dma_wait3A_1479] : memref<393216xf32, #tpu.memory_space<hbm>> -> memref<393216xf32, #tpu.memory_space<hbm>>
    tpu.wait_indirect_dma semaphore(%arg11 : memref<!tpu.dma_semaphore, #tpu.memory_space<semaphore_mem>>) src(%dma_wait3A_1480 : memref<393216xf32, #tpu.memory_space<hbm>>) dst(%dma_wait3A_1476 : memref<128xf32, #tpu.memory_space<vmem>>)
    %dma_wait3A_1481 = arith.constant 6784 : i32
    %dma_wait3A_1482 = tpu.memref_slice %arg8[%dma_wait3A_1481] : memref<8192xf32, #tpu.memory_space<vmem>> -> memref<128xf32, #tpu.memory_space<vmem>>
    %dma_wait3A_1483 = arith.constant 6784 : i32
    %dma_wait3A_1484 = tpu.memref_slice %arg5[%dma_wait3A_1483] : memref<8192xi32, #tpu.memory_space<vmem>> -> memref<128xi32, #tpu.memory_space<vmem>>
    %dma_wait3A_1485 = arith.constant 0 : i32
    %dma_wait3A_1486 = tpu.memref_slice %arg2[%dma_wait3A_1485] : memref<393216xf32, #tpu.memory_space<hbm>> -> memref<393216xf32, #tpu.memory_space<hbm>>
    tpu.wait_indirect_dma semaphore(%arg11 : memref<!tpu.dma_semaphore, #tpu.memory_space<semaphore_mem>>) src(%dma_wait3A_1486 : memref<393216xf32, #tpu.memory_space<hbm>>) dst(%dma_wait3A_1482 : memref<128xf32, #tpu.memory_space<vmem>>)
    %dma_wait3A_1487 = arith.constant 6912 : i32
    %dma_wait3A_1488 = tpu.memref_slice %arg8[%dma_wait3A_1487] : memref<8192xf32, #tpu.memory_space<vmem>> -> memref<128xf32, #tpu.memory_space<vmem>>
    %dma_wait3A_1489 = arith.constant 6912 : i32
    %dma_wait3A_1490 = tpu.memref_slice %arg5[%dma_wait3A_1489] : memref<8192xi32, #tpu.memory_space<vmem>> -> memref<128xi32, #tpu.memory_space<vmem>>
    %dma_wait3A_1491 = arith.constant 0 : i32
    %dma_wait3A_1492 = tpu.memref_slice %arg2[%dma_wait3A_1491] : memref<393216xf32, #tpu.memory_space<hbm>> -> memref<393216xf32, #tpu.memory_space<hbm>>
    tpu.wait_indirect_dma semaphore(%arg11 : memref<!tpu.dma_semaphore, #tpu.memory_space<semaphore_mem>>) src(%dma_wait3A_1492 : memref<393216xf32, #tpu.memory_space<hbm>>) dst(%dma_wait3A_1488 : memref<128xf32, #tpu.memory_space<vmem>>)
    %dma_wait3A_1493 = arith.constant 7040 : i32
    %dma_wait3A_1494 = tpu.memref_slice %arg8[%dma_wait3A_1493] : memref<8192xf32, #tpu.memory_space<vmem>> -> memref<128xf32, #tpu.memory_space<vmem>>
    %dma_wait3A_1495 = arith.constant 7040 : i32
    %dma_wait3A_1496 = tpu.memref_slice %arg5[%dma_wait3A_1495] : memref<8192xi32, #tpu.memory_space<vmem>> -> memref<128xi32, #tpu.memory_space<vmem>>
    %dma_wait3A_1497 = arith.constant 0 : i32
    %dma_wait3A_1498 = tpu.memref_slice %arg2[%dma_wait3A_1497] : memref<393216xf32, #tpu.memory_space<hbm>> -> memref<393216xf32, #tpu.memory_space<hbm>>
    tpu.wait_indirect_dma semaphore(%arg11 : memref<!tpu.dma_semaphore, #tpu.memory_space<semaphore_mem>>) src(%dma_wait3A_1498 : memref<393216xf32, #tpu.memory_space<hbm>>) dst(%dma_wait3A_1494 : memref<128xf32, #tpu.memory_space<vmem>>)
    %dma_wait3A_1499 = arith.constant 7168 : i32
    %dma_wait3A_1500 = tpu.memref_slice %arg8[%dma_wait3A_1499] : memref<8192xf32, #tpu.memory_space<vmem>> -> memref<128xf32, #tpu.memory_space<vmem>>
    %dma_wait3A_1501 = arith.constant 7168 : i32
    %dma_wait3A_1502 = tpu.memref_slice %arg5[%dma_wait3A_1501] : memref<8192xi32, #tpu.memory_space<vmem>> -> memref<128xi32, #tpu.memory_space<vmem>>
    %dma_wait3A_1503 = arith.constant 0 : i32
    %dma_wait3A_1504 = tpu.memref_slice %arg2[%dma_wait3A_1503] : memref<393216xf32, #tpu.memory_space<hbm>> -> memref<393216xf32, #tpu.memory_space<hbm>>
    tpu.wait_indirect_dma semaphore(%arg11 : memref<!tpu.dma_semaphore, #tpu.memory_space<semaphore_mem>>) src(%dma_wait3A_1504 : memref<393216xf32, #tpu.memory_space<hbm>>) dst(%dma_wait3A_1500 : memref<128xf32, #tpu.memory_space<vmem>>)
    %dma_wait3A_1505 = arith.constant 7296 : i32
    %dma_wait3A_1506 = tpu.memref_slice %arg8[%dma_wait3A_1505] : memref<8192xf32, #tpu.memory_space<vmem>> -> memref<128xf32, #tpu.memory_space<vmem>>
    %dma_wait3A_1507 = arith.constant 7296 : i32
    %dma_wait3A_1508 = tpu.memref_slice %arg5[%dma_wait3A_1507] : memref<8192xi32, #tpu.memory_space<vmem>> -> memref<128xi32, #tpu.memory_space<vmem>>
    %dma_wait3A_1509 = arith.constant 0 : i32
    %dma_wait3A_1510 = tpu.memref_slice %arg2[%dma_wait3A_1509] : memref<393216xf32, #tpu.memory_space<hbm>> -> memref<393216xf32, #tpu.memory_space<hbm>>
    tpu.wait_indirect_dma semaphore(%arg11 : memref<!tpu.dma_semaphore, #tpu.memory_space<semaphore_mem>>) src(%dma_wait3A_1510 : memref<393216xf32, #tpu.memory_space<hbm>>) dst(%dma_wait3A_1506 : memref<128xf32, #tpu.memory_space<vmem>>)
    %dma_wait3A_1511 = arith.constant 7424 : i32
    %dma_wait3A_1512 = tpu.memref_slice %arg8[%dma_wait3A_1511] : memref<8192xf32, #tpu.memory_space<vmem>> -> memref<128xf32, #tpu.memory_space<vmem>>
    %dma_wait3A_1513 = arith.constant 7424 : i32
    %dma_wait3A_1514 = tpu.memref_slice %arg5[%dma_wait3A_1513] : memref<8192xi32, #tpu.memory_space<vmem>> -> memref<128xi32, #tpu.memory_space<vmem>>
    %dma_wait3A_1515 = arith.constant 0 : i32
    %dma_wait3A_1516 = tpu.memref_slice %arg2[%dma_wait3A_1515] : memref<393216xf32, #tpu.memory_space<hbm>> -> memref<393216xf32, #tpu.memory_space<hbm>>
    tpu.wait_indirect_dma semaphore(%arg11 : memref<!tpu.dma_semaphore, #tpu.memory_space<semaphore_mem>>) src(%dma_wait3A_1516 : memref<393216xf32, #tpu.memory_space<hbm>>) dst(%dma_wait3A_1512 : memref<128xf32, #tpu.memory_space<vmem>>)
    %dma_wait3A_1517 = arith.constant 7552 : i32
    %dma_wait3A_1518 = tpu.memref_slice %arg8[%dma_wait3A_1517] : memref<8192xf32, #tpu.memory_space<vmem>> -> memref<128xf32, #tpu.memory_space<vmem>>
    %dma_wait3A_1519 = arith.constant 7552 : i32
    %dma_wait3A_1520 = tpu.memref_slice %arg5[%dma_wait3A_1519] : memref<8192xi32, #tpu.memory_space<vmem>> -> memref<128xi32, #tpu.memory_space<vmem>>
    %dma_wait3A_1521 = arith.constant 0 : i32
    %dma_wait3A_1522 = tpu.memref_slice %arg2[%dma_wait3A_1521] : memref<393216xf32, #tpu.memory_space<hbm>> -> memref<393216xf32, #tpu.memory_space<hbm>>
    tpu.wait_indirect_dma semaphore(%arg11 : memref<!tpu.dma_semaphore, #tpu.memory_space<semaphore_mem>>) src(%dma_wait3A_1522 : memref<393216xf32, #tpu.memory_space<hbm>>) dst(%dma_wait3A_1518 : memref<128xf32, #tpu.memory_space<vmem>>)
    %dma_wait3A_1523 = arith.constant 7680 : i32
    %dma_wait3A_1524 = tpu.memref_slice %arg8[%dma_wait3A_1523] : memref<8192xf32, #tpu.memory_space<vmem>> -> memref<128xf32, #tpu.memory_space<vmem>>
    %dma_wait3A_1525 = arith.constant 7680 : i32
    %dma_wait3A_1526 = tpu.memref_slice %arg5[%dma_wait3A_1525] : memref<8192xi32, #tpu.memory_space<vmem>> -> memref<128xi32, #tpu.memory_space<vmem>>
    %dma_wait3A_1527 = arith.constant 0 : i32
    %dma_wait3A_1528 = tpu.memref_slice %arg2[%dma_wait3A_1527] : memref<393216xf32, #tpu.memory_space<hbm>> -> memref<393216xf32, #tpu.memory_space<hbm>>
    tpu.wait_indirect_dma semaphore(%arg11 : memref<!tpu.dma_semaphore, #tpu.memory_space<semaphore_mem>>) src(%dma_wait3A_1528 : memref<393216xf32, #tpu.memory_space<hbm>>) dst(%dma_wait3A_1524 : memref<128xf32, #tpu.memory_space<vmem>>)
    %dma_wait3A_1529 = arith.constant 7808 : i32
    %dma_wait3A_1530 = tpu.memref_slice %arg8[%dma_wait3A_1529] : memref<8192xf32, #tpu.memory_space<vmem>> -> memref<128xf32, #tpu.memory_space<vmem>>
    %dma_wait3A_1531 = arith.constant 7808 : i32
    %dma_wait3A_1532 = tpu.memref_slice %arg5[%dma_wait3A_1531] : memref<8192xi32, #tpu.memory_space<vmem>> -> memref<128xi32, #tpu.memory_space<vmem>>
    %dma_wait3A_1533 = arith.constant 0 : i32
    %dma_wait3A_1534 = tpu.memref_slice %arg2[%dma_wait3A_1533] : memref<393216xf32, #tpu.memory_space<hbm>> -> memref<393216xf32, #tpu.memory_space<hbm>>
    tpu.wait_indirect_dma semaphore(%arg11 : memref<!tpu.dma_semaphore, #tpu.memory_space<semaphore_mem>>) src(%dma_wait3A_1534 : memref<393216xf32, #tpu.memory_space<hbm>>) dst(%dma_wait3A_1530 : memref<128xf32, #tpu.memory_space<vmem>>)
    %dma_wait3A_1535 = arith.constant 7936 : i32
    %dma_wait3A_1536 = tpu.memref_slice %arg8[%dma_wait3A_1535] : memref<8192xf32, #tpu.memory_space<vmem>> -> memref<128xf32, #tpu.memory_space<vmem>>
    %dma_wait3A_1537 = arith.constant 7936 : i32
    %dma_wait3A_1538 = tpu.memref_slice %arg5[%dma_wait3A_1537] : memref<8192xi32, #tpu.memory_space<vmem>> -> memref<128xi32, #tpu.memory_space<vmem>>
    %dma_wait3A_1539 = arith.constant 0 : i32
    %dma_wait3A_1540 = tpu.memref_slice %arg2[%dma_wait3A_1539] : memref<393216xf32, #tpu.memory_space<hbm>> -> memref<393216xf32, #tpu.memory_space<hbm>>
    tpu.wait_indirect_dma semaphore(%arg11 : memref<!tpu.dma_semaphore, #tpu.memory_space<semaphore_mem>>) src(%dma_wait3A_1540 : memref<393216xf32, #tpu.memory_space<hbm>>) dst(%dma_wait3A_1536 : memref<128xf32, #tpu.memory_space<vmem>>)
    %dma_wait3A_1541 = arith.constant 8064 : i32
    %dma_wait3A_1542 = tpu.memref_slice %arg8[%dma_wait3A_1541] : memref<8192xf32, #tpu.memory_space<vmem>> -> memref<128xf32, #tpu.memory_space<vmem>>
    %dma_wait3A_1543 = arith.constant 8064 : i32
    %dma_wait3A_1544 = tpu.memref_slice %arg5[%dma_wait3A_1543] : memref<8192xi32, #tpu.memory_space<vmem>> -> memref<128xi32, #tpu.memory_space<vmem>>
    %dma_wait3A_1545 = arith.constant 0 : i32
    %dma_wait3A_1546 = tpu.memref_slice %arg2[%dma_wait3A_1545] : memref<393216xf32, #tpu.memory_space<hbm>> -> memref<393216xf32, #tpu.memory_space<hbm>>
    tpu.wait_indirect_dma semaphore(%arg11 : memref<!tpu.dma_semaphore, #tpu.memory_space<semaphore_mem>>) src(%dma_wait3A_1546 : memref<393216xf32, #tpu.memory_space<hbm>>) dst(%dma_wait3A_1542 : memref<128xf32, #tpu.memory_space<vmem>>)
    %dma_wait3A_1547 = arith.constant 0 : i32
    %dma_wait3A_1548 = tpu.memref_slice %arg9[%dma_wait3A_1547] : memref<8192xf32, #tpu.memory_space<vmem>> -> memref<128xf32, #tpu.memory_space<vmem>>
    %dma_wait3A_1549 = arith.constant 0 : i32
    %dma_wait3A_1550 = tpu.memref_slice %arg6[%dma_wait3A_1549] : memref<8192xi32, #tpu.memory_space<vmem>> -> memref<128xi32, #tpu.memory_space<vmem>>
    %dma_wait3A_1551 = arith.constant 0 : i32
    %dma_wait3A_1552 = tpu.memref_slice %arg2[%dma_wait3A_1551] : memref<393216xf32, #tpu.memory_space<hbm>> -> memref<393216xf32, #tpu.memory_space<hbm>>
    tpu.wait_indirect_dma semaphore(%arg11 : memref<!tpu.dma_semaphore, #tpu.memory_space<semaphore_mem>>) src(%dma_wait3A_1552 : memref<393216xf32, #tpu.memory_space<hbm>>) dst(%dma_wait3A_1548 : memref<128xf32, #tpu.memory_space<vmem>>)
    %dma_wait3A_1553 = arith.constant 128 : i32
    %dma_wait3A_1554 = tpu.memref_slice %arg9[%dma_wait3A_1553] : memref<8192xf32, #tpu.memory_space<vmem>> -> memref<128xf32, #tpu.memory_space<vmem>>
    %dma_wait3A_1555 = arith.constant 128 : i32
    %dma_wait3A_1556 = tpu.memref_slice %arg6[%dma_wait3A_1555] : memref<8192xi32, #tpu.memory_space<vmem>> -> memref<128xi32, #tpu.memory_space<vmem>>
    %dma_wait3A_1557 = arith.constant 0 : i32
    %dma_wait3A_1558 = tpu.memref_slice %arg2[%dma_wait3A_1557] : memref<393216xf32, #tpu.memory_space<hbm>> -> memref<393216xf32, #tpu.memory_space<hbm>>
    tpu.wait_indirect_dma semaphore(%arg11 : memref<!tpu.dma_semaphore, #tpu.memory_space<semaphore_mem>>) src(%dma_wait3A_1558 : memref<393216xf32, #tpu.memory_space<hbm>>) dst(%dma_wait3A_1554 : memref<128xf32, #tpu.memory_space<vmem>>)
    %dma_wait3A_1559 = arith.constant 256 : i32
    %dma_wait3A_1560 = tpu.memref_slice %arg9[%dma_wait3A_1559] : memref<8192xf32, #tpu.memory_space<vmem>> -> memref<128xf32, #tpu.memory_space<vmem>>
    %dma_wait3A_1561 = arith.constant 256 : i32
    %dma_wait3A_1562 = tpu.memref_slice %arg6[%dma_wait3A_1561] : memref<8192xi32, #tpu.memory_space<vmem>> -> memref<128xi32, #tpu.memory_space<vmem>>
    %dma_wait3A_1563 = arith.constant 0 : i32
    %dma_wait3A_1564 = tpu.memref_slice %arg2[%dma_wait3A_1563] : memref<393216xf32, #tpu.memory_space<hbm>> -> memref<393216xf32, #tpu.memory_space<hbm>>
    tpu.wait_indirect_dma semaphore(%arg11 : memref<!tpu.dma_semaphore, #tpu.memory_space<semaphore_mem>>) src(%dma_wait3A_1564 : memref<393216xf32, #tpu.memory_space<hbm>>) dst(%dma_wait3A_1560 : memref<128xf32, #tpu.memory_space<vmem>>)
    %dma_wait3A_1565 = arith.constant 384 : i32
    %dma_wait3A_1566 = tpu.memref_slice %arg9[%dma_wait3A_1565] : memref<8192xf32, #tpu.memory_space<vmem>> -> memref<128xf32, #tpu.memory_space<vmem>>
    %dma_wait3A_1567 = arith.constant 384 : i32
    %dma_wait3A_1568 = tpu.memref_slice %arg6[%dma_wait3A_1567] : memref<8192xi32, #tpu.memory_space<vmem>> -> memref<128xi32, #tpu.memory_space<vmem>>
    %dma_wait3A_1569 = arith.constant 0 : i32
    %dma_wait3A_1570 = tpu.memref_slice %arg2[%dma_wait3A_1569] : memref<393216xf32, #tpu.memory_space<hbm>> -> memref<393216xf32, #tpu.memory_space<hbm>>
    tpu.wait_indirect_dma semaphore(%arg11 : memref<!tpu.dma_semaphore, #tpu.memory_space<semaphore_mem>>) src(%dma_wait3A_1570 : memref<393216xf32, #tpu.memory_space<hbm>>) dst(%dma_wait3A_1566 : memref<128xf32, #tpu.memory_space<vmem>>)
    %dma_wait3A_1571 = arith.constant 512 : i32
    %dma_wait3A_1572 = tpu.memref_slice %arg9[%dma_wait3A_1571] : memref<8192xf32, #tpu.memory_space<vmem>> -> memref<128xf32, #tpu.memory_space<vmem>>
    %dma_wait3A_1573 = arith.constant 512 : i32
    %dma_wait3A_1574 = tpu.memref_slice %arg6[%dma_wait3A_1573] : memref<8192xi32, #tpu.memory_space<vmem>> -> memref<128xi32, #tpu.memory_space<vmem>>
    %dma_wait3A_1575 = arith.constant 0 : i32
    %dma_wait3A_1576 = tpu.memref_slice %arg2[%dma_wait3A_1575] : memref<393216xf32, #tpu.memory_space<hbm>> -> memref<393216xf32, #tpu.memory_space<hbm>>
    tpu.wait_indirect_dma semaphore(%arg11 : memref<!tpu.dma_semaphore, #tpu.memory_space<semaphore_mem>>) src(%dma_wait3A_1576 : memref<393216xf32, #tpu.memory_space<hbm>>) dst(%dma_wait3A_1572 : memref<128xf32, #tpu.memory_space<vmem>>)
    %dma_wait3A_1577 = arith.constant 640 : i32
    %dma_wait3A_1578 = tpu.memref_slice %arg9[%dma_wait3A_1577] : memref<8192xf32, #tpu.memory_space<vmem>> -> memref<128xf32, #tpu.memory_space<vmem>>
    %dma_wait3A_1579 = arith.constant 640 : i32
    %dma_wait3A_1580 = tpu.memref_slice %arg6[%dma_wait3A_1579] : memref<8192xi32, #tpu.memory_space<vmem>> -> memref<128xi32, #tpu.memory_space<vmem>>
    %dma_wait3A_1581 = arith.constant 0 : i32
    %dma_wait3A_1582 = tpu.memref_slice %arg2[%dma_wait3A_1581] : memref<393216xf32, #tpu.memory_space<hbm>> -> memref<393216xf32, #tpu.memory_space<hbm>>
    tpu.wait_indirect_dma semaphore(%arg11 : memref<!tpu.dma_semaphore, #tpu.memory_space<semaphore_mem>>) src(%dma_wait3A_1582 : memref<393216xf32, #tpu.memory_space<hbm>>) dst(%dma_wait3A_1578 : memref<128xf32, #tpu.memory_space<vmem>>)
    %dma_wait3A_1583 = arith.constant 768 : i32
    %dma_wait3A_1584 = tpu.memref_slice %arg9[%dma_wait3A_1583] : memref<8192xf32, #tpu.memory_space<vmem>> -> memref<128xf32, #tpu.memory_space<vmem>>
    %dma_wait3A_1585 = arith.constant 768 : i32
    %dma_wait3A_1586 = tpu.memref_slice %arg6[%dma_wait3A_1585] : memref<8192xi32, #tpu.memory_space<vmem>> -> memref<128xi32, #tpu.memory_space<vmem>>
    %dma_wait3A_1587 = arith.constant 0 : i32
    %dma_wait3A_1588 = tpu.memref_slice %arg2[%dma_wait3A_1587] : memref<393216xf32, #tpu.memory_space<hbm>> -> memref<393216xf32, #tpu.memory_space<hbm>>
    tpu.wait_indirect_dma semaphore(%arg11 : memref<!tpu.dma_semaphore, #tpu.memory_space<semaphore_mem>>) src(%dma_wait3A_1588 : memref<393216xf32, #tpu.memory_space<hbm>>) dst(%dma_wait3A_1584 : memref<128xf32, #tpu.memory_space<vmem>>)
    %dma_wait3A_1589 = arith.constant 896 : i32
    %dma_wait3A_1590 = tpu.memref_slice %arg9[%dma_wait3A_1589] : memref<8192xf32, #tpu.memory_space<vmem>> -> memref<128xf32, #tpu.memory_space<vmem>>
    %dma_wait3A_1591 = arith.constant 896 : i32
    %dma_wait3A_1592 = tpu.memref_slice %arg6[%dma_wait3A_1591] : memref<8192xi32, #tpu.memory_space<vmem>> -> memref<128xi32, #tpu.memory_space<vmem>>
    %dma_wait3A_1593 = arith.constant 0 : i32
    %dma_wait3A_1594 = tpu.memref_slice %arg2[%dma_wait3A_1593] : memref<393216xf32, #tpu.memory_space<hbm>> -> memref<393216xf32, #tpu.memory_space<hbm>>
    tpu.wait_indirect_dma semaphore(%arg11 : memref<!tpu.dma_semaphore, #tpu.memory_space<semaphore_mem>>) src(%dma_wait3A_1594 : memref<393216xf32, #tpu.memory_space<hbm>>) dst(%dma_wait3A_1590 : memref<128xf32, #tpu.memory_space<vmem>>)
    %dma_wait3A_1595 = arith.constant 1024 : i32
    %dma_wait3A_1596 = tpu.memref_slice %arg9[%dma_wait3A_1595] : memref<8192xf32, #tpu.memory_space<vmem>> -> memref<128xf32, #tpu.memory_space<vmem>>
    %dma_wait3A_1597 = arith.constant 1024 : i32
    %dma_wait3A_1598 = tpu.memref_slice %arg6[%dma_wait3A_1597] : memref<8192xi32, #tpu.memory_space<vmem>> -> memref<128xi32, #tpu.memory_space<vmem>>
    %dma_wait3A_1599 = arith.constant 0 : i32
    %dma_wait3A_1600 = tpu.memref_slice %arg2[%dma_wait3A_1599] : memref<393216xf32, #tpu.memory_space<hbm>> -> memref<393216xf32, #tpu.memory_space<hbm>>
    tpu.wait_indirect_dma semaphore(%arg11 : memref<!tpu.dma_semaphore, #tpu.memory_space<semaphore_mem>>) src(%dma_wait3A_1600 : memref<393216xf32, #tpu.memory_space<hbm>>) dst(%dma_wait3A_1596 : memref<128xf32, #tpu.memory_space<vmem>>)
    %dma_wait3A_1601 = arith.constant 1152 : i32
    %dma_wait3A_1602 = tpu.memref_slice %arg9[%dma_wait3A_1601] : memref<8192xf32, #tpu.memory_space<vmem>> -> memref<128xf32, #tpu.memory_space<vmem>>
    %dma_wait3A_1603 = arith.constant 1152 : i32
    %dma_wait3A_1604 = tpu.memref_slice %arg6[%dma_wait3A_1603] : memref<8192xi32, #tpu.memory_space<vmem>> -> memref<128xi32, #tpu.memory_space<vmem>>
    %dma_wait3A_1605 = arith.constant 0 : i32
    %dma_wait3A_1606 = tpu.memref_slice %arg2[%dma_wait3A_1605] : memref<393216xf32, #tpu.memory_space<hbm>> -> memref<393216xf32, #tpu.memory_space<hbm>>
    tpu.wait_indirect_dma semaphore(%arg11 : memref<!tpu.dma_semaphore, #tpu.memory_space<semaphore_mem>>) src(%dma_wait3A_1606 : memref<393216xf32, #tpu.memory_space<hbm>>) dst(%dma_wait3A_1602 : memref<128xf32, #tpu.memory_space<vmem>>)
    %dma_wait3A_1607 = arith.constant 1280 : i32
    %dma_wait3A_1608 = tpu.memref_slice %arg9[%dma_wait3A_1607] : memref<8192xf32, #tpu.memory_space<vmem>> -> memref<128xf32, #tpu.memory_space<vmem>>
    %dma_wait3A_1609 = arith.constant 1280 : i32
    %dma_wait3A_1610 = tpu.memref_slice %arg6[%dma_wait3A_1609] : memref<8192xi32, #tpu.memory_space<vmem>> -> memref<128xi32, #tpu.memory_space<vmem>>
    %dma_wait3A_1611 = arith.constant 0 : i32
    %dma_wait3A_1612 = tpu.memref_slice %arg2[%dma_wait3A_1611] : memref<393216xf32, #tpu.memory_space<hbm>> -> memref<393216xf32, #tpu.memory_space<hbm>>
    tpu.wait_indirect_dma semaphore(%arg11 : memref<!tpu.dma_semaphore, #tpu.memory_space<semaphore_mem>>) src(%dma_wait3A_1612 : memref<393216xf32, #tpu.memory_space<hbm>>) dst(%dma_wait3A_1608 : memref<128xf32, #tpu.memory_space<vmem>>)
    %dma_wait3A_1613 = arith.constant 1408 : i32
    %dma_wait3A_1614 = tpu.memref_slice %arg9[%dma_wait3A_1613] : memref<8192xf32, #tpu.memory_space<vmem>> -> memref<128xf32, #tpu.memory_space<vmem>>
    %dma_wait3A_1615 = arith.constant 1408 : i32
    %dma_wait3A_1616 = tpu.memref_slice %arg6[%dma_wait3A_1615] : memref<8192xi32, #tpu.memory_space<vmem>> -> memref<128xi32, #tpu.memory_space<vmem>>
    %dma_wait3A_1617 = arith.constant 0 : i32
    %dma_wait3A_1618 = tpu.memref_slice %arg2[%dma_wait3A_1617] : memref<393216xf32, #tpu.memory_space<hbm>> -> memref<393216xf32, #tpu.memory_space<hbm>>
    tpu.wait_indirect_dma semaphore(%arg11 : memref<!tpu.dma_semaphore, #tpu.memory_space<semaphore_mem>>) src(%dma_wait3A_1618 : memref<393216xf32, #tpu.memory_space<hbm>>) dst(%dma_wait3A_1614 : memref<128xf32, #tpu.memory_space<vmem>>)
    %dma_wait3A_1619 = arith.constant 1536 : i32
    %dma_wait3A_1620 = tpu.memref_slice %arg9[%dma_wait3A_1619] : memref<8192xf32, #tpu.memory_space<vmem>> -> memref<128xf32, #tpu.memory_space<vmem>>
    %dma_wait3A_1621 = arith.constant 1536 : i32
    %dma_wait3A_1622 = tpu.memref_slice %arg6[%dma_wait3A_1621] : memref<8192xi32, #tpu.memory_space<vmem>> -> memref<128xi32, #tpu.memory_space<vmem>>
    %dma_wait3A_1623 = arith.constant 0 : i32
    %dma_wait3A_1624 = tpu.memref_slice %arg2[%dma_wait3A_1623] : memref<393216xf32, #tpu.memory_space<hbm>> -> memref<393216xf32, #tpu.memory_space<hbm>>
    tpu.wait_indirect_dma semaphore(%arg11 : memref<!tpu.dma_semaphore, #tpu.memory_space<semaphore_mem>>) src(%dma_wait3A_1624 : memref<393216xf32, #tpu.memory_space<hbm>>) dst(%dma_wait3A_1620 : memref<128xf32, #tpu.memory_space<vmem>>)
    %dma_wait3A_1625 = arith.constant 1664 : i32
    %dma_wait3A_1626 = tpu.memref_slice %arg9[%dma_wait3A_1625] : memref<8192xf32, #tpu.memory_space<vmem>> -> memref<128xf32, #tpu.memory_space<vmem>>
    %dma_wait3A_1627 = arith.constant 1664 : i32
    %dma_wait3A_1628 = tpu.memref_slice %arg6[%dma_wait3A_1627] : memref<8192xi32, #tpu.memory_space<vmem>> -> memref<128xi32, #tpu.memory_space<vmem>>
    %dma_wait3A_1629 = arith.constant 0 : i32
    %dma_wait3A_1630 = tpu.memref_slice %arg2[%dma_wait3A_1629] : memref<393216xf32, #tpu.memory_space<hbm>> -> memref<393216xf32, #tpu.memory_space<hbm>>
    tpu.wait_indirect_dma semaphore(%arg11 : memref<!tpu.dma_semaphore, #tpu.memory_space<semaphore_mem>>) src(%dma_wait3A_1630 : memref<393216xf32, #tpu.memory_space<hbm>>) dst(%dma_wait3A_1626 : memref<128xf32, #tpu.memory_space<vmem>>)
    %dma_wait3A_1631 = arith.constant 1792 : i32
    %dma_wait3A_1632 = tpu.memref_slice %arg9[%dma_wait3A_1631] : memref<8192xf32, #tpu.memory_space<vmem>> -> memref<128xf32, #tpu.memory_space<vmem>>
    %dma_wait3A_1633 = arith.constant 1792 : i32
    %dma_wait3A_1634 = tpu.memref_slice %arg6[%dma_wait3A_1633] : memref<8192xi32, #tpu.memory_space<vmem>> -> memref<128xi32, #tpu.memory_space<vmem>>
    %dma_wait3A_1635 = arith.constant 0 : i32
    %dma_wait3A_1636 = tpu.memref_slice %arg2[%dma_wait3A_1635] : memref<393216xf32, #tpu.memory_space<hbm>> -> memref<393216xf32, #tpu.memory_space<hbm>>
    tpu.wait_indirect_dma semaphore(%arg11 : memref<!tpu.dma_semaphore, #tpu.memory_space<semaphore_mem>>) src(%dma_wait3A_1636 : memref<393216xf32, #tpu.memory_space<hbm>>) dst(%dma_wait3A_1632 : memref<128xf32, #tpu.memory_space<vmem>>)
    %dma_wait3A_1637 = arith.constant 1920 : i32
    %dma_wait3A_1638 = tpu.memref_slice %arg9[%dma_wait3A_1637] : memref<8192xf32, #tpu.memory_space<vmem>> -> memref<128xf32, #tpu.memory_space<vmem>>
    %dma_wait3A_1639 = arith.constant 1920 : i32
    %dma_wait3A_1640 = tpu.memref_slice %arg6[%dma_wait3A_1639] : memref<8192xi32, #tpu.memory_space<vmem>> -> memref<128xi32, #tpu.memory_space<vmem>>
    %dma_wait3A_1641 = arith.constant 0 : i32
    %dma_wait3A_1642 = tpu.memref_slice %arg2[%dma_wait3A_1641] : memref<393216xf32, #tpu.memory_space<hbm>> -> memref<393216xf32, #tpu.memory_space<hbm>>
    tpu.wait_indirect_dma semaphore(%arg11 : memref<!tpu.dma_semaphore, #tpu.memory_space<semaphore_mem>>) src(%dma_wait3A_1642 : memref<393216xf32, #tpu.memory_space<hbm>>) dst(%dma_wait3A_1638 : memref<128xf32, #tpu.memory_space<vmem>>)
    %dma_wait3A_1643 = arith.constant 2048 : i32
    %dma_wait3A_1644 = tpu.memref_slice %arg9[%dma_wait3A_1643] : memref<8192xf32, #tpu.memory_space<vmem>> -> memref<128xf32, #tpu.memory_space<vmem>>
    %dma_wait3A_1645 = arith.constant 2048 : i32
    %dma_wait3A_1646 = tpu.memref_slice %arg6[%dma_wait3A_1645] : memref<8192xi32, #tpu.memory_space<vmem>> -> memref<128xi32, #tpu.memory_space<vmem>>
    %dma_wait3A_1647 = arith.constant 0 : i32
    %dma_wait3A_1648 = tpu.memref_slice %arg2[%dma_wait3A_1647] : memref<393216xf32, #tpu.memory_space<hbm>> -> memref<393216xf32, #tpu.memory_space<hbm>>
    tpu.wait_indirect_dma semaphore(%arg11 : memref<!tpu.dma_semaphore, #tpu.memory_space<semaphore_mem>>) src(%dma_wait3A_1648 : memref<393216xf32, #tpu.memory_space<hbm>>) dst(%dma_wait3A_1644 : memref<128xf32, #tpu.memory_space<vmem>>)
    %dma_wait3A_1649 = arith.constant 2176 : i32
    %dma_wait3A_1650 = tpu.memref_slice %arg9[%dma_wait3A_1649] : memref<8192xf32, #tpu.memory_space<vmem>> -> memref<128xf32, #tpu.memory_space<vmem>>
    %dma_wait3A_1651 = arith.constant 2176 : i32
    %dma_wait3A_1652 = tpu.memref_slice %arg6[%dma_wait3A_1651] : memref<8192xi32, #tpu.memory_space<vmem>> -> memref<128xi32, #tpu.memory_space<vmem>>
    %dma_wait3A_1653 = arith.constant 0 : i32
    %dma_wait3A_1654 = tpu.memref_slice %arg2[%dma_wait3A_1653] : memref<393216xf32, #tpu.memory_space<hbm>> -> memref<393216xf32, #tpu.memory_space<hbm>>
    tpu.wait_indirect_dma semaphore(%arg11 : memref<!tpu.dma_semaphore, #tpu.memory_space<semaphore_mem>>) src(%dma_wait3A_1654 : memref<393216xf32, #tpu.memory_space<hbm>>) dst(%dma_wait3A_1650 : memref<128xf32, #tpu.memory_space<vmem>>)
    %dma_wait3A_1655 = arith.constant 2304 : i32
    %dma_wait3A_1656 = tpu.memref_slice %arg9[%dma_wait3A_1655] : memref<8192xf32, #tpu.memory_space<vmem>> -> memref<128xf32, #tpu.memory_space<vmem>>
    %dma_wait3A_1657 = arith.constant 2304 : i32
    %dma_wait3A_1658 = tpu.memref_slice %arg6[%dma_wait3A_1657] : memref<8192xi32, #tpu.memory_space<vmem>> -> memref<128xi32, #tpu.memory_space<vmem>>
    %dma_wait3A_1659 = arith.constant 0 : i32
    %dma_wait3A_1660 = tpu.memref_slice %arg2[%dma_wait3A_1659] : memref<393216xf32, #tpu.memory_space<hbm>> -> memref<393216xf32, #tpu.memory_space<hbm>>
    tpu.wait_indirect_dma semaphore(%arg11 : memref<!tpu.dma_semaphore, #tpu.memory_space<semaphore_mem>>) src(%dma_wait3A_1660 : memref<393216xf32, #tpu.memory_space<hbm>>) dst(%dma_wait3A_1656 : memref<128xf32, #tpu.memory_space<vmem>>)
    %dma_wait3A_1661 = arith.constant 2432 : i32
    %dma_wait3A_1662 = tpu.memref_slice %arg9[%dma_wait3A_1661] : memref<8192xf32, #tpu.memory_space<vmem>> -> memref<128xf32, #tpu.memory_space<vmem>>
    %dma_wait3A_1663 = arith.constant 2432 : i32
    %dma_wait3A_1664 = tpu.memref_slice %arg6[%dma_wait3A_1663] : memref<8192xi32, #tpu.memory_space<vmem>> -> memref<128xi32, #tpu.memory_space<vmem>>
    %dma_wait3A_1665 = arith.constant 0 : i32
    %dma_wait3A_1666 = tpu.memref_slice %arg2[%dma_wait3A_1665] : memref<393216xf32, #tpu.memory_space<hbm>> -> memref<393216xf32, #tpu.memory_space<hbm>>
    tpu.wait_indirect_dma semaphore(%arg11 : memref<!tpu.dma_semaphore, #tpu.memory_space<semaphore_mem>>) src(%dma_wait3A_1666 : memref<393216xf32, #tpu.memory_space<hbm>>) dst(%dma_wait3A_1662 : memref<128xf32, #tpu.memory_space<vmem>>)
    %dma_wait3A_1667 = arith.constant 2560 : i32
    %dma_wait3A_1668 = tpu.memref_slice %arg9[%dma_wait3A_1667] : memref<8192xf32, #tpu.memory_space<vmem>> -> memref<128xf32, #tpu.memory_space<vmem>>
    %dma_wait3A_1669 = arith.constant 2560 : i32
    %dma_wait3A_1670 = tpu.memref_slice %arg6[%dma_wait3A_1669] : memref<8192xi32, #tpu.memory_space<vmem>> -> memref<128xi32, #tpu.memory_space<vmem>>
    %dma_wait3A_1671 = arith.constant 0 : i32
    %dma_wait3A_1672 = tpu.memref_slice %arg2[%dma_wait3A_1671] : memref<393216xf32, #tpu.memory_space<hbm>> -> memref<393216xf32, #tpu.memory_space<hbm>>
    tpu.wait_indirect_dma semaphore(%arg11 : memref<!tpu.dma_semaphore, #tpu.memory_space<semaphore_mem>>) src(%dma_wait3A_1672 : memref<393216xf32, #tpu.memory_space<hbm>>) dst(%dma_wait3A_1668 : memref<128xf32, #tpu.memory_space<vmem>>)
    %dma_wait3A_1673 = arith.constant 2688 : i32
    %dma_wait3A_1674 = tpu.memref_slice %arg9[%dma_wait3A_1673] : memref<8192xf32, #tpu.memory_space<vmem>> -> memref<128xf32, #tpu.memory_space<vmem>>
    %dma_wait3A_1675 = arith.constant 2688 : i32
    %dma_wait3A_1676 = tpu.memref_slice %arg6[%dma_wait3A_1675] : memref<8192xi32, #tpu.memory_space<vmem>> -> memref<128xi32, #tpu.memory_space<vmem>>
    %dma_wait3A_1677 = arith.constant 0 : i32
    %dma_wait3A_1678 = tpu.memref_slice %arg2[%dma_wait3A_1677] : memref<393216xf32, #tpu.memory_space<hbm>> -> memref<393216xf32, #tpu.memory_space<hbm>>
    tpu.wait_indirect_dma semaphore(%arg11 : memref<!tpu.dma_semaphore, #tpu.memory_space<semaphore_mem>>) src(%dma_wait3A_1678 : memref<393216xf32, #tpu.memory_space<hbm>>) dst(%dma_wait3A_1674 : memref<128xf32, #tpu.memory_space<vmem>>)
    %dma_wait3A_1679 = arith.constant 2816 : i32
    %dma_wait3A_1680 = tpu.memref_slice %arg9[%dma_wait3A_1679] : memref<8192xf32, #tpu.memory_space<vmem>> -> memref<128xf32, #tpu.memory_space<vmem>>
    %dma_wait3A_1681 = arith.constant 2816 : i32
    %dma_wait3A_1682 = tpu.memref_slice %arg6[%dma_wait3A_1681] : memref<8192xi32, #tpu.memory_space<vmem>> -> memref<128xi32, #tpu.memory_space<vmem>>
    %dma_wait3A_1683 = arith.constant 0 : i32
    %dma_wait3A_1684 = tpu.memref_slice %arg2[%dma_wait3A_1683] : memref<393216xf32, #tpu.memory_space<hbm>> -> memref<393216xf32, #tpu.memory_space<hbm>>
    tpu.wait_indirect_dma semaphore(%arg11 : memref<!tpu.dma_semaphore, #tpu.memory_space<semaphore_mem>>) src(%dma_wait3A_1684 : memref<393216xf32, #tpu.memory_space<hbm>>) dst(%dma_wait3A_1680 : memref<128xf32, #tpu.memory_space<vmem>>)
    %dma_wait3A_1685 = arith.constant 2944 : i32
    %dma_wait3A_1686 = tpu.memref_slice %arg9[%dma_wait3A_1685] : memref<8192xf32, #tpu.memory_space<vmem>> -> memref<128xf32, #tpu.memory_space<vmem>>
    %dma_wait3A_1687 = arith.constant 2944 : i32
    %dma_wait3A_1688 = tpu.memref_slice %arg6[%dma_wait3A_1687] : memref<8192xi32, #tpu.memory_space<vmem>> -> memref<128xi32, #tpu.memory_space<vmem>>
    %dma_wait3A_1689 = arith.constant 0 : i32
    %dma_wait3A_1690 = tpu.memref_slice %arg2[%dma_wait3A_1689] : memref<393216xf32, #tpu.memory_space<hbm>> -> memref<393216xf32, #tpu.memory_space<hbm>>
    tpu.wait_indirect_dma semaphore(%arg11 : memref<!tpu.dma_semaphore, #tpu.memory_space<semaphore_mem>>) src(%dma_wait3A_1690 : memref<393216xf32, #tpu.memory_space<hbm>>) dst(%dma_wait3A_1686 : memref<128xf32, #tpu.memory_space<vmem>>)
    %dma_wait3A_1691 = arith.constant 3072 : i32
    %dma_wait3A_1692 = tpu.memref_slice %arg9[%dma_wait3A_1691] : memref<8192xf32, #tpu.memory_space<vmem>> -> memref<128xf32, #tpu.memory_space<vmem>>
    %dma_wait3A_1693 = arith.constant 3072 : i32
    %dma_wait3A_1694 = tpu.memref_slice %arg6[%dma_wait3A_1693] : memref<8192xi32, #tpu.memory_space<vmem>> -> memref<128xi32, #tpu.memory_space<vmem>>
    %dma_wait3A_1695 = arith.constant 0 : i32
    %dma_wait3A_1696 = tpu.memref_slice %arg2[%dma_wait3A_1695] : memref<393216xf32, #tpu.memory_space<hbm>> -> memref<393216xf32, #tpu.memory_space<hbm>>
    tpu.wait_indirect_dma semaphore(%arg11 : memref<!tpu.dma_semaphore, #tpu.memory_space<semaphore_mem>>) src(%dma_wait3A_1696 : memref<393216xf32, #tpu.memory_space<hbm>>) dst(%dma_wait3A_1692 : memref<128xf32, #tpu.memory_space<vmem>>)
    %dma_wait3A_1697 = arith.constant 3200 : i32
    %dma_wait3A_1698 = tpu.memref_slice %arg9[%dma_wait3A_1697] : memref<8192xf32, #tpu.memory_space<vmem>> -> memref<128xf32, #tpu.memory_space<vmem>>
    %dma_wait3A_1699 = arith.constant 3200 : i32
    %dma_wait3A_1700 = tpu.memref_slice %arg6[%dma_wait3A_1699] : memref<8192xi32, #tpu.memory_space<vmem>> -> memref<128xi32, #tpu.memory_space<vmem>>
    %dma_wait3A_1701 = arith.constant 0 : i32
    %dma_wait3A_1702 = tpu.memref_slice %arg2[%dma_wait3A_1701] : memref<393216xf32, #tpu.memory_space<hbm>> -> memref<393216xf32, #tpu.memory_space<hbm>>
    tpu.wait_indirect_dma semaphore(%arg11 : memref<!tpu.dma_semaphore, #tpu.memory_space<semaphore_mem>>) src(%dma_wait3A_1702 : memref<393216xf32, #tpu.memory_space<hbm>>) dst(%dma_wait3A_1698 : memref<128xf32, #tpu.memory_space<vmem>>)
    %dma_wait3A_1703 = arith.constant 3328 : i32
    %dma_wait3A_1704 = tpu.memref_slice %arg9[%dma_wait3A_1703] : memref<8192xf32, #tpu.memory_space<vmem>> -> memref<128xf32, #tpu.memory_space<vmem>>
    %dma_wait3A_1705 = arith.constant 3328 : i32
    %dma_wait3A_1706 = tpu.memref_slice %arg6[%dma_wait3A_1705] : memref<8192xi32, #tpu.memory_space<vmem>> -> memref<128xi32, #tpu.memory_space<vmem>>
    %dma_wait3A_1707 = arith.constant 0 : i32
    %dma_wait3A_1708 = tpu.memref_slice %arg2[%dma_wait3A_1707] : memref<393216xf32, #tpu.memory_space<hbm>> -> memref<393216xf32, #tpu.memory_space<hbm>>
    tpu.wait_indirect_dma semaphore(%arg11 : memref<!tpu.dma_semaphore, #tpu.memory_space<semaphore_mem>>) src(%dma_wait3A_1708 : memref<393216xf32, #tpu.memory_space<hbm>>) dst(%dma_wait3A_1704 : memref<128xf32, #tpu.memory_space<vmem>>)
    %dma_wait3A_1709 = arith.constant 3456 : i32
    %dma_wait3A_1710 = tpu.memref_slice %arg9[%dma_wait3A_1709] : memref<8192xf32, #tpu.memory_space<vmem>> -> memref<128xf32, #tpu.memory_space<vmem>>
    %dma_wait3A_1711 = arith.constant 3456 : i32
    %dma_wait3A_1712 = tpu.memref_slice %arg6[%dma_wait3A_1711] : memref<8192xi32, #tpu.memory_space<vmem>> -> memref<128xi32, #tpu.memory_space<vmem>>
    %dma_wait3A_1713 = arith.constant 0 : i32
    %dma_wait3A_1714 = tpu.memref_slice %arg2[%dma_wait3A_1713] : memref<393216xf32, #tpu.memory_space<hbm>> -> memref<393216xf32, #tpu.memory_space<hbm>>
    tpu.wait_indirect_dma semaphore(%arg11 : memref<!tpu.dma_semaphore, #tpu.memory_space<semaphore_mem>>) src(%dma_wait3A_1714 : memref<393216xf32, #tpu.memory_space<hbm>>) dst(%dma_wait3A_1710 : memref<128xf32, #tpu.memory_space<vmem>>)
    %dma_wait3A_1715 = arith.constant 3584 : i32
    %dma_wait3A_1716 = tpu.memref_slice %arg9[%dma_wait3A_1715] : memref<8192xf32, #tpu.memory_space<vmem>> -> memref<128xf32, #tpu.memory_space<vmem>>
    %dma_wait3A_1717 = arith.constant 3584 : i32
    %dma_wait3A_1718 = tpu.memref_slice %arg6[%dma_wait3A_1717] : memref<8192xi32, #tpu.memory_space<vmem>> -> memref<128xi32, #tpu.memory_space<vmem>>
    %dma_wait3A_1719 = arith.constant 0 : i32
    %dma_wait3A_1720 = tpu.memref_slice %arg2[%dma_wait3A_1719] : memref<393216xf32, #tpu.memory_space<hbm>> -> memref<393216xf32, #tpu.memory_space<hbm>>
    tpu.wait_indirect_dma semaphore(%arg11 : memref<!tpu.dma_semaphore, #tpu.memory_space<semaphore_mem>>) src(%dma_wait3A_1720 : memref<393216xf32, #tpu.memory_space<hbm>>) dst(%dma_wait3A_1716 : memref<128xf32, #tpu.memory_space<vmem>>)
    %dma_wait3A_1721 = arith.constant 3712 : i32
    %dma_wait3A_1722 = tpu.memref_slice %arg9[%dma_wait3A_1721] : memref<8192xf32, #tpu.memory_space<vmem>> -> memref<128xf32, #tpu.memory_space<vmem>>
    %dma_wait3A_1723 = arith.constant 3712 : i32
    %dma_wait3A_1724 = tpu.memref_slice %arg6[%dma_wait3A_1723] : memref<8192xi32, #tpu.memory_space<vmem>> -> memref<128xi32, #tpu.memory_space<vmem>>
    %dma_wait3A_1725 = arith.constant 0 : i32
    %dma_wait3A_1726 = tpu.memref_slice %arg2[%dma_wait3A_1725] : memref<393216xf32, #tpu.memory_space<hbm>> -> memref<393216xf32, #tpu.memory_space<hbm>>
    tpu.wait_indirect_dma semaphore(%arg11 : memref<!tpu.dma_semaphore, #tpu.memory_space<semaphore_mem>>) src(%dma_wait3A_1726 : memref<393216xf32, #tpu.memory_space<hbm>>) dst(%dma_wait3A_1722 : memref<128xf32, #tpu.memory_space<vmem>>)
    %dma_wait3A_1727 = arith.constant 3840 : i32
    %dma_wait3A_1728 = tpu.memref_slice %arg9[%dma_wait3A_1727] : memref<8192xf32, #tpu.memory_space<vmem>> -> memref<128xf32, #tpu.memory_space<vmem>>
    %dma_wait3A_1729 = arith.constant 3840 : i32
    %dma_wait3A_1730 = tpu.memref_slice %arg6[%dma_wait3A_1729] : memref<8192xi32, #tpu.memory_space<vmem>> -> memref<128xi32, #tpu.memory_space<vmem>>
    %dma_wait3A_1731 = arith.constant 0 : i32
    %dma_wait3A_1732 = tpu.memref_slice %arg2[%dma_wait3A_1731] : memref<393216xf32, #tpu.memory_space<hbm>> -> memref<393216xf32, #tpu.memory_space<hbm>>
    tpu.wait_indirect_dma semaphore(%arg11 : memref<!tpu.dma_semaphore, #tpu.memory_space<semaphore_mem>>) src(%dma_wait3A_1732 : memref<393216xf32, #tpu.memory_space<hbm>>) dst(%dma_wait3A_1728 : memref<128xf32, #tpu.memory_space<vmem>>)
    %dma_wait3A_1733 = arith.constant 3968 : i32
    %dma_wait3A_1734 = tpu.memref_slice %arg9[%dma_wait3A_1733] : memref<8192xf32, #tpu.memory_space<vmem>> -> memref<128xf32, #tpu.memory_space<vmem>>
    %dma_wait3A_1735 = arith.constant 3968 : i32
    %dma_wait3A_1736 = tpu.memref_slice %arg6[%dma_wait3A_1735] : memref<8192xi32, #tpu.memory_space<vmem>> -> memref<128xi32, #tpu.memory_space<vmem>>
    %dma_wait3A_1737 = arith.constant 0 : i32
    %dma_wait3A_1738 = tpu.memref_slice %arg2[%dma_wait3A_1737] : memref<393216xf32, #tpu.memory_space<hbm>> -> memref<393216xf32, #tpu.memory_space<hbm>>
    tpu.wait_indirect_dma semaphore(%arg11 : memref<!tpu.dma_semaphore, #tpu.memory_space<semaphore_mem>>) src(%dma_wait3A_1738 : memref<393216xf32, #tpu.memory_space<hbm>>) dst(%dma_wait3A_1734 : memref<128xf32, #tpu.memory_space<vmem>>)
    %dma_wait3A_1739 = arith.constant 4096 : i32
    %dma_wait3A_1740 = tpu.memref_slice %arg9[%dma_wait3A_1739] : memref<8192xf32, #tpu.memory_space<vmem>> -> memref<128xf32, #tpu.memory_space<vmem>>
    %dma_wait3A_1741 = arith.constant 4096 : i32
    %dma_wait3A_1742 = tpu.memref_slice %arg6[%dma_wait3A_1741] : memref<8192xi32, #tpu.memory_space<vmem>> -> memref<128xi32, #tpu.memory_space<vmem>>
    %dma_wait3A_1743 = arith.constant 0 : i32
    %dma_wait3A_1744 = tpu.memref_slice %arg2[%dma_wait3A_1743] : memref<393216xf32, #tpu.memory_space<hbm>> -> memref<393216xf32, #tpu.memory_space<hbm>>
    tpu.wait_indirect_dma semaphore(%arg11 : memref<!tpu.dma_semaphore, #tpu.memory_space<semaphore_mem>>) src(%dma_wait3A_1744 : memref<393216xf32, #tpu.memory_space<hbm>>) dst(%dma_wait3A_1740 : memref<128xf32, #tpu.memory_space<vmem>>)
    %dma_wait3A_1745 = arith.constant 4224 : i32
    %dma_wait3A_1746 = tpu.memref_slice %arg9[%dma_wait3A_1745] : memref<8192xf32, #tpu.memory_space<vmem>> -> memref<128xf32, #tpu.memory_space<vmem>>
    %dma_wait3A_1747 = arith.constant 4224 : i32
    %dma_wait3A_1748 = tpu.memref_slice %arg6[%dma_wait3A_1747] : memref<8192xi32, #tpu.memory_space<vmem>> -> memref<128xi32, #tpu.memory_space<vmem>>
    %dma_wait3A_1749 = arith.constant 0 : i32
    %dma_wait3A_1750 = tpu.memref_slice %arg2[%dma_wait3A_1749] : memref<393216xf32, #tpu.memory_space<hbm>> -> memref<393216xf32, #tpu.memory_space<hbm>>
    tpu.wait_indirect_dma semaphore(%arg11 : memref<!tpu.dma_semaphore, #tpu.memory_space<semaphore_mem>>) src(%dma_wait3A_1750 : memref<393216xf32, #tpu.memory_space<hbm>>) dst(%dma_wait3A_1746 : memref<128xf32, #tpu.memory_space<vmem>>)
    %dma_wait3A_1751 = arith.constant 4352 : i32
    %dma_wait3A_1752 = tpu.memref_slice %arg9[%dma_wait3A_1751] : memref<8192xf32, #tpu.memory_space<vmem>> -> memref<128xf32, #tpu.memory_space<vmem>>
    %dma_wait3A_1753 = arith.constant 4352 : i32
    %dma_wait3A_1754 = tpu.memref_slice %arg6[%dma_wait3A_1753] : memref<8192xi32, #tpu.memory_space<vmem>> -> memref<128xi32, #tpu.memory_space<vmem>>
    %dma_wait3A_1755 = arith.constant 0 : i32
    %dma_wait3A_1756 = tpu.memref_slice %arg2[%dma_wait3A_1755] : memref<393216xf32, #tpu.memory_space<hbm>> -> memref<393216xf32, #tpu.memory_space<hbm>>
    tpu.wait_indirect_dma semaphore(%arg11 : memref<!tpu.dma_semaphore, #tpu.memory_space<semaphore_mem>>) src(%dma_wait3A_1756 : memref<393216xf32, #tpu.memory_space<hbm>>) dst(%dma_wait3A_1752 : memref<128xf32, #tpu.memory_space<vmem>>)
    %dma_wait3A_1757 = arith.constant 4480 : i32
    %dma_wait3A_1758 = tpu.memref_slice %arg9[%dma_wait3A_1757] : memref<8192xf32, #tpu.memory_space<vmem>> -> memref<128xf32, #tpu.memory_space<vmem>>
    %dma_wait3A_1759 = arith.constant 4480 : i32
    %dma_wait3A_1760 = tpu.memref_slice %arg6[%dma_wait3A_1759] : memref<8192xi32, #tpu.memory_space<vmem>> -> memref<128xi32, #tpu.memory_space<vmem>>
    %dma_wait3A_1761 = arith.constant 0 : i32
    %dma_wait3A_1762 = tpu.memref_slice %arg2[%dma_wait3A_1761] : memref<393216xf32, #tpu.memory_space<hbm>> -> memref<393216xf32, #tpu.memory_space<hbm>>
    tpu.wait_indirect_dma semaphore(%arg11 : memref<!tpu.dma_semaphore, #tpu.memory_space<semaphore_mem>>) src(%dma_wait3A_1762 : memref<393216xf32, #tpu.memory_space<hbm>>) dst(%dma_wait3A_1758 : memref<128xf32, #tpu.memory_space<vmem>>)
    %dma_wait3A_1763 = arith.constant 4608 : i32
    %dma_wait3A_1764 = tpu.memref_slice %arg9[%dma_wait3A_1763] : memref<8192xf32, #tpu.memory_space<vmem>> -> memref<128xf32, #tpu.memory_space<vmem>>
    %dma_wait3A_1765 = arith.constant 4608 : i32
    %dma_wait3A_1766 = tpu.memref_slice %arg6[%dma_wait3A_1765] : memref<8192xi32, #tpu.memory_space<vmem>> -> memref<128xi32, #tpu.memory_space<vmem>>
    %dma_wait3A_1767 = arith.constant 0 : i32
    %dma_wait3A_1768 = tpu.memref_slice %arg2[%dma_wait3A_1767] : memref<393216xf32, #tpu.memory_space<hbm>> -> memref<393216xf32, #tpu.memory_space<hbm>>
    tpu.wait_indirect_dma semaphore(%arg11 : memref<!tpu.dma_semaphore, #tpu.memory_space<semaphore_mem>>) src(%dma_wait3A_1768 : memref<393216xf32, #tpu.memory_space<hbm>>) dst(%dma_wait3A_1764 : memref<128xf32, #tpu.memory_space<vmem>>)
    %dma_wait3A_1769 = arith.constant 4736 : i32
    %dma_wait3A_1770 = tpu.memref_slice %arg9[%dma_wait3A_1769] : memref<8192xf32, #tpu.memory_space<vmem>> -> memref<128xf32, #tpu.memory_space<vmem>>
    %dma_wait3A_1771 = arith.constant 4736 : i32
    %dma_wait3A_1772 = tpu.memref_slice %arg6[%dma_wait3A_1771] : memref<8192xi32, #tpu.memory_space<vmem>> -> memref<128xi32, #tpu.memory_space<vmem>>
    %dma_wait3A_1773 = arith.constant 0 : i32
    %dma_wait3A_1774 = tpu.memref_slice %arg2[%dma_wait3A_1773] : memref<393216xf32, #tpu.memory_space<hbm>> -> memref<393216xf32, #tpu.memory_space<hbm>>
    tpu.wait_indirect_dma semaphore(%arg11 : memref<!tpu.dma_semaphore, #tpu.memory_space<semaphore_mem>>) src(%dma_wait3A_1774 : memref<393216xf32, #tpu.memory_space<hbm>>) dst(%dma_wait3A_1770 : memref<128xf32, #tpu.memory_space<vmem>>)
    %dma_wait3A_1775 = arith.constant 4864 : i32
    %dma_wait3A_1776 = tpu.memref_slice %arg9[%dma_wait3A_1775] : memref<8192xf32, #tpu.memory_space<vmem>> -> memref<128xf32, #tpu.memory_space<vmem>>
    %dma_wait3A_1777 = arith.constant 4864 : i32
    %dma_wait3A_1778 = tpu.memref_slice %arg6[%dma_wait3A_1777] : memref<8192xi32, #tpu.memory_space<vmem>> -> memref<128xi32, #tpu.memory_space<vmem>>
    %dma_wait3A_1779 = arith.constant 0 : i32
    %dma_wait3A_1780 = tpu.memref_slice %arg2[%dma_wait3A_1779] : memref<393216xf32, #tpu.memory_space<hbm>> -> memref<393216xf32, #tpu.memory_space<hbm>>
    tpu.wait_indirect_dma semaphore(%arg11 : memref<!tpu.dma_semaphore, #tpu.memory_space<semaphore_mem>>) src(%dma_wait3A_1780 : memref<393216xf32, #tpu.memory_space<hbm>>) dst(%dma_wait3A_1776 : memref<128xf32, #tpu.memory_space<vmem>>)
    %dma_wait3A_1781 = arith.constant 4992 : i32
    %dma_wait3A_1782 = tpu.memref_slice %arg9[%dma_wait3A_1781] : memref<8192xf32, #tpu.memory_space<vmem>> -> memref<128xf32, #tpu.memory_space<vmem>>
    %dma_wait3A_1783 = arith.constant 4992 : i32
    %dma_wait3A_1784 = tpu.memref_slice %arg6[%dma_wait3A_1783] : memref<8192xi32, #tpu.memory_space<vmem>> -> memref<128xi32, #tpu.memory_space<vmem>>
    %dma_wait3A_1785 = arith.constant 0 : i32
    %dma_wait3A_1786 = tpu.memref_slice %arg2[%dma_wait3A_1785] : memref<393216xf32, #tpu.memory_space<hbm>> -> memref<393216xf32, #tpu.memory_space<hbm>>
    tpu.wait_indirect_dma semaphore(%arg11 : memref<!tpu.dma_semaphore, #tpu.memory_space<semaphore_mem>>) src(%dma_wait3A_1786 : memref<393216xf32, #tpu.memory_space<hbm>>) dst(%dma_wait3A_1782 : memref<128xf32, #tpu.memory_space<vmem>>)
    %dma_wait3A_1787 = arith.constant 5120 : i32
    %dma_wait3A_1788 = tpu.memref_slice %arg9[%dma_wait3A_1787] : memref<8192xf32, #tpu.memory_space<vmem>> -> memref<128xf32, #tpu.memory_space<vmem>>
    %dma_wait3A_1789 = arith.constant 5120 : i32
    %dma_wait3A_1790 = tpu.memref_slice %arg6[%dma_wait3A_1789] : memref<8192xi32, #tpu.memory_space<vmem>> -> memref<128xi32, #tpu.memory_space<vmem>>
    %dma_wait3A_1791 = arith.constant 0 : i32
    %dma_wait3A_1792 = tpu.memref_slice %arg2[%dma_wait3A_1791] : memref<393216xf32, #tpu.memory_space<hbm>> -> memref<393216xf32, #tpu.memory_space<hbm>>
    tpu.wait_indirect_dma semaphore(%arg11 : memref<!tpu.dma_semaphore, #tpu.memory_space<semaphore_mem>>) src(%dma_wait3A_1792 : memref<393216xf32, #tpu.memory_space<hbm>>) dst(%dma_wait3A_1788 : memref<128xf32, #tpu.memory_space<vmem>>)
    %dma_wait3A_1793 = arith.constant 5248 : i32
    %dma_wait3A_1794 = tpu.memref_slice %arg9[%dma_wait3A_1793] : memref<8192xf32, #tpu.memory_space<vmem>> -> memref<128xf32, #tpu.memory_space<vmem>>
    %dma_wait3A_1795 = arith.constant 5248 : i32
    %dma_wait3A_1796 = tpu.memref_slice %arg6[%dma_wait3A_1795] : memref<8192xi32, #tpu.memory_space<vmem>> -> memref<128xi32, #tpu.memory_space<vmem>>
    %dma_wait3A_1797 = arith.constant 0 : i32
    %dma_wait3A_1798 = tpu.memref_slice %arg2[%dma_wait3A_1797] : memref<393216xf32, #tpu.memory_space<hbm>> -> memref<393216xf32, #tpu.memory_space<hbm>>
    tpu.wait_indirect_dma semaphore(%arg11 : memref<!tpu.dma_semaphore, #tpu.memory_space<semaphore_mem>>) src(%dma_wait3A_1798 : memref<393216xf32, #tpu.memory_space<hbm>>) dst(%dma_wait3A_1794 : memref<128xf32, #tpu.memory_space<vmem>>)
    %dma_wait3A_1799 = arith.constant 5376 : i32
    %dma_wait3A_1800 = tpu.memref_slice %arg9[%dma_wait3A_1799] : memref<8192xf32, #tpu.memory_space<vmem>> -> memref<128xf32, #tpu.memory_space<vmem>>
    %dma_wait3A_1801 = arith.constant 5376 : i32
    %dma_wait3A_1802 = tpu.memref_slice %arg6[%dma_wait3A_1801] : memref<8192xi32, #tpu.memory_space<vmem>> -> memref<128xi32, #tpu.memory_space<vmem>>
    %dma_wait3A_1803 = arith.constant 0 : i32
    %dma_wait3A_1804 = tpu.memref_slice %arg2[%dma_wait3A_1803] : memref<393216xf32, #tpu.memory_space<hbm>> -> memref<393216xf32, #tpu.memory_space<hbm>>
    tpu.wait_indirect_dma semaphore(%arg11 : memref<!tpu.dma_semaphore, #tpu.memory_space<semaphore_mem>>) src(%dma_wait3A_1804 : memref<393216xf32, #tpu.memory_space<hbm>>) dst(%dma_wait3A_1800 : memref<128xf32, #tpu.memory_space<vmem>>)
    %dma_wait3A_1805 = arith.constant 5504 : i32
    %dma_wait3A_1806 = tpu.memref_slice %arg9[%dma_wait3A_1805] : memref<8192xf32, #tpu.memory_space<vmem>> -> memref<128xf32, #tpu.memory_space<vmem>>
    %dma_wait3A_1807 = arith.constant 5504 : i32
    %dma_wait3A_1808 = tpu.memref_slice %arg6[%dma_wait3A_1807] : memref<8192xi32, #tpu.memory_space<vmem>> -> memref<128xi32, #tpu.memory_space<vmem>>
    %dma_wait3A_1809 = arith.constant 0 : i32
    %dma_wait3A_1810 = tpu.memref_slice %arg2[%dma_wait3A_1809] : memref<393216xf32, #tpu.memory_space<hbm>> -> memref<393216xf32, #tpu.memory_space<hbm>>
    tpu.wait_indirect_dma semaphore(%arg11 : memref<!tpu.dma_semaphore, #tpu.memory_space<semaphore_mem>>) src(%dma_wait3A_1810 : memref<393216xf32, #tpu.memory_space<hbm>>) dst(%dma_wait3A_1806 : memref<128xf32, #tpu.memory_space<vmem>>)
    %dma_wait3A_1811 = arith.constant 5632 : i32
    %dma_wait3A_1812 = tpu.memref_slice %arg9[%dma_wait3A_1811] : memref<8192xf32, #tpu.memory_space<vmem>> -> memref<128xf32, #tpu.memory_space<vmem>>
    %dma_wait3A_1813 = arith.constant 5632 : i32
    %dma_wait3A_1814 = tpu.memref_slice %arg6[%dma_wait3A_1813] : memref<8192xi32, #tpu.memory_space<vmem>> -> memref<128xi32, #tpu.memory_space<vmem>>
    %dma_wait3A_1815 = arith.constant 0 : i32
    %dma_wait3A_1816 = tpu.memref_slice %arg2[%dma_wait3A_1815] : memref<393216xf32, #tpu.memory_space<hbm>> -> memref<393216xf32, #tpu.memory_space<hbm>>
    tpu.wait_indirect_dma semaphore(%arg11 : memref<!tpu.dma_semaphore, #tpu.memory_space<semaphore_mem>>) src(%dma_wait3A_1816 : memref<393216xf32, #tpu.memory_space<hbm>>) dst(%dma_wait3A_1812 : memref<128xf32, #tpu.memory_space<vmem>>)
    %dma_wait3A_1817 = arith.constant 5760 : i32
    %dma_wait3A_1818 = tpu.memref_slice %arg9[%dma_wait3A_1817] : memref<8192xf32, #tpu.memory_space<vmem>> -> memref<128xf32, #tpu.memory_space<vmem>>
    %dma_wait3A_1819 = arith.constant 5760 : i32
    %dma_wait3A_1820 = tpu.memref_slice %arg6[%dma_wait3A_1819] : memref<8192xi32, #tpu.memory_space<vmem>> -> memref<128xi32, #tpu.memory_space<vmem>>
    %dma_wait3A_1821 = arith.constant 0 : i32
    %dma_wait3A_1822 = tpu.memref_slice %arg2[%dma_wait3A_1821] : memref<393216xf32, #tpu.memory_space<hbm>> -> memref<393216xf32, #tpu.memory_space<hbm>>
    tpu.wait_indirect_dma semaphore(%arg11 : memref<!tpu.dma_semaphore, #tpu.memory_space<semaphore_mem>>) src(%dma_wait3A_1822 : memref<393216xf32, #tpu.memory_space<hbm>>) dst(%dma_wait3A_1818 : memref<128xf32, #tpu.memory_space<vmem>>)
    %dma_wait3A_1823 = arith.constant 5888 : i32
    %dma_wait3A_1824 = tpu.memref_slice %arg9[%dma_wait3A_1823] : memref<8192xf32, #tpu.memory_space<vmem>> -> memref<128xf32, #tpu.memory_space<vmem>>
    %dma_wait3A_1825 = arith.constant 5888 : i32
    %dma_wait3A_1826 = tpu.memref_slice %arg6[%dma_wait3A_1825] : memref<8192xi32, #tpu.memory_space<vmem>> -> memref<128xi32, #tpu.memory_space<vmem>>
    %dma_wait3A_1827 = arith.constant 0 : i32
    %dma_wait3A_1828 = tpu.memref_slice %arg2[%dma_wait3A_1827] : memref<393216xf32, #tpu.memory_space<hbm>> -> memref<393216xf32, #tpu.memory_space<hbm>>
    tpu.wait_indirect_dma semaphore(%arg11 : memref<!tpu.dma_semaphore, #tpu.memory_space<semaphore_mem>>) src(%dma_wait3A_1828 : memref<393216xf32, #tpu.memory_space<hbm>>) dst(%dma_wait3A_1824 : memref<128xf32, #tpu.memory_space<vmem>>)
    %dma_wait3A_1829 = arith.constant 6016 : i32
    %dma_wait3A_1830 = tpu.memref_slice %arg9[%dma_wait3A_1829] : memref<8192xf32, #tpu.memory_space<vmem>> -> memref<128xf32, #tpu.memory_space<vmem>>
    %dma_wait3A_1831 = arith.constant 6016 : i32
    %dma_wait3A_1832 = tpu.memref_slice %arg6[%dma_wait3A_1831] : memref<8192xi32, #tpu.memory_space<vmem>> -> memref<128xi32, #tpu.memory_space<vmem>>
    %dma_wait3A_1833 = arith.constant 0 : i32
    %dma_wait3A_1834 = tpu.memref_slice %arg2[%dma_wait3A_1833] : memref<393216xf32, #tpu.memory_space<hbm>> -> memref<393216xf32, #tpu.memory_space<hbm>>
    tpu.wait_indirect_dma semaphore(%arg11 : memref<!tpu.dma_semaphore, #tpu.memory_space<semaphore_mem>>) src(%dma_wait3A_1834 : memref<393216xf32, #tpu.memory_space<hbm>>) dst(%dma_wait3A_1830 : memref<128xf32, #tpu.memory_space<vmem>>)
    %dma_wait3A_1835 = arith.constant 6144 : i32
    %dma_wait3A_1836 = tpu.memref_slice %arg9[%dma_wait3A_1835] : memref<8192xf32, #tpu.memory_space<vmem>> -> memref<128xf32, #tpu.memory_space<vmem>>
    %dma_wait3A_1837 = arith.constant 6144 : i32
    %dma_wait3A_1838 = tpu.memref_slice %arg6[%dma_wait3A_1837] : memref<8192xi32, #tpu.memory_space<vmem>> -> memref<128xi32, #tpu.memory_space<vmem>>
    %dma_wait3A_1839 = arith.constant 0 : i32
    %dma_wait3A_1840 = tpu.memref_slice %arg2[%dma_wait3A_1839] : memref<393216xf32, #tpu.memory_space<hbm>> -> memref<393216xf32, #tpu.memory_space<hbm>>
    tpu.wait_indirect_dma semaphore(%arg11 : memref<!tpu.dma_semaphore, #tpu.memory_space<semaphore_mem>>) src(%dma_wait3A_1840 : memref<393216xf32, #tpu.memory_space<hbm>>) dst(%dma_wait3A_1836 : memref<128xf32, #tpu.memory_space<vmem>>)
    %dma_wait3A_1841 = arith.constant 6272 : i32
    %dma_wait3A_1842 = tpu.memref_slice %arg9[%dma_wait3A_1841] : memref<8192xf32, #tpu.memory_space<vmem>> -> memref<128xf32, #tpu.memory_space<vmem>>
    %dma_wait3A_1843 = arith.constant 6272 : i32
    %dma_wait3A_1844 = tpu.memref_slice %arg6[%dma_wait3A_1843] : memref<8192xi32, #tpu.memory_space<vmem>> -> memref<128xi32, #tpu.memory_space<vmem>>
    %dma_wait3A_1845 = arith.constant 0 : i32
    %dma_wait3A_1846 = tpu.memref_slice %arg2[%dma_wait3A_1845] : memref<393216xf32, #tpu.memory_space<hbm>> -> memref<393216xf32, #tpu.memory_space<hbm>>
    tpu.wait_indirect_dma semaphore(%arg11 : memref<!tpu.dma_semaphore, #tpu.memory_space<semaphore_mem>>) src(%dma_wait3A_1846 : memref<393216xf32, #tpu.memory_space<hbm>>) dst(%dma_wait3A_1842 : memref<128xf32, #tpu.memory_space<vmem>>)
    %dma_wait3A_1847 = arith.constant 6400 : i32
    %dma_wait3A_1848 = tpu.memref_slice %arg9[%dma_wait3A_1847] : memref<8192xf32, #tpu.memory_space<vmem>> -> memref<128xf32, #tpu.memory_space<vmem>>
    %dma_wait3A_1849 = arith.constant 6400 : i32
    %dma_wait3A_1850 = tpu.memref_slice %arg6[%dma_wait3A_1849] : memref<8192xi32, #tpu.memory_space<vmem>> -> memref<128xi32, #tpu.memory_space<vmem>>
    %dma_wait3A_1851 = arith.constant 0 : i32
    %dma_wait3A_1852 = tpu.memref_slice %arg2[%dma_wait3A_1851] : memref<393216xf32, #tpu.memory_space<hbm>> -> memref<393216xf32, #tpu.memory_space<hbm>>
    tpu.wait_indirect_dma semaphore(%arg11 : memref<!tpu.dma_semaphore, #tpu.memory_space<semaphore_mem>>) src(%dma_wait3A_1852 : memref<393216xf32, #tpu.memory_space<hbm>>) dst(%dma_wait3A_1848 : memref<128xf32, #tpu.memory_space<vmem>>)
    %dma_wait3A_1853 = arith.constant 6528 : i32
    %dma_wait3A_1854 = tpu.memref_slice %arg9[%dma_wait3A_1853] : memref<8192xf32, #tpu.memory_space<vmem>> -> memref<128xf32, #tpu.memory_space<vmem>>
    %dma_wait3A_1855 = arith.constant 6528 : i32
    %dma_wait3A_1856 = tpu.memref_slice %arg6[%dma_wait3A_1855] : memref<8192xi32, #tpu.memory_space<vmem>> -> memref<128xi32, #tpu.memory_space<vmem>>
    %dma_wait3A_1857 = arith.constant 0 : i32
    %dma_wait3A_1858 = tpu.memref_slice %arg2[%dma_wait3A_1857] : memref<393216xf32, #tpu.memory_space<hbm>> -> memref<393216xf32, #tpu.memory_space<hbm>>
    tpu.wait_indirect_dma semaphore(%arg11 : memref<!tpu.dma_semaphore, #tpu.memory_space<semaphore_mem>>) src(%dma_wait3A_1858 : memref<393216xf32, #tpu.memory_space<hbm>>) dst(%dma_wait3A_1854 : memref<128xf32, #tpu.memory_space<vmem>>)
    %dma_wait3A_1859 = arith.constant 6656 : i32
    %dma_wait3A_1860 = tpu.memref_slice %arg9[%dma_wait3A_1859] : memref<8192xf32, #tpu.memory_space<vmem>> -> memref<128xf32, #tpu.memory_space<vmem>>
    %dma_wait3A_1861 = arith.constant 6656 : i32
    %dma_wait3A_1862 = tpu.memref_slice %arg6[%dma_wait3A_1861] : memref<8192xi32, #tpu.memory_space<vmem>> -> memref<128xi32, #tpu.memory_space<vmem>>
    %dma_wait3A_1863 = arith.constant 0 : i32
    %dma_wait3A_1864 = tpu.memref_slice %arg2[%dma_wait3A_1863] : memref<393216xf32, #tpu.memory_space<hbm>> -> memref<393216xf32, #tpu.memory_space<hbm>>
    tpu.wait_indirect_dma semaphore(%arg11 : memref<!tpu.dma_semaphore, #tpu.memory_space<semaphore_mem>>) src(%dma_wait3A_1864 : memref<393216xf32, #tpu.memory_space<hbm>>) dst(%dma_wait3A_1860 : memref<128xf32, #tpu.memory_space<vmem>>)
    %dma_wait3A_1865 = arith.constant 6784 : i32
    %dma_wait3A_1866 = tpu.memref_slice %arg9[%dma_wait3A_1865] : memref<8192xf32, #tpu.memory_space<vmem>> -> memref<128xf32, #tpu.memory_space<vmem>>
    %dma_wait3A_1867 = arith.constant 6784 : i32
    %dma_wait3A_1868 = tpu.memref_slice %arg6[%dma_wait3A_1867] : memref<8192xi32, #tpu.memory_space<vmem>> -> memref<128xi32, #tpu.memory_space<vmem>>
    %dma_wait3A_1869 = arith.constant 0 : i32
    %dma_wait3A_1870 = tpu.memref_slice %arg2[%dma_wait3A_1869] : memref<393216xf32, #tpu.memory_space<hbm>> -> memref<393216xf32, #tpu.memory_space<hbm>>
    tpu.wait_indirect_dma semaphore(%arg11 : memref<!tpu.dma_semaphore, #tpu.memory_space<semaphore_mem>>) src(%dma_wait3A_1870 : memref<393216xf32, #tpu.memory_space<hbm>>) dst(%dma_wait3A_1866 : memref<128xf32, #tpu.memory_space<vmem>>)
    %dma_wait3A_1871 = arith.constant 6912 : i32
    %dma_wait3A_1872 = tpu.memref_slice %arg9[%dma_wait3A_1871] : memref<8192xf32, #tpu.memory_space<vmem>> -> memref<128xf32, #tpu.memory_space<vmem>>
    %dma_wait3A_1873 = arith.constant 6912 : i32
    %dma_wait3A_1874 = tpu.memref_slice %arg6[%dma_wait3A_1873] : memref<8192xi32, #tpu.memory_space<vmem>> -> memref<128xi32, #tpu.memory_space<vmem>>
    %dma_wait3A_1875 = arith.constant 0 : i32
    %dma_wait3A_1876 = tpu.memref_slice %arg2[%dma_wait3A_1875] : memref<393216xf32, #tpu.memory_space<hbm>> -> memref<393216xf32, #tpu.memory_space<hbm>>
    tpu.wait_indirect_dma semaphore(%arg11 : memref<!tpu.dma_semaphore, #tpu.memory_space<semaphore_mem>>) src(%dma_wait3A_1876 : memref<393216xf32, #tpu.memory_space<hbm>>) dst(%dma_wait3A_1872 : memref<128xf32, #tpu.memory_space<vmem>>)
    %dma_wait3A_1877 = arith.constant 7040 : i32
    %dma_wait3A_1878 = tpu.memref_slice %arg9[%dma_wait3A_1877] : memref<8192xf32, #tpu.memory_space<vmem>> -> memref<128xf32, #tpu.memory_space<vmem>>
    %dma_wait3A_1879 = arith.constant 7040 : i32
    %dma_wait3A_1880 = tpu.memref_slice %arg6[%dma_wait3A_1879] : memref<8192xi32, #tpu.memory_space<vmem>> -> memref<128xi32, #tpu.memory_space<vmem>>
    %dma_wait3A_1881 = arith.constant 0 : i32
    %dma_wait3A_1882 = tpu.memref_slice %arg2[%dma_wait3A_1881] : memref<393216xf32, #tpu.memory_space<hbm>> -> memref<393216xf32, #tpu.memory_space<hbm>>
    tpu.wait_indirect_dma semaphore(%arg11 : memref<!tpu.dma_semaphore, #tpu.memory_space<semaphore_mem>>) src(%dma_wait3A_1882 : memref<393216xf32, #tpu.memory_space<hbm>>) dst(%dma_wait3A_1878 : memref<128xf32, #tpu.memory_space<vmem>>)
    %dma_wait3A_1883 = arith.constant 7168 : i32
    %dma_wait3A_1884 = tpu.memref_slice %arg9[%dma_wait3A_1883] : memref<8192xf32, #tpu.memory_space<vmem>> -> memref<128xf32, #tpu.memory_space<vmem>>
    %dma_wait3A_1885 = arith.constant 7168 : i32
    %dma_wait3A_1886 = tpu.memref_slice %arg6[%dma_wait3A_1885] : memref<8192xi32, #tpu.memory_space<vmem>> -> memref<128xi32, #tpu.memory_space<vmem>>
    %dma_wait3A_1887 = arith.constant 0 : i32
    %dma_wait3A_1888 = tpu.memref_slice %arg2[%dma_wait3A_1887] : memref<393216xf32, #tpu.memory_space<hbm>> -> memref<393216xf32, #tpu.memory_space<hbm>>
    tpu.wait_indirect_dma semaphore(%arg11 : memref<!tpu.dma_semaphore, #tpu.memory_space<semaphore_mem>>) src(%dma_wait3A_1888 : memref<393216xf32, #tpu.memory_space<hbm>>) dst(%dma_wait3A_1884 : memref<128xf32, #tpu.memory_space<vmem>>)
    %dma_wait3A_1889 = arith.constant 7296 : i32
    %dma_wait3A_1890 = tpu.memref_slice %arg9[%dma_wait3A_1889] : memref<8192xf32, #tpu.memory_space<vmem>> -> memref<128xf32, #tpu.memory_space<vmem>>
    %dma_wait3A_1891 = arith.constant 7296 : i32
    %dma_wait3A_1892 = tpu.memref_slice %arg6[%dma_wait3A_1891] : memref<8192xi32, #tpu.memory_space<vmem>> -> memref<128xi32, #tpu.memory_space<vmem>>
    %dma_wait3A_1893 = arith.constant 0 : i32
    %dma_wait3A_1894 = tpu.memref_slice %arg2[%dma_wait3A_1893] : memref<393216xf32, #tpu.memory_space<hbm>> -> memref<393216xf32, #tpu.memory_space<hbm>>
    tpu.wait_indirect_dma semaphore(%arg11 : memref<!tpu.dma_semaphore, #tpu.memory_space<semaphore_mem>>) src(%dma_wait3A_1894 : memref<393216xf32, #tpu.memory_space<hbm>>) dst(%dma_wait3A_1890 : memref<128xf32, #tpu.memory_space<vmem>>)
    %dma_wait3A_1895 = arith.constant 7424 : i32
    %dma_wait3A_1896 = tpu.memref_slice %arg9[%dma_wait3A_1895] : memref<8192xf32, #tpu.memory_space<vmem>> -> memref<128xf32, #tpu.memory_space<vmem>>
    %dma_wait3A_1897 = arith.constant 7424 : i32
    %dma_wait3A_1898 = tpu.memref_slice %arg6[%dma_wait3A_1897] : memref<8192xi32, #tpu.memory_space<vmem>> -> memref<128xi32, #tpu.memory_space<vmem>>
    %dma_wait3A_1899 = arith.constant 0 : i32
    %dma_wait3A_1900 = tpu.memref_slice %arg2[%dma_wait3A_1899] : memref<393216xf32, #tpu.memory_space<hbm>> -> memref<393216xf32, #tpu.memory_space<hbm>>
    tpu.wait_indirect_dma semaphore(%arg11 : memref<!tpu.dma_semaphore, #tpu.memory_space<semaphore_mem>>) src(%dma_wait3A_1900 : memref<393216xf32, #tpu.memory_space<hbm>>) dst(%dma_wait3A_1896 : memref<128xf32, #tpu.memory_space<vmem>>)
    %dma_wait3A_1901 = arith.constant 7552 : i32
    %dma_wait3A_1902 = tpu.memref_slice %arg9[%dma_wait3A_1901] : memref<8192xf32, #tpu.memory_space<vmem>> -> memref<128xf32, #tpu.memory_space<vmem>>
    %dma_wait3A_1903 = arith.constant 7552 : i32
    %dma_wait3A_1904 = tpu.memref_slice %arg6[%dma_wait3A_1903] : memref<8192xi32, #tpu.memory_space<vmem>> -> memref<128xi32, #tpu.memory_space<vmem>>
    %dma_wait3A_1905 = arith.constant 0 : i32
    %dma_wait3A_1906 = tpu.memref_slice %arg2[%dma_wait3A_1905] : memref<393216xf32, #tpu.memory_space<hbm>> -> memref<393216xf32, #tpu.memory_space<hbm>>
    tpu.wait_indirect_dma semaphore(%arg11 : memref<!tpu.dma_semaphore, #tpu.memory_space<semaphore_mem>>) src(%dma_wait3A_1906 : memref<393216xf32, #tpu.memory_space<hbm>>) dst(%dma_wait3A_1902 : memref<128xf32, #tpu.memory_space<vmem>>)
    %dma_wait3A_1907 = arith.constant 7680 : i32
    %dma_wait3A_1908 = tpu.memref_slice %arg9[%dma_wait3A_1907] : memref<8192xf32, #tpu.memory_space<vmem>> -> memref<128xf32, #tpu.memory_space<vmem>>
    %dma_wait3A_1909 = arith.constant 7680 : i32
    %dma_wait3A_1910 = tpu.memref_slice %arg6[%dma_wait3A_1909] : memref<8192xi32, #tpu.memory_space<vmem>> -> memref<128xi32, #tpu.memory_space<vmem>>
    %dma_wait3A_1911 = arith.constant 0 : i32
    %dma_wait3A_1912 = tpu.memref_slice %arg2[%dma_wait3A_1911] : memref<393216xf32, #tpu.memory_space<hbm>> -> memref<393216xf32, #tpu.memory_space<hbm>>
    tpu.wait_indirect_dma semaphore(%arg11 : memref<!tpu.dma_semaphore, #tpu.memory_space<semaphore_mem>>) src(%dma_wait3A_1912 : memref<393216xf32, #tpu.memory_space<hbm>>) dst(%dma_wait3A_1908 : memref<128xf32, #tpu.memory_space<vmem>>)
    %dma_wait3A_1913 = arith.constant 7808 : i32
    %dma_wait3A_1914 = tpu.memref_slice %arg9[%dma_wait3A_1913] : memref<8192xf32, #tpu.memory_space<vmem>> -> memref<128xf32, #tpu.memory_space<vmem>>
    %dma_wait3A_1915 = arith.constant 7808 : i32
    %dma_wait3A_1916 = tpu.memref_slice %arg6[%dma_wait3A_1915] : memref<8192xi32, #tpu.memory_space<vmem>> -> memref<128xi32, #tpu.memory_space<vmem>>
    %dma_wait3A_1917 = arith.constant 0 : i32
    %dma_wait3A_1918 = tpu.memref_slice %arg2[%dma_wait3A_1917] : memref<393216xf32, #tpu.memory_space<hbm>> -> memref<393216xf32, #tpu.memory_space<hbm>>
    tpu.wait_indirect_dma semaphore(%arg11 : memref<!tpu.dma_semaphore, #tpu.memory_space<semaphore_mem>>) src(%dma_wait3A_1918 : memref<393216xf32, #tpu.memory_space<hbm>>) dst(%dma_wait3A_1914 : memref<128xf32, #tpu.memory_space<vmem>>)
    %dma_wait3A_1919 = arith.constant 7936 : i32
    %dma_wait3A_1920 = tpu.memref_slice %arg9[%dma_wait3A_1919] : memref<8192xf32, #tpu.memory_space<vmem>> -> memref<128xf32, #tpu.memory_space<vmem>>
    %dma_wait3A_1921 = arith.constant 7936 : i32
    %dma_wait3A_1922 = tpu.memref_slice %arg6[%dma_wait3A_1921] : memref<8192xi32, #tpu.memory_space<vmem>> -> memref<128xi32, #tpu.memory_space<vmem>>
    %dma_wait3A_1923 = arith.constant 0 : i32
    %dma_wait3A_1924 = tpu.memref_slice %arg2[%dma_wait3A_1923] : memref<393216xf32, #tpu.memory_space<hbm>> -> memref<393216xf32, #tpu.memory_space<hbm>>
    tpu.wait_indirect_dma semaphore(%arg11 : memref<!tpu.dma_semaphore, #tpu.memory_space<semaphore_mem>>) src(%dma_wait3A_1924 : memref<393216xf32, #tpu.memory_space<hbm>>) dst(%dma_wait3A_1920 : memref<128xf32, #tpu.memory_space<vmem>>)
    %dma_wait3A_1925 = arith.constant 8064 : i32
    %dma_wait3A_1926 = tpu.memref_slice %arg9[%dma_wait3A_1925] : memref<8192xf32, #tpu.memory_space<vmem>> -> memref<128xf32, #tpu.memory_space<vmem>>
    %dma_wait3A_1927 = arith.constant 8064 : i32
    %dma_wait3A_1928 = tpu.memref_slice %arg6[%dma_wait3A_1927] : memref<8192xi32, #tpu.memory_space<vmem>> -> memref<128xi32, #tpu.memory_space<vmem>>
    %dma_wait3A_1929 = arith.constant 0 : i32
    %dma_wait3A_1930 = tpu.memref_slice %arg2[%dma_wait3A_1929] : memref<393216xf32, #tpu.memory_space<hbm>> -> memref<393216xf32, #tpu.memory_space<hbm>>
    tpu.wait_indirect_dma semaphore(%arg11 : memref<!tpu.dma_semaphore, #tpu.memory_space<semaphore_mem>>) src(%dma_wait3A_1930 : memref<393216xf32, #tpu.memory_space<hbm>>) dst(%dma_wait3A_1926 : memref<128xf32, #tpu.memory_space<vmem>>)
    %dma_wait3A_1931 = arith.constant 0 : i32
    %dma_wait3A_1932 = tpu.memref_slice %arg10[%dma_wait3A_1931] : memref<8192xf32, #tpu.memory_space<vmem>> -> memref<128xf32, #tpu.memory_space<vmem>>
    %dma_wait3A_1933 = arith.constant 0 : i32
    %dma_wait3A_1934 = tpu.memref_slice %arg7[%dma_wait3A_1933] : memref<8192xi32, #tpu.memory_space<vmem>> -> memref<128xi32, #tpu.memory_space<vmem>>
    %dma_wait3A_1935 = arith.constant 0 : i32
    %dma_wait3A_1936 = tpu.memref_slice %arg2[%dma_wait3A_1935] : memref<393216xf32, #tpu.memory_space<hbm>> -> memref<393216xf32, #tpu.memory_space<hbm>>
    tpu.wait_indirect_dma semaphore(%arg11 : memref<!tpu.dma_semaphore, #tpu.memory_space<semaphore_mem>>) src(%dma_wait3A_1936 : memref<393216xf32, #tpu.memory_space<hbm>>) dst(%dma_wait3A_1932 : memref<128xf32, #tpu.memory_space<vmem>>)
    %dma_wait3A_1937 = arith.constant 128 : i32
    %dma_wait3A_1938 = tpu.memref_slice %arg10[%dma_wait3A_1937] : memref<8192xf32, #tpu.memory_space<vmem>> -> memref<128xf32, #tpu.memory_space<vmem>>
    %dma_wait3A_1939 = arith.constant 128 : i32
    %dma_wait3A_1940 = tpu.memref_slice %arg7[%dma_wait3A_1939] : memref<8192xi32, #tpu.memory_space<vmem>> -> memref<128xi32, #tpu.memory_space<vmem>>
    %dma_wait3A_1941 = arith.constant 0 : i32
    %dma_wait3A_1942 = tpu.memref_slice %arg2[%dma_wait3A_1941] : memref<393216xf32, #tpu.memory_space<hbm>> -> memref<393216xf32, #tpu.memory_space<hbm>>
    tpu.wait_indirect_dma semaphore(%arg11 : memref<!tpu.dma_semaphore, #tpu.memory_space<semaphore_mem>>) src(%dma_wait3A_1942 : memref<393216xf32, #tpu.memory_space<hbm>>) dst(%dma_wait3A_1938 : memref<128xf32, #tpu.memory_space<vmem>>)
    %dma_wait3A_1943 = arith.constant 256 : i32
    %dma_wait3A_1944 = tpu.memref_slice %arg10[%dma_wait3A_1943] : memref<8192xf32, #tpu.memory_space<vmem>> -> memref<128xf32, #tpu.memory_space<vmem>>
    %dma_wait3A_1945 = arith.constant 256 : i32
    %dma_wait3A_1946 = tpu.memref_slice %arg7[%dma_wait3A_1945] : memref<8192xi32, #tpu.memory_space<vmem>> -> memref<128xi32, #tpu.memory_space<vmem>>
    %dma_wait3A_1947 = arith.constant 0 : i32
    %dma_wait3A_1948 = tpu.memref_slice %arg2[%dma_wait3A_1947] : memref<393216xf32, #tpu.memory_space<hbm>> -> memref<393216xf32, #tpu.memory_space<hbm>>
    tpu.wait_indirect_dma semaphore(%arg11 : memref<!tpu.dma_semaphore, #tpu.memory_space<semaphore_mem>>) src(%dma_wait3A_1948 : memref<393216xf32, #tpu.memory_space<hbm>>) dst(%dma_wait3A_1944 : memref<128xf32, #tpu.memory_space<vmem>>)
    %dma_wait3A_1949 = arith.constant 384 : i32
    %dma_wait3A_1950 = tpu.memref_slice %arg10[%dma_wait3A_1949] : memref<8192xf32, #tpu.memory_space<vmem>> -> memref<128xf32, #tpu.memory_space<vmem>>
    %dma_wait3A_1951 = arith.constant 384 : i32
    %dma_wait3A_1952 = tpu.memref_slice %arg7[%dma_wait3A_1951] : memref<8192xi32, #tpu.memory_space<vmem>> -> memref<128xi32, #tpu.memory_space<vmem>>
    %dma_wait3A_1953 = arith.constant 0 : i32
    %dma_wait3A_1954 = tpu.memref_slice %arg2[%dma_wait3A_1953] : memref<393216xf32, #tpu.memory_space<hbm>> -> memref<393216xf32, #tpu.memory_space<hbm>>
    tpu.wait_indirect_dma semaphore(%arg11 : memref<!tpu.dma_semaphore, #tpu.memory_space<semaphore_mem>>) src(%dma_wait3A_1954 : memref<393216xf32, #tpu.memory_space<hbm>>) dst(%dma_wait3A_1950 : memref<128xf32, #tpu.memory_space<vmem>>)
    %dma_wait3A_1955 = arith.constant 512 : i32
    %dma_wait3A_1956 = tpu.memref_slice %arg10[%dma_wait3A_1955] : memref<8192xf32, #tpu.memory_space<vmem>> -> memref<128xf32, #tpu.memory_space<vmem>>
    %dma_wait3A_1957 = arith.constant 512 : i32
    %dma_wait3A_1958 = tpu.memref_slice %arg7[%dma_wait3A_1957] : memref<8192xi32, #tpu.memory_space<vmem>> -> memref<128xi32, #tpu.memory_space<vmem>>
    %dma_wait3A_1959 = arith.constant 0 : i32
    %dma_wait3A_1960 = tpu.memref_slice %arg2[%dma_wait3A_1959] : memref<393216xf32, #tpu.memory_space<hbm>> -> memref<393216xf32, #tpu.memory_space<hbm>>
    tpu.wait_indirect_dma semaphore(%arg11 : memref<!tpu.dma_semaphore, #tpu.memory_space<semaphore_mem>>) src(%dma_wait3A_1960 : memref<393216xf32, #tpu.memory_space<hbm>>) dst(%dma_wait3A_1956 : memref<128xf32, #tpu.memory_space<vmem>>)
    %dma_wait3A_1961 = arith.constant 640 : i32
    %dma_wait3A_1962 = tpu.memref_slice %arg10[%dma_wait3A_1961] : memref<8192xf32, #tpu.memory_space<vmem>> -> memref<128xf32, #tpu.memory_space<vmem>>
    %dma_wait3A_1963 = arith.constant 640 : i32
    %dma_wait3A_1964 = tpu.memref_slice %arg7[%dma_wait3A_1963] : memref<8192xi32, #tpu.memory_space<vmem>> -> memref<128xi32, #tpu.memory_space<vmem>>
    %dma_wait3A_1965 = arith.constant 0 : i32
    %dma_wait3A_1966 = tpu.memref_slice %arg2[%dma_wait3A_1965] : memref<393216xf32, #tpu.memory_space<hbm>> -> memref<393216xf32, #tpu.memory_space<hbm>>
    tpu.wait_indirect_dma semaphore(%arg11 : memref<!tpu.dma_semaphore, #tpu.memory_space<semaphore_mem>>) src(%dma_wait3A_1966 : memref<393216xf32, #tpu.memory_space<hbm>>) dst(%dma_wait3A_1962 : memref<128xf32, #tpu.memory_space<vmem>>)
    %dma_wait3A_1967 = arith.constant 768 : i32
    %dma_wait3A_1968 = tpu.memref_slice %arg10[%dma_wait3A_1967] : memref<8192xf32, #tpu.memory_space<vmem>> -> memref<128xf32, #tpu.memory_space<vmem>>
    %dma_wait3A_1969 = arith.constant 768 : i32
    %dma_wait3A_1970 = tpu.memref_slice %arg7[%dma_wait3A_1969] : memref<8192xi32, #tpu.memory_space<vmem>> -> memref<128xi32, #tpu.memory_space<vmem>>
    %dma_wait3A_1971 = arith.constant 0 : i32
    %dma_wait3A_1972 = tpu.memref_slice %arg2[%dma_wait3A_1971] : memref<393216xf32, #tpu.memory_space<hbm>> -> memref<393216xf32, #tpu.memory_space<hbm>>
    tpu.wait_indirect_dma semaphore(%arg11 : memref<!tpu.dma_semaphore, #tpu.memory_space<semaphore_mem>>) src(%dma_wait3A_1972 : memref<393216xf32, #tpu.memory_space<hbm>>) dst(%dma_wait3A_1968 : memref<128xf32, #tpu.memory_space<vmem>>)
    %dma_wait3A_1973 = arith.constant 896 : i32
    %dma_wait3A_1974 = tpu.memref_slice %arg10[%dma_wait3A_1973] : memref<8192xf32, #tpu.memory_space<vmem>> -> memref<128xf32, #tpu.memory_space<vmem>>
    %dma_wait3A_1975 = arith.constant 896 : i32
    %dma_wait3A_1976 = tpu.memref_slice %arg7[%dma_wait3A_1975] : memref<8192xi32, #tpu.memory_space<vmem>> -> memref<128xi32, #tpu.memory_space<vmem>>
    %dma_wait3A_1977 = arith.constant 0 : i32
    %dma_wait3A_1978 = tpu.memref_slice %arg2[%dma_wait3A_1977] : memref<393216xf32, #tpu.memory_space<hbm>> -> memref<393216xf32, #tpu.memory_space<hbm>>
    tpu.wait_indirect_dma semaphore(%arg11 : memref<!tpu.dma_semaphore, #tpu.memory_space<semaphore_mem>>) src(%dma_wait3A_1978 : memref<393216xf32, #tpu.memory_space<hbm>>) dst(%dma_wait3A_1974 : memref<128xf32, #tpu.memory_space<vmem>>)
    %dma_wait3A_1979 = arith.constant 1024 : i32
    %dma_wait3A_1980 = tpu.memref_slice %arg10[%dma_wait3A_1979] : memref<8192xf32, #tpu.memory_space<vmem>> -> memref<128xf32, #tpu.memory_space<vmem>>
    %dma_wait3A_1981 = arith.constant 1024 : i32
    %dma_wait3A_1982 = tpu.memref_slice %arg7[%dma_wait3A_1981] : memref<8192xi32, #tpu.memory_space<vmem>> -> memref<128xi32, #tpu.memory_space<vmem>>
    %dma_wait3A_1983 = arith.constant 0 : i32
    %dma_wait3A_1984 = tpu.memref_slice %arg2[%dma_wait3A_1983] : memref<393216xf32, #tpu.memory_space<hbm>> -> memref<393216xf32, #tpu.memory_space<hbm>>
    tpu.wait_indirect_dma semaphore(%arg11 : memref<!tpu.dma_semaphore, #tpu.memory_space<semaphore_mem>>) src(%dma_wait3A_1984 : memref<393216xf32, #tpu.memory_space<hbm>>) dst(%dma_wait3A_1980 : memref<128xf32, #tpu.memory_space<vmem>>)
    %dma_wait3A_1985 = arith.constant 1152 : i32
    %dma_wait3A_1986 = tpu.memref_slice %arg10[%dma_wait3A_1985] : memref<8192xf32, #tpu.memory_space<vmem>> -> memref<128xf32, #tpu.memory_space<vmem>>
    %dma_wait3A_1987 = arith.constant 1152 : i32
    %dma_wait3A_1988 = tpu.memref_slice %arg7[%dma_wait3A_1987] : memref<8192xi32, #tpu.memory_space<vmem>> -> memref<128xi32, #tpu.memory_space<vmem>>
    %dma_wait3A_1989 = arith.constant 0 : i32
    %dma_wait3A_1990 = tpu.memref_slice %arg2[%dma_wait3A_1989] : memref<393216xf32, #tpu.memory_space<hbm>> -> memref<393216xf32, #tpu.memory_space<hbm>>
    tpu.wait_indirect_dma semaphore(%arg11 : memref<!tpu.dma_semaphore, #tpu.memory_space<semaphore_mem>>) src(%dma_wait3A_1990 : memref<393216xf32, #tpu.memory_space<hbm>>) dst(%dma_wait3A_1986 : memref<128xf32, #tpu.memory_space<vmem>>)
    %dma_wait3A_1991 = arith.constant 1280 : i32
    %dma_wait3A_1992 = tpu.memref_slice %arg10[%dma_wait3A_1991] : memref<8192xf32, #tpu.memory_space<vmem>> -> memref<128xf32, #tpu.memory_space<vmem>>
    %dma_wait3A_1993 = arith.constant 1280 : i32
    %dma_wait3A_1994 = tpu.memref_slice %arg7[%dma_wait3A_1993] : memref<8192xi32, #tpu.memory_space<vmem>> -> memref<128xi32, #tpu.memory_space<vmem>>
    %dma_wait3A_1995 = arith.constant 0 : i32
    %dma_wait3A_1996 = tpu.memref_slice %arg2[%dma_wait3A_1995] : memref<393216xf32, #tpu.memory_space<hbm>> -> memref<393216xf32, #tpu.memory_space<hbm>>
    tpu.wait_indirect_dma semaphore(%arg11 : memref<!tpu.dma_semaphore, #tpu.memory_space<semaphore_mem>>) src(%dma_wait3A_1996 : memref<393216xf32, #tpu.memory_space<hbm>>) dst(%dma_wait3A_1992 : memref<128xf32, #tpu.memory_space<vmem>>)
    %dma_wait3A_1997 = arith.constant 1408 : i32
    %dma_wait3A_1998 = tpu.memref_slice %arg10[%dma_wait3A_1997] : memref<8192xf32, #tpu.memory_space<vmem>> -> memref<128xf32, #tpu.memory_space<vmem>>
    %dma_wait3A_1999 = arith.constant 1408 : i32
    %dma_wait3A_2000 = tpu.memref_slice %arg7[%dma_wait3A_1999] : memref<8192xi32, #tpu.memory_space<vmem>> -> memref<128xi32, #tpu.memory_space<vmem>>
    %dma_wait3A_2001 = arith.constant 0 : i32
    %dma_wait3A_2002 = tpu.memref_slice %arg2[%dma_wait3A_2001] : memref<393216xf32, #tpu.memory_space<hbm>> -> memref<393216xf32, #tpu.memory_space<hbm>>
    tpu.wait_indirect_dma semaphore(%arg11 : memref<!tpu.dma_semaphore, #tpu.memory_space<semaphore_mem>>) src(%dma_wait3A_2002 : memref<393216xf32, #tpu.memory_space<hbm>>) dst(%dma_wait3A_1998 : memref<128xf32, #tpu.memory_space<vmem>>)
    %dma_wait3A_2003 = arith.constant 1536 : i32
    %dma_wait3A_2004 = tpu.memref_slice %arg10[%dma_wait3A_2003] : memref<8192xf32, #tpu.memory_space<vmem>> -> memref<128xf32, #tpu.memory_space<vmem>>
    %dma_wait3A_2005 = arith.constant 1536 : i32
    %dma_wait3A_2006 = tpu.memref_slice %arg7[%dma_wait3A_2005] : memref<8192xi32, #tpu.memory_space<vmem>> -> memref<128xi32, #tpu.memory_space<vmem>>
    %dma_wait3A_2007 = arith.constant 0 : i32
    %dma_wait3A_2008 = tpu.memref_slice %arg2[%dma_wait3A_2007] : memref<393216xf32, #tpu.memory_space<hbm>> -> memref<393216xf32, #tpu.memory_space<hbm>>
    tpu.wait_indirect_dma semaphore(%arg11 : memref<!tpu.dma_semaphore, #tpu.memory_space<semaphore_mem>>) src(%dma_wait3A_2008 : memref<393216xf32, #tpu.memory_space<hbm>>) dst(%dma_wait3A_2004 : memref<128xf32, #tpu.memory_space<vmem>>)
    %dma_wait3A_2009 = arith.constant 1664 : i32
    %dma_wait3A_2010 = tpu.memref_slice %arg10[%dma_wait3A_2009] : memref<8192xf32, #tpu.memory_space<vmem>> -> memref<128xf32, #tpu.memory_space<vmem>>
    %dma_wait3A_2011 = arith.constant 1664 : i32
    %dma_wait3A_2012 = tpu.memref_slice %arg7[%dma_wait3A_2011] : memref<8192xi32, #tpu.memory_space<vmem>> -> memref<128xi32, #tpu.memory_space<vmem>>
    %dma_wait3A_2013 = arith.constant 0 : i32
    %dma_wait3A_2014 = tpu.memref_slice %arg2[%dma_wait3A_2013] : memref<393216xf32, #tpu.memory_space<hbm>> -> memref<393216xf32, #tpu.memory_space<hbm>>
    tpu.wait_indirect_dma semaphore(%arg11 : memref<!tpu.dma_semaphore, #tpu.memory_space<semaphore_mem>>) src(%dma_wait3A_2014 : memref<393216xf32, #tpu.memory_space<hbm>>) dst(%dma_wait3A_2010 : memref<128xf32, #tpu.memory_space<vmem>>)
    %dma_wait3A_2015 = arith.constant 1792 : i32
    %dma_wait3A_2016 = tpu.memref_slice %arg10[%dma_wait3A_2015] : memref<8192xf32, #tpu.memory_space<vmem>> -> memref<128xf32, #tpu.memory_space<vmem>>
    %dma_wait3A_2017 = arith.constant 1792 : i32
    %dma_wait3A_2018 = tpu.memref_slice %arg7[%dma_wait3A_2017] : memref<8192xi32, #tpu.memory_space<vmem>> -> memref<128xi32, #tpu.memory_space<vmem>>
    %dma_wait3A_2019 = arith.constant 0 : i32
    %dma_wait3A_2020 = tpu.memref_slice %arg2[%dma_wait3A_2019] : memref<393216xf32, #tpu.memory_space<hbm>> -> memref<393216xf32, #tpu.memory_space<hbm>>
    tpu.wait_indirect_dma semaphore(%arg11 : memref<!tpu.dma_semaphore, #tpu.memory_space<semaphore_mem>>) src(%dma_wait3A_2020 : memref<393216xf32, #tpu.memory_space<hbm>>) dst(%dma_wait3A_2016 : memref<128xf32, #tpu.memory_space<vmem>>)
    %dma_wait3A_2021 = arith.constant 1920 : i32
    %dma_wait3A_2022 = tpu.memref_slice %arg10[%dma_wait3A_2021] : memref<8192xf32, #tpu.memory_space<vmem>> -> memref<128xf32, #tpu.memory_space<vmem>>
    %dma_wait3A_2023 = arith.constant 1920 : i32
    %dma_wait3A_2024 = tpu.memref_slice %arg7[%dma_wait3A_2023] : memref<8192xi32, #tpu.memory_space<vmem>> -> memref<128xi32, #tpu.memory_space<vmem>>
    %dma_wait3A_2025 = arith.constant 0 : i32
    %dma_wait3A_2026 = tpu.memref_slice %arg2[%dma_wait3A_2025] : memref<393216xf32, #tpu.memory_space<hbm>> -> memref<393216xf32, #tpu.memory_space<hbm>>
    tpu.wait_indirect_dma semaphore(%arg11 : memref<!tpu.dma_semaphore, #tpu.memory_space<semaphore_mem>>) src(%dma_wait3A_2026 : memref<393216xf32, #tpu.memory_space<hbm>>) dst(%dma_wait3A_2022 : memref<128xf32, #tpu.memory_space<vmem>>)
    %dma_wait3A_2027 = arith.constant 2048 : i32
    %dma_wait3A_2028 = tpu.memref_slice %arg10[%dma_wait3A_2027] : memref<8192xf32, #tpu.memory_space<vmem>> -> memref<128xf32, #tpu.memory_space<vmem>>
    %dma_wait3A_2029 = arith.constant 2048 : i32
    %dma_wait3A_2030 = tpu.memref_slice %arg7[%dma_wait3A_2029] : memref<8192xi32, #tpu.memory_space<vmem>> -> memref<128xi32, #tpu.memory_space<vmem>>
    %dma_wait3A_2031 = arith.constant 0 : i32
    %dma_wait3A_2032 = tpu.memref_slice %arg2[%dma_wait3A_2031] : memref<393216xf32, #tpu.memory_space<hbm>> -> memref<393216xf32, #tpu.memory_space<hbm>>
    tpu.wait_indirect_dma semaphore(%arg11 : memref<!tpu.dma_semaphore, #tpu.memory_space<semaphore_mem>>) src(%dma_wait3A_2032 : memref<393216xf32, #tpu.memory_space<hbm>>) dst(%dma_wait3A_2028 : memref<128xf32, #tpu.memory_space<vmem>>)
    %dma_wait3A_2033 = arith.constant 2176 : i32
    %dma_wait3A_2034 = tpu.memref_slice %arg10[%dma_wait3A_2033] : memref<8192xf32, #tpu.memory_space<vmem>> -> memref<128xf32, #tpu.memory_space<vmem>>
    %dma_wait3A_2035 = arith.constant 2176 : i32
    %dma_wait3A_2036 = tpu.memref_slice %arg7[%dma_wait3A_2035] : memref<8192xi32, #tpu.memory_space<vmem>> -> memref<128xi32, #tpu.memory_space<vmem>>
    %dma_wait3A_2037 = arith.constant 0 : i32
    %dma_wait3A_2038 = tpu.memref_slice %arg2[%dma_wait3A_2037] : memref<393216xf32, #tpu.memory_space<hbm>> -> memref<393216xf32, #tpu.memory_space<hbm>>
    tpu.wait_indirect_dma semaphore(%arg11 : memref<!tpu.dma_semaphore, #tpu.memory_space<semaphore_mem>>) src(%dma_wait3A_2038 : memref<393216xf32, #tpu.memory_space<hbm>>) dst(%dma_wait3A_2034 : memref<128xf32, #tpu.memory_space<vmem>>)
    %dma_wait3A_2039 = arith.constant 2304 : i32
    %dma_wait3A_2040 = tpu.memref_slice %arg10[%dma_wait3A_2039] : memref<8192xf32, #tpu.memory_space<vmem>> -> memref<128xf32, #tpu.memory_space<vmem>>
    %dma_wait3A_2041 = arith.constant 2304 : i32
    %dma_wait3A_2042 = tpu.memref_slice %arg7[%dma_wait3A_2041] : memref<8192xi32, #tpu.memory_space<vmem>> -> memref<128xi32, #tpu.memory_space<vmem>>
    %dma_wait3A_2043 = arith.constant 0 : i32
    %dma_wait3A_2044 = tpu.memref_slice %arg2[%dma_wait3A_2043] : memref<393216xf32, #tpu.memory_space<hbm>> -> memref<393216xf32, #tpu.memory_space<hbm>>
    tpu.wait_indirect_dma semaphore(%arg11 : memref<!tpu.dma_semaphore, #tpu.memory_space<semaphore_mem>>) src(%dma_wait3A_2044 : memref<393216xf32, #tpu.memory_space<hbm>>) dst(%dma_wait3A_2040 : memref<128xf32, #tpu.memory_space<vmem>>)
    %dma_wait3A_2045 = arith.constant 2432 : i32
    %dma_wait3A_2046 = tpu.memref_slice %arg10[%dma_wait3A_2045] : memref<8192xf32, #tpu.memory_space<vmem>> -> memref<128xf32, #tpu.memory_space<vmem>>
    %dma_wait3A_2047 = arith.constant 2432 : i32
    %dma_wait3A_2048 = tpu.memref_slice %arg7[%dma_wait3A_2047] : memref<8192xi32, #tpu.memory_space<vmem>> -> memref<128xi32, #tpu.memory_space<vmem>>
    %dma_wait3A_2049 = arith.constant 0 : i32
    %dma_wait3A_2050 = tpu.memref_slice %arg2[%dma_wait3A_2049] : memref<393216xf32, #tpu.memory_space<hbm>> -> memref<393216xf32, #tpu.memory_space<hbm>>
    tpu.wait_indirect_dma semaphore(%arg11 : memref<!tpu.dma_semaphore, #tpu.memory_space<semaphore_mem>>) src(%dma_wait3A_2050 : memref<393216xf32, #tpu.memory_space<hbm>>) dst(%dma_wait3A_2046 : memref<128xf32, #tpu.memory_space<vmem>>)
    %dma_wait3A_2051 = arith.constant 2560 : i32
    %dma_wait3A_2052 = tpu.memref_slice %arg10[%dma_wait3A_2051] : memref<8192xf32, #tpu.memory_space<vmem>> -> memref<128xf32, #tpu.memory_space<vmem>>
    %dma_wait3A_2053 = arith.constant 2560 : i32
    %dma_wait3A_2054 = tpu.memref_slice %arg7[%dma_wait3A_2053] : memref<8192xi32, #tpu.memory_space<vmem>> -> memref<128xi32, #tpu.memory_space<vmem>>
    %dma_wait3A_2055 = arith.constant 0 : i32
    %dma_wait3A_2056 = tpu.memref_slice %arg2[%dma_wait3A_2055] : memref<393216xf32, #tpu.memory_space<hbm>> -> memref<393216xf32, #tpu.memory_space<hbm>>
    tpu.wait_indirect_dma semaphore(%arg11 : memref<!tpu.dma_semaphore, #tpu.memory_space<semaphore_mem>>) src(%dma_wait3A_2056 : memref<393216xf32, #tpu.memory_space<hbm>>) dst(%dma_wait3A_2052 : memref<128xf32, #tpu.memory_space<vmem>>)
    %dma_wait3A_2057 = arith.constant 2688 : i32
    %dma_wait3A_2058 = tpu.memref_slice %arg10[%dma_wait3A_2057] : memref<8192xf32, #tpu.memory_space<vmem>> -> memref<128xf32, #tpu.memory_space<vmem>>
    %dma_wait3A_2059 = arith.constant 2688 : i32
    %dma_wait3A_2060 = tpu.memref_slice %arg7[%dma_wait3A_2059] : memref<8192xi32, #tpu.memory_space<vmem>> -> memref<128xi32, #tpu.memory_space<vmem>>
    %dma_wait3A_2061 = arith.constant 0 : i32
    %dma_wait3A_2062 = tpu.memref_slice %arg2[%dma_wait3A_2061] : memref<393216xf32, #tpu.memory_space<hbm>> -> memref<393216xf32, #tpu.memory_space<hbm>>
    tpu.wait_indirect_dma semaphore(%arg11 : memref<!tpu.dma_semaphore, #tpu.memory_space<semaphore_mem>>) src(%dma_wait3A_2062 : memref<393216xf32, #tpu.memory_space<hbm>>) dst(%dma_wait3A_2058 : memref<128xf32, #tpu.memory_space<vmem>>)
    %dma_wait3A_2063 = arith.constant 2816 : i32
    %dma_wait3A_2064 = tpu.memref_slice %arg10[%dma_wait3A_2063] : memref<8192xf32, #tpu.memory_space<vmem>> -> memref<128xf32, #tpu.memory_space<vmem>>
    %dma_wait3A_2065 = arith.constant 2816 : i32
    %dma_wait3A_2066 = tpu.memref_slice %arg7[%dma_wait3A_2065] : memref<8192xi32, #tpu.memory_space<vmem>> -> memref<128xi32, #tpu.memory_space<vmem>>
    %dma_wait3A_2067 = arith.constant 0 : i32
    %dma_wait3A_2068 = tpu.memref_slice %arg2[%dma_wait3A_2067] : memref<393216xf32, #tpu.memory_space<hbm>> -> memref<393216xf32, #tpu.memory_space<hbm>>
    tpu.wait_indirect_dma semaphore(%arg11 : memref<!tpu.dma_semaphore, #tpu.memory_space<semaphore_mem>>) src(%dma_wait3A_2068 : memref<393216xf32, #tpu.memory_space<hbm>>) dst(%dma_wait3A_2064 : memref<128xf32, #tpu.memory_space<vmem>>)
    %dma_wait3A_2069 = arith.constant 2944 : i32
    %dma_wait3A_2070 = tpu.memref_slice %arg10[%dma_wait3A_2069] : memref<8192xf32, #tpu.memory_space<vmem>> -> memref<128xf32, #tpu.memory_space<vmem>>
    %dma_wait3A_2071 = arith.constant 2944 : i32
    %dma_wait3A_2072 = tpu.memref_slice %arg7[%dma_wait3A_2071] : memref<8192xi32, #tpu.memory_space<vmem>> -> memref<128xi32, #tpu.memory_space<vmem>>
    %dma_wait3A_2073 = arith.constant 0 : i32
    %dma_wait3A_2074 = tpu.memref_slice %arg2[%dma_wait3A_2073] : memref<393216xf32, #tpu.memory_space<hbm>> -> memref<393216xf32, #tpu.memory_space<hbm>>
    tpu.wait_indirect_dma semaphore(%arg11 : memref<!tpu.dma_semaphore, #tpu.memory_space<semaphore_mem>>) src(%dma_wait3A_2074 : memref<393216xf32, #tpu.memory_space<hbm>>) dst(%dma_wait3A_2070 : memref<128xf32, #tpu.memory_space<vmem>>)
    %dma_wait3A_2075 = arith.constant 3072 : i32
    %dma_wait3A_2076 = tpu.memref_slice %arg10[%dma_wait3A_2075] : memref<8192xf32, #tpu.memory_space<vmem>> -> memref<128xf32, #tpu.memory_space<vmem>>
    %dma_wait3A_2077 = arith.constant 3072 : i32
    %dma_wait3A_2078 = tpu.memref_slice %arg7[%dma_wait3A_2077] : memref<8192xi32, #tpu.memory_space<vmem>> -> memref<128xi32, #tpu.memory_space<vmem>>
    %dma_wait3A_2079 = arith.constant 0 : i32
    %dma_wait3A_2080 = tpu.memref_slice %arg2[%dma_wait3A_2079] : memref<393216xf32, #tpu.memory_space<hbm>> -> memref<393216xf32, #tpu.memory_space<hbm>>
    tpu.wait_indirect_dma semaphore(%arg11 : memref<!tpu.dma_semaphore, #tpu.memory_space<semaphore_mem>>) src(%dma_wait3A_2080 : memref<393216xf32, #tpu.memory_space<hbm>>) dst(%dma_wait3A_2076 : memref<128xf32, #tpu.memory_space<vmem>>)
    %dma_wait3A_2081 = arith.constant 3200 : i32
    %dma_wait3A_2082 = tpu.memref_slice %arg10[%dma_wait3A_2081] : memref<8192xf32, #tpu.memory_space<vmem>> -> memref<128xf32, #tpu.memory_space<vmem>>
    %dma_wait3A_2083 = arith.constant 3200 : i32
    %dma_wait3A_2084 = tpu.memref_slice %arg7[%dma_wait3A_2083] : memref<8192xi32, #tpu.memory_space<vmem>> -> memref<128xi32, #tpu.memory_space<vmem>>
    %dma_wait3A_2085 = arith.constant 0 : i32
    %dma_wait3A_2086 = tpu.memref_slice %arg2[%dma_wait3A_2085] : memref<393216xf32, #tpu.memory_space<hbm>> -> memref<393216xf32, #tpu.memory_space<hbm>>
    tpu.wait_indirect_dma semaphore(%arg11 : memref<!tpu.dma_semaphore, #tpu.memory_space<semaphore_mem>>) src(%dma_wait3A_2086 : memref<393216xf32, #tpu.memory_space<hbm>>) dst(%dma_wait3A_2082 : memref<128xf32, #tpu.memory_space<vmem>>)
    %dma_wait3A_2087 = arith.constant 3328 : i32
    %dma_wait3A_2088 = tpu.memref_slice %arg10[%dma_wait3A_2087] : memref<8192xf32, #tpu.memory_space<vmem>> -> memref<128xf32, #tpu.memory_space<vmem>>
    %dma_wait3A_2089 = arith.constant 3328 : i32
    %dma_wait3A_2090 = tpu.memref_slice %arg7[%dma_wait3A_2089] : memref<8192xi32, #tpu.memory_space<vmem>> -> memref<128xi32, #tpu.memory_space<vmem>>
    %dma_wait3A_2091 = arith.constant 0 : i32
    %dma_wait3A_2092 = tpu.memref_slice %arg2[%dma_wait3A_2091] : memref<393216xf32, #tpu.memory_space<hbm>> -> memref<393216xf32, #tpu.memory_space<hbm>>
    tpu.wait_indirect_dma semaphore(%arg11 : memref<!tpu.dma_semaphore, #tpu.memory_space<semaphore_mem>>) src(%dma_wait3A_2092 : memref<393216xf32, #tpu.memory_space<hbm>>) dst(%dma_wait3A_2088 : memref<128xf32, #tpu.memory_space<vmem>>)
    %dma_wait3A_2093 = arith.constant 3456 : i32
    %dma_wait3A_2094 = tpu.memref_slice %arg10[%dma_wait3A_2093] : memref<8192xf32, #tpu.memory_space<vmem>> -> memref<128xf32, #tpu.memory_space<vmem>>
    %dma_wait3A_2095 = arith.constant 3456 : i32
    %dma_wait3A_2096 = tpu.memref_slice %arg7[%dma_wait3A_2095] : memref<8192xi32, #tpu.memory_space<vmem>> -> memref<128xi32, #tpu.memory_space<vmem>>
    %dma_wait3A_2097 = arith.constant 0 : i32
    %dma_wait3A_2098 = tpu.memref_slice %arg2[%dma_wait3A_2097] : memref<393216xf32, #tpu.memory_space<hbm>> -> memref<393216xf32, #tpu.memory_space<hbm>>
    tpu.wait_indirect_dma semaphore(%arg11 : memref<!tpu.dma_semaphore, #tpu.memory_space<semaphore_mem>>) src(%dma_wait3A_2098 : memref<393216xf32, #tpu.memory_space<hbm>>) dst(%dma_wait3A_2094 : memref<128xf32, #tpu.memory_space<vmem>>)
    %dma_wait3A_2099 = arith.constant 3584 : i32
    %dma_wait3A_2100 = tpu.memref_slice %arg10[%dma_wait3A_2099] : memref<8192xf32, #tpu.memory_space<vmem>> -> memref<128xf32, #tpu.memory_space<vmem>>
    %dma_wait3A_2101 = arith.constant 3584 : i32
    %dma_wait3A_2102 = tpu.memref_slice %arg7[%dma_wait3A_2101] : memref<8192xi32, #tpu.memory_space<vmem>> -> memref<128xi32, #tpu.memory_space<vmem>>
    %dma_wait3A_2103 = arith.constant 0 : i32
    %dma_wait3A_2104 = tpu.memref_slice %arg2[%dma_wait3A_2103] : memref<393216xf32, #tpu.memory_space<hbm>> -> memref<393216xf32, #tpu.memory_space<hbm>>
    tpu.wait_indirect_dma semaphore(%arg11 : memref<!tpu.dma_semaphore, #tpu.memory_space<semaphore_mem>>) src(%dma_wait3A_2104 : memref<393216xf32, #tpu.memory_space<hbm>>) dst(%dma_wait3A_2100 : memref<128xf32, #tpu.memory_space<vmem>>)
    %dma_wait3A_2105 = arith.constant 3712 : i32
    %dma_wait3A_2106 = tpu.memref_slice %arg10[%dma_wait3A_2105] : memref<8192xf32, #tpu.memory_space<vmem>> -> memref<128xf32, #tpu.memory_space<vmem>>
    %dma_wait3A_2107 = arith.constant 3712 : i32
    %dma_wait3A_2108 = tpu.memref_slice %arg7[%dma_wait3A_2107] : memref<8192xi32, #tpu.memory_space<vmem>> -> memref<128xi32, #tpu.memory_space<vmem>>
    %dma_wait3A_2109 = arith.constant 0 : i32
    %dma_wait3A_2110 = tpu.memref_slice %arg2[%dma_wait3A_2109] : memref<393216xf32, #tpu.memory_space<hbm>> -> memref<393216xf32, #tpu.memory_space<hbm>>
    tpu.wait_indirect_dma semaphore(%arg11 : memref<!tpu.dma_semaphore, #tpu.memory_space<semaphore_mem>>) src(%dma_wait3A_2110 : memref<393216xf32, #tpu.memory_space<hbm>>) dst(%dma_wait3A_2106 : memref<128xf32, #tpu.memory_space<vmem>>)
    %dma_wait3A_2111 = arith.constant 3840 : i32
    %dma_wait3A_2112 = tpu.memref_slice %arg10[%dma_wait3A_2111] : memref<8192xf32, #tpu.memory_space<vmem>> -> memref<128xf32, #tpu.memory_space<vmem>>
    %dma_wait3A_2113 = arith.constant 3840 : i32
    %dma_wait3A_2114 = tpu.memref_slice %arg7[%dma_wait3A_2113] : memref<8192xi32, #tpu.memory_space<vmem>> -> memref<128xi32, #tpu.memory_space<vmem>>
    %dma_wait3A_2115 = arith.constant 0 : i32
    %dma_wait3A_2116 = tpu.memref_slice %arg2[%dma_wait3A_2115] : memref<393216xf32, #tpu.memory_space<hbm>> -> memref<393216xf32, #tpu.memory_space<hbm>>
    tpu.wait_indirect_dma semaphore(%arg11 : memref<!tpu.dma_semaphore, #tpu.memory_space<semaphore_mem>>) src(%dma_wait3A_2116 : memref<393216xf32, #tpu.memory_space<hbm>>) dst(%dma_wait3A_2112 : memref<128xf32, #tpu.memory_space<vmem>>)
    %dma_wait3A_2117 = arith.constant 3968 : i32
    %dma_wait3A_2118 = tpu.memref_slice %arg10[%dma_wait3A_2117] : memref<8192xf32, #tpu.memory_space<vmem>> -> memref<128xf32, #tpu.memory_space<vmem>>
    %dma_wait3A_2119 = arith.constant 3968 : i32
    %dma_wait3A_2120 = tpu.memref_slice %arg7[%dma_wait3A_2119] : memref<8192xi32, #tpu.memory_space<vmem>> -> memref<128xi32, #tpu.memory_space<vmem>>
    %dma_wait3A_2121 = arith.constant 0 : i32
    %dma_wait3A_2122 = tpu.memref_slice %arg2[%dma_wait3A_2121] : memref<393216xf32, #tpu.memory_space<hbm>> -> memref<393216xf32, #tpu.memory_space<hbm>>
    tpu.wait_indirect_dma semaphore(%arg11 : memref<!tpu.dma_semaphore, #tpu.memory_space<semaphore_mem>>) src(%dma_wait3A_2122 : memref<393216xf32, #tpu.memory_space<hbm>>) dst(%dma_wait3A_2118 : memref<128xf32, #tpu.memory_space<vmem>>)
    %dma_wait3A_2123 = arith.constant 4096 : i32
    %dma_wait3A_2124 = tpu.memref_slice %arg10[%dma_wait3A_2123] : memref<8192xf32, #tpu.memory_space<vmem>> -> memref<128xf32, #tpu.memory_space<vmem>>
    %dma_wait3A_2125 = arith.constant 4096 : i32
    %dma_wait3A_2126 = tpu.memref_slice %arg7[%dma_wait3A_2125] : memref<8192xi32, #tpu.memory_space<vmem>> -> memref<128xi32, #tpu.memory_space<vmem>>
    %dma_wait3A_2127 = arith.constant 0 : i32
    %dma_wait3A_2128 = tpu.memref_slice %arg2[%dma_wait3A_2127] : memref<393216xf32, #tpu.memory_space<hbm>> -> memref<393216xf32, #tpu.memory_space<hbm>>
    tpu.wait_indirect_dma semaphore(%arg11 : memref<!tpu.dma_semaphore, #tpu.memory_space<semaphore_mem>>) src(%dma_wait3A_2128 : memref<393216xf32, #tpu.memory_space<hbm>>) dst(%dma_wait3A_2124 : memref<128xf32, #tpu.memory_space<vmem>>)
    %dma_wait3A_2129 = arith.constant 4224 : i32
    %dma_wait3A_2130 = tpu.memref_slice %arg10[%dma_wait3A_2129] : memref<8192xf32, #tpu.memory_space<vmem>> -> memref<128xf32, #tpu.memory_space<vmem>>
    %dma_wait3A_2131 = arith.constant 4224 : i32
    %dma_wait3A_2132 = tpu.memref_slice %arg7[%dma_wait3A_2131] : memref<8192xi32, #tpu.memory_space<vmem>> -> memref<128xi32, #tpu.memory_space<vmem>>
    %dma_wait3A_2133 = arith.constant 0 : i32
    %dma_wait3A_2134 = tpu.memref_slice %arg2[%dma_wait3A_2133] : memref<393216xf32, #tpu.memory_space<hbm>> -> memref<393216xf32, #tpu.memory_space<hbm>>
    tpu.wait_indirect_dma semaphore(%arg11 : memref<!tpu.dma_semaphore, #tpu.memory_space<semaphore_mem>>) src(%dma_wait3A_2134 : memref<393216xf32, #tpu.memory_space<hbm>>) dst(%dma_wait3A_2130 : memref<128xf32, #tpu.memory_space<vmem>>)
    %dma_wait3A_2135 = arith.constant 4352 : i32
    %dma_wait3A_2136 = tpu.memref_slice %arg10[%dma_wait3A_2135] : memref<8192xf32, #tpu.memory_space<vmem>> -> memref<128xf32, #tpu.memory_space<vmem>>
    %dma_wait3A_2137 = arith.constant 4352 : i32
    %dma_wait3A_2138 = tpu.memref_slice %arg7[%dma_wait3A_2137] : memref<8192xi32, #tpu.memory_space<vmem>> -> memref<128xi32, #tpu.memory_space<vmem>>
    %dma_wait3A_2139 = arith.constant 0 : i32
    %dma_wait3A_2140 = tpu.memref_slice %arg2[%dma_wait3A_2139] : memref<393216xf32, #tpu.memory_space<hbm>> -> memref<393216xf32, #tpu.memory_space<hbm>>
    tpu.wait_indirect_dma semaphore(%arg11 : memref<!tpu.dma_semaphore, #tpu.memory_space<semaphore_mem>>) src(%dma_wait3A_2140 : memref<393216xf32, #tpu.memory_space<hbm>>) dst(%dma_wait3A_2136 : memref<128xf32, #tpu.memory_space<vmem>>)
    %dma_wait3A_2141 = arith.constant 4480 : i32
    %dma_wait3A_2142 = tpu.memref_slice %arg10[%dma_wait3A_2141] : memref<8192xf32, #tpu.memory_space<vmem>> -> memref<128xf32, #tpu.memory_space<vmem>>
    %dma_wait3A_2143 = arith.constant 4480 : i32
    %dma_wait3A_2144 = tpu.memref_slice %arg7[%dma_wait3A_2143] : memref<8192xi32, #tpu.memory_space<vmem>> -> memref<128xi32, #tpu.memory_space<vmem>>
    %dma_wait3A_2145 = arith.constant 0 : i32
    %dma_wait3A_2146 = tpu.memref_slice %arg2[%dma_wait3A_2145] : memref<393216xf32, #tpu.memory_space<hbm>> -> memref<393216xf32, #tpu.memory_space<hbm>>
    tpu.wait_indirect_dma semaphore(%arg11 : memref<!tpu.dma_semaphore, #tpu.memory_space<semaphore_mem>>) src(%dma_wait3A_2146 : memref<393216xf32, #tpu.memory_space<hbm>>) dst(%dma_wait3A_2142 : memref<128xf32, #tpu.memory_space<vmem>>)
    %dma_wait3A_2147 = arith.constant 4608 : i32
    %dma_wait3A_2148 = tpu.memref_slice %arg10[%dma_wait3A_2147] : memref<8192xf32, #tpu.memory_space<vmem>> -> memref<128xf32, #tpu.memory_space<vmem>>
    %dma_wait3A_2149 = arith.constant 4608 : i32
    %dma_wait3A_2150 = tpu.memref_slice %arg7[%dma_wait3A_2149] : memref<8192xi32, #tpu.memory_space<vmem>> -> memref<128xi32, #tpu.memory_space<vmem>>
    %dma_wait3A_2151 = arith.constant 0 : i32
    %dma_wait3A_2152 = tpu.memref_slice %arg2[%dma_wait3A_2151] : memref<393216xf32, #tpu.memory_space<hbm>> -> memref<393216xf32, #tpu.memory_space<hbm>>
    tpu.wait_indirect_dma semaphore(%arg11 : memref<!tpu.dma_semaphore, #tpu.memory_space<semaphore_mem>>) src(%dma_wait3A_2152 : memref<393216xf32, #tpu.memory_space<hbm>>) dst(%dma_wait3A_2148 : memref<128xf32, #tpu.memory_space<vmem>>)
    %dma_wait3A_2153 = arith.constant 4736 : i32
    %dma_wait3A_2154 = tpu.memref_slice %arg10[%dma_wait3A_2153] : memref<8192xf32, #tpu.memory_space<vmem>> -> memref<128xf32, #tpu.memory_space<vmem>>
    %dma_wait3A_2155 = arith.constant 4736 : i32
    %dma_wait3A_2156 = tpu.memref_slice %arg7[%dma_wait3A_2155] : memref<8192xi32, #tpu.memory_space<vmem>> -> memref<128xi32, #tpu.memory_space<vmem>>
    %dma_wait3A_2157 = arith.constant 0 : i32
    %dma_wait3A_2158 = tpu.memref_slice %arg2[%dma_wait3A_2157] : memref<393216xf32, #tpu.memory_space<hbm>> -> memref<393216xf32, #tpu.memory_space<hbm>>
    tpu.wait_indirect_dma semaphore(%arg11 : memref<!tpu.dma_semaphore, #tpu.memory_space<semaphore_mem>>) src(%dma_wait3A_2158 : memref<393216xf32, #tpu.memory_space<hbm>>) dst(%dma_wait3A_2154 : memref<128xf32, #tpu.memory_space<vmem>>)
    %dma_wait3A_2159 = arith.constant 4864 : i32
    %dma_wait3A_2160 = tpu.memref_slice %arg10[%dma_wait3A_2159] : memref<8192xf32, #tpu.memory_space<vmem>> -> memref<128xf32, #tpu.memory_space<vmem>>
    %dma_wait3A_2161 = arith.constant 4864 : i32
    %dma_wait3A_2162 = tpu.memref_slice %arg7[%dma_wait3A_2161] : memref<8192xi32, #tpu.memory_space<vmem>> -> memref<128xi32, #tpu.memory_space<vmem>>
    %dma_wait3A_2163 = arith.constant 0 : i32
    %dma_wait3A_2164 = tpu.memref_slice %arg2[%dma_wait3A_2163] : memref<393216xf32, #tpu.memory_space<hbm>> -> memref<393216xf32, #tpu.memory_space<hbm>>
    tpu.wait_indirect_dma semaphore(%arg11 : memref<!tpu.dma_semaphore, #tpu.memory_space<semaphore_mem>>) src(%dma_wait3A_2164 : memref<393216xf32, #tpu.memory_space<hbm>>) dst(%dma_wait3A_2160 : memref<128xf32, #tpu.memory_space<vmem>>)
    %dma_wait3A_2165 = arith.constant 4992 : i32
    %dma_wait3A_2166 = tpu.memref_slice %arg10[%dma_wait3A_2165] : memref<8192xf32, #tpu.memory_space<vmem>> -> memref<128xf32, #tpu.memory_space<vmem>>
    %dma_wait3A_2167 = arith.constant 4992 : i32
    %dma_wait3A_2168 = tpu.memref_slice %arg7[%dma_wait3A_2167] : memref<8192xi32, #tpu.memory_space<vmem>> -> memref<128xi32, #tpu.memory_space<vmem>>
    %dma_wait3A_2169 = arith.constant 0 : i32
    %dma_wait3A_2170 = tpu.memref_slice %arg2[%dma_wait3A_2169] : memref<393216xf32, #tpu.memory_space<hbm>> -> memref<393216xf32, #tpu.memory_space<hbm>>
    tpu.wait_indirect_dma semaphore(%arg11 : memref<!tpu.dma_semaphore, #tpu.memory_space<semaphore_mem>>) src(%dma_wait3A_2170 : memref<393216xf32, #tpu.memory_space<hbm>>) dst(%dma_wait3A_2166 : memref<128xf32, #tpu.memory_space<vmem>>)
    %dma_wait3A_2171 = arith.constant 5120 : i32
    %dma_wait3A_2172 = tpu.memref_slice %arg10[%dma_wait3A_2171] : memref<8192xf32, #tpu.memory_space<vmem>> -> memref<128xf32, #tpu.memory_space<vmem>>
    %dma_wait3A_2173 = arith.constant 5120 : i32
    %dma_wait3A_2174 = tpu.memref_slice %arg7[%dma_wait3A_2173] : memref<8192xi32, #tpu.memory_space<vmem>> -> memref<128xi32, #tpu.memory_space<vmem>>
    %dma_wait3A_2175 = arith.constant 0 : i32
    %dma_wait3A_2176 = tpu.memref_slice %arg2[%dma_wait3A_2175] : memref<393216xf32, #tpu.memory_space<hbm>> -> memref<393216xf32, #tpu.memory_space<hbm>>
    tpu.wait_indirect_dma semaphore(%arg11 : memref<!tpu.dma_semaphore, #tpu.memory_space<semaphore_mem>>) src(%dma_wait3A_2176 : memref<393216xf32, #tpu.memory_space<hbm>>) dst(%dma_wait3A_2172 : memref<128xf32, #tpu.memory_space<vmem>>)
    %dma_wait3A_2177 = arith.constant 5248 : i32
    %dma_wait3A_2178 = tpu.memref_slice %arg10[%dma_wait3A_2177] : memref<8192xf32, #tpu.memory_space<vmem>> -> memref<128xf32, #tpu.memory_space<vmem>>
    %dma_wait3A_2179 = arith.constant 5248 : i32
    %dma_wait3A_2180 = tpu.memref_slice %arg7[%dma_wait3A_2179] : memref<8192xi32, #tpu.memory_space<vmem>> -> memref<128xi32, #tpu.memory_space<vmem>>
    %dma_wait3A_2181 = arith.constant 0 : i32
    %dma_wait3A_2182 = tpu.memref_slice %arg2[%dma_wait3A_2181] : memref<393216xf32, #tpu.memory_space<hbm>> -> memref<393216xf32, #tpu.memory_space<hbm>>
    tpu.wait_indirect_dma semaphore(%arg11 : memref<!tpu.dma_semaphore, #tpu.memory_space<semaphore_mem>>) src(%dma_wait3A_2182 : memref<393216xf32, #tpu.memory_space<hbm>>) dst(%dma_wait3A_2178 : memref<128xf32, #tpu.memory_space<vmem>>)
    %dma_wait3A_2183 = arith.constant 5376 : i32
    %dma_wait3A_2184 = tpu.memref_slice %arg10[%dma_wait3A_2183] : memref<8192xf32, #tpu.memory_space<vmem>> -> memref<128xf32, #tpu.memory_space<vmem>>
    %dma_wait3A_2185 = arith.constant 5376 : i32
    %dma_wait3A_2186 = tpu.memref_slice %arg7[%dma_wait3A_2185] : memref<8192xi32, #tpu.memory_space<vmem>> -> memref<128xi32, #tpu.memory_space<vmem>>
    %dma_wait3A_2187 = arith.constant 0 : i32
    %dma_wait3A_2188 = tpu.memref_slice %arg2[%dma_wait3A_2187] : memref<393216xf32, #tpu.memory_space<hbm>> -> memref<393216xf32, #tpu.memory_space<hbm>>
    tpu.wait_indirect_dma semaphore(%arg11 : memref<!tpu.dma_semaphore, #tpu.memory_space<semaphore_mem>>) src(%dma_wait3A_2188 : memref<393216xf32, #tpu.memory_space<hbm>>) dst(%dma_wait3A_2184 : memref<128xf32, #tpu.memory_space<vmem>>)
    %dma_wait3A_2189 = arith.constant 5504 : i32
    %dma_wait3A_2190 = tpu.memref_slice %arg10[%dma_wait3A_2189] : memref<8192xf32, #tpu.memory_space<vmem>> -> memref<128xf32, #tpu.memory_space<vmem>>
    %dma_wait3A_2191 = arith.constant 5504 : i32
    %dma_wait3A_2192 = tpu.memref_slice %arg7[%dma_wait3A_2191] : memref<8192xi32, #tpu.memory_space<vmem>> -> memref<128xi32, #tpu.memory_space<vmem>>
    %dma_wait3A_2193 = arith.constant 0 : i32
    %dma_wait3A_2194 = tpu.memref_slice %arg2[%dma_wait3A_2193] : memref<393216xf32, #tpu.memory_space<hbm>> -> memref<393216xf32, #tpu.memory_space<hbm>>
    tpu.wait_indirect_dma semaphore(%arg11 : memref<!tpu.dma_semaphore, #tpu.memory_space<semaphore_mem>>) src(%dma_wait3A_2194 : memref<393216xf32, #tpu.memory_space<hbm>>) dst(%dma_wait3A_2190 : memref<128xf32, #tpu.memory_space<vmem>>)
    %dma_wait3A_2195 = arith.constant 5632 : i32
    %dma_wait3A_2196 = tpu.memref_slice %arg10[%dma_wait3A_2195] : memref<8192xf32, #tpu.memory_space<vmem>> -> memref<128xf32, #tpu.memory_space<vmem>>
    %dma_wait3A_2197 = arith.constant 5632 : i32
    %dma_wait3A_2198 = tpu.memref_slice %arg7[%dma_wait3A_2197] : memref<8192xi32, #tpu.memory_space<vmem>> -> memref<128xi32, #tpu.memory_space<vmem>>
    %dma_wait3A_2199 = arith.constant 0 : i32
    %dma_wait3A_2200 = tpu.memref_slice %arg2[%dma_wait3A_2199] : memref<393216xf32, #tpu.memory_space<hbm>> -> memref<393216xf32, #tpu.memory_space<hbm>>
    tpu.wait_indirect_dma semaphore(%arg11 : memref<!tpu.dma_semaphore, #tpu.memory_space<semaphore_mem>>) src(%dma_wait3A_2200 : memref<393216xf32, #tpu.memory_space<hbm>>) dst(%dma_wait3A_2196 : memref<128xf32, #tpu.memory_space<vmem>>)
    %dma_wait3A_2201 = arith.constant 5760 : i32
    %dma_wait3A_2202 = tpu.memref_slice %arg10[%dma_wait3A_2201] : memref<8192xf32, #tpu.memory_space<vmem>> -> memref<128xf32, #tpu.memory_space<vmem>>
    %dma_wait3A_2203 = arith.constant 5760 : i32
    %dma_wait3A_2204 = tpu.memref_slice %arg7[%dma_wait3A_2203] : memref<8192xi32, #tpu.memory_space<vmem>> -> memref<128xi32, #tpu.memory_space<vmem>>
    %dma_wait3A_2205 = arith.constant 0 : i32
    %dma_wait3A_2206 = tpu.memref_slice %arg2[%dma_wait3A_2205] : memref<393216xf32, #tpu.memory_space<hbm>> -> memref<393216xf32, #tpu.memory_space<hbm>>
    tpu.wait_indirect_dma semaphore(%arg11 : memref<!tpu.dma_semaphore, #tpu.memory_space<semaphore_mem>>) src(%dma_wait3A_2206 : memref<393216xf32, #tpu.memory_space<hbm>>) dst(%dma_wait3A_2202 : memref<128xf32, #tpu.memory_space<vmem>>)
    %dma_wait3A_2207 = arith.constant 5888 : i32
    %dma_wait3A_2208 = tpu.memref_slice %arg10[%dma_wait3A_2207] : memref<8192xf32, #tpu.memory_space<vmem>> -> memref<128xf32, #tpu.memory_space<vmem>>
    %dma_wait3A_2209 = arith.constant 5888 : i32
    %dma_wait3A_2210 = tpu.memref_slice %arg7[%dma_wait3A_2209] : memref<8192xi32, #tpu.memory_space<vmem>> -> memref<128xi32, #tpu.memory_space<vmem>>
    %dma_wait3A_2211 = arith.constant 0 : i32
    %dma_wait3A_2212 = tpu.memref_slice %arg2[%dma_wait3A_2211] : memref<393216xf32, #tpu.memory_space<hbm>> -> memref<393216xf32, #tpu.memory_space<hbm>>
    tpu.wait_indirect_dma semaphore(%arg11 : memref<!tpu.dma_semaphore, #tpu.memory_space<semaphore_mem>>) src(%dma_wait3A_2212 : memref<393216xf32, #tpu.memory_space<hbm>>) dst(%dma_wait3A_2208 : memref<128xf32, #tpu.memory_space<vmem>>)
    %dma_wait3A_2213 = arith.constant 6016 : i32
    %dma_wait3A_2214 = tpu.memref_slice %arg10[%dma_wait3A_2213] : memref<8192xf32, #tpu.memory_space<vmem>> -> memref<128xf32, #tpu.memory_space<vmem>>
    %dma_wait3A_2215 = arith.constant 6016 : i32
    %dma_wait3A_2216 = tpu.memref_slice %arg7[%dma_wait3A_2215] : memref<8192xi32, #tpu.memory_space<vmem>> -> memref<128xi32, #tpu.memory_space<vmem>>
    %dma_wait3A_2217 = arith.constant 0 : i32
    %dma_wait3A_2218 = tpu.memref_slice %arg2[%dma_wait3A_2217] : memref<393216xf32, #tpu.memory_space<hbm>> -> memref<393216xf32, #tpu.memory_space<hbm>>
    tpu.wait_indirect_dma semaphore(%arg11 : memref<!tpu.dma_semaphore, #tpu.memory_space<semaphore_mem>>) src(%dma_wait3A_2218 : memref<393216xf32, #tpu.memory_space<hbm>>) dst(%dma_wait3A_2214 : memref<128xf32, #tpu.memory_space<vmem>>)
    %dma_wait3A_2219 = arith.constant 6144 : i32
    %dma_wait3A_2220 = tpu.memref_slice %arg10[%dma_wait3A_2219] : memref<8192xf32, #tpu.memory_space<vmem>> -> memref<128xf32, #tpu.memory_space<vmem>>
    %dma_wait3A_2221 = arith.constant 6144 : i32
    %dma_wait3A_2222 = tpu.memref_slice %arg7[%dma_wait3A_2221] : memref<8192xi32, #tpu.memory_space<vmem>> -> memref<128xi32, #tpu.memory_space<vmem>>
    %dma_wait3A_2223 = arith.constant 0 : i32
    %dma_wait3A_2224 = tpu.memref_slice %arg2[%dma_wait3A_2223] : memref<393216xf32, #tpu.memory_space<hbm>> -> memref<393216xf32, #tpu.memory_space<hbm>>
    tpu.wait_indirect_dma semaphore(%arg11 : memref<!tpu.dma_semaphore, #tpu.memory_space<semaphore_mem>>) src(%dma_wait3A_2224 : memref<393216xf32, #tpu.memory_space<hbm>>) dst(%dma_wait3A_2220 : memref<128xf32, #tpu.memory_space<vmem>>)
    %dma_wait3A_2225 = arith.constant 6272 : i32
    %dma_wait3A_2226 = tpu.memref_slice %arg10[%dma_wait3A_2225] : memref<8192xf32, #tpu.memory_space<vmem>> -> memref<128xf32, #tpu.memory_space<vmem>>
    %dma_wait3A_2227 = arith.constant 6272 : i32
    %dma_wait3A_2228 = tpu.memref_slice %arg7[%dma_wait3A_2227] : memref<8192xi32, #tpu.memory_space<vmem>> -> memref<128xi32, #tpu.memory_space<vmem>>
    %dma_wait3A_2229 = arith.constant 0 : i32
    %dma_wait3A_2230 = tpu.memref_slice %arg2[%dma_wait3A_2229] : memref<393216xf32, #tpu.memory_space<hbm>> -> memref<393216xf32, #tpu.memory_space<hbm>>
    tpu.wait_indirect_dma semaphore(%arg11 : memref<!tpu.dma_semaphore, #tpu.memory_space<semaphore_mem>>) src(%dma_wait3A_2230 : memref<393216xf32, #tpu.memory_space<hbm>>) dst(%dma_wait3A_2226 : memref<128xf32, #tpu.memory_space<vmem>>)
    %dma_wait3A_2231 = arith.constant 6400 : i32
    %dma_wait3A_2232 = tpu.memref_slice %arg10[%dma_wait3A_2231] : memref<8192xf32, #tpu.memory_space<vmem>> -> memref<128xf32, #tpu.memory_space<vmem>>
    %dma_wait3A_2233 = arith.constant 6400 : i32
    %dma_wait3A_2234 = tpu.memref_slice %arg7[%dma_wait3A_2233] : memref<8192xi32, #tpu.memory_space<vmem>> -> memref<128xi32, #tpu.memory_space<vmem>>
    %dma_wait3A_2235 = arith.constant 0 : i32
    %dma_wait3A_2236 = tpu.memref_slice %arg2[%dma_wait3A_2235] : memref<393216xf32, #tpu.memory_space<hbm>> -> memref<393216xf32, #tpu.memory_space<hbm>>
    tpu.wait_indirect_dma semaphore(%arg11 : memref<!tpu.dma_semaphore, #tpu.memory_space<semaphore_mem>>) src(%dma_wait3A_2236 : memref<393216xf32, #tpu.memory_space<hbm>>) dst(%dma_wait3A_2232 : memref<128xf32, #tpu.memory_space<vmem>>)
    %dma_wait3A_2237 = arith.constant 6528 : i32
    %dma_wait3A_2238 = tpu.memref_slice %arg10[%dma_wait3A_2237] : memref<8192xf32, #tpu.memory_space<vmem>> -> memref<128xf32, #tpu.memory_space<vmem>>
    %dma_wait3A_2239 = arith.constant 6528 : i32
    %dma_wait3A_2240 = tpu.memref_slice %arg7[%dma_wait3A_2239] : memref<8192xi32, #tpu.memory_space<vmem>> -> memref<128xi32, #tpu.memory_space<vmem>>
    %dma_wait3A_2241 = arith.constant 0 : i32
    %dma_wait3A_2242 = tpu.memref_slice %arg2[%dma_wait3A_2241] : memref<393216xf32, #tpu.memory_space<hbm>> -> memref<393216xf32, #tpu.memory_space<hbm>>
    tpu.wait_indirect_dma semaphore(%arg11 : memref<!tpu.dma_semaphore, #tpu.memory_space<semaphore_mem>>) src(%dma_wait3A_2242 : memref<393216xf32, #tpu.memory_space<hbm>>) dst(%dma_wait3A_2238 : memref<128xf32, #tpu.memory_space<vmem>>)
    %dma_wait3A_2243 = arith.constant 6656 : i32
    %dma_wait3A_2244 = tpu.memref_slice %arg10[%dma_wait3A_2243] : memref<8192xf32, #tpu.memory_space<vmem>> -> memref<128xf32, #tpu.memory_space<vmem>>
    %dma_wait3A_2245 = arith.constant 6656 : i32
    %dma_wait3A_2246 = tpu.memref_slice %arg7[%dma_wait3A_2245] : memref<8192xi32, #tpu.memory_space<vmem>> -> memref<128xi32, #tpu.memory_space<vmem>>
    %dma_wait3A_2247 = arith.constant 0 : i32
    %dma_wait3A_2248 = tpu.memref_slice %arg2[%dma_wait3A_2247] : memref<393216xf32, #tpu.memory_space<hbm>> -> memref<393216xf32, #tpu.memory_space<hbm>>
    tpu.wait_indirect_dma semaphore(%arg11 : memref<!tpu.dma_semaphore, #tpu.memory_space<semaphore_mem>>) src(%dma_wait3A_2248 : memref<393216xf32, #tpu.memory_space<hbm>>) dst(%dma_wait3A_2244 : memref<128xf32, #tpu.memory_space<vmem>>)
    %dma_wait3A_2249 = arith.constant 6784 : i32
    %dma_wait3A_2250 = tpu.memref_slice %arg10[%dma_wait3A_2249] : memref<8192xf32, #tpu.memory_space<vmem>> -> memref<128xf32, #tpu.memory_space<vmem>>
    %dma_wait3A_2251 = arith.constant 6784 : i32
    %dma_wait3A_2252 = tpu.memref_slice %arg7[%dma_wait3A_2251] : memref<8192xi32, #tpu.memory_space<vmem>> -> memref<128xi32, #tpu.memory_space<vmem>>
    %dma_wait3A_2253 = arith.constant 0 : i32
    %dma_wait3A_2254 = tpu.memref_slice %arg2[%dma_wait3A_2253] : memref<393216xf32, #tpu.memory_space<hbm>> -> memref<393216xf32, #tpu.memory_space<hbm>>
    tpu.wait_indirect_dma semaphore(%arg11 : memref<!tpu.dma_semaphore, #tpu.memory_space<semaphore_mem>>) src(%dma_wait3A_2254 : memref<393216xf32, #tpu.memory_space<hbm>>) dst(%dma_wait3A_2250 : memref<128xf32, #tpu.memory_space<vmem>>)
    %dma_wait3A_2255 = arith.constant 6912 : i32
    %dma_wait3A_2256 = tpu.memref_slice %arg10[%dma_wait3A_2255] : memref<8192xf32, #tpu.memory_space<vmem>> -> memref<128xf32, #tpu.memory_space<vmem>>
    %dma_wait3A_2257 = arith.constant 6912 : i32
    %dma_wait3A_2258 = tpu.memref_slice %arg7[%dma_wait3A_2257] : memref<8192xi32, #tpu.memory_space<vmem>> -> memref<128xi32, #tpu.memory_space<vmem>>
    %dma_wait3A_2259 = arith.constant 0 : i32
    %dma_wait3A_2260 = tpu.memref_slice %arg2[%dma_wait3A_2259] : memref<393216xf32, #tpu.memory_space<hbm>> -> memref<393216xf32, #tpu.memory_space<hbm>>
    tpu.wait_indirect_dma semaphore(%arg11 : memref<!tpu.dma_semaphore, #tpu.memory_space<semaphore_mem>>) src(%dma_wait3A_2260 : memref<393216xf32, #tpu.memory_space<hbm>>) dst(%dma_wait3A_2256 : memref<128xf32, #tpu.memory_space<vmem>>)
    %dma_wait3A_2261 = arith.constant 7040 : i32
    %dma_wait3A_2262 = tpu.memref_slice %arg10[%dma_wait3A_2261] : memref<8192xf32, #tpu.memory_space<vmem>> -> memref<128xf32, #tpu.memory_space<vmem>>
    %dma_wait3A_2263 = arith.constant 7040 : i32
    %dma_wait3A_2264 = tpu.memref_slice %arg7[%dma_wait3A_2263] : memref<8192xi32, #tpu.memory_space<vmem>> -> memref<128xi32, #tpu.memory_space<vmem>>
    %dma_wait3A_2265 = arith.constant 0 : i32
    %dma_wait3A_2266 = tpu.memref_slice %arg2[%dma_wait3A_2265] : memref<393216xf32, #tpu.memory_space<hbm>> -> memref<393216xf32, #tpu.memory_space<hbm>>
    tpu.wait_indirect_dma semaphore(%arg11 : memref<!tpu.dma_semaphore, #tpu.memory_space<semaphore_mem>>) src(%dma_wait3A_2266 : memref<393216xf32, #tpu.memory_space<hbm>>) dst(%dma_wait3A_2262 : memref<128xf32, #tpu.memory_space<vmem>>)
    %dma_wait3A_2267 = arith.constant 7168 : i32
    %dma_wait3A_2268 = tpu.memref_slice %arg10[%dma_wait3A_2267] : memref<8192xf32, #tpu.memory_space<vmem>> -> memref<128xf32, #tpu.memory_space<vmem>>
    %dma_wait3A_2269 = arith.constant 7168 : i32
    %dma_wait3A_2270 = tpu.memref_slice %arg7[%dma_wait3A_2269] : memref<8192xi32, #tpu.memory_space<vmem>> -> memref<128xi32, #tpu.memory_space<vmem>>
    %dma_wait3A_2271 = arith.constant 0 : i32
    %dma_wait3A_2272 = tpu.memref_slice %arg2[%dma_wait3A_2271] : memref<393216xf32, #tpu.memory_space<hbm>> -> memref<393216xf32, #tpu.memory_space<hbm>>
    tpu.wait_indirect_dma semaphore(%arg11 : memref<!tpu.dma_semaphore, #tpu.memory_space<semaphore_mem>>) src(%dma_wait3A_2272 : memref<393216xf32, #tpu.memory_space<hbm>>) dst(%dma_wait3A_2268 : memref<128xf32, #tpu.memory_space<vmem>>)
    %dma_wait3A_2273 = arith.constant 7296 : i32
    %dma_wait3A_2274 = tpu.memref_slice %arg10[%dma_wait3A_2273] : memref<8192xf32, #tpu.memory_space<vmem>> -> memref<128xf32, #tpu.memory_space<vmem>>
    %dma_wait3A_2275 = arith.constant 7296 : i32
    %dma_wait3A_2276 = tpu.memref_slice %arg7[%dma_wait3A_2275] : memref<8192xi32, #tpu.memory_space<vmem>> -> memref<128xi32, #tpu.memory_space<vmem>>
    %dma_wait3A_2277 = arith.constant 0 : i32
    %dma_wait3A_2278 = tpu.memref_slice %arg2[%dma_wait3A_2277] : memref<393216xf32, #tpu.memory_space<hbm>> -> memref<393216xf32, #tpu.memory_space<hbm>>
    tpu.wait_indirect_dma semaphore(%arg11 : memref<!tpu.dma_semaphore, #tpu.memory_space<semaphore_mem>>) src(%dma_wait3A_2278 : memref<393216xf32, #tpu.memory_space<hbm>>) dst(%dma_wait3A_2274 : memref<128xf32, #tpu.memory_space<vmem>>)
    %dma_wait3A_2279 = arith.constant 7424 : i32
    %dma_wait3A_2280 = tpu.memref_slice %arg10[%dma_wait3A_2279] : memref<8192xf32, #tpu.memory_space<vmem>> -> memref<128xf32, #tpu.memory_space<vmem>>
    %dma_wait3A_2281 = arith.constant 7424 : i32
    %dma_wait3A_2282 = tpu.memref_slice %arg7[%dma_wait3A_2281] : memref<8192xi32, #tpu.memory_space<vmem>> -> memref<128xi32, #tpu.memory_space<vmem>>
    %dma_wait3A_2283 = arith.constant 0 : i32
    %dma_wait3A_2284 = tpu.memref_slice %arg2[%dma_wait3A_2283] : memref<393216xf32, #tpu.memory_space<hbm>> -> memref<393216xf32, #tpu.memory_space<hbm>>
    tpu.wait_indirect_dma semaphore(%arg11 : memref<!tpu.dma_semaphore, #tpu.memory_space<semaphore_mem>>) src(%dma_wait3A_2284 : memref<393216xf32, #tpu.memory_space<hbm>>) dst(%dma_wait3A_2280 : memref<128xf32, #tpu.memory_space<vmem>>)
    %dma_wait3A_2285 = arith.constant 7552 : i32
    %dma_wait3A_2286 = tpu.memref_slice %arg10[%dma_wait3A_2285] : memref<8192xf32, #tpu.memory_space<vmem>> -> memref<128xf32, #tpu.memory_space<vmem>>
    %dma_wait3A_2287 = arith.constant 7552 : i32
    %dma_wait3A_2288 = tpu.memref_slice %arg7[%dma_wait3A_2287] : memref<8192xi32, #tpu.memory_space<vmem>> -> memref<128xi32, #tpu.memory_space<vmem>>
    %dma_wait3A_2289 = arith.constant 0 : i32
    %dma_wait3A_2290 = tpu.memref_slice %arg2[%dma_wait3A_2289] : memref<393216xf32, #tpu.memory_space<hbm>> -> memref<393216xf32, #tpu.memory_space<hbm>>
    tpu.wait_indirect_dma semaphore(%arg11 : memref<!tpu.dma_semaphore, #tpu.memory_space<semaphore_mem>>) src(%dma_wait3A_2290 : memref<393216xf32, #tpu.memory_space<hbm>>) dst(%dma_wait3A_2286 : memref<128xf32, #tpu.memory_space<vmem>>)
    %dma_wait3A_2291 = arith.constant 7680 : i32
    %dma_wait3A_2292 = tpu.memref_slice %arg10[%dma_wait3A_2291] : memref<8192xf32, #tpu.memory_space<vmem>> -> memref<128xf32, #tpu.memory_space<vmem>>
    %dma_wait3A_2293 = arith.constant 7680 : i32
    %dma_wait3A_2294 = tpu.memref_slice %arg7[%dma_wait3A_2293] : memref<8192xi32, #tpu.memory_space<vmem>> -> memref<128xi32, #tpu.memory_space<vmem>>
    %dma_wait3A_2295 = arith.constant 0 : i32
    %dma_wait3A_2296 = tpu.memref_slice %arg2[%dma_wait3A_2295] : memref<393216xf32, #tpu.memory_space<hbm>> -> memref<393216xf32, #tpu.memory_space<hbm>>
    tpu.wait_indirect_dma semaphore(%arg11 : memref<!tpu.dma_semaphore, #tpu.memory_space<semaphore_mem>>) src(%dma_wait3A_2296 : memref<393216xf32, #tpu.memory_space<hbm>>) dst(%dma_wait3A_2292 : memref<128xf32, #tpu.memory_space<vmem>>)
    %dma_wait3A_2297 = arith.constant 7808 : i32
    %dma_wait3A_2298 = tpu.memref_slice %arg10[%dma_wait3A_2297] : memref<8192xf32, #tpu.memory_space<vmem>> -> memref<128xf32, #tpu.memory_space<vmem>>
    %dma_wait3A_2299 = arith.constant 7808 : i32
    %dma_wait3A_2300 = tpu.memref_slice %arg7[%dma_wait3A_2299] : memref<8192xi32, #tpu.memory_space<vmem>> -> memref<128xi32, #tpu.memory_space<vmem>>
    %dma_wait3A_2301 = arith.constant 0 : i32
    %dma_wait3A_2302 = tpu.memref_slice %arg2[%dma_wait3A_2301] : memref<393216xf32, #tpu.memory_space<hbm>> -> memref<393216xf32, #tpu.memory_space<hbm>>
    tpu.wait_indirect_dma semaphore(%arg11 : memref<!tpu.dma_semaphore, #tpu.memory_space<semaphore_mem>>) src(%dma_wait3A_2302 : memref<393216xf32, #tpu.memory_space<hbm>>) dst(%dma_wait3A_2298 : memref<128xf32, #tpu.memory_space<vmem>>)
    %dma_wait3A_2303 = arith.constant 7936 : i32
    %dma_wait3A_2304 = tpu.memref_slice %arg10[%dma_wait3A_2303] : memref<8192xf32, #tpu.memory_space<vmem>> -> memref<128xf32, #tpu.memory_space<vmem>>
    %dma_wait3A_2305 = arith.constant 7936 : i32
    %dma_wait3A_2306 = tpu.memref_slice %arg7[%dma_wait3A_2305] : memref<8192xi32, #tpu.memory_space<vmem>> -> memref<128xi32, #tpu.memory_space<vmem>>
    %dma_wait3A_2307 = arith.constant 0 : i32
    %dma_wait3A_2308 = tpu.memref_slice %arg2[%dma_wait3A_2307] : memref<393216xf32, #tpu.memory_space<hbm>> -> memref<393216xf32, #tpu.memory_space<hbm>>
    tpu.wait_indirect_dma semaphore(%arg11 : memref<!tpu.dma_semaphore, #tpu.memory_space<semaphore_mem>>) src(%dma_wait3A_2308 : memref<393216xf32, #tpu.memory_space<hbm>>) dst(%dma_wait3A_2304 : memref<128xf32, #tpu.memory_space<vmem>>)
    %dma_wait3A_2309 = arith.constant 8064 : i32
    %dma_wait3A_2310 = tpu.memref_slice %arg10[%dma_wait3A_2309] : memref<8192xf32, #tpu.memory_space<vmem>> -> memref<128xf32, #tpu.memory_space<vmem>>
    %dma_wait3A_2311 = arith.constant 8064 : i32
    %dma_wait3A_2312 = tpu.memref_slice %arg7[%dma_wait3A_2311] : memref<8192xi32, #tpu.memory_space<vmem>> -> memref<128xi32, #tpu.memory_space<vmem>>
    %dma_wait3A_2313 = arith.constant 0 : i32
    %dma_wait3A_2314 = tpu.memref_slice %arg2[%dma_wait3A_2313] : memref<393216xf32, #tpu.memory_space<hbm>> -> memref<393216xf32, #tpu.memory_space<hbm>>
    tpu.wait_indirect_dma semaphore(%arg11 : memref<!tpu.dma_semaphore, #tpu.memory_space<semaphore_mem>>) src(%dma_wait3A_2314 : memref<393216xf32, #tpu.memory_space<hbm>>) dst(%dma_wait3A_2310 : memref<128xf32, #tpu.memory_space<vmem>>)
    %mul3A_2315 = arith.constant 8192 : i32
    %mul3A_2316 = arith.muli %add3A, %mul3A_2315 : i32
    %add3A_2317 = arith.constant 0 : i32
    %add3A_2318 = arith.addi %add3A_2317, %mul3A_2316 : i32
    "tpu.region"() ({
      %run_scoped3A = tpu.sem_alloc : memref<!tpu.dma_semaphore, #tpu.memory_space<semaphore_mem>>
      %dma_start3A_2327 = tpu.memref_slice %arg4[%add3A_2318] : memref<786432xf32, #tpu.memory_space<hbm>> -> memref<8192xf32, #tpu.memory_space<hbm>>
      %dma_start3A_2328 = tpu.memref_slice %arg4[%add3A_2318] : memref<786432xf32, #tpu.memory_space<hbm>> -> memref<8192xf32, #tpu.memory_space<hbm>>
      tpu.enqueue_dma source(%arg8 : memref<8192xf32, #tpu.memory_space<vmem>>) target(%dma_start3A_2328 : memref<8192xf32, #tpu.memory_space<hbm>>) target_semaphore(%run_scoped3A : memref<!tpu.dma_semaphore, #tpu.memory_space<semaphore_mem>>)
      %dma_wait3A_2329 = tpu.memref_slice %arg4[%add3A_2318] : memref<786432xf32, #tpu.memory_space<hbm>> -> memref<8192xf32, #tpu.memory_space<hbm>>
      %dma_wait3A_2330 = tpu.memref_slice %arg4[%add3A_2318] : memref<786432xf32, #tpu.memory_space<hbm>> -> memref<8192xf32, #tpu.memory_space<hbm>>
      tpu.wait_dma2 semaphore(%run_scoped3A : memref<!tpu.dma_semaphore, #tpu.memory_space<semaphore_mem>>) src(%arg8 : memref<8192xf32, #tpu.memory_space<vmem>>) dst(%dma_wait3A_2330 : memref<8192xf32, #tpu.memory_space<hbm>>)
      tpu.yield
    }) : () -> ()
    %mul3A_2319 = arith.constant 8192 : i32
    %mul3A_2320 = arith.muli %add3A, %mul3A_2319 : i32
    %add3A_2321 = arith.constant 262144 : i32
    %add3A_2322 = arith.addi %add3A_2321, %mul3A_2320 : i32
    "tpu.region"() ({
      %run_scoped3A = tpu.sem_alloc : memref<!tpu.dma_semaphore, #tpu.memory_space<semaphore_mem>>
      %dma_start3A_2327 = tpu.memref_slice %arg4[%add3A_2322] : memref<786432xf32, #tpu.memory_space<hbm>> -> memref<8192xf32, #tpu.memory_space<hbm>>
      %dma_start3A_2328 = tpu.memref_slice %arg4[%add3A_2322] : memref<786432xf32, #tpu.memory_space<hbm>> -> memref<8192xf32, #tpu.memory_space<hbm>>
      tpu.enqueue_dma source(%arg9 : memref<8192xf32, #tpu.memory_space<vmem>>) target(%dma_start3A_2328 : memref<8192xf32, #tpu.memory_space<hbm>>) target_semaphore(%run_scoped3A : memref<!tpu.dma_semaphore, #tpu.memory_space<semaphore_mem>>)
      %dma_wait3A_2329 = tpu.memref_slice %arg4[%add3A_2322] : memref<786432xf32, #tpu.memory_space<hbm>> -> memref<8192xf32, #tpu.memory_space<hbm>>
      %dma_wait3A_2330 = tpu.memref_slice %arg4[%add3A_2322] : memref<786432xf32, #tpu.memory_space<hbm>> -> memref<8192xf32, #tpu.memory_space<hbm>>
      tpu.wait_dma2 semaphore(%run_scoped3A : memref<!tpu.dma_semaphore, #tpu.memory_space<semaphore_mem>>) src(%arg9 : memref<8192xf32, #tpu.memory_space<vmem>>) dst(%dma_wait3A_2330 : memref<8192xf32, #tpu.memory_space<hbm>>)
      tpu.yield
    }) : () -> ()
    %mul3A_2323 = arith.constant 8192 : i32
    %mul3A_2324 = arith.muli %add3A, %mul3A_2323 : i32
    %add3A_2325 = arith.constant 524288 : i32
    %add3A_2326 = arith.addi %add3A_2325, %mul3A_2324 : i32
    "tpu.region"() ({
      %run_scoped3A = tpu.sem_alloc : memref<!tpu.dma_semaphore, #tpu.memory_space<semaphore_mem>>
      %dma_start3A_2327 = tpu.memref_slice %arg4[%add3A_2326] : memref<786432xf32, #tpu.memory_space<hbm>> -> memref<8192xf32, #tpu.memory_space<hbm>>
      %dma_start3A_2328 = tpu.memref_slice %arg4[%add3A_2326] : memref<786432xf32, #tpu.memory_space<hbm>> -> memref<8192xf32, #tpu.memory_space<hbm>>
      tpu.enqueue_dma source(%arg10 : memref<8192xf32, #tpu.memory_space<vmem>>) target(%dma_start3A_2328 : memref<8192xf32, #tpu.memory_space<hbm>>) target_semaphore(%run_scoped3A : memref<!tpu.dma_semaphore, #tpu.memory_space<semaphore_mem>>)
      %dma_wait3A_2329 = tpu.memref_slice %arg4[%add3A_2326] : memref<786432xf32, #tpu.memory_space<hbm>> -> memref<8192xf32, #tpu.memory_space<hbm>>
      %dma_wait3A_2330 = tpu.memref_slice %arg4[%add3A_2326] : memref<786432xf32, #tpu.memory_space<hbm>> -> memref<8192xf32, #tpu.memory_space<hbm>>
      tpu.wait_dma2 semaphore(%run_scoped3A : memref<!tpu.dma_semaphore, #tpu.memory_space<semaphore_mem>>) src(%arg10 : memref<8192xf32, #tpu.memory_space<vmem>>) dst(%dma_wait3A_2330 : memref<8192xf32, #tpu.memory_space<hbm>>)
      tpu.yield
    }) : () -> ()
    return
  }
}

module attributes {stable_mosaic.version = 14 : i64} {
  func.func @_fps_kernel(%arg0: memref<3x32x4096xf32, #tpu.memory_space<vmem>>, %arg1: memref<32x1x256xf32, #tpu.memory_space<vmem>>, %arg2: memref<32x1x256xf32, #tpu.memory_space<vmem>>, %arg3: memref<32x1x256xf32, #tpu.memory_space<vmem>>, %arg4: memref<32x4096xf32, #tpu.memory_space<vmem>>) attributes {dimension_semantics = [], scalar_prefetch = 0 : i64, scratch_operands = 1 : i64, tpu.core_type = #tpu.core_type<tc>} {
    %get3A = arith.constant 0 : index
    %get3A_0 = arith.constant 0 : index
    %get3A_1 = arith.constant 0 : index
    %get3A_2 = vector.load %arg0[%get3A, %get3A_0, %get3A_1] : memref<3x32x4096xf32, #tpu.memory_space<vmem>>, vector<1x32x4096xf32>
    %get3A_3 = vector.shape_cast %get3A_2 : vector<1x32x4096xf32> to vector<32x4096xf32>
    %get3A_4 = arith.constant 1 : index
    %get3A_5 = arith.constant 0 : index
    %get3A_6 = arith.constant 0 : index
    %get3A_7 = vector.load %arg0[%get3A_4, %get3A_5, %get3A_6] : memref<3x32x4096xf32, #tpu.memory_space<vmem>>, vector<1x32x4096xf32>
    %get3A_8 = vector.shape_cast %get3A_7 : vector<1x32x4096xf32> to vector<32x4096xf32>
    %get3A_9 = arith.constant 2 : index
    %get3A_10 = arith.constant 0 : index
    %get3A_11 = arith.constant 0 : index
    %get3A_12 = vector.load %arg0[%get3A_9, %get3A_10, %get3A_11] : memref<3x32x4096xf32, #tpu.memory_space<vmem>>, vector<1x32x4096xf32>
    %get3A_13 = vector.shape_cast %get3A_12 : vector<1x32x4096xf32> to vector<32x4096xf32>
    %iota3A = tpu.iota {dimensions = array<i32: 1>} : vector<32x4096xi32>
    %iota3A_14 = tpu.iota {dimensions = array<i32: 1>} : vector<32x256xi32>
    %broadcast_in_dim3A = arith.constant 1.000000e+10 : f32
    %broadcast_in_dim3A_15 = vector.broadcast %broadcast_in_dim3A : f32 to vector<32x4096xf32>
    %swap3A = arith.constant 0 : index
    %swap3A_16 = arith.constant 0 : index
    %swap3A_17 = vector.load %arg4[%swap3A, %swap3A_16] : memref<32x4096xf32, #tpu.memory_space<vmem>>, vector<32x4096xf32>
    tpu.vector_store %arg4[%swap3A, %swap3A_16], %broadcast_in_dim3A_15 {strides = array<i32>} : memref<32x4096xf32, #tpu.memory_space<vmem>>, vector<32x4096xf32>,
    %broadcast_in_dim3A_18 = arith.constant 0.000000e+00 : f32
    %broadcast_in_dim3A_19 = vector.broadcast %broadcast_in_dim3A_18 : f32 to vector<32x256xf32>
    %broadcast_in_dim3A_20 = arith.constant 0 : i32
    %broadcast_in_dim3A_21 = vector.broadcast %broadcast_in_dim3A_20 : i32 to vector<32x1xi32>
    %scan3A = arith.constant 0 : i32
    %scan3A_22 = arith.constant 256 : i32
    %scan3A_23 = arith.addi %scan3A, %scan3A_22 : i32
    %scan3A_24 = arith.constant 1 : i32
    %scan3A_25:4 = scf.for %scan3A_45 = %scan3A to %scan3A_23 step %scan3A_24 iter_args(%scan3A_46 = %broadcast_in_dim3A_21, %scan3A_47 = %broadcast_in_dim3A_19, %scan3A_48 = %broadcast_in_dim3A_19, %scan3A_49 = %broadcast_in_dim3A_19) -> (vector<32x1xi32>, vector<32x256xf32>, vector<32x256xf32>, vector<32x256xf32>)  : i32 {
      %eq3A = vector.broadcast %scan3A_46 : vector<32x1xi32> to vector<32x4096xi32>
      %eq3A_50 = arith.cmpi eq, %iota3A, %eq3A : vector<32x4096xi32>
      %jit3A = arith.constant 0.000000e+00 : f32
      %broadcast_in_dim3A_51 = vector.broadcast %jit3A : f32 to vector<32x4096xf32>
      %select_n3A = arith.select %eq3A_50, %get3A_3, %broadcast_in_dim3A_51 : vector<32x4096xi1>, vector<32x4096xf32>
      %reduce_sum3A = arith.constant dense<0.000000e+00> : vector<32xf32>
      %reduce_sum3A_52 = vector.multi_reduction <add>, %select_n3A, %reduce_sum3A [1] : vector<32x4096xf32> to vector<32xf32>
      %broadcast_in_dim3A_53 = vector.shape_cast %reduce_sum3A_52 : vector<32xf32> to vector<32x1xf32>
      %jit3A_54 = arith.constant 0.000000e+00 : f32
      %broadcast_in_dim3A_55 = vector.broadcast %jit3A_54 : f32 to vector<32x4096xf32>
      %select_n3A_56 = arith.select %eq3A_50, %get3A_8, %broadcast_in_dim3A_55 : vector<32x4096xi1>, vector<32x4096xf32>
      %reduce_sum3A_57 = arith.constant dense<0.000000e+00> : vector<32xf32>
      %reduce_sum3A_58 = vector.multi_reduction <add>, %select_n3A_56, %reduce_sum3A_57 [1] : vector<32x4096xf32> to vector<32xf32>
      %broadcast_in_dim3A_59 = vector.shape_cast %reduce_sum3A_58 : vector<32xf32> to vector<32x1xf32>
      %jit3A_60 = arith.constant 0.000000e+00 : f32
      %broadcast_in_dim3A_61 = vector.broadcast %jit3A_60 : f32 to vector<32x4096xf32>
      %select_n3A_62 = arith.select %eq3A_50, %get3A_13, %broadcast_in_dim3A_61 : vector<32x4096xi1>, vector<32x4096xf32>
      %reduce_sum3A_63 = arith.constant dense<0.000000e+00> : vector<32xf32>
      %reduce_sum3A_64 = vector.multi_reduction <add>, %select_n3A_62, %reduce_sum3A_63 [1] : vector<32x4096xf32> to vector<32xf32>
      %broadcast_in_dim3A_65 = vector.shape_cast %reduce_sum3A_64 : vector<32xf32> to vector<32x1xf32>
      %eq3A_66 = vector.broadcast %scan3A_45 : i32 to vector<32x256xi32>
      %eq3A_67 = arith.cmpi eq, %iota3A_14, %eq3A_66 : vector<32x256xi32>
      %broadcast_in_dim3A_68 = vector.shape_cast %broadcast_in_dim3A_53 : vector<32x1xf32> to vector<32x1xf32>
      %broadcast_in_dim3A_69 = vector.broadcast %broadcast_in_dim3A_68 : vector<32x1xf32> to vector<32x256xf32>
      %select_n3A_70 = arith.select %eq3A_67, %broadcast_in_dim3A_69, %scan3A_47 : vector<32x256xi1>, vector<32x256xf32>
      %broadcast_in_dim3A_71 = vector.shape_cast %broadcast_in_dim3A_59 : vector<32x1xf32> to vector<32x1xf32>
      %broadcast_in_dim3A_72 = vector.broadcast %broadcast_in_dim3A_71 : vector<32x1xf32> to vector<32x256xf32>
      %select_n3A_73 = arith.select %eq3A_67, %broadcast_in_dim3A_72, %scan3A_48 : vector<32x256xi1>, vector<32x256xf32>
      %broadcast_in_dim3A_74 = vector.shape_cast %broadcast_in_dim3A_65 : vector<32x1xf32> to vector<32x1xf32>
      %broadcast_in_dim3A_75 = vector.broadcast %broadcast_in_dim3A_74 : vector<32x1xf32> to vector<32x256xf32>
      %select_n3A_76 = arith.select %eq3A_67, %broadcast_in_dim3A_75, %scan3A_49 : vector<32x256xi1>, vector<32x256xf32>
      %sub3A = vector.broadcast %broadcast_in_dim3A_53 : vector<32x1xf32> to vector<32x4096xf32>
      %sub3A_77 = arith.subf %get3A_3, %sub3A : vector<32x4096xf32>
      %sub3A_78 = vector.broadcast %broadcast_in_dim3A_59 : vector<32x1xf32> to vector<32x4096xf32>
      %sub3A_79 = arith.subf %get3A_8, %sub3A_78 : vector<32x4096xf32>
      %sub3A_80 = vector.broadcast %broadcast_in_dim3A_65 : vector<32x1xf32> to vector<32x4096xf32>
      %sub3A_81 = arith.subf %get3A_13, %sub3A_80 : vector<32x4096xf32>
      %mul3A = arith.mulf %sub3A_77, %sub3A_77 : vector<32x4096xf32>
      %mul3A_82 = arith.mulf %sub3A_79, %sub3A_79 : vector<32x4096xf32>
      %add3A = arith.addf %mul3A, %mul3A_82 : vector<32x4096xf32>
      %mul3A_83 = arith.mulf %sub3A_81, %sub3A_81 : vector<32x4096xf32>
      %add3A_84 = arith.addf %add3A, %mul3A_83 : vector<32x4096xf32>
      %get3A_85 = arith.constant 0 : index
      %get3A_86 = arith.constant 0 : index
      %get3A_87 = vector.load %arg4[%get3A_85, %get3A_86] : memref<32x4096xf32, #tpu.memory_space<vmem>>, vector<32x4096xf32>
      %min3A = arith.minimumf %get3A_87, %add3A_84 : vector<32x4096xf32>
      %swap3A_88 = arith.constant 0 : index
      %swap3A_89 = arith.constant 0 : index
      %swap3A_90 = vector.load %arg4[%swap3A_88, %swap3A_89] : memref<32x4096xf32, #tpu.memory_space<vmem>>, vector<32x4096xf32>
      tpu.vector_store %arg4[%swap3A_88, %swap3A_89], %min3A {strides = array<i32>} : memref<32x4096xf32, #tpu.memory_space<vmem>>, vector<32x4096xf32>,
      %reduce_max3A = arith.constant dense<0xFF800000> : vector<32xf32>
      %reduce_max3A_91 = vector.multi_reduction <maximumf>, %min3A, %reduce_max3A [1] : vector<32x4096xf32> to vector<32xf32>
      %broadcast_in_dim3A_92 = vector.shape_cast %reduce_max3A_91 : vector<32xf32> to vector<32x1xf32>
      %eq3A_93 = vector.broadcast %broadcast_in_dim3A_92 : vector<32x1xf32> to vector<32x4096xf32>
      %eq3A_94 = arith.cmpf oeq, %min3A, %eq3A_93 : vector<32x4096xf32>
      %jit3A_95 = arith.constant 4096 : i32
      %broadcast_in_dim3A_96 = vector.broadcast %jit3A_95 : i32 to vector<32x4096xi32>
      %select_n3A_97 = arith.select %eq3A_94, %iota3A, %broadcast_in_dim3A_96 : vector<32x4096xi1>, vector<32x4096xi32>
      %reduce_min3A = arith.constant dense<2147483647> : vector<32xi32>
      %reduce_min3A_98 = vector.multi_reduction <minsi>, %select_n3A_97, %reduce_min3A [1] : vector<32x4096xi32> to vector<32xi32>
      %broadcast_in_dim3A_99 = vector.shape_cast %reduce_min3A_98 : vector<32xi32> to vector<32x1xi32>
      scf.yield %broadcast_in_dim3A_99, %select_n3A_70, %select_n3A_73, %select_n3A_76 : vector<32x1xi32>, vector<32x256xf32>, vector<32x256xf32>, vector<32x256xf32>
    }
    %scan3A_26 = arith.constant 256 : i32
    %swap3A_27 = arith.constant 0 : index
    %swap3A_28 = arith.constant 0 : index
    %swap3A_29 = arith.constant 0 : index
    %swap3A_30 = vector.load %arg1[%swap3A_27, %swap3A_28, %swap3A_29] : memref<32x1x256xf32, #tpu.memory_space<vmem>>, vector<32x1x256xf32>
    %swap3A_31 = vector.shape_cast %swap3A_30 : vector<32x1x256xf32> to vector<32x256xf32>
    %swap3A_32 = vector.shape_cast %scan3A_25#1 : vector<32x256xf32> to vector<32x1x256xf32>
    tpu.vector_store %arg1[%swap3A_27, %swap3A_28, %swap3A_29], %swap3A_32 {strides = array<i32>} : memref<32x1x256xf32, #tpu.memory_space<vmem>>, vector<32x1x256xf32>,
    %swap3A_33 = arith.constant 0 : index
    %swap3A_34 = arith.constant 0 : index
    %swap3A_35 = arith.constant 0 : index
    %swap3A_36 = vector.load %arg2[%swap3A_33, %swap3A_34, %swap3A_35] : memref<32x1x256xf32, #tpu.memory_space<vmem>>, vector<32x1x256xf32>
    %swap3A_37 = vector.shape_cast %swap3A_36 : vector<32x1x256xf32> to vector<32x256xf32>
    %swap3A_38 = vector.shape_cast %scan3A_25#2 : vector<32x256xf32> to vector<32x1x256xf32>
    tpu.vector_store %arg2[%swap3A_33, %swap3A_34, %swap3A_35], %swap3A_38 {strides = array<i32>} : memref<32x1x256xf32, #tpu.memory_space<vmem>>, vector<32x1x256xf32>,
    %swap3A_39 = arith.constant 0 : index
    %swap3A_40 = arith.constant 0 : index
    %swap3A_41 = arith.constant 0 : index
    %swap3A_42 = vector.load %arg3[%swap3A_39, %swap3A_40, %swap3A_41] : memref<32x1x256xf32, #tpu.memory_space<vmem>>, vector<32x1x256xf32>
    %swap3A_43 = vector.shape_cast %swap3A_42 : vector<32x1x256xf32> to vector<32x256xf32>
    %swap3A_44 = vector.shape_cast %scan3A_25#3 : vector<32x256xf32> to vector<32x1x256xf32>
    tpu.vector_store %arg3[%swap3A_39, %swap3A_40, %swap3A_41], %swap3A_44 {strides = array<i32>} : memref<32x1x256xf32, #tpu.memory_space<vmem>>, vector<32x1x256xf32>,
    return
  }
}

module attributes {stable_mosaic.version = 14 : i64} {
  func.func @_knn_kernel(%arg0: i32, %arg1: memref<1x3x4096xf32, #tpu.memory_space<vmem>>, %arg2: memref<1x1x256xf32, #tpu.memory_space<vmem>>, %arg3: memref<1x1x256xf32, #tpu.memory_space<vmem>>, %arg4: memref<1x1x256xf32, #tpu.memory_space<vmem>>, %arg5: memref<1x256x32xi32, #tpu.memory_space<vmem>>, %arg6: memref<256x4096xf32, #tpu.memory_space<vmem>>, %arg7: memref<256x4096xi32, #tpu.memory_space<vmem>>) attributes {dimension_semantics = [#tpu.dimension_semantics<parallel>], iteration_bounds = array<i64: 32>, scalar_prefetch = 0 : i64, scratch_operands = 2 : i64, tpu.core_type = #tpu.core_type<tc>, window_params = [{transform_indices = @transform_0, window_bounds = array<i64: 1, 3, 4096>}, {transform_indices = @transform_1, window_bounds = array<i64: 1, 1, 256>}, {transform_indices = @transform_2, window_bounds = array<i64: 1, 1, 256>}, {transform_indices = @transform_3, window_bounds = array<i64: 1, 1, 256>}, {transform_indices = @transform_4, window_bounds = array<i64: 1, 256, 32>}]} {
    %get3A = arith.constant 0 : index
    %get3A_0 = arith.constant 0 : index
    %get3A_1 = arith.constant 0 : index
    %get3A_2 = vector.load %arg1[%get3A, %get3A_0, %get3A_1] : memref<1x3x4096xf32, #tpu.memory_space<vmem>>, vector<1x1x4096xf32>
    %get3A_3 = vector.shape_cast %get3A_2 : vector<1x1x4096xf32> to vector<4096xf32>
    %reshape3A = vector.shape_cast %get3A_3 : vector<4096xf32> to vector<1x4096xf32>
    %get3A_4 = arith.constant 0 : index
    %get3A_5 = arith.constant 1 : index
    %get3A_6 = arith.constant 0 : index
    %get3A_7 = vector.load %arg1[%get3A_4, %get3A_5, %get3A_6] : memref<1x3x4096xf32, #tpu.memory_space<vmem>>, vector<1x1x4096xf32>
    %get3A_8 = vector.shape_cast %get3A_7 : vector<1x1x4096xf32> to vector<4096xf32>
    %reshape3A_9 = vector.shape_cast %get3A_8 : vector<4096xf32> to vector<1x4096xf32>
    %get3A_10 = arith.constant 0 : index
    %get3A_11 = arith.constant 2 : index
    %get3A_12 = arith.constant 0 : index
    %get3A_13 = vector.load %arg1[%get3A_10, %get3A_11, %get3A_12] : memref<1x3x4096xf32, #tpu.memory_space<vmem>>, vector<1x1x4096xf32>
    %get3A_14 = vector.shape_cast %get3A_13 : vector<1x1x4096xf32> to vector<4096xf32>
    %reshape3A_15 = vector.shape_cast %get3A_14 : vector<4096xf32> to vector<1x4096xf32>
    %get3A_16 = arith.constant 0 : index
    %get3A_17 = arith.constant 0 : index
    %get3A_18 = arith.constant 0 : index
    %get3A_19 = vector.load %arg2[%get3A_16, %get3A_17, %get3A_18] : memref<1x1x256xf32, #tpu.memory_space<vmem>>, vector<1x1x256xf32>
    %get3A_20 = vector.shape_cast %get3A_19 : vector<1x1x256xf32> to vector<256xf32>
    %reshape3A_21 = vector.shape_cast %get3A_20 : vector<256xf32> to vector<256x1xf32>
    %get3A_22 = arith.constant 0 : index
    %get3A_23 = arith.constant 0 : index
    %get3A_24 = arith.constant 0 : index
    %get3A_25 = vector.load %arg3[%get3A_22, %get3A_23, %get3A_24] : memref<1x1x256xf32, #tpu.memory_space<vmem>>, vector<1x1x256xf32>
    %get3A_26 = vector.shape_cast %get3A_25 : vector<1x1x256xf32> to vector<256xf32>
    %reshape3A_27 = vector.shape_cast %get3A_26 : vector<256xf32> to vector<256x1xf32>
    %get3A_28 = arith.constant 0 : index
    %get3A_29 = arith.constant 0 : index
    %get3A_30 = arith.constant 0 : index
    %get3A_31 = vector.load %arg4[%get3A_28, %get3A_29, %get3A_30] : memref<1x1x256xf32, #tpu.memory_space<vmem>>, vector<1x1x256xf32>
    %get3A_32 = vector.shape_cast %get3A_31 : vector<1x1x256xf32> to vector<256xf32>
    %reshape3A_33 = vector.shape_cast %get3A_32 : vector<256xf32> to vector<256x1xf32>
    %sub3A = vector.broadcast %reshape3A_21 : vector<256x1xf32> to vector<256x4096xf32>
    %sub3A_34 = vector.broadcast %reshape3A : vector<1x4096xf32> to vector<256x4096xf32>
    %sub3A_35 = arith.subf %sub3A, %sub3A_34 : vector<256x4096xf32>
    %sub3A_36 = vector.broadcast %reshape3A_27 : vector<256x1xf32> to vector<256x4096xf32>
    %sub3A_37 = vector.broadcast %reshape3A_9 : vector<1x4096xf32> to vector<256x4096xf32>
    %sub3A_38 = arith.subf %sub3A_36, %sub3A_37 : vector<256x4096xf32>
    %sub3A_39 = vector.broadcast %reshape3A_33 : vector<256x1xf32> to vector<256x4096xf32>
    %sub3A_40 = vector.broadcast %reshape3A_15 : vector<1x4096xf32> to vector<256x4096xf32>
    %sub3A_41 = arith.subf %sub3A_39, %sub3A_40 : vector<256x4096xf32>
    %mul3A = arith.mulf %sub3A_35, %sub3A_35 : vector<256x4096xf32>
    %mul3A_42 = arith.mulf %sub3A_38, %sub3A_38 : vector<256x4096xf32>
    %add3A = arith.addf %mul3A, %mul3A_42 : vector<256x4096xf32>
    %mul3A_43 = arith.mulf %sub3A_41, %sub3A_41 : vector<256x4096xf32>
    %add3A_44 = arith.addf %add3A, %mul3A_43 : vector<256x4096xf32>
    %swap3A = arith.constant 0 : index
    %swap3A_45 = arith.constant 0 : index
    %swap3A_46 = vector.load %arg6[%swap3A, %swap3A_45] : memref<256x4096xf32, #tpu.memory_space<vmem>>, vector<256x4096xf32>
    tpu.vector_store %arg6[%swap3A, %swap3A_45], %add3A_44 {strides = array<i32>} : memref<256x4096xf32, #tpu.memory_space<vmem>>, vector<256x4096xf32>,
    %iota3A = tpu.iota {dimensions = array<i32: 1>} : vector<256x4096xi32>
    %swap3A_47 = arith.constant 0 : index
    %swap3A_48 = arith.constant 0 : index
    %swap3A_49 = vector.load %arg7[%swap3A_47, %swap3A_48] : memref<256x4096xi32, #tpu.memory_space<vmem>>, vector<256x4096xi32>
    tpu.vector_store %arg7[%swap3A_47, %swap3A_48], %iota3A {strides = array<i32>} : memref<256x4096xi32, #tpu.memory_space<vmem>>, vector<256x4096xi32>,
    %iota3A_50 = tpu.iota {dimensions = array<i32: 1>} : vector<256x32xi32>
    %get3A_51 = arith.constant 0 : index
    %get3A_52 = arith.constant 0 : index
    %get3A_53 = vector.load %arg6[%get3A_51, %get3A_52] : memref<256x4096xf32, #tpu.memory_space<vmem>>, vector<256x4096xf32>
    %reduce_min3A = arith.constant dense<0x7F800000> : vector<256xf32>
    %reduce_min3A_54 = vector.multi_reduction <minimumf>, %get3A_53, %reduce_min3A [1] : vector<256x4096xf32> to vector<256xf32>
    %broadcast_in_dim3A = vector.shape_cast %reduce_min3A_54 : vector<256xf32> to vector<256x1xf32>
    %broadcast_in_dim3A_55 = arith.constant 0 : i32
    %broadcast_in_dim3A_56 = vector.broadcast %broadcast_in_dim3A_55 : i32 to vector<256x32xi32>
    %scan3A = arith.constant 0 : i32
    %scan3A_57 = arith.constant 32 : i32
    %scan3A_58 = arith.addi %scan3A, %scan3A_57 : i32
    %scan3A_59 = arith.constant 4 : i32
    %scan3A_60:2 = scf.for %scan3A_72 = %scan3A to %scan3A_58 step %scan3A_59 iter_args(%scan3A_73 = %broadcast_in_dim3A, %scan3A_74 = %broadcast_in_dim3A_56) -> (vector<256x1xf32>, vector<256x32xi32>)  : i32 {
      %get3A_75 = arith.constant 0 : index
      %get3A_76 = arith.constant 0 : index
      %get3A_77 = vector.load %arg6[%get3A_75, %get3A_76] : memref<256x4096xf32, #tpu.memory_space<vmem>>, vector<256x4096xf32>
      %get3A_78 = arith.constant 0 : index
      %get3A_79 = arith.constant 0 : index
      %get3A_80 = vector.load %arg7[%get3A_78, %get3A_79] : memref<256x4096xi32, #tpu.memory_space<vmem>>, vector<256x4096xi32>
      %eq3A = vector.broadcast %scan3A_73 : vector<256x1xf32> to vector<256x4096xf32>
      %eq3A_81 = arith.cmpf oeq, %get3A_77, %eq3A : vector<256x4096xf32>
      %jit3A = arith.constant 4096 : i32
      %broadcast_in_dim3A_82 = vector.broadcast %jit3A : i32 to vector<256x4096xi32>
      %select_n3A = arith.select %eq3A_81, %get3A_80, %broadcast_in_dim3A_82 : vector<256x4096xi1>, vector<256x4096xi32>
      %reduce_min3A_83 = arith.constant dense<2147483647> : vector<256xi32>
      %reduce_min3A_84 = vector.multi_reduction <minsi>, %select_n3A, %reduce_min3A_83 [1] : vector<256x4096xi32> to vector<256xi32>
      %broadcast_in_dim3A_85 = vector.shape_cast %reduce_min3A_84 : vector<256xi32> to vector<256x1xi32>
      %eq3A_86 = vector.broadcast %scan3A_72 : i32 to vector<256x32xi32>
      %eq3A_87 = arith.cmpi eq, %iota3A_50, %eq3A_86 : vector<256x32xi32>
      %broadcast_in_dim3A_88 = vector.shape_cast %broadcast_in_dim3A_85 : vector<256x1xi32> to vector<256x1xi32>
      %broadcast_in_dim3A_89 = vector.broadcast %broadcast_in_dim3A_88 : vector<256x1xi32> to vector<256x32xi32>
      %select_n3A_90 = arith.select %eq3A_87, %broadcast_in_dim3A_89, %scan3A_74 : vector<256x32xi1>, vector<256x32xi32>
      %get3A_91 = arith.constant 0 : index
      %get3A_92 = arith.constant 0 : index
      %get3A_93 = vector.load %arg7[%get3A_91, %get3A_92] : memref<256x4096xi32, #tpu.memory_space<vmem>>, vector<256x4096xi32>
      %eq3A_94 = vector.broadcast %broadcast_in_dim3A_85 : vector<256x1xi32> to vector<256x4096xi32>
      %eq3A_95 = arith.cmpi eq, %get3A_93, %eq3A_94 : vector<256x4096xi32>
      %get3A_96 = arith.constant 0 : index
      %get3A_97 = arith.constant 0 : index
      %get3A_98 = vector.load %arg6[%get3A_96, %get3A_97] : memref<256x4096xf32, #tpu.memory_space<vmem>>, vector<256x4096xf32>
      %jit3A_99 = arith.constant 1.000000e+30 : f32
      %broadcast_in_dim3A_100 = vector.broadcast %jit3A_99 : f32 to vector<256x4096xf32>
      %select_n3A_101 = arith.select %eq3A_95, %broadcast_in_dim3A_100, %get3A_98 : vector<256x4096xi1>, vector<256x4096xf32>
      %swap3A_102 = arith.constant 0 : index
      %swap3A_103 = arith.constant 0 : index
      %swap3A_104 = vector.load %arg6[%swap3A_102, %swap3A_103] : memref<256x4096xf32, #tpu.memory_space<vmem>>, vector<256x4096xf32>
      tpu.vector_store %arg6[%swap3A_102, %swap3A_103], %select_n3A_101 {strides = array<i32>} : memref<256x4096xf32, #tpu.memory_space<vmem>>, vector<256x4096xf32>,
      %reduce_min3A_105 = arith.constant dense<0x7F800000> : vector<256xf32>
      %reduce_min3A_106 = vector.multi_reduction <minimumf>, %select_n3A_101, %reduce_min3A_105 [1] : vector<256x4096xf32> to vector<256xf32>
      %broadcast_in_dim3A_107 = vector.shape_cast %reduce_min3A_106 : vector<256xf32> to vector<256x1xf32>
      %scan3A_108 = arith.constant 1 : i32
      %scan3A_109 = arith.addi %scan3A_72, %scan3A_108 : i32
      %get3A_110 = arith.constant 0 : index
      %get3A_111 = arith.constant 0 : index
      %get3A_112 = vector.load %arg6[%get3A_110, %get3A_111] : memref<256x4096xf32, #tpu.memory_space<vmem>>, vector<256x4096xf32>
      %get3A_113 = arith.constant 0 : index
      %get3A_114 = arith.constant 0 : index
      %get3A_115 = vector.load %arg7[%get3A_113, %get3A_114] : memref<256x4096xi32, #tpu.memory_space<vmem>>, vector<256x4096xi32>
      %eq3A_116 = vector.broadcast %broadcast_in_dim3A_107 : vector<256x1xf32> to vector<256x4096xf32>
      %eq3A_117 = arith.cmpf oeq, %get3A_112, %eq3A_116 : vector<256x4096xf32>
      %jit3A_118 = arith.constant 4096 : i32
      %broadcast_in_dim3A_119 = vector.broadcast %jit3A_118 : i32 to vector<256x4096xi32>
      %select_n3A_120 = arith.select %eq3A_117, %get3A_115, %broadcast_in_dim3A_119 : vector<256x4096xi1>, vector<256x4096xi32>
      %reduce_min3A_121 = arith.constant dense<2147483647> : vector<256xi32>
      %reduce_min3A_122 = vector.multi_reduction <minsi>, %select_n3A_120, %reduce_min3A_121 [1] : vector<256x4096xi32> to vector<256xi32>
      %broadcast_in_dim3A_123 = vector.shape_cast %reduce_min3A_122 : vector<256xi32> to vector<256x1xi32>
      %eq3A_124 = vector.broadcast %scan3A_109 : i32 to vector<256x32xi32>
      %eq3A_125 = arith.cmpi eq, %iota3A_50, %eq3A_124 : vector<256x32xi32>
      %broadcast_in_dim3A_126 = vector.shape_cast %broadcast_in_dim3A_123 : vector<256x1xi32> to vector<256x1xi32>
      %broadcast_in_dim3A_127 = vector.broadcast %broadcast_in_dim3A_126 : vector<256x1xi32> to vector<256x32xi32>
      %select_n3A_128 = arith.select %eq3A_125, %broadcast_in_dim3A_127, %select_n3A_90 : vector<256x32xi1>, vector<256x32xi32>
      %get3A_129 = arith.constant 0 : index
      %get3A_130 = arith.constant 0 : index
      %get3A_131 = vector.load %arg7[%get3A_129, %get3A_130] : memref<256x4096xi32, #tpu.memory_space<vmem>>, vector<256x4096xi32>
      %eq3A_132 = vector.broadcast %broadcast_in_dim3A_123 : vector<256x1xi32> to vector<256x4096xi32>
      %eq3A_133 = arith.cmpi eq, %get3A_131, %eq3A_132 : vector<256x4096xi32>
      %get3A_134 = arith.constant 0 : index
      %get3A_135 = arith.constant 0 : index
      %get3A_136 = vector.load %arg6[%get3A_134, %get3A_135] : memref<256x4096xf32, #tpu.memory_space<vmem>>, vector<256x4096xf32>
      %jit3A_137 = arith.constant 1.000000e+30 : f32
      %broadcast_in_dim3A_138 = vector.broadcast %jit3A_137 : f32 to vector<256x4096xf32>
      %select_n3A_139 = arith.select %eq3A_133, %broadcast_in_dim3A_138, %get3A_136 : vector<256x4096xi1>, vector<256x4096xf32>
      %swap3A_140 = arith.constant 0 : index
      %swap3A_141 = arith.constant 0 : index
      %swap3A_142 = vector.load %arg6[%swap3A_140, %swap3A_141] : memref<256x4096xf32, #tpu.memory_space<vmem>>, vector<256x4096xf32>
      tpu.vector_store %arg6[%swap3A_140, %swap3A_141], %select_n3A_139 {strides = array<i32>} : memref<256x4096xf32, #tpu.memory_space<vmem>>, vector<256x4096xf32>,
      %reduce_min3A_143 = arith.constant dense<0x7F800000> : vector<256xf32>
      %reduce_min3A_144 = vector.multi_reduction <minimumf>, %select_n3A_139, %reduce_min3A_143 [1] : vector<256x4096xf32> to vector<256xf32>
      %broadcast_in_dim3A_145 = vector.shape_cast %reduce_min3A_144 : vector<256xf32> to vector<256x1xf32>
      %scan3A_146 = arith.constant 2 : i32
      %scan3A_147 = arith.addi %scan3A_72, %scan3A_146 : i32
      %get3A_148 = arith.constant 0 : index
      %get3A_149 = arith.constant 0 : index
      %get3A_150 = vector.load %arg6[%get3A_148, %get3A_149] : memref<256x4096xf32, #tpu.memory_space<vmem>>, vector<256x4096xf32>
      %get3A_151 = arith.constant 0 : index
      %get3A_152 = arith.constant 0 : index
      %get3A_153 = vector.load %arg7[%get3A_151, %get3A_152] : memref<256x4096xi32, #tpu.memory_space<vmem>>, vector<256x4096xi32>
      %eq3A_154 = vector.broadcast %broadcast_in_dim3A_145 : vector<256x1xf32> to vector<256x4096xf32>
      %eq3A_155 = arith.cmpf oeq, %get3A_150, %eq3A_154 : vector<256x4096xf32>
      %jit3A_156 = arith.constant 4096 : i32
      %broadcast_in_dim3A_157 = vector.broadcast %jit3A_156 : i32 to vector<256x4096xi32>
      %select_n3A_158 = arith.select %eq3A_155, %get3A_153, %broadcast_in_dim3A_157 : vector<256x4096xi1>, vector<256x4096xi32>
      %reduce_min3A_159 = arith.constant dense<2147483647> : vector<256xi32>
      %reduce_min3A_160 = vector.multi_reduction <minsi>, %select_n3A_158, %reduce_min3A_159 [1] : vector<256x4096xi32> to vector<256xi32>
      %broadcast_in_dim3A_161 = vector.shape_cast %reduce_min3A_160 : vector<256xi32> to vector<256x1xi32>
      %eq3A_162 = vector.broadcast %scan3A_147 : i32 to vector<256x32xi32>
      %eq3A_163 = arith.cmpi eq, %iota3A_50, %eq3A_162 : vector<256x32xi32>
      %broadcast_in_dim3A_164 = vector.shape_cast %broadcast_in_dim3A_161 : vector<256x1xi32> to vector<256x1xi32>
      %broadcast_in_dim3A_165 = vector.broadcast %broadcast_in_dim3A_164 : vector<256x1xi32> to vector<256x32xi32>
      %select_n3A_166 = arith.select %eq3A_163, %broadcast_in_dim3A_165, %select_n3A_128 : vector<256x32xi1>, vector<256x32xi32>
      %get3A_167 = arith.constant 0 : index
      %get3A_168 = arith.constant 0 : index
      %get3A_169 = vector.load %arg7[%get3A_167, %get3A_168] : memref<256x4096xi32, #tpu.memory_space<vmem>>, vector<256x4096xi32>
      %eq3A_170 = vector.broadcast %broadcast_in_dim3A_161 : vector<256x1xi32> to vector<256x4096xi32>
      %eq3A_171 = arith.cmpi eq, %get3A_169, %eq3A_170 : vector<256x4096xi32>
      %get3A_172 = arith.constant 0 : index
      %get3A_173 = arith.constant 0 : index
      %get3A_174 = vector.load %arg6[%get3A_172, %get3A_173] : memref<256x4096xf32, #tpu.memory_space<vmem>>, vector<256x4096xf32>
      %jit3A_175 = arith.constant 1.000000e+30 : f32
      %broadcast_in_dim3A_176 = vector.broadcast %jit3A_175 : f32 to vector<256x4096xf32>
      %select_n3A_177 = arith.select %eq3A_171, %broadcast_in_dim3A_176, %get3A_174 : vector<256x4096xi1>, vector<256x4096xf32>
      %swap3A_178 = arith.constant 0 : index
      %swap3A_179 = arith.constant 0 : index
      %swap3A_180 = vector.load %arg6[%swap3A_178, %swap3A_179] : memref<256x4096xf32, #tpu.memory_space<vmem>>, vector<256x4096xf32>
      tpu.vector_store %arg6[%swap3A_178, %swap3A_179], %select_n3A_177 {strides = array<i32>} : memref<256x4096xf32, #tpu.memory_space<vmem>>, vector<256x4096xf32>,
      %reduce_min3A_181 = arith.constant dense<0x7F800000> : vector<256xf32>
      %reduce_min3A_182 = vector.multi_reduction <minimumf>, %select_n3A_177, %reduce_min3A_181 [1] : vector<256x4096xf32> to vector<256xf32>
      %broadcast_in_dim3A_183 = vector.shape_cast %reduce_min3A_182 : vector<256xf32> to vector<256x1xf32>
      %scan3A_184 = arith.constant 3 : i32
      %scan3A_185 = arith.addi %scan3A_72, %scan3A_184 : i32
      %get3A_186 = arith.constant 0 : index
      %get3A_187 = arith.constant 0 : index
      %get3A_188 = vector.load %arg6[%get3A_186, %get3A_187] : memref<256x4096xf32, #tpu.memory_space<vmem>>, vector<256x4096xf32>
      %get3A_189 = arith.constant 0 : index
      %get3A_190 = arith.constant 0 : index
      %get3A_191 = vector.load %arg7[%get3A_189, %get3A_190] : memref<256x4096xi32, #tpu.memory_space<vmem>>, vector<256x4096xi32>
      %eq3A_192 = vector.broadcast %broadcast_in_dim3A_183 : vector<256x1xf32> to vector<256x4096xf32>
      %eq3A_193 = arith.cmpf oeq, %get3A_188, %eq3A_192 : vector<256x4096xf32>
      %jit3A_194 = arith.constant 4096 : i32
      %broadcast_in_dim3A_195 = vector.broadcast %jit3A_194 : i32 to vector<256x4096xi32>
      %select_n3A_196 = arith.select %eq3A_193, %get3A_191, %broadcast_in_dim3A_195 : vector<256x4096xi1>, vector<256x4096xi32>
      %reduce_min3A_197 = arith.constant dense<2147483647> : vector<256xi32>
      %reduce_min3A_198 = vector.multi_reduction <minsi>, %select_n3A_196, %reduce_min3A_197 [1] : vector<256x4096xi32> to vector<256xi32>
      %broadcast_in_dim3A_199 = vector.shape_cast %reduce_min3A_198 : vector<256xi32> to vector<256x1xi32>
      %eq3A_200 = vector.broadcast %scan3A_185 : i32 to vector<256x32xi32>
      %eq3A_201 = arith.cmpi eq, %iota3A_50, %eq3A_200 : vector<256x32xi32>
      %broadcast_in_dim3A_202 = vector.shape_cast %broadcast_in_dim3A_199 : vector<256x1xi32> to vector<256x1xi32>
      %broadcast_in_dim3A_203 = vector.broadcast %broadcast_in_dim3A_202 : vector<256x1xi32> to vector<256x32xi32>
      %select_n3A_204 = arith.select %eq3A_201, %broadcast_in_dim3A_203, %select_n3A_166 : vector<256x32xi1>, vector<256x32xi32>
      %get3A_205 = arith.constant 0 : index
      %get3A_206 = arith.constant 0 : index
      %get3A_207 = vector.load %arg7[%get3A_205, %get3A_206] : memref<256x4096xi32, #tpu.memory_space<vmem>>, vector<256x4096xi32>
      %eq3A_208 = vector.broadcast %broadcast_in_dim3A_199 : vector<256x1xi32> to vector<256x4096xi32>
      %eq3A_209 = arith.cmpi eq, %get3A_207, %eq3A_208 : vector<256x4096xi32>
      %get3A_210 = arith.constant 0 : index
      %get3A_211 = arith.constant 0 : index
      %get3A_212 = vector.load %arg6[%get3A_210, %get3A_211] : memref<256x4096xf32, #tpu.memory_space<vmem>>, vector<256x4096xf32>
      %jit3A_213 = arith.constant 1.000000e+30 : f32
      %broadcast_in_dim3A_214 = vector.broadcast %jit3A_213 : f32 to vector<256x4096xf32>
      %select_n3A_215 = arith.select %eq3A_209, %broadcast_in_dim3A_214, %get3A_212 : vector<256x4096xi1>, vector<256x4096xf32>
      %swap3A_216 = arith.constant 0 : index
      %swap3A_217 = arith.constant 0 : index
      %swap3A_218 = vector.load %arg6[%swap3A_216, %swap3A_217] : memref<256x4096xf32, #tpu.memory_space<vmem>>, vector<256x4096xf32>
      tpu.vector_store %arg6[%swap3A_216, %swap3A_217], %select_n3A_215 {strides = array<i32>} : memref<256x4096xf32, #tpu.memory_space<vmem>>, vector<256x4096xf32>,
      %reduce_min3A_219 = arith.constant dense<0x7F800000> : vector<256xf32>
      %reduce_min3A_220 = vector.multi_reduction <minimumf>, %select_n3A_215, %reduce_min3A_219 [1] : vector<256x4096xf32> to vector<256xf32>
      %broadcast_in_dim3A_221 = vector.shape_cast %reduce_min3A_220 : vector<256xf32> to vector<256x1xf32>
      scf.yield %broadcast_in_dim3A_221, %select_n3A_204 : vector<256x1xf32>, vector<256x32xi32>
    }
    %scan3A_61 = arith.constant 32 : i32
    %mul3A_62 = arith.constant 4096 : i32
    %mul3A_63 = arith.muli %arg0, %mul3A_62 : i32
    %add3A_64 = vector.broadcast %mul3A_63 : i32 to vector<256x32xi32>
    %add3A_65 = arith.addi %scan3A_60#1, %add3A_64 : vector<256x32xi32>
    %swap3A_66 = arith.constant 0 : index
    %swap3A_67 = arith.constant 0 : index
    %swap3A_68 = arith.constant 0 : index
    %swap3A_69 = vector.load %arg5[%swap3A_66, %swap3A_67, %swap3A_68] : memref<1x256x32xi32, #tpu.memory_space<vmem>>, vector<1x256x32xi32>
    %swap3A_70 = vector.shape_cast %swap3A_69 : vector<1x256x32xi32> to vector<256x32xi32>
    %swap3A_71 = vector.shape_cast %add3A_65 : vector<256x32xi32> to vector<1x256x32xi32>
    tpu.vector_store %arg5[%swap3A_66, %swap3A_67, %swap3A_68], %swap3A_71 {strides = array<i32>} : memref<1x256x32xi32, #tpu.memory_space<vmem>>, vector<1x256x32xi32>,
    return
  }
  func.func @transform_0(%arg0: i32) -> (i32, i32, i32) {
    %c0_i32 = arith.constant 0 : i32
    %c0_i32_0 = arith.constant 0 : i32
    %c0_i32_1 = arith.constant 0 : i32
    return %arg0, %c0_i32, %c0_i32_0 : i32, i32, i32
  }
  func.func @transform_1(%arg0: i32) -> (i32, i32, i32) {
    %c0_i32 = arith.constant 0 : i32
    %c0_i32_0 = arith.constant 0 : i32
    %c0_i32_1 = arith.constant 0 : i32
    return %arg0, %c0_i32, %c0_i32_0 : i32, i32, i32
  }
  func.func @transform_2(%arg0: i32) -> (i32, i32, i32) {
    %c0_i32 = arith.constant 0 : i32
    %c0_i32_0 = arith.constant 0 : i32
    %c0_i32_1 = arith.constant 0 : i32
    return %arg0, %c0_i32, %c0_i32_0 : i32, i32, i32
  }
  func.func @transform_3(%arg0: i32) -> (i32, i32, i32) {
    %c0_i32 = arith.constant 0 : i32
    %c0_i32_0 = arith.constant 0 : i32
    %c0_i32_1 = arith.constant 0 : i32
    return %arg0, %c0_i32, %c0_i32_0 : i32, i32, i32
  }
  func.func @transform_4(%arg0: i32) -> (i32, i32, i32) {
    %c0_i32 = arith.constant 0 : i32
    %c0_i32_0 = arith.constant 0 : i32
    %c0_i32_1 = arith.constant 0 : i32
    return %arg0, %c0_i32, %c0_i32_0 : i32, i32, i32
  }
}

</mosaic_0001>

<sc_bundles>
// kernel: kernel.5.cloned.1.call-start
scs
__scs_entry_jumppad:
0x0: {  	(pc) =	sbr.rel $0x88, $3  }
0x1: {  	(tag) =	ssettag $0x0;
	lr =	simm.s32 $0x1  }
0x2: {  	[smem:$0x3FA0] =	sst lr;
	_ =	strace $0xD0000000  }
0x3: {  	_ = 	snop  }
0x4: {  	_ = 	snop  }
0x5: {  	_ = 	snop  }
0x6: {  	_ = 	snop  }
0x7: {  	_ = 	snop  }
__scs_overlays_trampoline_lowered:
0x8: {  	[smem:$0x3FAF] =	sst s0  }
0x9: {  	[smem:$0x3FB0] =	sst s1  }
0xa: {  	[smem:$0x3FB1] =	sst s2  }
0xb: {  	[smem:$0x3FB2] =	sst s3  }
0xc: {  	[smem:$0x3FB3] =	sst s4  }
0xd: {  	[smem:$0x3FB4] =	sst s5  }
0xe: {  	[smem:$0x3FB5] =	sst s6  }
0xf: {  	[smem:$0x3FB6] =	sst s7  }
0x10: {  	[smem:$0x3FB7] =	sst s8  }
0x11: {  	[smem:$0x3FB8] =	sst s9;
	s0 =	simm.s32 @!p0 $0x0  }
0x12: {  	s1 =	sld [smem:$0x3F9E];
	s0 =	simm.s32 @p0 $0x1  }
0x13: {  	[smem:$0x3FB9] =	sst s0;
	s0 =	simm.s32 @!p1 $0x0  }
0x14: {  	s2 =	sld [smem:$0x3F9D];
	s0 =	simm.s32 @p1 $0x1  }
0x15: {  	[smem:$0x3FBA] =	sst s0;
	s0 =	simm.s32 @!p2 $0x0  }
0x16: {  	s3 =	sld [smem:$0x3FDB];
	s0 =	simm.s32 @p2 $0x1  }
0x17: {  	s4 =	simm.s32 $0x1BF5;
	[smem:$0x3FBC] =	sst s0  }
0x18: {  	s0 =	sld [smem:$0x3F9F];
	_ =	swait.ge [sflag:s4], $0x0  }
0x19: {  	s7 =	sld [smem:$0x3FA0]  }
0x1a: {  	s8 =	sadd.s32 $0xFFFFE003, lr  }
0x1b: {  	s9 =	sadd.s32 $0xFFFFFEF7, lr;
	s5 =	simm.s32 $0xFFFFFFFF;
	p2 =	slt.u32 s8, $0xFFFFF086  }
0x1c: {  	p1 =	slt.u32 s9, $0xF7A;
	s5 =	simm.s32 @!p2 $0x0  }
0x1d: {  	s5 =	simm.s32 @p1 $0x1;
	p0 =	seq.s32 s7, s2  }
0x1e: {  	s7 =	smul.u32 @!p0 $0xF7A, s2;
	p2 =	seq.s32 @!p0 s5, $0x0  }
0x1f: {  	s9 =	smul.u32 $0xF7A, s1;
	s8 =	simm.s32 @!p0 $0x1BF5;
	p2 =	por !p2, p0  }
0x20: {  	[sflag:s8] =	ssyncset.s32 @!p0 $0xFFFFF086;
	s6 =	sadd.s32 @!p0 s3, s7;
	s7 =	simm.s32 @!p0 $0x108  }
0x21: {  	s3 =	sadd.s32 s3, s9;
	s6 =	sadd.s32 @!p0 $0x88, s6;
	s7 =	simm.s32 @p2 $0x1082  }
0x22: {  	[simem:s7], [sflag:s8] =	dma.local @!p0 [hbm:s6], $0xF7A  }
0x23: {  	s9 =	sor.u32 $0xD0000000, s2;
	s6 =	simm.s32 $0x108;
	_ =	swait.ge @!p0 [sflag:s8], $0x0  }
0x24: {  	s3 =	sadd.s32 $0x88, s3;
	s6 =	simm.s32 @!p1 $0x1082;
	[sflag:s4] =	ssyncset.s32 $0xFFFFF086  }
0x25: {  	[simem:s6], [sflag:s4] =	dma.local [hbm:s3], $0xF7A  }
0x26: {  	[smem:$0x3FA0] =	sst s1;
	(tag) =	ssettag s2;
	_ =	strace s9  }
0x27: {  	s1 =	sld [smem:$0x3FB0]  }
0x28: {  	s2 =	sld [smem:$0x3FB1]  }
0x29: {  	s4 =	sld [smem:$0x3FB3]  }
0x2a: {  	p0 =	seq.s32 s5, $0x0;
	s5 =	sld [smem:$0x3FB4]  }
0x2b: {  	s6 =	sld [smem:$0x3FB5]  }
0x2c: {  	s7 =	sld [smem:$0x3FB6]  }
0x2d: {  	s3 =	simm.s32 $0x108;
	s8 =	sld [smem:$0x3FB7]  }
0x2e: {  	s3 =	simm.s32 @!p0 $0x1082;
	s9 =	sld [smem:$0x3FB8]  }
0x2f: {  	lr =	sadd.s32 s0, s3;
	s0 =	sld [smem:$0x3FAF]  }
0x30: {  	s3 =	sld [smem:$0x3FB2]  }
0x31: {  	[smem:$0x3FBB] =	sst s10  }
0x32: {  	s10 =	sld [smem:$0x3FB9];
	_ =	sdelay $0x3  }
0x33: {  	p0 =	seq.s32 s10, $0x1;
	s10 =	sld [smem:$0x3FBB];
	_ =	sdelay $0x3  }
0x34: {  	[smem:$0x3FBB] =	sst s10  }
0x35: {  	s10 =	sld [smem:$0x3FBA];
	_ =	sdelay $0x3  }
0x36: {  	p1 =	seq.s32 s10, $0x1;
	s10 =	sld [smem:$0x3FBB];
	_ =	sdelay $0x3  }
0x37: {  	[smem:$0x3FBB] =	sst s10  }
0x38: {  	s10 =	sld [smem:$0x3FBC]  }
0x39: {  	_ = 	snop;
	(pc) =	sbr.ind lr, $3  }
0x3a: {  	_ = 	snop  }
0x3b: {  	_ = 	snop  }
0x3c: {  	p2 =	seq.s32 s10, $0x1;
	s10 =	sld [smem:$0x3FBB]  }
0x3d: {  	_ =	shalt  }
0x3e: {  	_ =	shalt  }
0x3f: {  	_ =	shalt  }
0x40: {  	_ =	shalt  }
0x41: {  	_ =	shalt  }
0x42: {  	_ =	shalt  }
0x43: {  	_ =	shalt  }
0x44: {  	_ =	shalt  }
0x45: {  	_ =	shalt  }
0x46: {  	_ =	shalt  }
0x47: {  	_ =	shalt  }
0x48: {  	_ =	shalt  }
0x49: {  	_ =	shalt  }
0x4a: {  	_ =	shalt  }
0x4b: {  	_ =	shalt  }
0x4c: {  	_ =	shalt  }
0x4d: {  	_ =	shalt  }
0x4e: {  	_ =	shalt  }
0x4f: {  	_ =	shalt  }
0x50: {  	_ =	shalt  }
0x51: {  	_ =	shalt  }
0x52: {  	_ =	shalt  }
0x53: {  	_ =	shalt  }
0x54: {  	_ =	shalt  }
0x55: {  	_ =	shalt  }
0x56: {  	_ =	shalt  }
0x57: {  	_ =	shalt  }
0x58: {  	_ =	shalt  }
0x59: {  	_ =	shalt  }
0x5a: {  	_ =	shalt  }
0x5b: {  	_ =	shalt  }
0x5c: {  	_ =	shalt  }
0x5d: {  	_ =	shalt  }
0x5e: {  	_ =	shalt  }
0x5f: {  	_ =	shalt  }
0x60: {  	_ =	shalt  }
0x61: {  	_ =	shalt  }
0x62: {  	_ =	shalt  }
0x63: {  	_ =	shalt  }
0x64: {  	_ =	shalt  }
0x65: {  	_ =	shalt  }
0x66: {  	_ =	shalt  }
0x67: {  	_ =	shalt  }
0x68: {  	_ =	shalt  }
0x69: {  	_ =	shalt  }
0x6a: {  	_ =	shalt  }
0x6b: {  	_ =	shalt  }
0x6c: {  	_ =	shalt  }
0x6d: {  	_ =	shalt  }
0x6e: {  	_ =	shalt  }
0x6f: {  	_ =	shalt  }
0x70: {  	_ =	shalt  }
0x71: {  	_ =	shalt  }
0x72: {  	_ =	shalt  }
0x73: {  	_ =	shalt  }
0x74: {  	_ =	shalt  }
0x75: {  	_ =	shalt  }
0x76: {  	_ =	shalt  }
0x77: {  	_ =	shalt  }
0x78: {  	_ =	shalt  }
0x79: {  	_ =	shalt  }
0x7a: {  	_ =	shalt  }
0x7b: {  	_ =	shalt  }
0x7c: {  	_ =	shalt  }
0x7d: {  	_ =	shalt  }
0x7e: {  	_ =	shalt  }
0x7f: {  	_ =	shalt  }
0x80: {  	_ =	shalt  }
0x81: {  	_ =	shalt  }
0x82: {  	_ =	shalt  }
0x83: {  	_ =	shalt  }
0x84: {  	_ =	shalt  }
0x85: {  	_ =	shalt  }
0x86: {  	_ =	shalt  }
0x87: {  	_ =	shalt  }
.Lfunc_end0:
.L_simem_size_0:
called_computation_lowered:
.L_overlay_start_0:
0x88: {  	s2 =	sld [smem:$0x3FD9]  }
0x89: {  	s3 =	sld [smem:$0x3FFE];
	_ =	sdelay $0x1  }
0x8a: {  	s1 =	srdreg.scid  }
0x8b: {  	s0 =	sand.u32 $0x1, s1  }
0x8c: {  	s14 =	sshll.u32 s0, $0xA;
	s2 =	sadd.s32 s3, s2  }
0x8d: {  	s2 =	sadd.s32 s2, s14  }
0x8e: {  	[smem:$0x3FC7] =	sst s2  }
0x8f: {  	_ = 	snop  }
0x90: {  	s2 =	sld [smem:$0x3FD0];
	_ =	sdelay $0x2  }
0x91: {  	s15 =	simm.s32 $0xA;
	s4 =	simm.s32 $0x10  }
0x92: {  	[smem:s4], [sflag:s15] =	dma.local [hbm:s2], $0x1  }
0x93: {  	_ =	swait.eq [sflag:s15], $0x1  }
0x94: {  	[sflag:s15] =	ssyncset.done $0x0  }
0x95: {  	[sflag:s15] =	ssyncadd.s32 $0xFFFFFFFF  }
0x96: {  	s16 =	sld [smem:$0x10];
	(tm) =	ssettm $0x1  }
0x97: {  	s17 =	sld [smem:$0x3FFB];
	_ =	sdelay $0x3  }
0x98: {  	_ =	strace s17  }
0x99: {  	s3 =	sld [smem:$0x3FFC];
	_ =	sdelay $0x3  }
0x9a: {  	_ =	strace s3  }
0x9b: {  	s3 =	sld [smem:$0x3FFD];
	_ =	sdelay $0x3  }
0x9c: {  	_ =	strace s3  }
0x9d: {  	_ =	strace $0x8FFFFFFF  }
0x9e: {  	s18 =	sld [smem:$0x3FDB];
	_ =	sdelay $0x1  }
0x9f: {  	s19 =	simm.s32 $_scs_section_size  }
0xa0: {  	s5 =	simm.s32 $_size__tile_overlayer_lowered;
	s6 =	simm.s32 $_tile_overlayer_lowered  }
0xa1: {  	s22 =	simm.s32 $0x1BFF;
	s21 =	sshll.u32 s6, $0x1;
	s3 =	sadd.s32 s19, s18  }
0xa2: {  	s7 =	simm.s32 $0x0;
	s20 =	sshll.u32 s5, $0x1;
	s5 =	sadd.s32 s21, s3  }
0xa3: {  	[timem:s7], [sflag:s22] =	dma.local [hbm:s5], s20  }
0xa4: {  	_ =	swait.ge [sflag:s22], s20  }
0xa5: {  	s4 =	ssub.s32 $0x0, s20;
	[sflag:s22] =	ssyncset.done $0x0  }
0xa6: {  	[sflag:s22] =	ssyncadd.s32 s4;
	_ =	sdelay $0x1  }
0xa7: {  	s23 =	simm.s32 $0x1B8B  }
0xa8: {  	_ =	swait.ge [sflag:s23], $0x1  }
0xa9: {  	[sflag:s23] =	ssyncset.done $0x0  }
0xaa: {  	s25 =	simm.s32 $0x1B8E;
	s24 =	sld [smem:$0x3FFE];
	[sflag:s23] =	ssyncadd.s32 $0xFFFFFFFF  }
0xab: {  	s26 =	simm.s32 $execute0_lowered;
	[smem:$0x3FD2] =	sst s25  }
0xac: {  	s5 =	sshll.u32 s26, $0x1;
	_ =	strace $0x80000046;
	[dreg:$0x1] =	wrdreg $0xFFFFFFFF  }
0xad: {  	s28 =	simm.s32 $_size_execute0_lowered;
	s3 =	sadd.s32 s3, s5;
	[dreg:$0x0] =	wrdreg $0x0  }
0xae: {  	s5 =	sshll.u32 s28, $0x1;
	[dreg:$0x2] =	wrdreg s3  }
0xaf: {  	[dreg:$0x3] =	wrdreg s5  }
0xb0: {  	[dreg:$0x4] =	wrdreg $0xC0  }
0xb1: {  	_ =	task [dreg:s7], $0x5FFFF  }
0xb2: {  	[dreg:$0x1] =	wrdreg $0xFFFFFFFF  }
0xb3: {  	[dreg:$0x0] =	wrdreg $0x60  }
0xb4: {  	[dreg:$0x2] =	wrdreg s24  }
0xb5: {  	[dreg:$0x3] =	wrdreg s16  }
0xb6: {  	[dreg:$0x4] =	wrdreg $0x9  }
0xb7: {  	_ =	task.clear_ibuf [dreg:s7], $0x5FFFF;
	_ =	strace $0x90000046  }
0xb8: {  	s29 =	simm.s32 $0x9;
	_ =	strace $0x80000048  }
0xb9: {  	_ =	swait.ge [sflag:s29], $0x1  }
0xba: {  	[sflag:s29] =	ssyncadd.s32 $0xFFFFFFFF  }
0xbb: {  	_ =	strace $0x90000048  }
0xbc: {  	_ =	sfence  }
0xbd: {  	s30 =	sld [smem:$0x0];
	_ =	sdelay $0x2  }
0xbe: {  	s31 =	sshll.u32 s1, $0xD;
	s1 =	sshrl.u32 s1, $0x2  }
0xbf: {  	s3 =	sand.u32 $0x4000, s31;
	s1 =	sadd.s32 s1, s30  }
0xc0: {  	s0 =	sor.u32 s3, s0;
	s1 =	sshll.u32 s1, $0x11  }
0xc1: {  	s0 =	sor.u32 s1, s0  }
0xc2: {  	s0 =	sadd.s32 $0x8F2B, s0  }
0xc3: {  	[sflag:s0] =	ssyncadd.remote.s32 $0x1  }
0xc4: {  	_ =	sfence.sel $0xFFFF  }
0xc5: {  	[dreg:$0x0] =	wrdreg $0xFFFFFFFF;
	(pc) =	sbr.abs _section_cstart, $3  }
0xc6: {  	[dreg:$0x1] =	wrdreg $0xFFFFFFFF  }
0xc7: {  	_ =	task.clear_ibuf [dreg:s7], $0x2FFFF;
	_ =	strace $0x9FFFFFFF  }
0xc8: {  	(tm) =	ssettm $0x7FFFFFFF  }
0xc9: {  	_ =	shalt  }
tec
execute0_lowered:
.L_overlay_start_1:
0x0: {  	(tag) =	ssettag $0x1  }
0x1: {  	s0 =	rddreg [dreg:$0x0];
	s2 =	srdreg.scid  }
0x2: {  	s3 =	rddreg [dreg:$0x1];
	s4 =	sand.u32 $0x1, s2;
	s2 =	simm.s32 $0x0  }
0x3: {  	s10 =	simm.s32 $0x6080;
	[smem:$0x7FF] =	sst s2  }
0x4: {  	s11 =	simm.s32 $0x100;
	_ =	strace $0x80000047;
	[dreg:$0x9] =	wrdreg s10  }
0x5: {  	s12 =	simm.s32 $0x6100;
	[dreg:$0xa] =	wrdreg s11  }
0x6: {  	s13 =	simm.s32 $0x180;
	[dreg:$0xb] =	wrdreg s12  }
0x7: {  	s14 =	simm.s32 $0x6180;
	[dreg:$0xc] =	wrdreg s13  }
0x8: {  	s15 =	simm.s32 $0x200;
	[dreg:$0xd] =	wrdreg s14  }
0x9: {  	s16 =	simm.s32 $0x6200;
	[dreg:$0xe] =	wrdreg s15  }
0xa: {  	s17 =	simm.s32 $0x280;
	[dreg:$0xf] =	wrdreg s16  }
0xb: {  	s18 =	simm.s32 $0x6280;
	[dreg:$0x10] =	wrdreg s17  }
0xc: {  	s19 =	simm.s32 $0x300;
	[dreg:$0x11] =	wrdreg s18  }
0xd: {  	s20 =	simm.s32 $0x6300;
	[dreg:$0x12] =	wrdreg s19  }
0xe: {  	s21 =	simm.s32 $0x380;
	[dreg:$0x13] =	wrdreg s20  }
0xf: {  	s22 =	simm.s32 $0x6380;
	[dreg:$0x14] =	wrdreg s21  }
0x10: {  	s23 =	simm.s32 $0x400;
	[dreg:$0x15] =	wrdreg s22  }
0x11: {  	s24 =	simm.s32 $0x6400;
	[dreg:$0x16] =	wrdreg s23  }
0x12: {  	s25 =	simm.s32 $0x480;
	[dreg:$0x17] =	wrdreg s24  }
0x13: {  	s26 =	simm.s32 $0x6480;
	[dreg:$0x18] =	wrdreg s25  }
0x14: {  	[dreg:$0x19] =	wrdreg s26;
	s10 =	simm.s32 $0x680  }
0x15: {  	s11 =	simm.s32 $0x6680;
	[smem:$0x6AF] =	sst s10  }
0x16: {  	s12 =	simm.s32 $0x700;
	[smem:$0x6B0] =	sst s11  }
0x17: {  	s13 =	simm.s32 $0x6700;
	[smem:$0x6B1] =	sst s12  }
0x18: {  	s14 =	simm.s32 $0x780;
	[smem:$0x6B2] =	sst s13  }
0x19: {  	s15 =	simm.s32 $0x6780;
	[smem:$0x6B3] =	sst s14  }
0x1a: {  	s16 =	simm.s32 $0x800;
	[smem:$0x6B4] =	sst s15  }
0x1b: {  	s17 =	simm.s32 $0x6800;
	[smem:$0x6B5] =	sst s16  }
0x1c: {  	s18 =	simm.s32 $0x880;
	[smem:$0x6B6] =	sst s17  }
0x1d: {  	s19 =	simm.s32 $0x6880;
	[smem:$0x6B7] =	sst s18  }
0x1e: {  	s20 =	simm.s32 $0x900;
	[smem:$0x6B8] =	sst s19  }
0x1f: {  	s21 =	simm.s32 $0x6900;
	[smem:$0x6B9] =	sst s20  }
0x20: {  	s22 =	simm.s32 $0x980;
	[smem:$0x6BA] =	sst s21  }
0x21: {  	s1 =	stileid.u32;
	s23 =	simm.s32 $0x6980;
	[smem:$0x6BB] =	sst s22  }
0x22: {  	s5 =	sshll.u32 s1, $0xB;
	s24 =	simm.s32 $0xA00;
	[smem:$0x6BC] =	sst s23  }
0x23: {  	s6 =	sshll.u32 s4, $0xA;
	s25 =	simm.s32 $0x6A00;
	[smem:$0x6BD] =	sst s24  }
0x24: {  	s5 =	sor.u32 s6, s5;
	s26 =	simm.s32 $0xA80;
	[smem:$0x6BE] =	sst s25  }
0x25: {  	s6 =	sadd.s32 s3, s5;
	[smem:$0x6BF] =	sst s26  }
0x26: {  	s10 =	simm.s32 $0x6C00;
	[dreg:$0x3] =	wrdreg s6  }
0x27: {  	s11 =	simm.s32 $0xC80;
	[smem:$0x6C6] =	sst s10  }
0x28: {  	s12 =	simm.s32 $0x6C80;
	[smem:$0x6C7] =	sst s11  }
0x29: {  	s13 =	simm.s32 $0xD00;
	[smem:$0x6C8] =	sst s12  }
0x2a: {  	s14 =	simm.s32 $0x6D00;
	[smem:$0x6C9] =	sst s13  }
0x2b: {  	s15 =	simm.s32 $0xD80;
	[smem:$0x6CA] =	sst s14  }
0x2c: {  	s16 =	simm.s32 $0x6D80;
	[smem:$0x6CB] =	sst s15  }
0x2d: {  	s17 =	simm.s32 $0xE00;
	[smem:$0x6CC] =	sst s16  }
0x2e: {  	s18 =	simm.s32 $0x6E00;
	[smem:$0x6CD] =	sst s17  }
0x2f: {  	s19 =	simm.s32 $0xE80;
	[smem:$0x6CE] =	sst s18  }
0x30: {  	s20 =	simm.s32 $0x6E80;
	[smem:$0x6CF] =	sst s19  }
0x31: {  	s21 =	simm.s32 $0xF00;
	[smem:$0x6D0] =	sst s20  }
0x32: {  	s22 =	simm.s32 $0x6F00;
	[smem:$0x6D1] =	sst s21  }
0x33: {  	s23 =	simm.s32 $0xF80;
	[smem:$0x6D2] =	sst s22  }
0x34: {  	s24 =	simm.s32 $0x6F80;
	[smem:$0x6D3] =	sst s23  }
0x35: {  	s25 =	simm.s32 $0x1000;
	[smem:$0x6D4] =	sst s24  }
0x36: {  	s7 =	sor.u32 $0x8000, s5;
	s26 =	simm.s32 $0x7000;
	[smem:$0x6D5] =	sst s25  }
0x37: {  	s8 =	sor.u32 $0x10000, s5;
	s1 =	sadd.s32 s3, s7;
	[smem:$0x6D6] =	sst s26  }
0x38: {  	s9 =	sadd.s32 $0xCA00, s0;
	s3 =	sadd.s32 s3, s8;
	[dreg:$0x4] =	wrdreg s1  }
0x39: {  	s6 =	sadd.s32 s9, s5;
	[dreg:$0x5] =	wrdreg s3  }
0x3a: {  	s7 =	sadd.s32 s9, s7;
	[dreg:$0x6] =	wrdreg s6  }
0x3b: {  	s9 =	sadd.s32 s9, s8;
	[dreg:$0x7] =	wrdreg s7  }
0x3c: {  	s5 =	simm.s32 $0x6500;
	[dreg:$0x8] =	wrdreg s9  }
0x3d: {  	s8 =	simm.s32 $0x600;
	[dreg:$0x1b] =	wrdreg s5  }
0x3e: {  	s10 =	simm.s32 $0x1200;
	[dreg:$0x1e] =	wrdreg s8  }
0x3f: {  	s11 =	simm.s32 $0x7200;
	[smem:$0x6DD] =	sst s10  }
0x40: {  	s12 =	simm.s32 $0x1280;
	[smem:$0x6DE] =	sst s11  }
0x41: {  	s13 =	simm.s32 $0x7280;
	[smem:$0x6DF] =	sst s12  }
0x42: {  	s14 =	simm.s32 $0x1300;
	[smem:$0x6E0] =	sst s13  }
0x43: {  	s15 =	simm.s32 $0x7300;
	[smem:$0x6E1] =	sst s14  }
0x44: {  	s16 =	simm.s32 $0x1380;
	[smem:$0x6E2] =	sst s15  }
0x45: {  	s17 =	simm.s32 $0x7380;
	[smem:$0x6E3] =	sst s16  }
0x46: {  	s18 =	simm.s32 $0x1400;
	[smem:$0x6E4] =	sst s17  }
0x47: {  	s19 =	simm.s32 $0x7400;
	[smem:$0x6E5] =	sst s18  }
0x48: {  	s20 =	simm.s32 $0x1480;
	[smem:$0x6E6] =	sst s19  }
0x49: {  	s21 =	simm.s32 $0x7480;
	[smem:$0x6E7] =	sst s20  }
0x4a: {  	s22 =	simm.s32 $0x1500;
	[smem:$0x6E8] =	sst s21  }
0x4b: {  	s23 =	simm.s32 $0x7500;
	[smem:$0x6E9] =	sst s22  }
0x4c: {  	s24 =	simm.s32 $0x1580;
	[smem:$0x6EA] =	sst s23  }
0x4d: {  	s25 =	simm.s32 $0x7580;
	[smem:$0x6EB] =	sst s24  }
0x4e: {  	s26 =	simm.s32 $0x1600;
	[smem:$0x6EC] =	sst s25  }
0x4f: {  	s1 =	simm.s32 $0x500;
	[smem:$0x6ED] =	sst s26  }
0x50: {  	s6 =	simm.s32 $0x580;
	[dreg:$0x1a] =	wrdreg s1  }
0x51: {  	s7 =	simm.s32 $0x6580;
	[dreg:$0x1c] =	wrdreg s6  }
0x52: {  	s9 =	simm.s32 $0x6600;
	[dreg:$0x1d] =	wrdreg s7  }
0x53: {  	s5 =	simm.s32 $0xB00;
	[dreg:$0x1f] =	wrdreg s9  }
0x54: {  	s8 =	simm.s32 $0x6B80;
	[smem:$0x6C1] =	sst s5  }
0x55: {  	s10 =	simm.s32 $0x7780;
	[smem:$0x6C4] =	sst s8  }
0x56: {  	s11 =	simm.s32 $0x1800;
	[smem:$0x6F4] =	sst s10  }
0x57: {  	s12 =	simm.s32 $0x7800;
	[smem:$0x6F5] =	sst s11  }
0x58: {  	s13 =	simm.s32 $0x1880;
	[smem:$0x6F6] =	sst s12  }
0x59: {  	s14 =	simm.s32 $0x7880;
	[smem:$0x6F7] =	sst s13  }
0x5a: {  	s15 =	simm.s32 $0x1900;
	[smem:$0x6F8] =	sst s14  }
0x5b: {  	s16 =	simm.s32 $0x7900;
	[smem:$0x6F9] =	sst s15  }
0x5c: {  	s17 =	simm.s32 $0x1980;
	[smem:$0x6FA] =	sst s16  }
0x5d: {  	s18 =	simm.s32 $0x7980;
	[smem:$0x6FB] =	sst s17  }
0x5e: {  	s19 =	simm.s32 $0x1A00;
	[smem:$0x6FC] =	sst s18  }
0x5f: {  	s20 =	simm.s32 $0x7A00;
	[smem:$0x6FD] =	sst s19  }
0x60: {  	s21 =	simm.s32 $0x1A80;
	[smem:$0x6FE] =	sst s20  }
0x61: {  	s22 =	simm.s32 $0x7A80;
	[smem:$0x6FF] =	sst s21  }
0x62: {  	s23 =	simm.s32 $0x1B00;
	[smem:$0x700] =	sst s22  }
0x63: {  	s24 =	simm.s32 $0x7B00;
	[smem:$0x701] =	sst s23  }
0x64: {  	s25 =	simm.s32 $0x1B80;
	[smem:$0x702] =	sst s24  }
0x65: {  	s26 =	simm.s32 $0x7B80;
	[smem:$0x703] =	sst s25  }
0x66: {  	s1 =	simm.s32 $0x6A80;
	[smem:$0x704] =	sst s26  }
0x67: {  	s6 =	simm.s32 $0x6B00;
	[smem:$0x6C0] =	sst s1  }
0x68: {  	s7 =	simm.s32 $0xB80;
	[smem:$0x6C2] =	sst s6  }
0x69: {  	s9 =	simm.s32 $0xC00;
	[smem:$0x6C3] =	sst s7  }
0x6a: {  	s5 =	simm.s32 $0x7080;
	[smem:$0x6C5] =	sst s9  }
0x6b: {  	s8 =	simm.s32 $0x1180;
	[smem:$0x6D8] =	sst s5  }
0x6c: {  	s10 =	simm.s32 $0x1D80;
	[smem:$0x6DB] =	sst s8  }
0x6d: {  	s11 =	simm.s32 $0x7D80;
	[smem:$0x70B] =	sst s10  }
0x6e: {  	s12 =	simm.s32 $0x1E00;
	[smem:$0x70C] =	sst s11  }
0x6f: {  	s13 =	simm.s32 $0x7E00;
	[smem:$0x70D] =	sst s12  }
0x70: {  	s14 =	simm.s32 $0x1E80;
	[smem:$0x70E] =	sst s13  }
0x71: {  	s15 =	simm.s32 $0x7E80;
	[smem:$0x70F] =	sst s14  }
0x72: {  	s16 =	simm.s32 $0x1F00;
	[smem:$0x710] =	sst s15  }
0x73: {  	s17 =	simm.s32 $0x7F00;
	[smem:$0x711] =	sst s16  }
0x74: {  	s18 =	simm.s32 $0x1F80;
	[smem:$0x712] =	sst s17  }
0x75: {  	s19 =	simm.s32 $0x7F80;
	[smem:$0x713] =	sst s18  }
0x76: {  	s20 =	simm.s32 $0x2080;
	[smem:$0x714] =	sst s19  }
0x77: {  	s21 =	simm.s32 $0x8080;
	[smem:$0x715] =	sst s20  }
0x78: {  	s22 =	simm.s32 $0x2100;
	[smem:$0x716] =	sst s21  }
0x79: {  	s23 =	simm.s32 $0x8100;
	[smem:$0x717] =	sst s22  }
0x7a: {  	s24 =	simm.s32 $0x2180;
	[smem:$0x718] =	sst s23  }
0x7b: {  	s25 =	simm.s32 $0x8180;
	[smem:$0x719] =	sst s24  }
0x7c: {  	s26 =	simm.s32 $0x2200;
	[smem:$0x71A] =	sst s25  }
0x7d: {  	s1 =	simm.s32 $0x1080;
	[smem:$0x71B] =	sst s26  }
0x7e: {  	s6 =	simm.s32 $0x1100;
	[smem:$0x6D7] =	sst s1  }
0x7f: {  	s7 =	simm.s32 $0x7100;
	[smem:$0x6D9] =	sst s6  }
0x80: {  	s9 =	simm.s32 $0x7180;
	[smem:$0x6DA] =	sst s7  }
0x81: {  	s5 =	simm.s32 $0x1680;
	[smem:$0x6DC] =	sst s9  }
0x82: {  	s8 =	simm.s32 $0x7700;
	[smem:$0x6EF] =	sst s5  }
0x83: {  	s10 =	simm.s32 $0x8380;
	[smem:$0x6F2] =	sst s8  }
0x84: {  	s11 =	simm.s32 $0x2400;
	[smem:$0x722] =	sst s10  }
0x85: {  	s12 =	simm.s32 $0x8400;
	[smem:$0x723] =	sst s11  }
0x86: {  	s13 =	simm.s32 $0x2480;
	[smem:$0x724] =	sst s12  }
0x87: {  	s14 =	simm.s32 $0x8480;
	[smem:$0x725] =	sst s13  }
0x88: {  	s15 =	simm.s32 $0x2500;
	[smem:$0x726] =	sst s14  }
0x89: {  	s16 =	simm.s32 $0x8500;
	[smem:$0x727] =	sst s15  }
0x8a: {  	s17 =	simm.s32 $0x2580;
	[smem:$0x728] =	sst s16  }
0x8b: {  	s18 =	simm.s32 $0x8580;
	[smem:$0x729] =	sst s17  }
0x8c: {  	s19 =	simm.s32 $0x2600;
	[smem:$0x72A] =	sst s18  }
0x8d: {  	s20 =	simm.s32 $0x8600;
	[smem:$0x72B] =	sst s19  }
0x8e: {  	s21 =	simm.s32 $0x2680;
	[smem:$0x72C] =	sst s20  }
0x8f: {  	s22 =	simm.s32 $0x8680;
	[smem:$0x72D] =	sst s21  }
0x90: {  	s23 =	simm.s32 $0x2700;
	[smem:$0x72E] =	sst s22  }
0x91: {  	s24 =	simm.s32 $0x8700;
	[smem:$0x72F] =	sst s23  }
0x92: {  	s25 =	simm.s32 $0x2780;
	[smem:$0x730] =	sst s24  }
0x93: {  	s26 =	simm.s32 $0x8780;
	[smem:$0x731] =	sst s25  }
0x94: {  	s1 =	simm.s32 $0x7600;
	[smem:$0x732] =	sst s26  }
0x95: {  	s6 =	simm.s32 $0x7680;
	[smem:$0x6EE] =	sst s1  }
0x96: {  	s7 =	simm.s32 $0x1700;
	[smem:$0x6F0] =	sst s6  }
0x97: {  	s9 =	simm.s32 $0x1780;
	[smem:$0x6F1] =	sst s7  }
0x98: {  	s5 =	simm.s32 $0x7C00;
	[smem:$0x6F3] =	sst s9  }
0x99: {  	s8 =	simm.s32 $0x1D00;
	[smem:$0x706] =	sst s5  }
0x9a: {  	s10 =	simm.s32 $0x2980;
	[smem:$0x709] =	sst s8  }
0x9b: {  	s11 =	simm.s32 $0x8980;
	[smem:$0x739] =	sst s10  }
0x9c: {  	s12 =	simm.s32 $0x2A00;
	[smem:$0x73A] =	sst s11  }
0x9d: {  	s13 =	simm.s32 $0x8A00;
	[smem:$0x73B] =	sst s12  }
0x9e: {  	s14 =	simm.s32 $0x2A80;
	[smem:$0x73C] =	sst s13  }
0x9f: {  	s15 =	simm.s32 $0x8A80;
	[smem:$0x73D] =	sst s14  }
0xa0: {  	s16 =	simm.s32 $0x2B00;
	[smem:$0x73E] =	sst s15  }
0xa1: {  	s17 =	simm.s32 $0x8B00;
	[smem:$0x73F] =	sst s16  }
0xa2: {  	s18 =	simm.s32 $0x2B80;
	[smem:$0x740] =	sst s17  }
0xa3: {  	s19 =	simm.s32 $0x8B80;
	[smem:$0x741] =	sst s18  }
0xa4: {  	s20 =	simm.s32 $0x2C00;
	[smem:$0x742] =	sst s19  }
0xa5: {  	s21 =	simm.s32 $0x8C00;
	[smem:$0x743] =	sst s20  }
0xa6: {  	s22 =	simm.s32 $0x2C80;
	[smem:$0x744] =	sst s21  }
0xa7: {  	s23 =	simm.s32 $0x8C80;
	[smem:$0x745] =	sst s22  }
0xa8: {  	s24 =	simm.s32 $0x2D00;
	[smem:$0x746] =	sst s23  }
0xa9: {  	s25 =	simm.s32 $0x8D00;
	[smem:$0x747] =	sst s24  }
0xaa: {  	s26 =	simm.s32 $0x2D80;
	[smem:$0x748] =	sst s25  }
0xab: {  	s1 =	simm.s32 $0x1C00;
	[smem:$0x749] =	sst s26  }
0xac: {  	s6 =	simm.s32 $0x1C80;
	[smem:$0x705] =	sst s1  }
0xad: {  	s7 =	simm.s32 $0x7C80;
	[smem:$0x707] =	sst s6  }
0xae: {  	s9 =	simm.s32 $0x7D00;
	[smem:$0x708] =	sst s7  }
0xaf: {  	s5 =	simm.s32 $0x2280;
	[smem:$0x70A] =	sst s9  }
0xb0: {  	s8 =	simm.s32 $0x8300;
	[smem:$0x71D] =	sst s5  }
0xb1: {  	s10 =	simm.s32 $0x8F00;
	[smem:$0x720] =	sst s8  }
0xb2: {  	s11 =	simm.s32 $0x2F80;
	[smem:$0x750] =	sst s10  }
0xb3: {  	s12 =	simm.s32 $0x8F80;
	[smem:$0x751] =	sst s11  }
0xb4: {  	s13 =	simm.s32 $0x3000;
	[smem:$0x752] =	sst s12  }
0xb5: {  	s14 =	simm.s32 $0x9000;
	[smem:$0x753] =	sst s13  }
0xb6: {  	s15 =	simm.s32 $0x3080;
	[smem:$0x754] =	sst s14  }
0xb7: {  	s16 =	simm.s32 $0x9080;
	[smem:$0x755] =	sst s15  }
0xb8: {  	s17 =	simm.s32 $0x3100;
	[smem:$0x756] =	sst s16  }
0xb9: {  	s18 =	simm.s32 $0x9100;
	[smem:$0x757] =	sst s17  }
0xba: {  	s19 =	simm.s32 $0x3180;
	[smem:$0x758] =	sst s18  }
0xbb: {  	s20 =	simm.s32 $0x9180;
	[smem:$0x759] =	sst s19  }
0xbc: {  	s21 =	simm.s32 $0x3200;
	[smem:$0x75A] =	sst s20  }
0xbd: {  	s22 =	simm.s32 $0x9200;
	[smem:$0x75B] =	sst s21  }
0xbe: {  	s23 =	simm.s32 $0x3280;
	[smem:$0x75C] =	sst s22  }
0xbf: {  	s24 =	simm.s32 $0x9280;
	[smem:$0x75D] =	sst s23  }
0xc0: {  	s25 =	simm.s32 $0x3300;
	[smem:$0x75E] =	sst s24  }
0xc1: {  	s26 =	simm.s32 $0x9300;
	[smem:$0x75F] =	sst s25  }
0xc2: {  	s1 =	simm.s32 $0x8200;
	[smem:$0x760] =	sst s26  }
0xc3: {  	s6 =	simm.s32 $0x8280;
	[smem:$0x71C] =	sst s1  }
0xc4: {  	s7 =	simm.s32 $0x2300;
	[smem:$0x71E] =	sst s6  }
0xc5: {  	s9 =	simm.s32 $0x2380;
	[smem:$0x71F] =	sst s7  }
0xc6: {  	s5 =	simm.s32 $0x8800;
	[smem:$0x721] =	sst s9  }
0xc7: {  	s8 =	simm.s32 $0x2900;
	[smem:$0x734] =	sst s5  }
0xc8: {  	s10 =	simm.s32 $0x3500;
	[smem:$0x737] =	sst s8  }
0xc9: {  	s11 =	simm.s32 $0x9500;
	[smem:$0x767] =	sst s10  }
0xca: {  	s12 =	simm.s32 $0x3580;
	[smem:$0x768] =	sst s11  }
0xcb: {  	s13 =	simm.s32 $0x9580;
	[smem:$0x769] =	sst s12  }
0xcc: {  	s14 =	simm.s32 $0x3600;
	[smem:$0x76A] =	sst s13  }
0xcd: {  	s15 =	simm.s32 $0x9600;
	[smem:$0x76B] =	sst s14  }
0xce: {  	s16 =	simm.s32 $0x3680;
	[smem:$0x76C] =	sst s15  }
0xcf: {  	s17 =	simm.s32 $0x9680;
	[smem:$0x76D] =	sst s16  }
0xd0: {  	s18 =	simm.s32 $0x3700;
	[smem:$0x76E] =	sst s17  }
0xd1: {  	s19 =	simm.s32 $0x9700;
	[smem:$0x76F] =	sst s18  }
0xd2: {  	s20 =	simm.s32 $0x3780;
	[smem:$0x770] =	sst s19  }
0xd3: {  	s21 =	simm.s32 $0x9780;
	[smem:$0x771] =	sst s20  }
0xd4: {  	s22 =	simm.s32 $0x3800;
	[smem:$0x772] =	sst s21  }
0xd5: {  	s23 =	simm.s32 $0x9800;
	[smem:$0x773] =	sst s22  }
0xd6: {  	s24 =	simm.s32 $0x3880;
	[smem:$0x774] =	sst s23  }
0xd7: {  	s25 =	simm.s32 $0x9880;
	[smem:$0x775] =	sst s24  }
0xd8: {  	s26 =	simm.s32 $0x3900;
	[smem:$0x776] =	sst s25  }
0xd9: {  	s1 =	simm.s32 $0x2800;
	[smem:$0x777] =	sst s26  }
0xda: {  	s6 =	simm.s32 $0x2880;
	[smem:$0x733] =	sst s1  }
0xdb: {  	s7 =	simm.s32 $0x8880;
	[smem:$0x735] =	sst s6  }
0xdc: {  	s9 =	simm.s32 $0x8900;
	[smem:$0x736] =	sst s7  }
0xdd: {  	s5 =	simm.s32 $0x2E00;
	[smem:$0x738] =	sst s9  }
0xde: {  	s8 =	simm.s32 $0x8E80;
	[smem:$0x74B] =	sst s5  }
0xdf: {  	s10 =	simm.s32 $0x9A80;
	[smem:$0x74E] =	sst s8  }
0xe0: {  	s11 =	simm.s32 $0x3B00;
	[smem:$0x77E] =	sst s10  }
0xe1: {  	s12 =	simm.s32 $0x9B00;
	[smem:$0x77F] =	sst s11  }
0xe2: {  	s13 =	simm.s32 $0x3B80;
	[smem:$0x780] =	sst s12  }
0xe3: {  	s14 =	simm.s32 $0x9B80;
	[smem:$0x781] =	sst s13  }
0xe4: {  	s15 =	simm.s32 $0x3C00;
	[smem:$0x782] =	sst s14  }
0xe5: {  	s16 =	simm.s32 $0x9C00;
	[smem:$0x783] =	sst s15  }
0xe6: {  	s17 =	simm.s32 $0x3C80;
	[smem:$0x784] =	sst s16  }
0xe7: {  	s18 =	simm.s32 $0x9C80;
	[smem:$0x785] =	sst s17  }
0xe8: {  	s19 =	simm.s32 $0x3D00;
	[smem:$0x786] =	sst s18  }
0xe9: {  	s20 =	simm.s32 $0x9D00;
	[smem:$0x787] =	sst s19  }
0xea: {  	s21 =	simm.s32 $0x3D80;
	[smem:$0x788] =	sst s20  }
0xeb: {  	s22 =	simm.s32 $0x9D80;
	[smem:$0x789] =	sst s21  }
0xec: {  	s23 =	simm.s32 $0x3E00;
	[smem:$0x78A] =	sst s22  }
0xed: {  	s24 =	simm.s32 $0x9E00;
	[smem:$0x78B] =	sst s23  }
0xee: {  	s25 =	simm.s32 $0x3E80;
	[smem:$0x78C] =	sst s24  }
0xef: {  	s26 =	simm.s32 $0x9E80;
	[smem:$0x78D] =	sst s25  }
0xf0: {  	s1 =	simm.s32 $0x8D80;
	[smem:$0x78E] =	sst s26  }
0xf1: {  	s6 =	simm.s32 $0x8E00;
	[smem:$0x74A] =	sst s1  }
0xf2: {  	s7 =	simm.s32 $0x2E80;
	[smem:$0x74C] =	sst s6  }
0xf3: {  	s9 =	simm.s32 $0x2F00;
	[smem:$0x74D] =	sst s7  }
0xf4: {  	s5 =	simm.s32 $0x9380;
	[smem:$0x74F] =	sst s9  }
0xf5: {  	s8 =	simm.s32 $0x3480;
	[smem:$0x762] =	sst s5  }
0xf6: {  	s10 =	simm.s32 $0x4100;
	[smem:$0x765] =	sst s8  }
0xf7: {  	s11 =	simm.s32 $0xA100;
	[smem:$0x795] =	sst s10  }
0xf8: {  	s12 =	simm.s32 $0x4180;
	[smem:$0x796] =	sst s11  }
0xf9: {  	s13 =	simm.s32 $0xA180;
	[smem:$0x797] =	sst s12  }
0xfa: {  	s14 =	simm.s32 $0x4200;
	[smem:$0x798] =	sst s13  }
0xfb: {  	s15 =	simm.s32 $0xA200;
	[smem:$0x799] =	sst s14  }
0xfc: {  	s16 =	simm.s32 $0x4280;
	[smem:$0x79A] =	sst s15  }
0xfd: {  	s17 =	simm.s32 $0xA280;
	[smem:$0x79B] =	sst s16  }
0xfe: {  	s18 =	simm.s32 $0x4300;
	[smem:$0x79C] =	sst s17  }
0xff: {  	s19 =	simm.s32 $0xA300;
	[smem:$0x79D] =	sst s18  }
0x100: {  	s20 =	simm.s32 $0x4380;
	[smem:$0x79E] =	sst s19  }
0x101: {  	s21 =	simm.s32 $0xA380;
	[smem:$0x79F] =	sst s20  }
0x102: {  	s22 =	simm.s32 $0x4400;
	[smem:$0x7A0] =	sst s21  }
0x103: {  	s23 =	simm.s32 $0xA400;
	[smem:$0x7A1] =	sst s22  }
0x104: {  	s24 =	simm.s32 $0x4480;
	[smem:$0x7A2] =	sst s23  }
0x105: {  	s25 =	simm.s32 $0xA480;
	[smem:$0x7A3] =	sst s24  }
0x106: {  	s26 =	simm.s32 $0x4500;
	[smem:$0x7A4] =	sst s25  }
0x107: {  	s1 =	simm.s32 $0x3380;
	[smem:$0x7A5] =	sst s26  }
0x108: {  	s6 =	simm.s32 $0x3400;
	[smem:$0x761] =	sst s1  }
0x109: {  	s7 =	simm.s32 $0x9400;
	[smem:$0x763] =	sst s6  }
0x10a: {  	s9 =	simm.s32 $0x9480;
	[smem:$0x764] =	sst s7  }
0x10b: {  	s5 =	simm.s32 $0x3980;
	[smem:$0x766] =	sst s9  }
0x10c: {  	s8 =	simm.s32 $0x9A00;
	[smem:$0x779] =	sst s5  }
0x10d: {  	s10 =	simm.s32 $0x4680;
	[smem:$0x77C] =	sst s8  }
0x10e: {  	s11 =	simm.s32 $0xA680;
	[smem:$0x7AB] =	sst s10  }
0x10f: {  	s12 =	simm.s32 $0x4700;
	[smem:$0x7AC] =	sst s11  }
0x110: {  	s13 =	simm.s32 $0xA700;
	[smem:$0x7AD] =	sst s12  }
0x111: {  	s14 =	simm.s32 $0x4780;
	[smem:$0x7AE] =	sst s13  }
0x112: {  	s15 =	simm.s32 $0xA780;
	[smem:$0x7AF] =	sst s14  }
0x113: {  	s16 =	simm.s32 $0x4800;
	[smem:$0x7B0] =	sst s15  }
0x114: {  	s17 =	simm.s32 $0xA800;
	[smem:$0x7B1] =	sst s16  }
0x115: {  	s18 =	simm.s32 $0x4880;
	[smem:$0x7B2] =	sst s17  }
0x116: {  	s19 =	simm.s32 $0xA880;
	[smem:$0x7B3] =	sst s18  }
0x117: {  	s20 =	simm.s32 $0x4900;
	[smem:$0x7B4] =	sst s19  }
0x118: {  	s21 =	simm.s32 $0xA900;
	[smem:$0x7B5] =	sst s20  }
0x119: {  	s22 =	simm.s32 $0x4980;
	[smem:$0x7B6] =	sst s21  }
0x11a: {  	s23 =	simm.s32 $0xA980;
	[smem:$0x7B7] =	sst s22  }
0x11b: {  	s24 =	simm.s32 $0x4A00;
	[smem:$0x7B8] =	sst s23  }
0x11c: {  	s25 =	simm.s32 $0xAA00;
	[smem:$0x7B9] =	sst s24  }
0x11d: {  	s26 =	simm.s32 $0x4A80;
	[smem:$0x7BA] =	sst s25  }
0x11e: {  	s1 =	simm.s32 $0x9900;
	[smem:$0x7BB] =	sst s26  }
0x11f: {  	s6 =	simm.s32 $0x9980;
	[smem:$0x778] =	sst s1  }
0x120: {  	s7 =	simm.s32 $0x3A00;
	[smem:$0x77A] =	sst s6  }
0x121: {  	s9 =	simm.s32 $0x3A80;
	[smem:$0x77B] =	sst s7  }
0x122: {  	s5 =	simm.s32 $0x9F00;
	[smem:$0x77D] =	sst s9  }
0x123: {  	s8 =	simm.s32 $0x4080;
	[smem:$0x790] =	sst s5  }
0x124: {  	s10 =	simm.s32 $0x4C00;
	[smem:$0x793] =	sst s8  }
0x125: {  	s11 =	simm.s32 $0xAC00;
	[smem:$0x7C1] =	sst s10  }
0x126: {  	s12 =	simm.s32 $0x4C80;
	[smem:$0x7C2] =	sst s11  }
0x127: {  	s13 =	simm.s32 $0xAC80;
	[smem:$0x7C3] =	sst s12  }
0x128: {  	s14 =	simm.s32 $0x4D00;
	[smem:$0x7C4] =	sst s13  }
0x129: {  	s15 =	simm.s32 $0xAD00;
	[smem:$0x7C5] =	sst s14  }
0x12a: {  	s16 =	simm.s32 $0x4D80;
	[smem:$0x7C6] =	sst s15  }
0x12b: {  	s17 =	simm.s32 $0xAD80;
	[smem:$0x7C7] =	sst s16  }
0x12c: {  	s18 =	simm.s32 $0x4E00;
	[smem:$0x7C8] =	sst s17  }
0x12d: {  	s19 =	simm.s32 $0xAE00;
	[smem:$0x7C9] =	sst s18  }
0x12e: {  	s20 =	simm.s32 $0x4E80;
	[smem:$0x7CA] =	sst s19  }
0x12f: {  	s21 =	simm.s32 $0xAE80;
	[smem:$0x7CB] =	sst s20  }
0x130: {  	s22 =	simm.s32 $0x4F00;
	[smem:$0x7CC] =	sst s21  }
0x131: {  	s23 =	simm.s32 $0xAF00;
	[smem:$0x7CD] =	sst s22  }
0x132: {  	s24 =	simm.s32 $0x4F80;
	[smem:$0x7CE] =	sst s23  }
0x133: {  	s25 =	simm.s32 $0xAF80;
	[smem:$0x7CF] =	sst s24  }
0x134: {  	s26 =	simm.s32 $0x5000;
	[smem:$0x7D0] =	sst s25  }
0x135: {  	s1 =	simm.s32 $0x3F00;
	[smem:$0x7D1] =	sst s26  }
0x136: {  	s6 =	simm.s32 $0x3F80;
	[smem:$0x78F] =	sst s1  }
0x137: {  	s7 =	simm.s32 $0x9F80;
	[smem:$0x791] =	sst s6  }
0x138: {  	s9 =	simm.s32 $0xA080;
	[smem:$0x792] =	sst s7  }
0x139: {  	s8 =	simm.s32 $0x4600;
	[smem:$0x794] =	sst s9  }
0x13a: {  	s10 =	simm.s32 $0x5180;
	[smem:$0x7A9] =	sst s8  }
0x13b: {  	s11 =	simm.s32 $0xB180;
	[smem:$0x7D7] =	sst s10  }
0x13c: {  	s12 =	simm.s32 $0x5200;
	[smem:$0x7D8] =	sst s11  }
0x13d: {  	s13 =	simm.s32 $0xB200;
	[smem:$0x7D9] =	sst s12  }
0x13e: {  	s14 =	simm.s32 $0x5280;
	[smem:$0x7DA] =	sst s13  }
0x13f: {  	s15 =	simm.s32 $0xB280;
	[smem:$0x7DB] =	sst s14  }
0x140: {  	s16 =	simm.s32 $0x5300;
	[smem:$0x7DC] =	sst s15  }
0x141: {  	s17 =	simm.s32 $0xB300;
	[smem:$0x7DD] =	sst s16  }
0x142: {  	s18 =	simm.s32 $0x5380;
	[smem:$0x7DE] =	sst s17  }
0x143: {  	s19 =	simm.s32 $0xB380;
	[smem:$0x7DF] =	sst s18  }
0x144: {  	s20 =	simm.s32 $0x5400;
	[smem:$0x7E0] =	sst s19  }
0x145: {  	s21 =	simm.s32 $0xB400;
	[smem:$0x7E1] =	sst s20  }
0x146: {  	s22 =	simm.s32 $0x5480;
	[smem:$0x7E2] =	sst s21  }
0x147: {  	s23 =	simm.s32 $0xB480;
	[smem:$0x7E3] =	sst s22  }
0x148: {  	s24 =	simm.s32 $0x5500;
	[smem:$0x7E4] =	sst s23  }
0x149: {  	s25 =	simm.s32 $0xB500;
	[smem:$0x7E5] =	sst s24  }
0x14a: {  	s26 =	simm.s32 $0x5580;
	[smem:$0x7E6] =	sst s25  }
0x14b: {  	s1 =	simm.s32 $0xA500;
	[smem:$0x7E7] =	sst s26  }
0x14c: {  	s6 =	simm.s32 $0x4580;
	[smem:$0x7A6] =	sst s1  }
0x14d: {  	s7 =	simm.s32 $0xA580;
	[smem:$0x7A7] =	sst s6  }
0x14e: {  	s9 =	simm.s32 $0xA600;
	[smem:$0x7A8] =	sst s7  }
0x14f: {  	s8 =	simm.s32 $0x4B80;
	[smem:$0x7AA] =	sst s9  }
0x150: {  	s10 =	simm.s32 $0x5700;
	[smem:$0x7BF] =	sst s8  }
0x151: {  	s11 =	simm.s32 $0xB700;
	[smem:$0x7ED] =	sst s10  }
0x152: {  	s12 =	simm.s32 $0x5780;
	[smem:$0x7EE] =	sst s11  }
0x153: {  	s13 =	simm.s32 $0xB780;
	[smem:$0x7EF] =	sst s12  }
0x154: {  	s14 =	simm.s32 $0x5800;
	[smem:$0x7F0] =	sst s13  }
0x155: {  	s15 =	simm.s32 $0xB800;
	[smem:$0x7F1] =	sst s14  }
0x156: {  	s16 =	simm.s32 $0x5880;
	[smem:$0x7F2] =	sst s15  }
0x157: {  	s28 =	simm.s32 $0x5F00;
	s18 =	simm.s32 $0xB880;
	[smem:$0x7F3] =	sst s16  }
0x158: {  	s29 =	simm.s32 $0xBF00;
	s19 =	simm.s32 $0x5900;
	[smem:$0x7F4] =	sst s18  }
0x159: {  	s30 =	simm.s32 $0x5F80;
	s20 =	simm.s32 $0xB900;
	[smem:$0x7F5] =	sst s19  }
0x15a: {  	s31 =	simm.s32 $0xBF80;
	s21 =	simm.s32 $0x5980;
	[smem:$0x7F6] =	sst s20  }
0x15b: {  	s4 =	ssub.s32 $0x2, s4;
	s22 =	simm.s32 $0xB980;
	[smem:$0x7F7] =	sst s21  }
0x15c: {  	s3 =	sadd.s32 $0xA00, s0;
	s23 =	simm.s32 $0x5A00;
	[smem:$0x7F8] =	sst s22  }
0x15d: {  	s5 =	simm.s32 $0x2;
	s24 =	simm.s32 $0xBA00;
	[smem:$0x7F9] =	sst s23  }
0x15e: {  	s17 =	sshrl.u32 s4, $0x1;
	s25 =	simm.s32 $0x5A80;
	[smem:$0x7FA] =	sst s24  }
0x15f: {  	s26 =	simm.s32 $0xBA80;
	s1 =	simm.s32 $0xAA80;
	[smem:$0x7FB] =	sst s25  }
0x160: {  	s6 =	simm.s32 $0x4B00;
	s7 =	simm.s32 $0xAB00;
	[smem:$0x7FC] =	sst s26  }
0x161: {  	s9 =	simm.s32 $0xAB80;
	s8 =	simm.s32 $0x5100;
	[smem:$0x7BC] =	sst s1  }
0x162: {  	s0 =	ssub.s32 s4, s17;
	s10 =	simm.s32 $0x8000;
	[smem:$0x7BD] =	sst s6  }
0x163: {  	s11 =	simm.s32 $0xA000;
	s12 =	simm.s32 $0x5B00;
	[smem:$0x7BE] =	sst s7  }
0x164: {  	s15 =	simm.s32 $0x5C00;
	s16 =	simm.s32 $0xBC00;
	[smem:$0x7C0] =	sst s9  }
0x165: {  	s17 =	simm.s32 $0x5C80;
	s18 =	simm.s32 $0xBC80;
	[smem:$0x7D5] =	sst s8  }
0x166: {  	s19 =	simm.s32 $0x5D00;
	s1 =	simm.s32 $0xB000;
	[smem:$0x7FD] =	sst s12  }
0x167: {  	s20 =	simm.s32 $0xBD00;
	s6 =	simm.s32 $0x5080;
	[smem:$0x7D2] =	sst s1  }
0x168: {  	s21 =	simm.s32 $0x5D80;
	s7 =	simm.s32 $0xB080;
	[smem:$0x7D3] =	sst s6  }
0x169: {  	s22 =	simm.s32 $0xBD80;
	s9 =	simm.s32 $0xB100;
	[smem:$0x7D4] =	sst s7  }
0x16a: {  	s23 =	simm.s32 $0x5E00;
	s8 =	simm.s32 $0x5680;
	[smem:$0x7D6] =	sst s9  }
0x16b: {  	s24 =	simm.s32 $0xBE00;
	s1 =	simm.s32 $0xB580;
	[smem:$0x7EB] =	sst s8  }
0x16c: {  	s25 =	simm.s32 $0x5E80;
	s6 =	simm.s32 $0x5600;
	[smem:$0x7E8] =	sst s1  }
0x16d: {  	s26 =	simm.s32 $0xBE80;
	s7 =	simm.s32 $0xB600;
	[smem:$0x7E9] =	sst s6  }
0x16e: {  	s4 =	smax.u32 s0, $0x1;
	s9 =	simm.s32 $0xB680;
	[smem:$0x7EA] =	sst s7  }
0x16f: {  	s0 =	simm.s32 $0x1;
	s8 =	simm.s32 $0x80;
	[smem:$0x7EC] =	sst s9  }
0x170: {  	s6 =	simm.s32 $0x2000;
	s7 =	simm.s32 $0x4000;
	s9 =	simm.s32 $0x6000  }
.LBB2_1:
0x171: {  	s1 =	rddreg [dreg:$0x3]  }
0x172: {  	[tilespmem:s2], [sflag:$0x2] =	stream.linear.gather [hbm4b:s1+s2], $0x2000, $0x38;
	[tilespmem:$0xC000] =	vst v63  }
0x173: {  	_ =	swait.ge [sflag:s5], $0x2000  }
0x174: {  	[sflag:s5] =	ssyncset.done $0x0  }
0x175: {  	s12 =	rddreg [dreg:$0x4];
	[sflag:s5] =	ssyncadd.s32 $0xFFFFE000  }
0x176: {  	[tilespmem:s6], [sflag:$0x2] =	stream.linear.gather [hbm4b:s12+s2], $0x2000, $0x38;
	[tilespmem:$0xC000] =	vst v63  }
0x177: {  	_ =	swait.ge [sflag:s5], $0x2000  }
0x178: {  	[sflag:s5] =	ssyncset.done $0x0  }
0x179: {  	s13 =	rddreg [dreg:$0x5];
	[sflag:s5] =	ssyncadd.s32 $0xFFFFE000  }
0x17a: {  	[tilespmem:s7], [sflag:$0x2] =	stream.linear.gather [hbm4b:s13+s2], $0x2000, $0x38;
	[tilespmem:$0xC000] =	vst v63  }
0x17b: {  	_ =	swait.ge [sflag:s5], $0x2000  }
0x17c: {  	s14 =	rddreg [dreg:$0x9]  }
0x17d: {  	[sflag:s5] =	ssyncset.done $0x0;
	s1 =	rddreg [dreg:$0xa]  }
0x17e: {  	s12 =	rddreg [dreg:$0xb];
	[sflag:s5] =	ssyncadd.s32 $0xFFFFE000  }
0x17f: {  	[tilespmem:s9], [sflag:$0x1] =	stream.indirect.gather [hbm4b:s3+s8], $0x1, s2, s8, $0xb8;
	[tilespmem:$0xC000] =	vst v63  }
0x180: {  	s13 =	rddreg [dreg:$0xc]  }
0x181: {  	[tilespmem:s14], [sflag:$0x1] =	stream.indirect.gather [hbm4b:s3+s8], $0x1, s8, s8, $0xb8;
	[tilespmem:$0xC000] =	vst v63  }
0x182: {  	s14 =	rddreg [dreg:$0xd]  }
0x183: {  	[tilespmem:s12], [sflag:$0x1] =	stream.indirect.gather [hbm4b:s3+s8], $0x1, s1, s8, $0xb8;
	[tilespmem:$0xC000] =	vst v63  }
0x184: {  	s1 =	rddreg [dreg:$0xe]  }
0x185: {  	s12 =	rddreg [dreg:$0xf]  }
0x186: {  	[tilespmem:s14], [sflag:$0x1] =	stream.indirect.gather [hbm4b:s3+s8], $0x1, s13, s8, $0xb8;
	[tilespmem:$0xC000] =	vst v63  }
0x187: {  	s13 =	rddreg [dreg:$0x10]  }
0x188: {  	s14 =	rddreg [dreg:$0x11]  }
0x189: {  	[tilespmem:s12], [sflag:$0x1] =	stream.indirect.gather [hbm4b:s3+s8], $0x1, s1, s8, $0xb8;
	[tilespmem:$0xC000] =	vst v63  }
0x18a: {  	s1 =	rddreg [dreg:$0x12]  }
0x18b: {  	s12 =	rddreg [dreg:$0x13]  }
0x18c: {  	[tilespmem:s14], [sflag:$0x1] =	stream.indirect.gather [hbm4b:s3+s8], $0x1, s13, s8, $0xb8;
	[tilespmem:$0xC000] =	vst v63  }
0x18d: {  	s13 =	rddreg [dreg:$0x14]  }
0x18e: {  	s14 =	rddreg [dreg:$0x15]  }
0x18f: {  	[tilespmem:s12], [sflag:$0x1] =	stream.indirect.gather [hbm4b:s3+s8], $0x1, s1, s8, $0xb8;
	[tilespmem:$0xC000] =	vst v63  }
0x190: {  	s1 =	rddreg [dreg:$0x16]  }
0x191: {  	s12 =	rddreg [dreg:$0x17]  }
0x192: {  	[tilespmem:s14], [sflag:$0x1] =	stream.indirect.gather [hbm4b:s3+s8], $0x1, s13, s8, $0xb8;
	[tilespmem:$0xC000] =	vst v63  }
0x193: {  	s13 =	rddreg [dreg:$0x18]  }
0x194: {  	s14 =	rddreg [dreg:$0x19]  }
0x195: {  	[tilespmem:s12], [sflag:$0x1] =	stream.indirect.gather [hbm4b:s3+s8], $0x1, s1, s8, $0xb8;
	[tilespmem:$0xC000] =	vst v63  }
0x196: {  	s1 =	rddreg [dreg:$0x1a]  }
0x197: {  	s12 =	rddreg [dreg:$0x1b]  }
0x198: {  	[tilespmem:s14], [sflag:$0x1] =	stream.indirect.gather [hbm4b:s3+s8], $0x1, s13, s8, $0xb8;
	[tilespmem:$0xC000] =	vst v63  }
0x199: {  	s13 =	rddreg [dreg:$0x1c]  }
0x19a: {  	s14 =	rddreg [dreg:$0x1d]  }
0x19b: {  	[tilespmem:s12], [sflag:$0x1] =	stream.indirect.gather [hbm4b:s3+s8], $0x1, s1, s8, $0xb8;
	[tilespmem:$0xC000] =	vst v63  }
0x19c: {  	s1 =	rddreg [dreg:$0x1e]  }
0x19d: {  	s12 =	rddreg [dreg:$0x1f]  }
0x19e: {  	[tilespmem:s14], [sflag:$0x1] =	stream.indirect.gather [hbm4b:s3+s8], $0x1, s13, s8, $0xb8;
	[tilespmem:$0xC000] =	vst v63  }
0x19f: {  	s13 =	sld [smem:$0x6AF]  }
0x1a0: {  	s14 =	sld [smem:$0x6B0]  }
0x1a1: {  	[tilespmem:s12], [sflag:$0x1] =	stream.indirect.gather [hbm4b:s3+s8], $0x1, s1, s8, $0xb8;
	[tilespmem:$0xC000] =	vst v63  }
0x1a2: {  	s1 =	sld [smem:$0x6B1]  }
0x1a3: {  	s12 =	sld [smem:$0x6B2]  }
0x1a4: {  	[tilespmem:s14], [sflag:$0x1] =	stream.indirect.gather [hbm4b:s3+s8], $0x1, s13, s8, $0xb8;
	[tilespmem:$0xC000] =	vst v63  }
0x1a5: {  	s13 =	sld [smem:$0x6B3]  }
0x1a6: {  	s14 =	sld [smem:$0x6B4]  }
0x1a7: {  	[tilespmem:s12], [sflag:$0x1] =	stream.indirect.gather [hbm4b:s3+s8], $0x1, s1, s8, $0xb8;
	[tilespmem:$0xC000] =	vst v63  }
0x1a8: {  	s1 =	sld [smem:$0x6B5]  }
0x1a9: {  	s12 =	sld [smem:$0x6B6]  }
0x1aa: {  	[tilespmem:s14], [sflag:$0x1] =	stream.indirect.gather [hbm4b:s3+s8], $0x1, s13, s8, $0xb8;
	[tilespmem:$0xC000] =	vst v63  }
0x1ab: {  	s13 =	sld [smem:$0x6B7]  }
0x1ac: {  	s14 =	sld [smem:$0x6B8]  }
0x1ad: {  	[tilespmem:s12], [sflag:$0x1] =	stream.indirect.gather [hbm4b:s3+s8], $0x1, s1, s8, $0xb8;
	[tilespmem:$0xC000] =	vst v63  }
0x1ae: {  	s1 =	sld [smem:$0x6B9]  }
0x1af: {  	s12 =	sld [smem:$0x6BA]  }
0x1b0: {  	[tilespmem:s14], [sflag:$0x1] =	stream.indirect.gather [hbm4b:s3+s8], $0x1, s13, s8, $0xb8;
	[tilespmem:$0xC000] =	vst v63  }
0x1b1: {  	s13 =	sld [smem:$0x6BB]  }
0x1b2: {  	s14 =	sld [smem:$0x6BC]  }
0x1b3: {  	[tilespmem:s12], [sflag:$0x1] =	stream.indirect.gather [hbm4b:s3+s8], $0x1, s1, s8, $0xb8;
	[tilespmem:$0xC000] =	vst v63  }
0x1b4: {  	s1 =	sld [smem:$0x6BD]  }
0x1b5: {  	s12 =	sld [smem:$0x6BE]  }
0x1b6: {  	[tilespmem:s14], [sflag:$0x1] =	stream.indirect.gather [hbm4b:s3+s8], $0x1, s13, s8, $0xb8;
	[tilespmem:$0xC000] =	vst v63  }
0x1b7: {  	s13 =	sld [smem:$0x6BF]  }
0x1b8: {  	s14 =	sld [smem:$0x6C0]  }
0x1b9: {  	[tilespmem:s12], [sflag:$0x1] =	stream.indirect.gather [hbm4b:s3+s8], $0x1, s1, s8, $0xb8;
	[tilespmem:$0xC000] =	vst v63  }
0x1ba: {  	s1 =	sld [smem:$0x6C1]  }
0x1bb: {  	s12 =	sld [smem:$0x6C2]  }
0x1bc: {  	[tilespmem:s14], [sflag:$0x1] =	stream.indirect.gather [hbm4b:s3+s8], $0x1, s13, s8, $0xb8;
	[tilespmem:$0xC000] =	vst v63  }
0x1bd: {  	s13 =	sld [smem:$0x6C3]  }
0x1be: {  	s14 =	sld [smem:$0x6C4]  }
0x1bf: {  	[tilespmem:s12], [sflag:$0x1] =	stream.indirect.gather [hbm4b:s3+s8], $0x1, s1, s8, $0xb8;
	[tilespmem:$0xC000] =	vst v63  }
0x1c0: {  	s1 =	sld [smem:$0x6C5]  }
0x1c1: {  	s12 =	sld [smem:$0x6C6]  }
0x1c2: {  	[tilespmem:s14], [sflag:$0x1] =	stream.indirect.gather [hbm4b:s3+s8], $0x1, s13, s8, $0xb8;
	[tilespmem:$0xC000] =	vst v63  }
0x1c3: {  	s13 =	sld [smem:$0x6C7]  }
0x1c4: {  	s14 =	sld [smem:$0x6C8]  }
0x1c5: {  	[tilespmem:s12], [sflag:$0x1] =	stream.indirect.gather [hbm4b:s3+s8], $0x1, s1, s8, $0xb8;
	[tilespmem:$0xC000] =	vst v63  }
0x1c6: {  	s1 =	sld [smem:$0x6C9]  }
0x1c7: {  	s12 =	sld [smem:$0x6CA]  }
0x1c8: {  	[tilespmem:s14], [sflag:$0x1] =	stream.indirect.gather [hbm4b:s3+s8], $0x1, s13, s8, $0xb8;
	[tilespmem:$0xC000] =	vst v63  }
0x1c9: {  	s13 =	sld [smem:$0x6CB]  }
0x1ca: {  	s14 =	sld [smem:$0x6CC]  }
0x1cb: {  	[tilespmem:s12], [sflag:$0x1] =	stream.indirect.gather [hbm4b:s3+s8], $0x1, s1, s8, $0xb8;
	[tilespmem:$0xC000] =	vst v63  }
0x1cc: {  	s1 =	sld [smem:$0x6CD]  }
0x1cd: {  	s12 =	sld [smem:$0x6CE]  }
0x1ce: {  	[tilespmem:s14], [sflag:$0x1] =	stream.indirect.gather [hbm4b:s3+s8], $0x1, s13, s8, $0xb8;
	[tilespmem:$0xC000] =	vst v63  }
0x1cf: {  	s13 =	sld [smem:$0x6CF]  }
0x1d0: {  	s14 =	sld [smem:$0x6D0]  }
0x1d1: {  	[tilespmem:s12], [sflag:$0x1] =	stream.indirect.gather [hbm4b:s3+s8], $0x1, s1, s8, $0xb8;
	[tilespmem:$0xC000] =	vst v63  }
0x1d2: {  	s1 =	sld [smem:$0x6D1]  }
0x1d3: {  	s12 =	sld [smem:$0x6D2]  }
0x1d4: {  	[tilespmem:s14], [sflag:$0x1] =	stream.indirect.gather [hbm4b:s3+s8], $0x1, s13, s8, $0xb8;
	[tilespmem:$0xC000] =	vst v63  }
0x1d5: {  	s13 =	sld [smem:$0x6D3]  }
0x1d6: {  	s14 =	sld [smem:$0x6D4]  }
0x1d7: {  	[tilespmem:s12], [sflag:$0x1] =	stream.indirect.gather [hbm4b:s3+s8], $0x1, s1, s8, $0xb8;
	[tilespmem:$0xC000] =	vst v63  }
0x1d8: {  	s1 =	sld [smem:$0x6D5]  }
0x1d9: {  	s12 =	sld [smem:$0x6D6]  }
0x1da: {  	[tilespmem:s14], [sflag:$0x1] =	stream.indirect.gather [hbm4b:s3+s8], $0x1, s13, s8, $0xb8;
	[tilespmem:$0xC000] =	vst v63  }
0x1db: {  	s13 =	sld [smem:$0x6D7]  }
0x1dc: {  	s14 =	sld [smem:$0x6D8]  }
0x1dd: {  	[tilespmem:s12], [sflag:$0x1] =	stream.indirect.gather [hbm4b:s3+s8], $0x1, s1, s8, $0xb8;
	[tilespmem:$0xC000] =	vst v63  }
0x1de: {  	s1 =	sld [smem:$0x6D9]  }
0x1df: {  	s12 =	sld [smem:$0x6DA]  }
0x1e0: {  	[tilespmem:s14], [sflag:$0x1] =	stream.indirect.gather [hbm4b:s3+s8], $0x1, s13, s8, $0xb8;
	[tilespmem:$0xC000] =	vst v63  }
0x1e1: {  	s13 =	sld [smem:$0x6DB]  }
0x1e2: {  	s14 =	sld [smem:$0x6DC]  }
0x1e3: {  	[tilespmem:s12], [sflag:$0x1] =	stream.indirect.gather [hbm4b:s3+s8], $0x1, s1, s8, $0xb8;
	[tilespmem:$0xC000] =	vst v63  }
0x1e4: {  	s1 =	sld [smem:$0x6DD]  }
0x1e5: {  	s12 =	sld [smem:$0x6DE]  }
0x1e6: {  	[tilespmem:s14], [sflag:$0x1] =	stream.indirect.gather [hbm4b:s3+s8], $0x1, s13, s8, $0xb8;
	[tilespmem:$0xC000] =	vst v63  }
0x1e7: {  	s13 =	sld [smem:$0x6DF]  }
0x1e8: {  	s14 =	sld [smem:$0x6E0]  }
0x1e9: {  	[tilespmem:s12], [sflag:$0x1] =	stream.indirect.gather [hbm4b:s3+s8], $0x1, s1, s8, $0xb8;
	[tilespmem:$0xC000] =	vst v63  }
0x1ea: {  	s1 =	sld [smem:$0x6E1]  }
0x1eb: {  	s12 =	sld [smem:$0x6E2]  }
0x1ec: {  	[tilespmem:s14], [sflag:$0x1] =	stream.indirect.gather [hbm4b:s3+s8], $0x1, s13, s8, $0xb8;
	[tilespmem:$0xC000] =	vst v63  }
0x1ed: {  	s13 =	sld [smem:$0x6E3]  }
0x1ee: {  	s14 =	sld [smem:$0x6E4]  }
0x1ef: {  	[tilespmem:s12], [sflag:$0x1] =	stream.indirect.gather [hbm4b:s3+s8], $0x1, s1, s8, $0xb8;
	[tilespmem:$0xC000] =	vst v63  }
0x1f0: {  	s1 =	sld [smem:$0x6E5]  }
0x1f1: {  	s12 =	sld [smem:$0x6E6]  }
0x1f2: {  	[tilespmem:s14], [sflag:$0x1] =	stream.indirect.gather [hbm4b:s3+s8], $0x1, s13, s8, $0xb8;
	[tilespmem:$0xC000] =	vst v63  }
0x1f3: {  	s13 =	sld [smem:$0x6E7]  }
0x1f4: {  	s14 =	sld [smem:$0x6E8]  }
0x1f5: {  	[tilespmem:s12], [sflag:$0x1] =	stream.indirect.gather [hbm4b:s3+s8], $0x1, s1, s8, $0xb8;
	[tilespmem:$0xC000] =	vst v63  }
0x1f6: {  	s1 =	sld [smem:$0x6E9]  }
0x1f7: {  	s12 =	sld [smem:$0x6EA]  }
0x1f8: {  	[tilespmem:s14], [sflag:$0x1] =	stream.indirect.gather [hbm4b:s3+s8], $0x1, s13, s8, $0xb8;
	[tilespmem:$0xC000] =	vst v63  }
0x1f9: {  	s13 =	sld [smem:$0x6EB]  }
0x1fa: {  	s14 =	sld [smem:$0x6EC]  }
0x1fb: {  	[tilespmem:s12], [sflag:$0x1] =	stream.indirect.gather [hbm4b:s3+s8], $0x1, s1, s8, $0xb8;
	[tilespmem:$0xC000] =	vst v63  }
0x1fc: {  	s1 =	sld [smem:$0x6ED]  }
0x1fd: {  	s12 =	sld [smem:$0x6EE]  }
0x1fe: {  	[tilespmem:s14], [sflag:$0x1] =	stream.indirect.gather [hbm4b:s3+s8], $0x1, s13, s8, $0xb8;
	[tilespmem:$0xC000] =	vst v63  }
0x1ff: {  	s13 =	sld [smem:$0x6EF]  }
0x200: {  	s14 =	sld [smem:$0x6F0]  }
0x201: {  	[tilespmem:s12], [sflag:$0x1] =	stream.indirect.gather [hbm4b:s3+s8], $0x1, s1, s8, $0xb8;
	[tilespmem:$0xC000] =	vst v63  }
0x202: {  	s1 =	sld [smem:$0x6F1]  }
0x203: {  	s12 =	sld [smem:$0x6F2]  }
0x204: {  	[tilespmem:s14], [sflag:$0x1] =	stream.indirect.gather [hbm4b:s3+s8], $0x1, s13, s8, $0xb8;
	[tilespmem:$0xC000] =	vst v63  }
0x205: {  	s13 =	sld [smem:$0x6F3]  }
0x206: {  	s14 =	sld [smem:$0x6F4]  }
0x207: {  	[tilespmem:s12], [sflag:$0x1] =	stream.indirect.gather [hbm4b:s3+s8], $0x1, s1, s8, $0xb8;
	[tilespmem:$0xC000] =	vst v63  }
0x208: {  	s1 =	sld [smem:$0x6F5]  }
0x209: {  	s12 =	sld [smem:$0x6F6]  }
0x20a: {  	[tilespmem:s14], [sflag:$0x1] =	stream.indirect.gather [hbm4b:s3+s8], $0x1, s13, s8, $0xb8;
	[tilespmem:$0xC000] =	vst v63  }
0x20b: {  	s13 =	sld [smem:$0x6F7]  }
0x20c: {  	s14 =	sld [smem:$0x6F8]  }
0x20d: {  	[tilespmem:s12], [sflag:$0x1] =	stream.indirect.gather [hbm4b:s3+s8], $0x1, s1, s8, $0xb8;
	[tilespmem:$0xC000] =	vst v63  }
0x20e: {  	s1 =	sld [smem:$0x6F9]  }
0x20f: {  	s12 =	sld [smem:$0x6FA]  }
0x210: {  	[tilespmem:s14], [sflag:$0x1] =	stream.indirect.gather [hbm4b:s3+s8], $0x1, s13, s8, $0xb8;
	[tilespmem:$0xC000] =	vst v63  }
0x211: {  	s13 =	sld [smem:$0x6FB]  }
0x212: {  	s14 =	sld [smem:$0x6FC]  }
0x213: {  	[tilespmem:s12], [sflag:$0x1] =	stream.indirect.gather [hbm4b:s3+s8], $0x1, s1, s8, $0xb8;
	[tilespmem:$0xC000] =	vst v63  }
0x214: {  	s1 =	sld [smem:$0x6FD]  }
0x215: {  	s12 =	sld [smem:$0x6FE]  }
0x216: {  	[tilespmem:s14], [sflag:$0x1] =	stream.indirect.gather [hbm4b:s3+s8], $0x1, s13, s8, $0xb8;
	[tilespmem:$0xC000] =	vst v63  }
0x217: {  	s13 =	sld [smem:$0x6FF]  }
0x218: {  	s14 =	sld [smem:$0x700]  }
0x219: {  	[tilespmem:s12], [sflag:$0x1] =	stream.indirect.gather [hbm4b:s3+s8], $0x1, s1, s8, $0xb8;
	[tilespmem:$0xC000] =	vst v63  }
0x21a: {  	s1 =	sld [smem:$0x701]  }
0x21b: {  	s12 =	sld [smem:$0x702]  }
0x21c: {  	[tilespmem:s14], [sflag:$0x1] =	stream.indirect.gather [hbm4b:s3+s8], $0x1, s13, s8, $0xb8;
	[tilespmem:$0xC000] =	vst v63  }
0x21d: {  	s13 =	sld [smem:$0x703]  }
0x21e: {  	s14 =	sld [smem:$0x704]  }
0x21f: {  	[tilespmem:s12], [sflag:$0x1] =	stream.indirect.gather [hbm4b:s3+s8], $0x1, s1, s8, $0xb8;
	[tilespmem:$0xC000] =	vst v63  }
0x220: {  	s1 =	sld [smem:$0x705]  }
0x221: {  	s12 =	sld [smem:$0x706]  }
0x222: {  	[tilespmem:s14], [sflag:$0x1] =	stream.indirect.gather [hbm4b:s3+s8], $0x1, s13, s8, $0xb8;
	[tilespmem:$0xC000] =	vst v63  }
0x223: {  	s13 =	sld [smem:$0x707]  }
0x224: {  	s14 =	sld [smem:$0x708]  }
0x225: {  	[tilespmem:s12], [sflag:$0x1] =	stream.indirect.gather [hbm4b:s3+s8], $0x1, s1, s8, $0xb8;
	[tilespmem:$0xC000] =	vst v63  }
0x226: {  	s1 =	sld [smem:$0x709]  }
0x227: {  	s12 =	sld [smem:$0x70A]  }
0x228: {  	[tilespmem:s14], [sflag:$0x1] =	stream.indirect.gather [hbm4b:s3+s8], $0x1, s13, s8, $0xb8;
	[tilespmem:$0xC000] =	vst v63  }
0x229: {  	s13 =	sld [smem:$0x70B]  }
0x22a: {  	s14 =	sld [smem:$0x70C]  }
0x22b: {  	[tilespmem:s12], [sflag:$0x1] =	stream.indirect.gather [hbm4b:s3+s8], $0x1, s1, s8, $0xb8;
	[tilespmem:$0xC000] =	vst v63  }
0x22c: {  	s1 =	sld [smem:$0x70D]  }
0x22d: {  	s12 =	sld [smem:$0x70E]  }
0x22e: {  	[tilespmem:s14], [sflag:$0x1] =	stream.indirect.gather [hbm4b:s3+s8], $0x1, s13, s8, $0xb8;
	[tilespmem:$0xC000] =	vst v63  }
0x22f: {  	s13 =	sld [smem:$0x70F]  }
0x230: {  	s14 =	sld [smem:$0x710]  }
0x231: {  	[tilespmem:s12], [sflag:$0x1] =	stream.indirect.gather [hbm4b:s3+s8], $0x1, s1, s8, $0xb8;
	[tilespmem:$0xC000] =	vst v63  }
0x232: {  	s1 =	sld [smem:$0x711]  }
0x233: {  	s12 =	sld [smem:$0x712]  }
0x234: {  	[tilespmem:s14], [sflag:$0x1] =	stream.indirect.gather [hbm4b:s3+s8], $0x1, s13, s8, $0xb8;
	[tilespmem:$0xC000] =	vst v63  }
0x235: {  	s13 =	sld [smem:$0x713]  }
0x236: {  	s14 =	sld [smem:$0x714]  }
0x237: {  	[tilespmem:s12], [sflag:$0x1] =	stream.indirect.gather [hbm4b:s3+s8], $0x1, s1, s8, $0xb8;
	[tilespmem:$0xC000] =	vst v63  }
0x238: {  	s12 =	sld [smem:$0x715]  }
0x239: {  	[tilespmem:s14], [sflag:$0x1] =	stream.indirect.gather [hbm4b:s3+s8], $0x1, s13, s8, $0xb8;
	[tilespmem:$0xC000] =	vst v63  }
0x23a: {  	s13 =	sld [smem:$0x716]  }
0x23b: {  	[tilespmem:s10], [sflag:$0x1] =	stream.indirect.gather [hbm4b:s3+s8], $0x1, s6, s8, $0xb8;
	[tilespmem:$0xC000] =	vst v63  }
0x23c: {  	s1 =	sld [smem:$0x717]  }
0x23d: {  	[tilespmem:s13], [sflag:$0x1] =	stream.indirect.gather [hbm4b:s3+s8], $0x1, s12, s8, $0xb8;
	[tilespmem:$0xC000] =	vst v63  }
0x23e: {  	s12 =	sld [smem:$0x718]  }
0x23f: {  	s14 =	sld [smem:$0x71A]  }
0x240: {  	s13 =	sld [smem:$0x719]  }
0x241: {  	[tilespmem:s12], [sflag:$0x1] =	stream.indirect.gather [hbm4b:s3+s8], $0x1, s1, s8, $0xb8;
	[tilespmem:$0xC000] =	vst v63  }
0x242: {  	s1 =	sld [smem:$0x71B]  }
0x243: {  	s12 =	sld [smem:$0x71C]  }
0x244: {  	[tilespmem:s14], [sflag:$0x1] =	stream.indirect.gather [hbm4b:s3+s8], $0x1, s13, s8, $0xb8;
	[tilespmem:$0xC000] =	vst v63  }
0x245: {  	s13 =	sld [smem:$0x71D]  }
0x246: {  	s14 =	sld [smem:$0x71E]  }
0x247: {  	[tilespmem:s12], [sflag:$0x1] =	stream.indirect.gather [hbm4b:s3+s8], $0x1, s1, s8, $0xb8;
	[tilespmem:$0xC000] =	vst v63  }
0x248: {  	s1 =	sld [smem:$0x71F]  }
0x249: {  	s12 =	sld [smem:$0x720]  }
0x24a: {  	[tilespmem:s14], [sflag:$0x1] =	stream.indirect.gather [hbm4b:s3+s8], $0x1, s13, s8, $0xb8;
	[tilespmem:$0xC000] =	vst v63  }
0x24b: {  	s13 =	sld [smem:$0x721]  }
0x24c: {  	s14 =	sld [smem:$0x722]  }
0x24d: {  	[tilespmem:s12], [sflag:$0x1] =	stream.indirect.gather [hbm4b:s3+s8], $0x1, s1, s8, $0xb8;
	[tilespmem:$0xC000] =	vst v63  }
0x24e: {  	s1 =	sld [smem:$0x723]  }
0x24f: {  	s12 =	sld [smem:$0x724]  }
0x250: {  	[tilespmem:s14], [sflag:$0x1] =	stream.indirect.gather [hbm4b:s3+s8], $0x1, s13, s8, $0xb8;
	[tilespmem:$0xC000] =	vst v63  }
0x251: {  	s13 =	sld [smem:$0x725]  }
0x252: {  	s14 =	sld [smem:$0x726]  }
0x253: {  	[tilespmem:s12], [sflag:$0x1] =	stream.indirect.gather [hbm4b:s3+s8], $0x1, s1, s8, $0xb8;
	[tilespmem:$0xC000] =	vst v63  }
0x254: {  	s1 =	sld [smem:$0x727]  }
0x255: {  	s12 =	sld [smem:$0x728]  }
0x256: {  	[tilespmem:s14], [sflag:$0x1] =	stream.indirect.gather [hbm4b:s3+s8], $0x1, s13, s8, $0xb8;
	[tilespmem:$0xC000] =	vst v63  }
0x257: {  	s13 =	sld [smem:$0x729]  }
0x258: {  	s14 =	sld [smem:$0x72A]  }
0x259: {  	[tilespmem:s12], [sflag:$0x1] =	stream.indirect.gather [hbm4b:s3+s8], $0x1, s1, s8, $0xb8;
	[tilespmem:$0xC000] =	vst v63  }
0x25a: {  	s1 =	sld [smem:$0x72B]  }
0x25b: {  	s12 =	sld [smem:$0x72C]  }
0x25c: {  	[tilespmem:s14], [sflag:$0x1] =	stream.indirect.gather [hbm4b:s3+s8], $0x1, s13, s8, $0xb8;
	[tilespmem:$0xC000] =	vst v63  }
0x25d: {  	s13 =	sld [smem:$0x72D]  }
0x25e: {  	s14 =	sld [smem:$0x72E]  }
0x25f: {  	[tilespmem:s12], [sflag:$0x1] =	stream.indirect.gather [hbm4b:s3+s8], $0x1, s1, s8, $0xb8;
	[tilespmem:$0xC000] =	vst v63  }
0x260: {  	s1 =	sld [smem:$0x72F]  }
0x261: {  	s12 =	sld [smem:$0x730]  }
0x262: {  	[tilespmem:s14], [sflag:$0x1] =	stream.indirect.gather [hbm4b:s3+s8], $0x1, s13, s8, $0xb8;
	[tilespmem:$0xC000] =	vst v63  }
0x263: {  	s13 =	sld [smem:$0x731]  }
0x264: {  	s14 =	sld [smem:$0x732]  }
0x265: {  	[tilespmem:s12], [sflag:$0x1] =	stream.indirect.gather [hbm4b:s3+s8], $0x1, s1, s8, $0xb8;
	[tilespmem:$0xC000] =	vst v63  }
0x266: {  	s1 =	sld [smem:$0x733]  }
0x267: {  	s12 =	sld [smem:$0x734]  }
0x268: {  	[tilespmem:s14], [sflag:$0x1] =	stream.indirect.gather [hbm4b:s3+s8], $0x1, s13, s8, $0xb8;
	[tilespmem:$0xC000] =	vst v63  }
0x269: {  	s13 =	sld [smem:$0x735]  }
0x26a: {  	s14 =	sld [smem:$0x736]  }
0x26b: {  	[tilespmem:s12], [sflag:$0x1] =	stream.indirect.gather [hbm4b:s3+s8], $0x1, s1, s8, $0xb8;
	[tilespmem:$0xC000] =	vst v63  }
0x26c: {  	s1 =	sld [smem:$0x737]  }
0x26d: {  	s12 =	sld [smem:$0x738]  }
0x26e: {  	[tilespmem:s14], [sflag:$0x1] =	stream.indirect.gather [hbm4b:s3+s8], $0x1, s13, s8, $0xb8;
	[tilespmem:$0xC000] =	vst v63  }
0x26f: {  	s13 =	sld [smem:$0x739]  }
0x270: {  	s14 =	sld [smem:$0x73A]  }
0x271: {  	[tilespmem:s12], [sflag:$0x1] =	stream.indirect.gather [hbm4b:s3+s8], $0x1, s1, s8, $0xb8;
	[tilespmem:$0xC000] =	vst v63  }
0x272: {  	s1 =	sld [smem:$0x73B]  }
0x273: {  	s12 =	sld [smem:$0x73C]  }
0x274: {  	[tilespmem:s14], [sflag:$0x1] =	stream.indirect.gather [hbm4b:s3+s8], $0x1, s13, s8, $0xb8;
	[tilespmem:$0xC000] =	vst v63  }
0x275: {  	s13 =	sld [smem:$0x73D]  }
0x276: {  	s14 =	sld [smem:$0x73E]  }
0x277: {  	[tilespmem:s12], [sflag:$0x1] =	stream.indirect.gather [hbm4b:s3+s8], $0x1, s1, s8, $0xb8;
	[tilespmem:$0xC000] =	vst v63  }
0x278: {  	s1 =	sld [smem:$0x73F]  }
0x279: {  	s12 =	sld [smem:$0x740]  }
0x27a: {  	[tilespmem:s14], [sflag:$0x1] =	stream.indirect.gather [hbm4b:s3+s8], $0x1, s13, s8, $0xb8;
	[tilespmem:$0xC000] =	vst v63  }
0x27b: {  	s13 =	sld [smem:$0x741]  }
0x27c: {  	s14 =	sld [smem:$0x742]  }
0x27d: {  	[tilespmem:s12], [sflag:$0x1] =	stream.indirect.gather [hbm4b:s3+s8], $0x1, s1, s8, $0xb8;
	[tilespmem:$0xC000] =	vst v63  }
0x27e: {  	s1 =	sld [smem:$0x743]  }
0x27f: {  	s12 =	sld [smem:$0x744]  }
0x280: {  	[tilespmem:s14], [sflag:$0x1] =	stream.indirect.gather [hbm4b:s3+s8], $0x1, s13, s8, $0xb8;
	[tilespmem:$0xC000] =	vst v63  }
0x281: {  	s13 =	sld [smem:$0x745]  }
0x282: {  	s14 =	sld [smem:$0x746]  }
0x283: {  	[tilespmem:s12], [sflag:$0x1] =	stream.indirect.gather [hbm4b:s3+s8], $0x1, s1, s8, $0xb8;
	[tilespmem:$0xC000] =	vst v63  }
0x284: {  	s1 =	sld [smem:$0x747]  }
0x285: {  	s12 =	sld [smem:$0x748]  }
0x286: {  	[tilespmem:s14], [sflag:$0x1] =	stream.indirect.gather [hbm4b:s3+s8], $0x1, s13, s8, $0xb8;
	[tilespmem:$0xC000] =	vst v63  }
0x287: {  	s13 =	sld [smem:$0x749]  }
0x288: {  	s14 =	sld [smem:$0x74A]  }
0x289: {  	[tilespmem:s12], [sflag:$0x1] =	stream.indirect.gather [hbm4b:s3+s8], $0x1, s1, s8, $0xb8;
	[tilespmem:$0xC000] =	vst v63  }
0x28a: {  	s1 =	sld [smem:$0x74B]  }
0x28b: {  	s12 =	sld [smem:$0x74C]  }
0x28c: {  	[tilespmem:s14], [sflag:$0x1] =	stream.indirect.gather [hbm4b:s3+s8], $0x1, s13, s8, $0xb8;
	[tilespmem:$0xC000] =	vst v63  }
0x28d: {  	s13 =	sld [smem:$0x74D]  }
0x28e: {  	s14 =	sld [smem:$0x74E]  }
0x28f: {  	[tilespmem:s12], [sflag:$0x1] =	stream.indirect.gather [hbm4b:s3+s8], $0x1, s1, s8, $0xb8;
	[tilespmem:$0xC000] =	vst v63  }
0x290: {  	s1 =	sld [smem:$0x74F]  }
0x291: {  	s12 =	sld [smem:$0x750]  }
0x292: {  	[tilespmem:s14], [sflag:$0x1] =	stream.indirect.gather [hbm4b:s3+s8], $0x1, s13, s8, $0xb8;
	[tilespmem:$0xC000] =	vst v63  }
0x293: {  	s13 =	sld [smem:$0x751]  }
0x294: {  	s14 =	sld [smem:$0x752]  }
0x295: {  	[tilespmem:s12], [sflag:$0x1] =	stream.indirect.gather [hbm4b:s3+s8], $0x1, s1, s8, $0xb8;
	[tilespmem:$0xC000] =	vst v63  }
0x296: {  	s1 =	sld [smem:$0x753]  }
0x297: {  	s12 =	sld [smem:$0x754]  }
0x298: {  	[tilespmem:s14], [sflag:$0x1] =	stream.indirect.gather [hbm4b:s3+s8], $0x1, s13, s8, $0xb8;
	[tilespmem:$0xC000] =	vst v63  }
0x299: {  	s13 =	sld [smem:$0x755]  }
0x29a: {  	s14 =	sld [smem:$0x756]  }
0x29b: {  	[tilespmem:s12], [sflag:$0x1] =	stream.indirect.gather [hbm4b:s3+s8], $0x1, s1, s8, $0xb8;
	[tilespmem:$0xC000] =	vst v63  }
0x29c: {  	s1 =	sld [smem:$0x757]  }
0x29d: {  	s12 =	sld [smem:$0x758]  }
0x29e: {  	[tilespmem:s14], [sflag:$0x1] =	stream.indirect.gather [hbm4b:s3+s8], $0x1, s13, s8, $0xb8;
	[tilespmem:$0xC000] =	vst v63  }
0x29f: {  	s13 =	sld [smem:$0x759]  }
0x2a0: {  	s14 =	sld [smem:$0x75A]  }
0x2a1: {  	[tilespmem:s12], [sflag:$0x1] =	stream.indirect.gather [hbm4b:s3+s8], $0x1, s1, s8, $0xb8;
	[tilespmem:$0xC000] =	vst v63  }
0x2a2: {  	s1 =	sld [smem:$0x75B]  }
0x2a3: {  	s12 =	sld [smem:$0x75C]  }
0x2a4: {  	[tilespmem:s14], [sflag:$0x1] =	stream.indirect.gather [hbm4b:s3+s8], $0x1, s13, s8, $0xb8;
	[tilespmem:$0xC000] =	vst v63  }
0x2a5: {  	s13 =	sld [smem:$0x75D]  }
0x2a6: {  	s14 =	sld [smem:$0x75E]  }
0x2a7: {  	[tilespmem:s12], [sflag:$0x1] =	stream.indirect.gather [hbm4b:s3+s8], $0x1, s1, s8, $0xb8;
	[tilespmem:$0xC000] =	vst v63  }
0x2a8: {  	s1 =	sld [smem:$0x75F]  }
0x2a9: {  	s12 =	sld [smem:$0x760]  }
0x2aa: {  	[tilespmem:s14], [sflag:$0x1] =	stream.indirect.gather [hbm4b:s3+s8], $0x1, s13, s8, $0xb8;
	[tilespmem:$0xC000] =	vst v63  }
0x2ab: {  	s13 =	sld [smem:$0x761]  }
0x2ac: {  	s14 =	sld [smem:$0x762]  }
0x2ad: {  	[tilespmem:s12], [sflag:$0x1] =	stream.indirect.gather [hbm4b:s3+s8], $0x1, s1, s8, $0xb8;
	[tilespmem:$0xC000] =	vst v63  }
0x2ae: {  	s1 =	sld [smem:$0x763]  }
0x2af: {  	s12 =	sld [smem:$0x764]  }
0x2b0: {  	[tilespmem:s14], [sflag:$0x1] =	stream.indirect.gather [hbm4b:s3+s8], $0x1, s13, s8, $0xb8;
	[tilespmem:$0xC000] =	vst v63  }
0x2b1: {  	s13 =	sld [smem:$0x765]  }
0x2b2: {  	s14 =	sld [smem:$0x766]  }
0x2b3: {  	[tilespmem:s12], [sflag:$0x1] =	stream.indirect.gather [hbm4b:s3+s8], $0x1, s1, s8, $0xb8;
	[tilespmem:$0xC000] =	vst v63  }
0x2b4: {  	s1 =	sld [smem:$0x767]  }
0x2b5: {  	s12 =	sld [smem:$0x768]  }
0x2b6: {  	[tilespmem:s14], [sflag:$0x1] =	stream.indirect.gather [hbm4b:s3+s8], $0x1, s13, s8, $0xb8;
	[tilespmem:$0xC000] =	vst v63  }
0x2b7: {  	s13 =	sld [smem:$0x769]  }
0x2b8: {  	s14 =	sld [smem:$0x76A]  }
0x2b9: {  	[tilespmem:s12], [sflag:$0x1] =	stream.indirect.gather [hbm4b:s3+s8], $0x1, s1, s8, $0xb8;
	[tilespmem:$0xC000] =	vst v63  }
0x2ba: {  	s1 =	sld [smem:$0x76B]  }
0x2bb: {  	s12 =	sld [smem:$0x76C]  }
0x2bc: {  	[tilespmem:s14], [sflag:$0x1] =	stream.indirect.gather [hbm4b:s3+s8], $0x1, s13, s8, $0xb8;
	[tilespmem:$0xC000] =	vst v63  }
0x2bd: {  	s13 =	sld [smem:$0x76D]  }
0x2be: {  	s14 =	sld [smem:$0x76E]  }
0x2bf: {  	[tilespmem:s12], [sflag:$0x1] =	stream.indirect.gather [hbm4b:s3+s8], $0x1, s1, s8, $0xb8;
	[tilespmem:$0xC000] =	vst v63  }
0x2c0: {  	s1 =	sld [smem:$0x76F]  }
0x2c1: {  	s12 =	sld [smem:$0x770]  }
0x2c2: {  	[tilespmem:s14], [sflag:$0x1] =	stream.indirect.gather [hbm4b:s3+s8], $0x1, s13, s8, $0xb8;
	[tilespmem:$0xC000] =	vst v63  }
0x2c3: {  	s13 =	sld [smem:$0x771]  }
0x2c4: {  	s14 =	sld [smem:$0x772]  }
0x2c5: {  	[tilespmem:s12], [sflag:$0x1] =	stream.indirect.gather [hbm4b:s3+s8], $0x1, s1, s8, $0xb8;
	[tilespmem:$0xC000] =	vst v63  }
0x2c6: {  	s1 =	sld [smem:$0x773]  }
0x2c7: {  	s12 =	sld [smem:$0x774]  }
0x2c8: {  	[tilespmem:s14], [sflag:$0x1] =	stream.indirect.gather [hbm4b:s3+s8], $0x1, s13, s8, $0xb8;
	[tilespmem:$0xC000] =	vst v63  }
0x2c9: {  	s13 =	sld [smem:$0x775]  }
0x2ca: {  	s14 =	sld [smem:$0x776]  }
0x2cb: {  	[tilespmem:s12], [sflag:$0x1] =	stream.indirect.gather [hbm4b:s3+s8], $0x1, s1, s8, $0xb8;
	[tilespmem:$0xC000] =	vst v63  }
0x2cc: {  	s1 =	sld [smem:$0x777]  }
0x2cd: {  	s12 =	sld [smem:$0x778]  }
0x2ce: {  	[tilespmem:s14], [sflag:$0x1] =	stream.indirect.gather [hbm4b:s3+s8], $0x1, s13, s8, $0xb8;
	[tilespmem:$0xC000] =	vst v63  }
0x2cf: {  	s13 =	sld [smem:$0x779]  }
0x2d0: {  	s14 =	sld [smem:$0x77A]  }
0x2d1: {  	[tilespmem:s12], [sflag:$0x1] =	stream.indirect.gather [hbm4b:s3+s8], $0x1, s1, s8, $0xb8;
	[tilespmem:$0xC000] =	vst v63  }
0x2d2: {  	s1 =	sld [smem:$0x77B]  }
0x2d3: {  	s12 =	sld [smem:$0x77C]  }
0x2d4: {  	[tilespmem:s14], [sflag:$0x1] =	stream.indirect.gather [hbm4b:s3+s8], $0x1, s13, s8, $0xb8;
	[tilespmem:$0xC000] =	vst v63  }
0x2d5: {  	s13 =	sld [smem:$0x77D]  }
0x2d6: {  	s14 =	sld [smem:$0x77E]  }
0x2d7: {  	[tilespmem:s12], [sflag:$0x1] =	stream.indirect.gather [hbm4b:s3+s8], $0x1, s1, s8, $0xb8;
	[tilespmem:$0xC000] =	vst v63  }
0x2d8: {  	s1 =	sld [smem:$0x77F]  }
0x2d9: {  	s12 =	sld [smem:$0x780]  }
0x2da: {  	[tilespmem:s14], [sflag:$0x1] =	stream.indirect.gather [hbm4b:s3+s8], $0x1, s13, s8, $0xb8;
	[tilespmem:$0xC000] =	vst v63  }
0x2db: {  	s13 =	sld [smem:$0x781]  }
0x2dc: {  	s14 =	sld [smem:$0x782]  }
0x2dd: {  	[tilespmem:s12], [sflag:$0x1] =	stream.indirect.gather [hbm4b:s3+s8], $0x1, s1, s8, $0xb8;
	[tilespmem:$0xC000] =	vst v63  }
0x2de: {  	s1 =	sld [smem:$0x783]  }
0x2df: {  	s12 =	sld [smem:$0x784]  }
0x2e0: {  	[tilespmem:s14], [sflag:$0x1] =	stream.indirect.gather [hbm4b:s3+s8], $0x1, s13, s8, $0xb8;
	[tilespmem:$0xC000] =	vst v63  }
0x2e1: {  	s13 =	sld [smem:$0x785]  }
0x2e2: {  	s14 =	sld [smem:$0x786]  }
0x2e3: {  	[tilespmem:s12], [sflag:$0x1] =	stream.indirect.gather [hbm4b:s3+s8], $0x1, s1, s8, $0xb8;
	[tilespmem:$0xC000] =	vst v63  }
0x2e4: {  	s1 =	sld [smem:$0x787]  }
0x2e5: {  	s12 =	sld [smem:$0x788]  }
0x2e6: {  	[tilespmem:s14], [sflag:$0x1] =	stream.indirect.gather [hbm4b:s3+s8], $0x1, s13, s8, $0xb8;
	[tilespmem:$0xC000] =	vst v63  }
0x2e7: {  	s13 =	sld [smem:$0x789]  }
0x2e8: {  	s14 =	sld [smem:$0x78A]  }
0x2e9: {  	[tilespmem:s12], [sflag:$0x1] =	stream.indirect.gather [hbm4b:s3+s8], $0x1, s1, s8, $0xb8;
	[tilespmem:$0xC000] =	vst v63  }
0x2ea: {  	s1 =	sld [smem:$0x78B]  }
0x2eb: {  	s12 =	sld [smem:$0x78C]  }
0x2ec: {  	[tilespmem:s14], [sflag:$0x1] =	stream.indirect.gather [hbm4b:s3+s8], $0x1, s13, s8, $0xb8;
	[tilespmem:$0xC000] =	vst v63  }
0x2ed: {  	s13 =	sld [smem:$0x78D]  }
0x2ee: {  	s14 =	sld [smem:$0x78E]  }
0x2ef: {  	[tilespmem:s12], [sflag:$0x1] =	stream.indirect.gather [hbm4b:s3+s8], $0x1, s1, s8, $0xb8;
	[tilespmem:$0xC000] =	vst v63  }
0x2f0: {  	s1 =	sld [smem:$0x78F]  }
0x2f1: {  	s12 =	sld [smem:$0x790]  }
0x2f2: {  	[tilespmem:s14], [sflag:$0x1] =	stream.indirect.gather [hbm4b:s3+s8], $0x1, s13, s8, $0xb8;
	[tilespmem:$0xC000] =	vst v63  }
0x2f3: {  	s13 =	sld [smem:$0x791]  }
0x2f4: {  	s14 =	sld [smem:$0x792]  }
0x2f5: {  	[tilespmem:s12], [sflag:$0x1] =	stream.indirect.gather [hbm4b:s3+s8], $0x1, s1, s8, $0xb8;
	[tilespmem:$0xC000] =	vst v63  }
0x2f6: {  	s1 =	sld [smem:$0x793]  }
0x2f7: {  	s12 =	sld [smem:$0x794]  }
0x2f8: {  	[tilespmem:s14], [sflag:$0x1] =	stream.indirect.gather [hbm4b:s3+s8], $0x1, s13, s8, $0xb8;
	[tilespmem:$0xC000] =	vst v63  }
0x2f9: {  	s13 =	sld [smem:$0x795]  }
0x2fa: {  	[tilespmem:s11], [sflag:$0x1] =	stream.indirect.gather [hbm4b:s3+s8], $0x1, s7, s8, $0xb8;
	[tilespmem:$0xC000] =	vst v63  }
0x2fb: {  	s14 =	sld [smem:$0x796]  }
0x2fc: {  	[tilespmem:s12], [sflag:$0x1] =	stream.indirect.gather [hbm4b:s3+s8], $0x1, s1, s8, $0xb8;
	[tilespmem:$0xC000] =	vst v63  }
0x2fd: {  	s1 =	sld [smem:$0x797]  }
0x2fe: {  	s12 =	sld [smem:$0x798]  }
0x2ff: {  	[tilespmem:s14], [sflag:$0x1] =	stream.indirect.gather [hbm4b:s3+s8], $0x1, s13, s8, $0xb8;
	[tilespmem:$0xC000] =	vst v63  }
0x300: {  	s13 =	sld [smem:$0x799]  }
0x301: {  	s14 =	sld [smem:$0x79A]  }
0x302: {  	[tilespmem:s12], [sflag:$0x1] =	stream.indirect.gather [hbm4b:s3+s8], $0x1, s1, s8, $0xb8;
	[tilespmem:$0xC000] =	vst v63  }
0x303: {  	s1 =	sld [smem:$0x79B]  }
0x304: {  	s12 =	sld [smem:$0x79C]  }
0x305: {  	[tilespmem:s14], [sflag:$0x1] =	stream.indirect.gather [hbm4b:s3+s8], $0x1, s13, s8, $0xb8;
	[tilespmem:$0xC000] =	vst v63  }
0x306: {  	s13 =	sld [smem:$0x79D]  }
0x307: {  	s14 =	sld [smem:$0x79E]  }
0x308: {  	[tilespmem:s12], [sflag:$0x1] =	stream.indirect.gather [hbm4b:s3+s8], $0x1, s1, s8, $0xb8;
	[tilespmem:$0xC000] =	vst v63  }
0x309: {  	s1 =	sld [smem:$0x79F]  }
0x30a: {  	s12 =	sld [smem:$0x7A0]  }
0x30b: {  	[tilespmem:s14], [sflag:$0x1] =	stream.indirect.gather [hbm4b:s3+s8], $0x1, s13, s8, $0xb8;
	[tilespmem:$0xC000] =	vst v63  }
0x30c: {  	s13 =	sld [smem:$0x7A1]  }
0x30d: {  	s14 =	sld [smem:$0x7A2]  }
0x30e: {  	[tilespmem:s12], [sflag:$0x1] =	stream.indirect.gather [hbm4b:s3+s8], $0x1, s1, s8, $0xb8;
	[tilespmem:$0xC000] =	vst v63  }
0x30f: {  	s1 =	sld [smem:$0x7A3]  }
0x310: {  	s12 =	sld [smem:$0x7A4]  }
0x311: {  	[tilespmem:s14], [sflag:$0x1] =	stream.indirect.gather [hbm4b:s3+s8], $0x1, s13, s8, $0xb8;
	[tilespmem:$0xC000] =	vst v63  }
0x312: {  	s13 =	sld [smem:$0x7A5]  }
0x313: {  	s14 =	sld [smem:$0x7A6]  }
0x314: {  	[tilespmem:s12], [sflag:$0x1] =	stream.indirect.gather [hbm4b:s3+s8], $0x1, s1, s8, $0xb8;
	[tilespmem:$0xC000] =	vst v63  }
0x315: {  	s1 =	sld [smem:$0x7A7]  }
0x316: {  	s12 =	sld [smem:$0x7A8]  }
0x317: {  	[tilespmem:s14], [sflag:$0x1] =	stream.indirect.gather [hbm4b:s3+s8], $0x1, s13, s8, $0xb8;
	[tilespmem:$0xC000] =	vst v63  }
0x318: {  	s13 =	sld [smem:$0x7A9]  }
0x319: {  	s14 =	sld [smem:$0x7AA]  }
0x31a: {  	[tilespmem:s12], [sflag:$0x1] =	stream.indirect.gather [hbm4b:s3+s8], $0x1, s1, s8, $0xb8;
	[tilespmem:$0xC000] =	vst v63  }
0x31b: {  	s1 =	sld [smem:$0x7AB]  }
0x31c: {  	s12 =	sld [smem:$0x7AC]  }
0x31d: {  	[tilespmem:s14], [sflag:$0x1] =	stream.indirect.gather [hbm4b:s3+s8], $0x1, s13, s8, $0xb8;
	[tilespmem:$0xC000] =	vst v63  }
0x31e: {  	s13 =	sld [smem:$0x7AD]  }
0x31f: {  	s14 =	sld [smem:$0x7AE]  }
0x320: {  	[tilespmem:s12], [sflag:$0x1] =	stream.indirect.gather [hbm4b:s3+s8], $0x1, s1, s8, $0xb8;
	[tilespmem:$0xC000] =	vst v63  }
0x321: {  	s1 =	sld [smem:$0x7AF]  }
0x322: {  	s12 =	sld [smem:$0x7B0]  }
0x323: {  	[tilespmem:s14], [sflag:$0x1] =	stream.indirect.gather [hbm4b:s3+s8], $0x1, s13, s8, $0xb8;
	[tilespmem:$0xC000] =	vst v63  }
0x324: {  	s13 =	sld [smem:$0x7B1]  }
0x325: {  	s14 =	sld [smem:$0x7B2]  }
0x326: {  	[tilespmem:s12], [sflag:$0x1] =	stream.indirect.gather [hbm4b:s3+s8], $0x1, s1, s8, $0xb8;
	[tilespmem:$0xC000] =	vst v63  }
0x327: {  	s1 =	sld [smem:$0x7B3]  }
0x328: {  	s12 =	sld [smem:$0x7B4]  }
0x329: {  	[tilespmem:s14], [sflag:$0x1] =	stream.indirect.gather [hbm4b:s3+s8], $0x1, s13, s8, $0xb8;
	[tilespmem:$0xC000] =	vst v63  }
0x32a: {  	s13 =	sld [smem:$0x7B5]  }
0x32b: {  	s14 =	sld [smem:$0x7B6]  }
0x32c: {  	[tilespmem:s12], [sflag:$0x1] =	stream.indirect.gather [hbm4b:s3+s8], $0x1, s1, s8, $0xb8;
	[tilespmem:$0xC000] =	vst v63  }
0x32d: {  	s1 =	sld [smem:$0x7B7]  }
0x32e: {  	s12 =	sld [smem:$0x7B8]  }
0x32f: {  	[tilespmem:s14], [sflag:$0x1] =	stream.indirect.gather [hbm4b:s3+s8], $0x1, s13, s8, $0xb8;
	[tilespmem:$0xC000] =	vst v63  }
0x330: {  	s13 =	sld [smem:$0x7B9]  }
0x331: {  	s14 =	sld [smem:$0x7BA]  }
0x332: {  	[tilespmem:s12], [sflag:$0x1] =	stream.indirect.gather [hbm4b:s3+s8], $0x1, s1, s8, $0xb8;
	[tilespmem:$0xC000] =	vst v63  }
0x333: {  	s1 =	sld [smem:$0x7BB]  }
0x334: {  	s12 =	sld [smem:$0x7BC]  }
0x335: {  	[tilespmem:s14], [sflag:$0x1] =	stream.indirect.gather [hbm4b:s3+s8], $0x1, s13, s8, $0xb8;
	[tilespmem:$0xC000] =	vst v63  }
0x336: {  	s13 =	sld [smem:$0x7BD]  }
0x337: {  	s14 =	sld [smem:$0x7BE]  }
0x338: {  	[tilespmem:s12], [sflag:$0x1] =	stream.indirect.gather [hbm4b:s3+s8], $0x1, s1, s8, $0xb8;
	[tilespmem:$0xC000] =	vst v63  }
0x339: {  	_ = 	snop  }
0x33a: {  	[tilespmem:s14], [sflag:$0x1] =	stream.indirect.gather [hbm4b:s3+s8], $0x1, s13, s8, $0xb8;
	[tilespmem:$0xC000] =	vst v63  }
0x33b: {  	s1 =	sld [smem:$0x7BF]  }
0x33c: {  	s14 =	sld [smem:$0x7C0];
	_ =	sdelay $0x1  }
0x33d: {  	s12 =	sld [smem:$0x7C2]  }
0x33e: {  	[tilespmem:s14], [sflag:$0x1] =	stream.indirect.gather [hbm4b:s3+s8], $0x1, s1, s8, $0xb8;
	[tilespmem:$0xC000] =	vst v63  }
0x33f: {  	s1 =	sld [smem:$0x7C1]  }
0x340: {  	s13 =	sld [smem:$0x7C3]  }
0x341: {  	s14 =	sld [smem:$0x7C4]  }
0x342: {  	[tilespmem:s12], [sflag:$0x1] =	stream.indirect.gather [hbm4b:s3+s8], $0x1, s1, s8, $0xb8;
	[tilespmem:$0xC000] =	vst v63  }
0x343: {  	s1 =	sld [smem:$0x7C5]  }
0x344: {  	s12 =	sld [smem:$0x7C6]  }
0x345: {  	[tilespmem:s14], [sflag:$0x1] =	stream.indirect.gather [hbm4b:s3+s8], $0x1, s13, s8, $0xb8;
	[tilespmem:$0xC000] =	vst v63  }
0x346: {  	s13 =	sld [smem:$0x7C7]  }
0x347: {  	s14 =	sld [smem:$0x7C8]  }
0x348: {  	[tilespmem:s12], [sflag:$0x1] =	stream.indirect.gather [hbm4b:s3+s8], $0x1, s1, s8, $0xb8;
	[tilespmem:$0xC000] =	vst v63  }
0x349: {  	s1 =	sld [smem:$0x7C9]  }
0x34a: {  	s12 =	sld [smem:$0x7CA]  }
0x34b: {  	[tilespmem:s14], [sflag:$0x1] =	stream.indirect.gather [hbm4b:s3+s8], $0x1, s13, s8, $0xb8;
	[tilespmem:$0xC000] =	vst v63  }
0x34c: {  	s13 =	sld [smem:$0x7CB]  }
0x34d: {  	s14 =	sld [smem:$0x7CC]  }
0x34e: {  	[tilespmem:s12], [sflag:$0x1] =	stream.indirect.gather [hbm4b:s3+s8], $0x1, s1, s8, $0xb8;
	[tilespmem:$0xC000] =	vst v63  }
0x34f: {  	s1 =	sld [smem:$0x7CD]  }
0x350: {  	s12 =	sld [smem:$0x7CE]  }
0x351: {  	[tilespmem:s14], [sflag:$0x1] =	stream.indirect.gather [hbm4b:s3+s8], $0x1, s13, s8, $0xb8;
	[tilespmem:$0xC000] =	vst v63  }
0x352: {  	s13 =	sld [smem:$0x7CF]  }
0x353: {  	s14 =	sld [smem:$0x7D0]  }
0x354: {  	[tilespmem:s12], [sflag:$0x1] =	stream.indirect.gather [hbm4b:s3+s8], $0x1, s1, s8, $0xb8;
	[tilespmem:$0xC000] =	vst v63  }
0x355: {  	s1 =	sld [smem:$0x7D1]  }
0x356: {  	s12 =	sld [smem:$0x7D2]  }
0x357: {  	[tilespmem:s14], [sflag:$0x1] =	stream.indirect.gather [hbm4b:s3+s8], $0x1, s13, s8, $0xb8;
	[tilespmem:$0xC000] =	vst v63  }
0x358: {  	s13 =	sld [smem:$0x7D3]  }
0x359: {  	s14 =	sld [smem:$0x7D4]  }
0x35a: {  	[tilespmem:s12], [sflag:$0x1] =	stream.indirect.gather [hbm4b:s3+s8], $0x1, s1, s8, $0xb8;
	[tilespmem:$0xC000] =	vst v63  }
0x35b: {  	s1 =	sld [smem:$0x7D5]  }
0x35c: {  	s12 =	sld [smem:$0x7D6]  }
0x35d: {  	[tilespmem:s14], [sflag:$0x1] =	stream.indirect.gather [hbm4b:s3+s8], $0x1, s13, s8, $0xb8;
	[tilespmem:$0xC000] =	vst v63  }
0x35e: {  	s13 =	sld [smem:$0x7D7]  }
0x35f: {  	s14 =	sld [smem:$0x7D8]  }
0x360: {  	[tilespmem:s12], [sflag:$0x1] =	stream.indirect.gather [hbm4b:s3+s8], $0x1, s1, s8, $0xb8;
	[tilespmem:$0xC000] =	vst v63  }
0x361: {  	s1 =	sld [smem:$0x7D9]  }
0x362: {  	s12 =	sld [smem:$0x7DA]  }
0x363: {  	[tilespmem:s14], [sflag:$0x1] =	stream.indirect.gather [hbm4b:s3+s8], $0x1, s13, s8, $0xb8;
	[tilespmem:$0xC000] =	vst v63  }
0x364: {  	s13 =	sld [smem:$0x7DB]  }
0x365: {  	s14 =	sld [smem:$0x7DC]  }
0x366: {  	[tilespmem:s12], [sflag:$0x1] =	stream.indirect.gather [hbm4b:s3+s8], $0x1, s1, s8, $0xb8;
	[tilespmem:$0xC000] =	vst v63  }
0x367: {  	s1 =	sld [smem:$0x7DD]  }
0x368: {  	s12 =	sld [smem:$0x7DE]  }
0x369: {  	[tilespmem:s14], [sflag:$0x1] =	stream.indirect.gather [hbm4b:s3+s8], $0x1, s13, s8, $0xb8;
	[tilespmem:$0xC000] =	vst v63  }
0x36a: {  	s13 =	sld [smem:$0x7DF]  }
0x36b: {  	s14 =	sld [smem:$0x7E0]  }
0x36c: {  	[tilespmem:s12], [sflag:$0x1] =	stream.indirect.gather [hbm4b:s3+s8], $0x1, s1, s8, $0xb8;
	[tilespmem:$0xC000] =	vst v63  }
0x36d: {  	s1 =	sld [smem:$0x7E1]  }
0x36e: {  	s12 =	sld [smem:$0x7E2]  }
0x36f: {  	[tilespmem:s14], [sflag:$0x1] =	stream.indirect.gather [hbm4b:s3+s8], $0x1, s13, s8, $0xb8;
	[tilespmem:$0xC000] =	vst v63  }
0x370: {  	s13 =	sld [smem:$0x7E3]  }
0x371: {  	s14 =	sld [smem:$0x7E4]  }
0x372: {  	[tilespmem:s12], [sflag:$0x1] =	stream.indirect.gather [hbm4b:s3+s8], $0x1, s1, s8, $0xb8;
	[tilespmem:$0xC000] =	vst v63  }
0x373: {  	s1 =	sld [smem:$0x7E5]  }
0x374: {  	s12 =	sld [smem:$0x7E6]  }
0x375: {  	[tilespmem:s14], [sflag:$0x1] =	stream.indirect.gather [hbm4b:s3+s8], $0x1, s13, s8, $0xb8;
	[tilespmem:$0xC000] =	vst v63  }
0x376: {  	s13 =	sld [smem:$0x7E7]  }
0x377: {  	s14 =	sld [smem:$0x7E8]  }
0x378: {  	[tilespmem:s12], [sflag:$0x1] =	stream.indirect.gather [hbm4b:s3+s8], $0x1, s1, s8, $0xb8;
	[tilespmem:$0xC000] =	vst v63  }
0x379: {  	s1 =	sld [smem:$0x7E9]  }
0x37a: {  	s12 =	sld [smem:$0x7EA]  }
0x37b: {  	[tilespmem:s14], [sflag:$0x1] =	stream.indirect.gather [hbm4b:s3+s8], $0x1, s13, s8, $0xb8;
	[tilespmem:$0xC000] =	vst v63  }
0x37c: {  	s13 =	sld [smem:$0x7EB]  }
0x37d: {  	s14 =	sld [smem:$0x7EC]  }
0x37e: {  	[tilespmem:s12], [sflag:$0x1] =	stream.indirect.gather [hbm4b:s3+s8], $0x1, s1, s8, $0xb8;
	[tilespmem:$0xC000] =	vst v63  }
0x37f: {  	s1 =	sld [smem:$0x7ED]  }
0x380: {  	s12 =	sld [smem:$0x7EE]  }
0x381: {  	[tilespmem:s14], [sflag:$0x1] =	stream.indirect.gather [hbm4b:s3+s8], $0x1, s13, s8, $0xb8;
	[tilespmem:$0xC000] =	vst v63  }
0x382: {  	s13 =	sld [smem:$0x7EF]  }
0x383: {  	s14 =	sld [smem:$0x7F0]  }
0x384: {  	[tilespmem:s12], [sflag:$0x1] =	stream.indirect.gather [hbm4b:s3+s8], $0x1, s1, s8, $0xb8;
	[tilespmem:$0xC000] =	vst v63  }
0x385: {  	s1 =	sld [smem:$0x7F1]  }
0x386: {  	s12 =	sld [smem:$0x7F2]  }
0x387: {  	[tilespmem:s14], [sflag:$0x1] =	stream.indirect.gather [hbm4b:s3+s8], $0x1, s13, s8, $0xb8;
	[tilespmem:$0xC000] =	vst v63  }
0x388: {  	s13 =	sld [smem:$0x7F3]  }
0x389: {  	s14 =	sld [smem:$0x7F4]  }
0x38a: {  	[tilespmem:s12], [sflag:$0x1] =	stream.indirect.gather [hbm4b:s3+s8], $0x1, s1, s8, $0xb8;
	[tilespmem:$0xC000] =	vst v63  }
0x38b: {  	s1 =	sld [smem:$0x7F5]  }
0x38c: {  	s12 =	sld [smem:$0x7F6]  }
0x38d: {  	[tilespmem:s14], [sflag:$0x1] =	stream.indirect.gather [hbm4b:s3+s8], $0x1, s13, s8, $0xb8;
	[tilespmem:$0xC000] =	vst v63  }
0x38e: {  	s13 =	sld [smem:$0x7F7]  }
0x38f: {  	s14 =	sld [smem:$0x7F8]  }
0x390: {  	[tilespmem:s12], [sflag:$0x1] =	stream.indirect.gather [hbm4b:s3+s8], $0x1, s1, s8, $0xb8;
	[tilespmem:$0xC000] =	vst v63  }
0x391: {  	s1 =	sld [smem:$0x7F9]  }
0x392: {  	s12 =	sld [smem:$0x7FA]  }
0x393: {  	[tilespmem:s14], [sflag:$0x1] =	stream.indirect.gather [hbm4b:s3+s8], $0x1, s13, s8, $0xb8;
	[tilespmem:$0xC000] =	vst v63  }
0x394: {  	s13 =	sld [smem:$0x7FB]  }
0x395: {  	s14 =	sld [smem:$0x7FC]  }
0x396: {  	[tilespmem:s12], [sflag:$0x1] =	stream.indirect.gather [hbm4b:s3+s8], $0x1, s1, s8, $0xb8;
	[tilespmem:$0xC000] =	vst v63  }
0x397: {  	s12 =	sld [smem:$0x7FD]  }
0x398: {  	[tilespmem:s14], [sflag:$0x1] =	stream.indirect.gather [hbm4b:s3+s8], $0x1, s13, s8, $0xb8;
	[tilespmem:$0xC000] =	vst v63  }
0x399: {  	s14 =	simm.s32 $0xBB00  }
0x39a: {  	[tilespmem:s14], [sflag:$0x1] =	stream.indirect.gather [hbm4b:s3+s8], $0x1, s12, s8, $0xb8;
	[tilespmem:$0xC000] =	vst v63  }
0x39b: {  	s13 =	simm.s32 $0x5B80;
	s14 =	simm.s32 $0xBB80  }
0x39c: {  	[tilespmem:s14], [sflag:$0x1] =	stream.indirect.gather [hbm4b:s3+s8], $0x1, s13, s8, $0xb8;
	[tilespmem:$0xC000] =	vst v63  }
0x39d: {  	_ = 	snop  }
0x39e: {  	[tilespmem:s16], [sflag:$0x1] =	stream.indirect.gather [hbm4b:s3+s8], $0x1, s15, s8, $0xb8;
	[tilespmem:$0xC000] =	vst v63  }
0x39f: {  	_ = 	snop  }
0x3a0: {  	[tilespmem:s18], [sflag:$0x1] =	stream.indirect.gather [hbm4b:s3+s8], $0x1, s17, s8, $0xb8;
	[tilespmem:$0xC000] =	vst v63  }
0x3a1: {  	_ = 	snop  }
0x3a2: {  	[tilespmem:s20], [sflag:$0x1] =	stream.indirect.gather [hbm4b:s3+s8], $0x1, s19, s8, $0xb8;
	[tilespmem:$0xC000] =	vst v63  }
0x3a3: {  	_ = 	snop  }
0x3a4: {  	[tilespmem:s22], [sflag:$0x1] =	stream.indirect.gather [hbm4b:s3+s8], $0x1, s21, s8, $0xb8;
	[tilespmem:$0xC000] =	vst v63  }
0x3a5: {  	_ = 	snop  }
0x3a6: {  	[tilespmem:s24], [sflag:$0x1] =	stream.indirect.gather [hbm4b:s3+s8], $0x1, s23, s8, $0xb8;
	[tilespmem:$0xC000] =	vst v63  }
0x3a7: {  	_ = 	snop  }
0x3a8: {  	[tilespmem:s26], [sflag:$0x1] =	stream.indirect.gather [hbm4b:s3+s8], $0x1, s25, s8, $0xb8;
	[tilespmem:$0xC000] =	vst v63  }
0x3a9: {  	_ = 	snop  }
0x3aa: {  	[tilespmem:s29], [sflag:$0x1] =	stream.indirect.gather [hbm4b:s3+s8], $0x1, s28, s8, $0xb8;
	[tilespmem:$0xC000] =	vst v63  }
0x3ab: {  	_ = 	snop  }
0x3ac: {  	[tilespmem:s31], [sflag:$0x1] =	stream.indirect.gather [hbm4b:s3+s8], $0x1, s30, s8, $0xb8;
	[tilespmem:$0xC000] =	vst v63  }
0x3ad: {  	_ =	swait.ge [sflag:s0], $0x80  }
0x3ae: {  	[sflag:s0] =	ssyncset.done $0x0  }
0x3af: {  	[sflag:s0] =	ssyncadd.s32 $0xFFFFFF80  }
0x3b0: {  	_ =	swait.ge [sflag:s0], $0x80  }
0x3b1: {  	[sflag:s0] =	ssyncset.done $0x0  }
0x3b2: {  	[sflag:s0] =	ssyncadd.s32 $0xFFFFFF80  }
0x3b3: {  	_ =	swait.ge [sflag:s0], $0x80  }
0x3b4: {  	[sflag:s0] =	ssyncset.done $0x0  }
0x3b5: {  	[sflag:s0] =	ssyncadd.s32 $0xFFFFFF80  }
0x3b6: {  	_ =	swait.ge [sflag:s0], $0x80  }
0x3b7: {  	[sflag:s0] =	ssyncset.done $0x0  }
0x3b8: {  	[sflag:s0] =	ssyncadd.s32 $0xFFFFFF80  }
0x3b9: {  	_ =	swait.ge [sflag:s0], $0x80  }
0x3ba: {  	[sflag:s0] =	ssyncset.done $0x0  }
0x3bb: {  	[sflag:s0] =	ssyncadd.s32 $0xFFFFFF80  }
0x3bc: {  	_ =	swait.ge [sflag:s0], $0x80  }
0x3bd: {  	[sflag:s0] =	ssyncset.done $0x0  }
0x3be: {  	[sflag:s0] =	ssyncadd.s32 $0xFFFFFF80  }
0x3bf: {  	_ =	swait.ge [sflag:s0], $0x80  }
0x3c0: {  	[sflag:s0] =	ssyncset.done $0x0  }
0x3c1: {  	[sflag:s0] =	ssyncadd.s32 $0xFFFFFF80  }
0x3c2: {  	_ =	swait.ge [sflag:s0], $0x80  }
0x3c3: {  	[sflag:s0] =	ssyncset.done $0x0  }
0x3c4: {  	[sflag:s0] =	ssyncadd.s32 $0xFFFFFF80  }
0x3c5: {  	_ =	swait.ge [sflag:s0], $0x80  }
0x3c6: {  	[sflag:s0] =	ssyncset.done $0x0  }
0x3c7: {  	[sflag:s0] =	ssyncadd.s32 $0xFFFFFF80  }
0x3c8: {  	_ =	swait.ge [sflag:s0], $0x80  }
0x3c9: {  	[sflag:s0] =	ssyncset.done $0x0  }
0x3ca: {  	[sflag:s0] =	ssyncadd.s32 $0xFFFFFF80  }
0x3cb: {  	_ =	swait.ge [sflag:s0], $0x80  }
0x3cc: {  	[sflag:s0] =	ssyncset.done $0x0  }
0x3cd: {  	[sflag:s0] =	ssyncadd.s32 $0xFFFFFF80  }
0x3ce: {  	_ =	swait.ge [sflag:s0], $0x80  }
0x3cf: {  	[sflag:s0] =	ssyncset.done $0x0  }
0x3d0: {  	[sflag:s0] =	ssyncadd.s32 $0xFFFFFF80  }
0x3d1: {  	_ =	swait.ge [sflag:s0], $0x80  }
0x3d2: {  	[sflag:s0] =	ssyncset.done $0x0  }
0x3d3: {  	[sflag:s0] =	ssyncadd.s32 $0xFFFFFF80  }
0x3d4: {  	_ =	swait.ge [sflag:s0], $0x80  }
0x3d5: {  	[sflag:s0] =	ssyncset.done $0x0  }
0x3d6: {  	[sflag:s0] =	ssyncadd.s32 $0xFFFFFF80  }
0x3d7: {  	_ =	swait.ge [sflag:s0], $0x80  }
0x3d8: {  	[sflag:s0] =	ssyncset.done $0x0  }
0x3d9: {  	[sflag:s0] =	ssyncadd.s32 $0xFFFFFF80  }
0x3da: {  	_ =	swait.ge [sflag:s0], $0x80  }
0x3db: {  	[sflag:s0] =	ssyncset.done $0x0  }
0x3dc: {  	[sflag:s0] =	ssyncadd.s32 $0xFFFFFF80  }
0x3dd: {  	_ =	swait.ge [sflag:s0], $0x80  }
0x3de: {  	[sflag:s0] =	ssyncset.done $0x0  }
0x3df: {  	[sflag:s0] =	ssyncadd.s32 $0xFFFFFF80  }
0x3e0: {  	_ =	swait.ge [sflag:s0], $0x80  }
0x3e1: {  	[sflag:s0] =	ssyncset.done $0x0  }
0x3e2: {  	[sflag:s0] =	ssyncadd.s32 $0xFFFFFF80  }
0x3e3: {  	_ =	swait.ge [sflag:s0], $0x80  }
0x3e4: {  	[sflag:s0] =	ssyncset.done $0x0  }
0x3e5: {  	[sflag:s0] =	ssyncadd.s32 $0xFFFFFF80  }
0x3e6: {  	_ =	swait.ge [sflag:s0], $0x80  }
0x3e7: {  	[sflag:s0] =	ssyncset.done $0x0  }
0x3e8: {  	[sflag:s0] =	ssyncadd.s32 $0xFFFFFF80  }
0x3e9: {  	_ =	swait.ge [sflag:s0], $0x80  }
0x3ea: {  	[sflag:s0] =	ssyncset.done $0x0  }
0x3eb: {  	[sflag:s0] =	ssyncadd.s32 $0xFFFFFF80  }
0x3ec: {  	_ =	swait.ge [sflag:s0], $0x80  }
0x3ed: {  	[sflag:s0] =	ssyncset.done $0x0  }
0x3ee: {  	[sflag:s0] =	ssyncadd.s32 $0xFFFFFF80  }
0x3ef: {  	_ =	swait.ge [sflag:s0], $0x80  }
0x3f0: {  	[sflag:s0] =	ssyncset.done $0x0  }
0x3f1: {  	[sflag:s0] =	ssyncadd.s32 $0xFFFFFF80  }
0x3f2: {  	_ =	swait.ge [sflag:s0], $0x80  }
0x3f3: {  	[sflag:s0] =	ssyncset.done $0x0  }
0x3f4: {  	[sflag:s0] =	ssyncadd.s32 $0xFFFFFF80  }
0x3f5: {  	_ =	swait.ge [sflag:s0], $0x80  }
0x3f6: {  	[sflag:s0] =	ssyncset.done $0x0  }
0x3f7: {  	[sflag:s0] =	ssyncadd.s32 $0xFFFFFF80  }
0x3f8: {  	_ =	swait.ge [sflag:s0], $0x80  }
0x3f9: {  	[sflag:s0] =	ssyncset.done $0x0  }
0x3fa: {  	[sflag:s0] =	ssyncadd.s32 $0xFFFFFF80  }
0x3fb: {  	_ =	swait.ge [sflag:s0], $0x80  }
0x3fc: {  	[sflag:s0] =	ssyncset.done $0x0  }
0x3fd: {  	[sflag:s0] =	ssyncadd.s32 $0xFFFFFF80  }
0x3fe: {  	_ =	swait.ge [sflag:s0], $0x80  }
0x3ff: {  	[sflag:s0] =	ssyncset.done $0x0  }
0x400: {  	[sflag:s0] =	ssyncadd.s32 $0xFFFFFF80  }
0x401: {  	_ =	swait.ge [sflag:s0], $0x80  }
0x402: {  	[sflag:s0] =	ssyncset.done $0x0  }
0x403: {  	[sflag:s0] =	ssyncadd.s32 $0xFFFFFF80  }
0x404: {  	_ =	swait.ge [sflag:s0], $0x80  }
0x405: {  	[sflag:s0] =	ssyncset.done $0x0  }
0x406: {  	[sflag:s0] =	ssyncadd.s32 $0xFFFFFF80  }
0x407: {  	_ =	swait.ge [sflag:s0], $0x80  }
0x408: {  	[sflag:s0] =	ssyncset.done $0x0  }
0x409: {  	[sflag:s0] =	ssyncadd.s32 $0xFFFFFF80  }
0x40a: {  	_ =	swait.ge [sflag:s0], $0x80  }
0x40b: {  	[sflag:s0] =	ssyncset.done $0x0  }
0x40c: {  	[sflag:s0] =	ssyncadd.s32 $0xFFFFFF80  }
0x40d: {  	_ =	swait.ge [sflag:s0], $0x80  }
0x40e: {  	[sflag:s0] =	ssyncset.done $0x0  }
0x40f: {  	[sflag:s0] =	ssyncadd.s32 $0xFFFFFF80  }
0x410: {  	_ =	swait.ge [sflag:s0], $0x80  }
0x411: {  	[sflag:s0] =	ssyncset.done $0x0  }
0x412: {  	[sflag:s0] =	ssyncadd.s32 $0xFFFFFF80  }
0x413: {  	_ =	swait.ge [sflag:s0], $0x80  }
0x414: {  	[sflag:s0] =	ssyncset.done $0x0  }
0x415: {  	[sflag:s0] =	ssyncadd.s32 $0xFFFFFF80  }
0x416: {  	_ =	swait.ge [sflag:s0], $0x80  }
0x417: {  	[sflag:s0] =	ssyncset.done $0x0  }
0x418: {  	[sflag:s0] =	ssyncadd.s32 $0xFFFFFF80  }
0x419: {  	_ =	swait.ge [sflag:s0], $0x80  }
0x41a: {  	[sflag:s0] =	ssyncset.done $0x0  }
0x41b: {  	[sflag:s0] =	ssyncadd.s32 $0xFFFFFF80  }
0x41c: {  	_ =	swait.ge [sflag:s0], $0x80  }
0x41d: {  	[sflag:s0] =	ssyncset.done $0x0  }
0x41e: {  	[sflag:s0] =	ssyncadd.s32 $0xFFFFFF80  }
0x41f: {  	_ =	swait.ge [sflag:s0], $0x80  }
0x420: {  	[sflag:s0] =	ssyncset.done $0x0  }
0x421: {  	[sflag:s0] =	ssyncadd.s32 $0xFFFFFF80  }
0x422: {  	_ =	swait.ge [sflag:s0], $0x80  }
0x423: {  	[sflag:s0] =	ssyncset.done $0x0  }
0x424: {  	[sflag:s0] =	ssyncadd.s32 $0xFFFFFF80  }
0x425: {  	_ =	swait.ge [sflag:s0], $0x80  }
0x426: {  	[sflag:s0] =	ssyncset.done $0x0  }
0x427: {  	[sflag:s0] =	ssyncadd.s32 $0xFFFFFF80  }
0x428: {  	_ =	swait.ge [sflag:s0], $0x80  }
0x429: {  	[sflag:s0] =	ssyncset.done $0x0  }
0x42a: {  	[sflag:s0] =	ssyncadd.s32 $0xFFFFFF80  }
0x42b: {  	_ =	swait.ge [sflag:s0], $0x80  }
0x42c: {  	[sflag:s0] =	ssyncset.done $0x0  }
0x42d: {  	[sflag:s0] =	ssyncadd.s32 $0xFFFFFF80  }
0x42e: {  	_ =	swait.ge [sflag:s0], $0x80  }
0x42f: {  	[sflag:s0] =	ssyncset.done $0x0  }
0x430: {  	[sflag:s0] =	ssyncadd.s32 $0xFFFFFF80  }
0x431: {  	_ =	swait.ge [sflag:s0], $0x80  }
0x432: {  	[sflag:s0] =	ssyncset.done $0x0  }
0x433: {  	[sflag:s0] =	ssyncadd.s32 $0xFFFFFF80  }
0x434: {  	_ =	swait.ge [sflag:s0], $0x80  }
0x435: {  	[sflag:s0] =	ssyncset.done $0x0  }
0x436: {  	[sflag:s0] =	ssyncadd.s32 $0xFFFFFF80  }
0x437: {  	_ =	swait.ge [sflag:s0], $0x80  }
0x438: {  	[sflag:s0] =	ssyncset.done $0x0  }
0x439: {  	[sflag:s0] =	ssyncadd.s32 $0xFFFFFF80  }
0x43a: {  	_ =	swait.ge [sflag:s0], $0x80  }
0x43b: {  	[sflag:s0] =	ssyncset.done $0x0  }
0x43c: {  	[sflag:s0] =	ssyncadd.s32 $0xFFFFFF80  }
0x43d: {  	_ =	swait.ge [sflag:s0], $0x80  }
0x43e: {  	[sflag:s0] =	ssyncset.done $0x0  }
0x43f: {  	[sflag:s0] =	ssyncadd.s32 $0xFFFFFF80  }
0x440: {  	_ =	swait.ge [sflag:s0], $0x80  }
0x441: {  	[sflag:s0] =	ssyncset.done $0x0  }
0x442: {  	[sflag:s0] =	ssyncadd.s32 $0xFFFFFF80  }
0x443: {  	_ =	swait.ge [sflag:s0], $0x80  }
0x444: {  	[sflag:s0] =	ssyncset.done $0x0  }
0x445: {  	[sflag:s0] =	ssyncadd.s32 $0xFFFFFF80  }
0x446: {  	_ =	swait.ge [sflag:s0], $0x80  }
0x447: {  	[sflag:s0] =	ssyncset.done $0x0  }
0x448: {  	[sflag:s0] =	ssyncadd.s32 $0xFFFFFF80  }
0x449: {  	_ =	swait.ge [sflag:s0], $0x80  }
0x44a: {  	[sflag:s0] =	ssyncset.done $0x0  }
0x44b: {  	[sflag:s0] =	ssyncadd.s32 $0xFFFFFF80  }
0x44c: {  	_ =	swait.ge [sflag:s0], $0x80  }
0x44d: {  	[sflag:s0] =	ssyncset.done $0x0  }
0x44e: {  	[sflag:s0] =	ssyncadd.s32 $0xFFFFFF80  }
0x44f: {  	_ =	swait.ge [sflag:s0], $0x80  }
0x450: {  	[sflag:s0] =	ssyncset.done $0x0  }
0x451: {  	[sflag:s0] =	ssyncadd.s32 $0xFFFFFF80  }
0x452: {  	_ =	swait.ge [sflag:s0], $0x80  }
0x453: {  	[sflag:s0] =	ssyncset.done $0x0  }
0x454: {  	[sflag:s0] =	ssyncadd.s32 $0xFFFFFF80  }
0x455: {  	_ =	swait.ge [sflag:s0], $0x80  }
0x456: {  	[sflag:s0] =	ssyncset.done $0x0  }
0x457: {  	[sflag:s0] =	ssyncadd.s32 $0xFFFFFF80  }
0x458: {  	_ =	swait.ge [sflag:s0], $0x80  }
0x459: {  	[sflag:s0] =	ssyncset.done $0x0  }
0x45a: {  	[sflag:s0] =	ssyncadd.s32 $0xFFFFFF80  }
0x45b: {  	_ =	swait.ge [sflag:s0], $0x80  }
0x45c: {  	[sflag:s0] =	ssyncset.done $0x0  }
0x45d: {  	[sflag:s0] =	ssyncadd.s32 $0xFFFFFF80  }
0x45e: {  	_ =	swait.ge [sflag:s0], $0x80  }
0x45f: {  	[sflag:s0] =	ssyncset.done $0x0  }
0x460: {  	[sflag:s0] =	ssyncadd.s32 $0xFFFFFF80  }
0x461: {  	_ =	swait.ge [sflag:s0], $0x80  }
0x462: {  	[sflag:s0] =	ssyncset.done $0x0  }
0x463: {  	[sflag:s0] =	ssyncadd.s32 $0xFFFFFF80  }
0x464: {  	_ =	swait.ge [sflag:s0], $0x80  }
0x465: {  	[sflag:s0] =	ssyncset.done $0x0  }
0x466: {  	[sflag:s0] =	ssyncadd.s32 $0xFFFFFF80  }
0x467: {  	_ =	swait.ge [sflag:s0], $0x80  }
0x468: {  	[sflag:s0] =	ssyncset.done $0x0  }
0x469: {  	[sflag:s0] =	ssyncadd.s32 $0xFFFFFF80  }
0x46a: {  	_ =	swait.ge [sflag:s0], $0x80  }
0x46b: {  	[sflag:s0] =	ssyncset.done $0x0  }
0x46c: {  	[sflag:s0] =	ssyncadd.s32 $0xFFFFFF80  }
0x46d: {  	_ =	swait.ge [sflag:s0], $0x80  }
0x46e: {  	[sflag:s0] =	ssyncset.done $0x0  }
0x46f: {  	[sflag:s0] =	ssyncadd.s32 $0xFFFFFF80  }
0x470: {  	_ =	swait.ge [sflag:s0], $0x80  }
0x471: {  	[sflag:s0] =	ssyncset.done $0x0  }
0x472: {  	[sflag:s0] =	ssyncadd.s32 $0xFFFFFF80  }
0x473: {  	_ =	swait.ge [sflag:s0], $0x80  }
0x474: {  	[sflag:s0] =	ssyncset.done $0x0  }
0x475: {  	[sflag:s0] =	ssyncadd.s32 $0xFFFFFF80  }
0x476: {  	_ =	swait.ge [sflag:s0], $0x80  }
0x477: {  	[sflag:s0] =	ssyncset.done $0x0  }
0x478: {  	[sflag:s0] =	ssyncadd.s32 $0xFFFFFF80  }
0x479: {  	_ =	swait.ge [sflag:s0], $0x80  }
0x47a: {  	[sflag:s0] =	ssyncset.done $0x0  }
0x47b: {  	[sflag:s0] =	ssyncadd.s32 $0xFFFFFF80  }
0x47c: {  	_ =	swait.ge [sflag:s0], $0x80  }
0x47d: {  	[sflag:s0] =	ssyncset.done $0x0  }
0x47e: {  	[sflag:s0] =	ssyncadd.s32 $0xFFFFFF80  }
0x47f: {  	_ =	swait.ge [sflag:s0], $0x80  }
0x480: {  	[sflag:s0] =	ssyncset.done $0x0  }
0x481: {  	[sflag:s0] =	ssyncadd.s32 $0xFFFFFF80  }
0x482: {  	_ =	swait.ge [sflag:s0], $0x80  }
0x483: {  	[sflag:s0] =	ssyncset.done $0x0  }
0x484: {  	[sflag:s0] =	ssyncadd.s32 $0xFFFFFF80  }
0x485: {  	_ =	swait.ge [sflag:s0], $0x80  }
0x486: {  	[sflag:s0] =	ssyncset.done $0x0  }
0x487: {  	[sflag:s0] =	ssyncadd.s32 $0xFFFFFF80  }
0x488: {  	_ =	swait.ge [sflag:s0], $0x80  }
0x489: {  	[sflag:s0] =	ssyncset.done $0x0  }
0x48a: {  	[sflag:s0] =	ssyncadd.s32 $0xFFFFFF80  }
0x48b: {  	_ =	swait.ge [sflag:s0], $0x80  }
0x48c: {  	[sflag:s0] =	ssyncset.done $0x0  }
0x48d: {  	[sflag:s0] =	ssyncadd.s32 $0xFFFFFF80  }
0x48e: {  	_ =	swait.ge [sflag:s0], $0x80  }
0x48f: {  	[sflag:s0] =	ssyncset.done $0x0  }
0x490: {  	[sflag:s0] =	ssyncadd.s32 $0xFFFFFF80  }
0x491: {  	_ =	swait.ge [sflag:s0], $0x80  }
0x492: {  	[sflag:s0] =	ssyncset.done $0x0  }
0x493: {  	[sflag:s0] =	ssyncadd.s32 $0xFFFFFF80  }
0x494: {  	_ =	swait.ge [sflag:s0], $0x80  }
0x495: {  	[sflag:s0] =	ssyncset.done $0x0  }
0x496: {  	[sflag:s0] =	ssyncadd.s32 $0xFFFFFF80  }
0x497: {  	_ =	swait.ge [sflag:s0], $0x80  }
0x498: {  	[sflag:s0] =	ssyncset.done $0x0  }
0x499: {  	[sflag:s0] =	ssyncadd.s32 $0xFFFFFF80  }
0x49a: {  	_ =	swait.ge [sflag:s0], $0x80  }
0x49b: {  	[sflag:s0] =	ssyncset.done $0x0  }
0x49c: {  	[sflag:s0] =	ssyncadd.s32 $0xFFFFFF80  }
0x49d: {  	_ =	swait.ge [sflag:s0], $0x80  }
0x49e: {  	[sflag:s0] =	ssyncset.done $0x0  }
0x49f: {  	[sflag:s0] =	ssyncadd.s32 $0xFFFFFF80  }
0x4a0: {  	_ =	swait.ge [sflag:s0], $0x80  }
0x4a1: {  	[sflag:s0] =	ssyncset.done $0x0  }
0x4a2: {  	[sflag:s0] =	ssyncadd.s32 $0xFFFFFF80  }
0x4a3: {  	_ =	swait.ge [sflag:s0], $0x80  }
0x4a4: {  	[sflag:s0] =	ssyncset.done $0x0  }
0x4a5: {  	[sflag:s0] =	ssyncadd.s32 $0xFFFFFF80  }
0x4a6: {  	_ =	swait.ge [sflag:s0], $0x80  }
0x4a7: {  	[sflag:s0] =	ssyncset.done $0x0  }
0x4a8: {  	[sflag:s0] =	ssyncadd.s32 $0xFFFFFF80  }
0x4a9: {  	_ =	swait.ge [sflag:s0], $0x80  }
0x4aa: {  	[sflag:s0] =	ssyncset.done $0x0  }
0x4ab: {  	[sflag:s0] =	ssyncadd.s32 $0xFFFFFF80  }
0x4ac: {  	_ =	swait.ge [sflag:s0], $0x80  }
0x4ad: {  	[sflag:s0] =	ssyncset.done $0x0  }
0x4ae: {  	[sflag:s0] =	ssyncadd.s32 $0xFFFFFF80  }
0x4af: {  	_ =	swait.ge [sflag:s0], $0x80  }
0x4b0: {  	[sflag:s0] =	ssyncset.done $0x0  }
0x4b1: {  	[sflag:s0] =	ssyncadd.s32 $0xFFFFFF80  }
0x4b2: {  	_ =	swait.ge [sflag:s0], $0x80  }
0x4b3: {  	[sflag:s0] =	ssyncset.done $0x0  }
0x4b4: {  	[sflag:s0] =	ssyncadd.s32 $0xFFFFFF80  }
0x4b5: {  	_ =	swait.ge [sflag:s0], $0x80  }
0x4b6: {  	[sflag:s0] =	ssyncset.done $0x0  }
0x4b7: {  	[sflag:s0] =	ssyncadd.s32 $0xFFFFFF80  }
0x4b8: {  	_ =	swait.ge [sflag:s0], $0x80  }
0x4b9: {  	[sflag:s0] =	ssyncset.done $0x0  }
0x4ba: {  	[sflag:s0] =	ssyncadd.s32 $0xFFFFFF80  }
0x4bb: {  	_ =	swait.ge [sflag:s0], $0x80  }
0x4bc: {  	[sflag:s0] =	ssyncset.done $0x0  }
0x4bd: {  	[sflag:s0] =	ssyncadd.s32 $0xFFFFFF80  }
0x4be: {  	_ =	swait.ge [sflag:s0], $0x80  }
0x4bf: {  	[sflag:s0] =	ssyncset.done $0x0  }
0x4c0: {  	[sflag:s0] =	ssyncadd.s32 $0xFFFFFF80  }
0x4c1: {  	_ =	swait.ge [sflag:s0], $0x80  }
0x4c2: {  	[sflag:s0] =	ssyncset.done $0x0  }
0x4c3: {  	[sflag:s0] =	ssyncadd.s32 $0xFFFFFF80  }
0x4c4: {  	_ =	swait.ge [sflag:s0], $0x80  }
0x4c5: {  	[sflag:s0] =	ssyncset.done $0x0  }
0x4c6: {  	[sflag:s0] =	ssyncadd.s32 $0xFFFFFF80  }
0x4c7: {  	_ =	swait.ge [sflag:s0], $0x80  }
0x4c8: {  	[sflag:s0] =	ssyncset.done $0x0  }
0x4c9: {  	[sflag:s0] =	ssyncadd.s32 $0xFFFFFF80  }
0x4ca: {  	_ =	swait.ge [sflag:s0], $0x80  }
0x4cb: {  	[sflag:s0] =	ssyncset.done $0x0  }
0x4cc: {  	[sflag:s0] =	ssyncadd.s32 $0xFFFFFF80  }
0x4cd: {  	_ =	swait.ge [sflag:s0], $0x80  }
0x4ce: {  	[sflag:s0] =	ssyncset.done $0x0  }
0x4cf: {  	[sflag:s0] =	ssyncadd.s32 $0xFFFFFF80  }
0x4d0: {  	_ =	swait.ge [sflag:s0], $0x80  }
0x4d1: {  	[sflag:s0] =	ssyncset.done $0x0  }
0x4d2: {  	[sflag:s0] =	ssyncadd.s32 $0xFFFFFF80  }
0x4d3: {  	_ =	swait.ge [sflag:s0], $0x80  }
0x4d4: {  	[sflag:s0] =	ssyncset.done $0x0  }
0x4d5: {  	[sflag:s0] =	ssyncadd.s32 $0xFFFFFF80  }
0x4d6: {  	_ =	swait.ge [sflag:s0], $0x80  }
0x4d7: {  	[sflag:s0] =	ssyncset.done $0x0  }
0x4d8: {  	[sflag:s0] =	ssyncadd.s32 $0xFFFFFF80  }
0x4d9: {  	_ =	swait.ge [sflag:s0], $0x80  }
0x4da: {  	[sflag:s0] =	ssyncset.done $0x0  }
0x4db: {  	[sflag:s0] =	ssyncadd.s32 $0xFFFFFF80  }
0x4dc: {  	_ =	swait.ge [sflag:s0], $0x80  }
0x4dd: {  	[sflag:s0] =	ssyncset.done $0x0  }
0x4de: {  	[sflag:s0] =	ssyncadd.s32 $0xFFFFFF80  }
0x4df: {  	_ =	swait.ge [sflag:s0], $0x80  }
0x4e0: {  	[sflag:s0] =	ssyncset.done $0x0  }
0x4e1: {  	[sflag:s0] =	ssyncadd.s32 $0xFFFFFF80  }
0x4e2: {  	_ =	swait.ge [sflag:s0], $0x80  }
0x4e3: {  	[sflag:s0] =	ssyncset.done $0x0  }
0x4e4: {  	[sflag:s0] =	ssyncadd.s32 $0xFFFFFF80  }
0x4e5: {  	_ =	swait.ge [sflag:s0], $0x80  }
0x4e6: {  	[sflag:s0] =	ssyncset.done $0x0  }
0x4e7: {  	[sflag:s0] =	ssyncadd.s32 $0xFFFFFF80  }
0x4e8: {  	_ =	swait.ge [sflag:s0], $0x80  }
0x4e9: {  	[sflag:s0] =	ssyncset.done $0x0  }
0x4ea: {  	[sflag:s0] =	ssyncadd.s32 $0xFFFFFF80  }
0x4eb: {  	_ =	swait.ge [sflag:s0], $0x80  }
0x4ec: {  	[sflag:s0] =	ssyncset.done $0x0  }
0x4ed: {  	[sflag:s0] =	ssyncadd.s32 $0xFFFFFF80  }
0x4ee: {  	_ =	swait.ge [sflag:s0], $0x80  }
0x4ef: {  	[sflag:s0] =	ssyncset.done $0x0  }
0x4f0: {  	[sflag:s0] =	ssyncadd.s32 $0xFFFFFF80  }
0x4f1: {  	_ =	swait.ge [sflag:s0], $0x80  }
0x4f2: {  	[sflag:s0] =	ssyncset.done $0x0  }
0x4f3: {  	[sflag:s0] =	ssyncadd.s32 $0xFFFFFF80  }
0x4f4: {  	_ =	swait.ge [sflag:s0], $0x80  }
0x4f5: {  	[sflag:s0] =	ssyncset.done $0x0  }
0x4f6: {  	[sflag:s0] =	ssyncadd.s32 $0xFFFFFF80  }
0x4f7: {  	_ =	swait.ge [sflag:s0], $0x80  }
0x4f8: {  	[sflag:s0] =	ssyncset.done $0x0  }
0x4f9: {  	[sflag:s0] =	ssyncadd.s32 $0xFFFFFF80  }
0x4fa: {  	_ =	swait.ge [sflag:s0], $0x80  }
0x4fb: {  	[sflag:s0] =	ssyncset.done $0x0  }
0x4fc: {  	[sflag:s0] =	ssyncadd.s32 $0xFFFFFF80  }
0x4fd: {  	_ =	swait.ge [sflag:s0], $0x80  }
0x4fe: {  	[sflag:s0] =	ssyncset.done $0x0  }
0x4ff: {  	[sflag:s0] =	ssyncadd.s32 $0xFFFFFF80  }
0x500: {  	_ =	swait.ge [sflag:s0], $0x80  }
0x501: {  	[sflag:s0] =	ssyncset.done $0x0  }
0x502: {  	[sflag:s0] =	ssyncadd.s32 $0xFFFFFF80  }
0x503: {  	_ =	swait.ge [sflag:s0], $0x80  }
0x504: {  	[sflag:s0] =	ssyncset.done $0x0  }
0x505: {  	[sflag:s0] =	ssyncadd.s32 $0xFFFFFF80  }
0x506: {  	_ =	swait.ge [sflag:s0], $0x80  }
0x507: {  	[sflag:s0] =	ssyncset.done $0x0  }
0x508: {  	[sflag:s0] =	ssyncadd.s32 $0xFFFFFF80  }
0x509: {  	_ =	swait.ge [sflag:s0], $0x80  }
0x50a: {  	[sflag:s0] =	ssyncset.done $0x0  }
0x50b: {  	[sflag:s0] =	ssyncadd.s32 $0xFFFFFF80  }
0x50c: {  	_ =	swait.ge [sflag:s0], $0x80  }
0x50d: {  	[sflag:s0] =	ssyncset.done $0x0  }
0x50e: {  	[sflag:s0] =	ssyncadd.s32 $0xFFFFFF80  }
0x50f: {  	_ =	swait.ge [sflag:s0], $0x80  }
0x510: {  	[sflag:s0] =	ssyncset.done $0x0  }
0x511: {  	[sflag:s0] =	ssyncadd.s32 $0xFFFFFF80  }
0x512: {  	_ =	swait.ge [sflag:s0], $0x80  }
0x513: {  	[sflag:s0] =	ssyncset.done $0x0  }
0x514: {  	[sflag:s0] =	ssyncadd.s32 $0xFFFFFF80  }
0x515: {  	_ =	swait.ge [sflag:s0], $0x80  }
0x516: {  	[sflag:s0] =	ssyncset.done $0x0  }
0x517: {  	[sflag:s0] =	ssyncadd.s32 $0xFFFFFF80  }
0x518: {  	_ =	swait.ge [sflag:s0], $0x80  }
0x519: {  	[sflag:s0] =	ssyncset.done $0x0  }
0x51a: {  	[sflag:s0] =	ssyncadd.s32 $0xFFFFFF80  }
0x51b: {  	_ =	swait.ge [sflag:s0], $0x80  }
0x51c: {  	[sflag:s0] =	ssyncset.done $0x0  }
0x51d: {  	[sflag:s0] =	ssyncadd.s32 $0xFFFFFF80  }
0x51e: {  	_ =	swait.ge [sflag:s0], $0x80  }
0x51f: {  	[sflag:s0] =	ssyncset.done $0x0  }
0x520: {  	[sflag:s0] =	ssyncadd.s32 $0xFFFFFF80  }
0x521: {  	_ =	swait.ge [sflag:s0], $0x80  }
0x522: {  	[sflag:s0] =	ssyncset.done $0x0  }
0x523: {  	[sflag:s0] =	ssyncadd.s32 $0xFFFFFF80  }
0x524: {  	_ =	swait.ge [sflag:s0], $0x80  }
0x525: {  	[sflag:s0] =	ssyncset.done $0x0  }
0x526: {  	[sflag:s0] =	ssyncadd.s32 $0xFFFFFF80  }
0x527: {  	_ =	swait.ge [sflag:s0], $0x80  }
0x528: {  	[sflag:s0] =	ssyncset.done $0x0  }
0x529: {  	[sflag:s0] =	ssyncadd.s32 $0xFFFFFF80  }
0x52a: {  	_ =	swait.ge [sflag:s0], $0x80  }
0x52b: {  	[sflag:s0] =	ssyncset.done $0x0  }
0x52c: {  	[sflag:s0] =	ssyncadd.s32 $0xFFFFFF80  }
0x52d: {  	_ =	swait.ge [sflag:s0], $0x80  }
0x52e: {  	[sflag:s0] =	ssyncset.done $0x0  }
0x52f: {  	[sflag:s0] =	ssyncadd.s32 $0xFFFFFF80  }
0x530: {  	_ =	swait.ge [sflag:s0], $0x80  }
0x531: {  	[sflag:s0] =	ssyncset.done $0x0  }
0x532: {  	[sflag:s0] =	ssyncadd.s32 $0xFFFFFF80  }
0x533: {  	_ =	swait.ge [sflag:s0], $0x80  }
0x534: {  	[sflag:s0] =	ssyncset.done $0x0  }
0x535: {  	[sflag:s0] =	ssyncadd.s32 $0xFFFFFF80  }
0x536: {  	_ =	swait.ge [sflag:s0], $0x80  }
0x537: {  	[sflag:s0] =	ssyncset.done $0x0  }
0x538: {  	[sflag:s0] =	ssyncadd.s32 $0xFFFFFF80  }
0x539: {  	_ =	swait.ge [sflag:s0], $0x80  }
0x53a: {  	[sflag:s0] =	ssyncset.done $0x0  }
0x53b: {  	[sflag:s0] =	ssyncadd.s32 $0xFFFFFF80  }
0x53c: {  	_ =	swait.ge [sflag:s0], $0x80  }
0x53d: {  	[sflag:s0] =	ssyncset.done $0x0  }
0x53e: {  	[sflag:s0] =	ssyncadd.s32 $0xFFFFFF80  }
0x53f: {  	_ =	swait.ge [sflag:s0], $0x80  }
0x540: {  	[sflag:s0] =	ssyncset.done $0x0  }
0x541: {  	[sflag:s0] =	ssyncadd.s32 $0xFFFFFF80  }
0x542: {  	_ =	swait.ge [sflag:s0], $0x80  }
0x543: {  	[sflag:s0] =	ssyncset.done $0x0  }
0x544: {  	[sflag:s0] =	ssyncadd.s32 $0xFFFFFF80  }
0x545: {  	_ =	swait.ge [sflag:s0], $0x80  }
0x546: {  	[sflag:s0] =	ssyncset.done $0x0  }
0x547: {  	[sflag:s0] =	ssyncadd.s32 $0xFFFFFF80  }
0x548: {  	_ =	swait.ge [sflag:s0], $0x80  }
0x549: {  	[sflag:s0] =	ssyncset.done $0x0  }
0x54a: {  	[sflag:s0] =	ssyncadd.s32 $0xFFFFFF80  }
0x54b: {  	_ =	swait.ge [sflag:s0], $0x80  }
0x54c: {  	[sflag:s0] =	ssyncset.done $0x0  }
0x54d: {  	[sflag:s0] =	ssyncadd.s32 $0xFFFFFF80  }
0x54e: {  	_ =	swait.ge [sflag:s0], $0x80  }
0x54f: {  	[sflag:s0] =	ssyncset.done $0x0  }
0x550: {  	[sflag:s0] =	ssyncadd.s32 $0xFFFFFF80  }
0x551: {  	_ =	swait.ge [sflag:s0], $0x80  }
0x552: {  	[sflag:s0] =	ssyncset.done $0x0  }
0x553: {  	[sflag:s0] =	ssyncadd.s32 $0xFFFFFF80  }
0x554: {  	_ =	swait.ge [sflag:s0], $0x80  }
0x555: {  	[sflag:s0] =	ssyncset.done $0x0  }
0x556: {  	[sflag:s0] =	ssyncadd.s32 $0xFFFFFF80  }
0x557: {  	_ =	swait.ge [sflag:s0], $0x80  }
0x558: {  	[sflag:s0] =	ssyncset.done $0x0  }
0x559: {  	[sflag:s0] =	ssyncadd.s32 $0xFFFFFF80  }
0x55a: {  	_ =	swait.ge [sflag:s0], $0x80  }
0x55b: {  	[sflag:s0] =	ssyncset.done $0x0  }
0x55c: {  	[sflag:s0] =	ssyncadd.s32 $0xFFFFFF80  }
0x55d: {  	_ =	swait.ge [sflag:s0], $0x80  }
0x55e: {  	[sflag:s0] =	ssyncset.done $0x0  }
0x55f: {  	[sflag:s0] =	ssyncadd.s32 $0xFFFFFF80  }
0x560: {  	_ =	swait.ge [sflag:s0], $0x80  }
0x561: {  	[sflag:s0] =	ssyncset.done $0x0  }
0x562: {  	[sflag:s0] =	ssyncadd.s32 $0xFFFFFF80  }
0x563: {  	_ =	swait.ge [sflag:s0], $0x80  }
0x564: {  	[sflag:s0] =	ssyncset.done $0x0  }
0x565: {  	[sflag:s0] =	ssyncadd.s32 $0xFFFFFF80  }
0x566: {  	_ =	swait.ge [sflag:s0], $0x80  }
0x567: {  	[sflag:s0] =	ssyncset.done $0x0  }
0x568: {  	[sflag:s0] =	ssyncadd.s32 $0xFFFFFF80  }
0x569: {  	_ =	swait.ge [sflag:s0], $0x80  }
0x56a: {  	[sflag:s0] =	ssyncset.done $0x0  }
0x56b: {  	[sflag:s0] =	ssyncadd.s32 $0xFFFFFF80  }
0x56c: {  	_ =	swait.ge [sflag:s0], $0x80  }
0x56d: {  	[sflag:s0] =	ssyncset.done $0x0  }
0x56e: {  	[sflag:s0] =	ssyncadd.s32 $0xFFFFFF80  }
0x56f: {  	_ =	swait.ge [sflag:s0], $0x80  }
0x570: {  	[sflag:s0] =	ssyncset.done $0x0  }
0x571: {  	[sflag:s0] =	ssyncadd.s32 $0xFFFFFF80  }
0x572: {  	_ =	swait.ge [sflag:s0], $0x80  }
0x573: {  	[sflag:s0] =	ssyncset.done $0x0  }
0x574: {  	[sflag:s0] =	ssyncadd.s32 $0xFFFFFF80  }
0x575: {  	_ =	swait.ge [sflag:s0], $0x80  }
0x576: {  	[sflag:s0] =	ssyncset.done $0x0  }
0x577: {  	[sflag:s0] =	ssyncadd.s32 $0xFFFFFF80  }
0x578: {  	_ =	swait.ge [sflag:s0], $0x80  }
0x579: {  	[sflag:s0] =	ssyncset.done $0x0  }
0x57a: {  	[sflag:s0] =	ssyncadd.s32 $0xFFFFFF80  }
0x57b: {  	_ =	swait.ge [sflag:s0], $0x80  }
0x57c: {  	[sflag:s0] =	ssyncset.done $0x0  }
0x57d: {  	[sflag:s0] =	ssyncadd.s32 $0xFFFFFF80  }
0x57e: {  	_ =	swait.ge [sflag:s0], $0x80  }
0x57f: {  	[sflag:s0] =	ssyncset.done $0x0  }
0x580: {  	[sflag:s0] =	ssyncadd.s32 $0xFFFFFF80  }
0x581: {  	_ =	swait.ge [sflag:s0], $0x80  }
0x582: {  	[sflag:s0] =	ssyncset.done $0x0  }
0x583: {  	[sflag:s0] =	ssyncadd.s32 $0xFFFFFF80  }
0x584: {  	_ =	swait.ge [sflag:s0], $0x80  }
0x585: {  	[sflag:s0] =	ssyncset.done $0x0  }
0x586: {  	[sflag:s0] =	ssyncadd.s32 $0xFFFFFF80  }
0x587: {  	_ =	swait.ge [sflag:s0], $0x80  }
0x588: {  	[sflag:s0] =	ssyncset.done $0x0  }
0x589: {  	[sflag:s0] =	ssyncadd.s32 $0xFFFFFF80  }
0x58a: {  	_ =	swait.ge [sflag:s0], $0x80  }
0x58b: {  	[sflag:s0] =	ssyncset.done $0x0  }
0x58c: {  	[sflag:s0] =	ssyncadd.s32 $0xFFFFFF80  }
0x58d: {  	_ =	swait.ge [sflag:s0], $0x80  }
0x58e: {  	[sflag:s0] =	ssyncset.done $0x0  }
0x58f: {  	[sflag:s0] =	ssyncadd.s32 $0xFFFFFF80  }
0x590: {  	_ =	swait.ge [sflag:s0], $0x80  }
0x591: {  	[sflag:s0] =	ssyncset.done $0x0  }
0x592: {  	[sflag:s0] =	ssyncadd.s32 $0xFFFFFF80  }
0x593: {  	_ =	swait.ge [sflag:s0], $0x80  }
0x594: {  	[sflag:s0] =	ssyncset.done $0x0  }
0x595: {  	[sflag:s0] =	ssyncadd.s32 $0xFFFFFF80  }
0x596: {  	_ =	swait.ge [sflag:s0], $0x80  }
0x597: {  	[sflag:s0] =	ssyncset.done $0x0  }
0x598: {  	[sflag:s0] =	ssyncadd.s32 $0xFFFFFF80  }
0x599: {  	_ =	swait.ge [sflag:s0], $0x80  }
0x59a: {  	[sflag:s0] =	ssyncset.done $0x0  }
0x59b: {  	[sflag:s0] =	ssyncadd.s32 $0xFFFFFF80  }
0x59c: {  	_ =	swait.ge [sflag:s0], $0x80  }
0x59d: {  	[sflag:s0] =	ssyncset.done $0x0  }
0x59e: {  	[sflag:s0] =	ssyncadd.s32 $0xFFFFFF80  }
0x59f: {  	_ =	swait.ge [sflag:s0], $0x80  }
0x5a0: {  	[sflag:s0] =	ssyncset.done $0x0  }
0x5a1: {  	[sflag:s0] =	ssyncadd.s32 $0xFFFFFF80  }
0x5a2: {  	_ =	swait.ge [sflag:s0], $0x80  }
0x5a3: {  	[sflag:s0] =	ssyncset.done $0x0  }
0x5a4: {  	[sflag:s0] =	ssyncadd.s32 $0xFFFFFF80  }
0x5a5: {  	_ =	swait.ge [sflag:s0], $0x80  }
0x5a6: {  	[sflag:s0] =	ssyncset.done $0x0  }
0x5a7: {  	[sflag:s0] =	ssyncadd.s32 $0xFFFFFF80  }
0x5a8: {  	_ =	swait.ge [sflag:s0], $0x80  }
0x5a9: {  	[sflag:s0] =	ssyncset.done $0x0  }
0x5aa: {  	[sflag:s0] =	ssyncadd.s32 $0xFFFFFF80  }
0x5ab: {  	_ =	swait.ge [sflag:s0], $0x80  }
0x5ac: {  	[sflag:s0] =	ssyncset.done $0x0  }
0x5ad: {  	[sflag:s0] =	ssyncadd.s32 $0xFFFFFF80  }
0x5ae: {  	_ =	swait.ge [sflag:s0], $0x80  }
0x5af: {  	[sflag:s0] =	ssyncset.done $0x0  }
0x5b0: {  	[sflag:s0] =	ssyncadd.s32 $0xFFFFFF80  }
0x5b1: {  	_ =	swait.ge [sflag:s0], $0x80  }
0x5b2: {  	[sflag:s0] =	ssyncset.done $0x0  }
0x5b3: {  	[sflag:s0] =	ssyncadd.s32 $0xFFFFFF80  }
0x5b4: {  	_ =	swait.ge [sflag:s0], $0x80  }
0x5b5: {  	[sflag:s0] =	ssyncset.done $0x0  }
0x5b6: {  	[sflag:s0] =	ssyncadd.s32 $0xFFFFFF80  }
0x5b7: {  	_ =	swait.ge [sflag:s0], $0x80  }
0x5b8: {  	[sflag:s0] =	ssyncset.done $0x0  }
0x5b9: {  	[sflag:s0] =	ssyncadd.s32 $0xFFFFFF80  }
0x5ba: {  	_ =	swait.ge [sflag:s0], $0x80  }
0x5bb: {  	[sflag:s0] =	ssyncset.done $0x0  }
0x5bc: {  	[sflag:s0] =	ssyncadd.s32 $0xFFFFFF80  }
0x5bd: {  	_ =	swait.ge [sflag:s0], $0x80  }
0x5be: {  	[sflag:s0] =	ssyncset.done $0x0  }
0x5bf: {  	[sflag:s0] =	ssyncadd.s32 $0xFFFFFF80  }
0x5c0: {  	_ =	swait.ge [sflag:s0], $0x80  }
0x5c1: {  	[sflag:s0] =	ssyncset.done $0x0  }
0x5c2: {  	[sflag:s0] =	ssyncadd.s32 $0xFFFFFF80  }
0x5c3: {  	_ =	swait.ge [sflag:s0], $0x80  }
0x5c4: {  	[sflag:s0] =	ssyncset.done $0x0  }
0x5c5: {  	[sflag:s0] =	ssyncadd.s32 $0xFFFFFF80  }
0x5c6: {  	_ =	swait.ge [sflag:s0], $0x80  }
0x5c7: {  	[sflag:s0] =	ssyncset.done $0x0  }
0x5c8: {  	[sflag:s0] =	ssyncadd.s32 $0xFFFFFF80  }
0x5c9: {  	_ =	swait.ge [sflag:s0], $0x80  }
0x5ca: {  	[sflag:s0] =	ssyncset.done $0x0  }
0x5cb: {  	[sflag:s0] =	ssyncadd.s32 $0xFFFFFF80  }
0x5cc: {  	_ =	swait.ge [sflag:s0], $0x80  }
0x5cd: {  	[sflag:s0] =	ssyncset.done $0x0  }
0x5ce: {  	[sflag:s0] =	ssyncadd.s32 $0xFFFFFF80  }
0x5cf: {  	_ =	swait.ge [sflag:s0], $0x80  }
0x5d0: {  	[sflag:s0] =	ssyncset.done $0x0  }
0x5d1: {  	[sflag:s0] =	ssyncadd.s32 $0xFFFFFF80  }
0x5d2: {  	_ =	swait.ge [sflag:s0], $0x80  }
0x5d3: {  	[sflag:s0] =	ssyncset.done $0x0  }
0x5d4: {  	[sflag:s0] =	ssyncadd.s32 $0xFFFFFF80  }
0x5d5: {  	_ =	swait.ge [sflag:s0], $0x80  }
0x5d6: {  	[sflag:s0] =	ssyncset.done $0x0  }
0x5d7: {  	[sflag:s0] =	ssyncadd.s32 $0xFFFFFF80  }
0x5d8: {  	_ =	swait.ge [sflag:s0], $0x80  }
0x5d9: {  	[sflag:s0] =	ssyncset.done $0x0  }
0x5da: {  	[sflag:s0] =	ssyncadd.s32 $0xFFFFFF80  }
0x5db: {  	_ =	swait.ge [sflag:s0], $0x80  }
0x5dc: {  	[sflag:s0] =	ssyncset.done $0x0  }
0x5dd: {  	[sflag:s0] =	ssyncadd.s32 $0xFFFFFF80  }
0x5de: {  	_ =	swait.ge [sflag:s0], $0x80  }
0x5df: {  	[sflag:s0] =	ssyncset.done $0x0  }
0x5e0: {  	[sflag:s0] =	ssyncadd.s32 $0xFFFFFF80  }
0x5e1: {  	_ =	swait.ge [sflag:s0], $0x80  }
0x5e2: {  	[sflag:s0] =	ssyncset.done $0x0  }
0x5e3: {  	[sflag:s0] =	ssyncadd.s32 $0xFFFFFF80  }
0x5e4: {  	_ =	swait.ge [sflag:s0], $0x80  }
0x5e5: {  	[sflag:s0] =	ssyncset.done $0x0  }
0x5e6: {  	[sflag:s0] =	ssyncadd.s32 $0xFFFFFF80  }
0x5e7: {  	_ =	swait.ge [sflag:s0], $0x80  }
0x5e8: {  	[sflag:s0] =	ssyncset.done $0x0  }
0x5e9: {  	[sflag:s0] =	ssyncadd.s32 $0xFFFFFF80  }
0x5ea: {  	_ =	swait.ge [sflag:s0], $0x80  }
0x5eb: {  	[sflag:s0] =	ssyncset.done $0x0  }
0x5ec: {  	s12 =	rddreg [dreg:$0x6];
	[sflag:s0] =	ssyncadd.s32 $0xFFFFFF80  }
0x5ed: {  	[hbm4b:s12+s2] =	stream.linear.scatter [tilespmem:s9], [sflag:$0x2], $0x2000, $0x38;
	[tilespmem:$0xC000] =	vst v63  }
0x5ee: {  	_ =	swait.ge [sflag:s5], $0x2000  }
0x5ef: {  	[sflag:s5] =	ssyncset.done $0x0  }
0x5f0: {  	s13 =	rddreg [dreg:$0x7];
	[sflag:s5] =	ssyncadd.s32 $0xFFFFE000  }
0x5f1: {  	[hbm4b:s13+s2] =	stream.linear.scatter [tilespmem:s10], [sflag:$0x2], $0x2000, $0x38;
	[tilespmem:$0xC000] =	vst v63  }
0x5f2: {  	_ =	swait.ge [sflag:s5], $0x2000  }
0x5f3: {  	p0 =	sne.s32 s4, $0x1;
	[sflag:s5] =	ssyncset.done $0x0  }
.Ltmp0:
0x5f4: {  	s14 =	rddreg [dreg:$0x8];
	[sflag:s5] =	ssyncadd.s32 $0xFFFFE000;
	(pc) =	sbr.rel @p0 .LBB2_1-.Ltmp0, $4  }
0x5f5: {  	[hbm4b:s14+s2] =	stream.linear.scatter [tilespmem:s11], [sflag:$0x2], $0x2000, $0x38;
	[tilespmem:$0xC000] =	vst v63  }
0x5f6: {  	_ =	swait.ge [sflag:s5], $0x2000  }
0x5f7: {  	[sflag:s5] =	ssyncset.done $0x0  }
0x5f8: {  	s4 =	sadd.s32 $0xFFFFFFFF, s4;
	[sflag:s5] =	ssyncadd.s32 $0xFFFFE000  }
0x5f9: {  	_ =	sfence.sel $0x180000  }
0x5fa: {  	[bflag:$0x0] =	sbarrier.arrive $0xFFFF  }
0x5fb: {  	_ =	strace $0x90000047  }
0x5fc: {  	s0 =	stileid.u32;
	[bflag:$0x2] =	sbarrier.arrive $0xFFFF  }
0x5fd: {  	p0 =	sne.s32 s0, $0x0;
	s0 =	rddreg [dreg:$0x2]  }
0x5fe: {  	s0 =	sadd.s32 @!p0 $0x100000, s0  }
0x5ff: {  	[sflag:s0] =	ssyncadd.tile.s32 @!p0 $0x1;
	_ =	shalt  }
.Lfunc_end2:
_tile_overlayer_lowered:
.L_overlay_start_2:
0x600: {  	(tag) =	ssettag $0x2  }
0x601: {  	s0 =	rddreg [dreg:$0x0];
	s2 =	stileid.u32  }
0x602: {  	s1 =	rddreg [dreg:$0x1];
	p0 =	sne.s32 s2, $0x0  }
0x603: {  	s3 =	rddreg [dreg:$0x2];
	[bflag:$0x3] =	sbarrier.arrive $0xFFFF;
	s2 =	simm.s32 @!p0 $0x1C02  }
0x604: {  	[timem:s3], [sflag:s2] =	dma.local @!p0 [hbm:s0], s1  }
0x605: {  	s0 =	simm.s32 @!p0 $0x2  }
0x606: {  	_ =	swait.ge @!p0 [sflag:s0], s1  }
0x607: {  	s1 =	ssub.s32 @!p0 $0x0, s1;
	[sflag:s0] =	ssyncset.done @!p0 $0x0  }
0x608: {  	[sflag:s0] =	ssyncadd.s32 @!p0 s1  }
0x609: {  	[bflag:$0x3] =	sbarrier.arrive $0xFFFF  }
0x60a: {  	_ =	shalt  }

</sc_bundles>
